<compile_context>
chip_gen: v7x
topology: tpu7x:2x2x1
jax: 0.10.2.dev20260603
libtpu: 0.0.44.dev20260713+nightly
codegen_flags: <defaults>
</compile_context>

<pallas_src>
import dataclasses
import functools

import jax
import jax.numpy as jnp
from jax import lax
from jax.experimental import pallas as pl
from jax.experimental.pallas import tpu as pltpu
from jax.experimental.pallas import tpu_sc as plsc

N_NODES = 10000
D = 128
ACC_ROWS = 10240
S_COLS = 10240

NC = 2
NS = 16
CH = 64
CHUNKS_PER_WORKER = 162
N_CHUNKS = NC * NS * CHUNKS_PER_WORKER
E_PAD = CH * N_CHUNKS
ROWS_PER_SUB = ACC_ROWS // NS



def _proj_body(x_ref, w1t_ref, b1_ref, a1_ref, a2_ref, b2_ref, h_ref, s_ref):
    x = x_ref[...]
    h = jnp.dot(x, w1t_ref[...], preferred_element_type=jnp.float32) + b1_ref[...]
    blk = x.shape[0]
    h_ref[...] = h
    dn = (((1,), (1,)), ((), ()))
    s1 = lax.dot_general(a1_ref[...], h, dn,
                         preferred_element_type=jnp.float32) + b2_ref[...]
    s2 = lax.dot_general(a2_ref[...], h, dn,
                         preferred_element_type=jnp.float32)
    s_ref[...] = jnp.concatenate(
        [s1, s2, jnp.zeros((14, blk), jnp.float32)], axis=0)


def _project(x_pad, W1, b1, W2, b2):
    blk = 1024
    grid = (ACC_ROWS // blk,)
    return pl.pallas_call(
        _proj_body,
        grid=grid,
        in_specs=[
            pl.BlockSpec((blk, D), lambda i: (i, 0)),
            pl.BlockSpec((D, D), lambda i: (0, 0)),
            pl.BlockSpec((1, D), lambda i: (0, 0)),
            pl.BlockSpec((1, D), lambda i: (0, 0)),
            pl.BlockSpec((1, D), lambda i: (0, 0)),
            pl.BlockSpec((1, 1), lambda i: (0, 0)),
        ],
        out_specs=[
            pl.BlockSpec((blk, D), lambda i: (i, 0)),
            pl.BlockSpec((16, blk), lambda i: (0, i)),
        ],
        out_shape=[
            jax.ShapeDtypeStruct((ACC_ROWS, D), jnp.float32),
            jax.ShapeDtypeStruct((16, S_COLS), jnp.float32),
        ],
    )(x_pad, W1.T, b1[None, :], W2[:, :D], W2[:, D:], b2[None, :])



def _sc_edge(h, s, edges, zeros):
    mesh = plsc.VectorSubcoreMesh(core_axis_name="c", subcore_axis_name="s")
    cp = pltpu.CompilerParams()
    if "needs_layout_passes" in pltpu.CompilerParams.__dataclass_fields__:
        cp = dataclasses.replace(cp, needs_layout_passes=False)

    @functools.partial(
        pl.kernel,
        mesh=mesh,
        compiler_params=cp,
        out_type=[
            jax.ShapeDtypeStruct((NC, ACC_ROWS, D), jnp.float32),
            jax.ShapeDtypeStruct((NC, NS, ACC_ROWS), jnp.float32),
        ],
        scratch_types=[
            pltpu.VMEM((S_COLS,), jnp.float32),
            pltpu.VMEM((S_COLS,), jnp.float32),
            pltpu.VMEM((2, 1, CH), jnp.int32),
            pltpu.VMEM((2, 1, CH), jnp.int32),
            pltpu.VMEM((2, 1, CH), jnp.int32),
            pltpu.VMEM((CH,), jnp.float32),
            pltpu.VMEM((CH, D), jnp.float32),
            pltpu.VMEM((CH, D), jnp.float32),
            pltpu.VMEM((ACC_ROWS,), jnp.float32),
            pltpu.VMEM_SHARED((ACC_ROWS, D), jnp.float32),
            pltpu.SemaphoreType.DMA,
            pltpu.SemaphoreType.DMA,
            pltpu.SemaphoreType.DMA,
            pltpu.SemaphoreType.DMA,
        ],
    )
    def edge_kernel(h_hbm, s_hbm, edges_hbm, zeros_hbm,
                    num_hbm, den_hbm,
                    s1_v, s2_v, eidx_a, eidx_b, eidx_s, w_v,
                    rows_a, rows_b,
                    dloc_v, acc, gsem_a, gsem_b, ssem_a, ssem_b):
        cid = lax.axis_index("c")
        sid = lax.axis_index("s")
        wid = cid * NS + sid
        zero16 = jnp.zeros((16,), jnp.float32)
        lane = lax.iota(jnp.int32, 16)
        nchunks = CHUNKS_PER_WORKER

        pltpu.sync_copy(s_hbm.at[0], s1_v)
        pltpu.sync_copy(s_hbm.at[1], s2_v)

        @pl.loop(0, ACC_ROWS, step=16)
        def _zden(i):
            dloc_v[pl.ds(i, 16)] = zero16

        pltpu.sync_copy(zeros_hbm,
                        acc.at[pl.ds(sid * ROWS_PER_SUB, ROWS_PER_SUB)])
        plsc.subcore_barrier()

        def load_idx(j, eidx):
            pltpu.sync_copy(edges_hbm.at[j * (NC * NS) + wid], eidx)

        def gather(eidx, rows, sem):
            pltpu.async_copy(h_hbm.at[eidx.at[1, 0]], rows, sem)

        def wait_gather(eidx, rows, sem):
            pltpu.make_async_copy(h_hbm.at[eidx.at[1, 0]], rows, sem).wait()

        dnum = lax.GatherDimensionNumbers(
            offset_dims=(), collapsed_slice_dims=(0,), start_index_map=(0,))

        def compute_scale(eidx, rows):
            @pl.loop(0, CH, step=16)
            def _wgrp(g):
                sidx = eidx[0, 0, pl.ds(g, 16)]
                didx = eidx[1, 0, pl.ds(g, 16)]
                e = (plsc.load_gather(s1_v, [sidx])
                     + plsc.load_gather(s2_v, [didx]))
                e = jnp.maximum(e, 0.01 * e)
                w = jnp.exp(e)
                w_v[pl.ds(g, 16)] = w
                for j16 in range(16):
                    plsc.addupdate_scatter(dloc_v, [sidx], w, mask=lane == j16)

            @plsc.parallel_loop(0, CH, step=16, unroll=2)
            def _scale(g):
                w = w_v[pl.ds(g, 16)]
                for l in range(16):
                    wvec = lax.gather(
                        w, jnp.full((16, 1), l, jnp.int32), dnum,
                        slice_sizes=(1,),
                        mode=lax.GatherScatterMode.PROMISE_IN_BOUNDS)
                    for jj in range(D // 16):
                        rows[g + l, pl.ds(jj * 16, 16)] = (
                            rows[g + l, pl.ds(jj * 16, 16)] * wvec)

        slots = ((eidx_a, rows_a, gsem_a, ssem_a),
                 (eidx_b, rows_b, gsem_b, ssem_b))

        load_idx(0, eidx_a)
        gather(eidx_a, rows_a, gsem_a)
        load_idx(1, eidx_b)
        gather(eidx_b, rows_b, gsem_b)

        @pl.loop(0, nchunks, step=2)
        def _chunk(k):
            for t in range(2):
                j = k + t
                eidx, rows, gs, ss = slots[t]

                wait_gather(eidx, rows, gs)
                compute_scale(eidx, rows)
                pltpu.async_copy(rows, acc.at[eidx.at[0, 0]], ss, add=True)

                @pl.when(j + 2 < nchunks)
                def _():
                    pltpu.sync_copy(edges_hbm.at[(j + 2) * (NC * NS) + wid],
                                    eidx_s)
                    pltpu.make_async_copy(
                        rows, acc.at[eidx.at[0, 0]], ss).wait()
                    for r in range(2):
                        for g16 in range(0, CH, 16):
                            eidx[r, 0, pl.ds(g16, 16)] = (
                                eidx_s[r, 0, pl.ds(g16, 16)])
                    gather(eidx, rows, gs)

            @pl.when(k + 2 >= nchunks)
            def _():
                pltpu.make_async_copy(
                    rows_a, acc.at[eidx_a.at[0, 0]], ssem_a).wait()
                pltpu.make_async_copy(
                    rows_b, acc.at[eidx_b.at[0, 0]], ssem_b).wait()

        plsc.subcore_barrier()
        pltpu.sync_copy(acc.at[pl.ds(sid * ROWS_PER_SUB, ROWS_PER_SUB)],
                        num_hbm.at[cid, pl.ds(sid * ROWS_PER_SUB, ROWS_PER_SUB)])

        pltpu.sync_copy(dloc_v, den_hbm.at[cid, sid])

    return edge_kernel(h, s, edges, zeros)



def _finish_body(num_ref, den_ref, out_ref):
    a = num_ref[0] + num_ref[1]
    d = jnp.sum(den_ref[...], axis=(0, 1))
    y = a / d[:, None]
    out_ref[...] = jnp.where(y > 0, y, jnp.exp(jnp.minimum(y, 0.0)) - 1.0)


def _finish(num, den):
    blk = 1024
    grid = (10, )
    return pl.pallas_call(
        _finish_body,
        grid=grid,
        in_specs=[
            pl.BlockSpec((2, blk, D), lambda i: (0, i, 0)),
            pl.BlockSpec((2, NS, blk), lambda i: (0, 0, i)),
        ],
        out_specs=pl.BlockSpec((blk, D), lambda i: (i, 0)),
        out_shape=jax.ShapeDtypeStruct((N_NODES, D), jnp.float32),
    )(num, den)



def kernel(x, edge_index, W1, b1, W2, b2):
    x_pad = jnp.concatenate(
        [x, jnp.zeros((ACC_ROWS - N_NODES, D), jnp.float32)])
    h, s = _project(x_pad, W1, b1, W2, b2)
    loops = jnp.arange(N_NODES, dtype=jnp.int32)
    pad_n = E_PAD - (edge_index.shape[1] + N_NODES)
    src = jnp.concatenate(
        [edge_index[0], loops, jnp.full((pad_n,), N_NODES, jnp.int32)])
    dst = jnp.concatenate(
        [edge_index[1], loops, jnp.zeros((pad_n,), jnp.int32)])
    edges = jnp.stack(
        [src.reshape(-1, 1, CH), dst.reshape(-1, 1, CH)], axis=1)
    zeros = jnp.zeros((ROWS_PER_SUB, D), jnp.float32)
    num, den = _sc_edge(h, s, edges, zeros)
    return _finish(num, den)

# --- scband reference (transcript-rebuilt; emitter-appended) ---
"""Pipeline reference for scband-gat-19404662243879 (READ-ONLY COPY).

The authoritative reference and input builder live on the scoring server;
editing this copy changes nothing except your own understanding.
"""

import jax, jax.numpy as jnp
import numpy as np

N = 10000
E = 320000
D_IN = 128
D_OUT = 128


def setup_inputs(seed: int = 0) -> dict:
    key = jax.random.key(seed)
    k1, k2, k3, k4, k5, k6 = jax.random.split(key, 6)
    x = jax.random.normal(k1, (N, D_IN), dtype=jnp.float32)
    edge_index = jax.random.randint(k2, (2, E), 0, N, dtype=jnp.int32)
    # Linear(in_channels, out_channels): weight [out, in], bias [out]
    W1 = jax.random.normal(k3, (D_OUT, D_IN), dtype=jnp.float32) * (1.0 / np.sqrt(D_IN))
    b1 = jax.random.normal(k4, (D_OUT,), dtype=jnp.float32) * 0.01
    # attention Linear(2*out_channels, 1): weight [1, 2*out], bias [1]
    W2 = jax.random.normal(k5, (1, 2 * D_OUT), dtype=jnp.float32) * (1.0 / np.sqrt(2 * D_OUT))
    b2 = jax.random.normal(k6, (1,), dtype=jnp.float32) * 0.01
    return {"x": x, "edge_index": edge_index, "W1": W1, "b1": b1, "W2": W2, "b2": b2}


def reference(x, edge_index, W1, b1, W2, b2):
    n = x.shape[0]
    h = x @ W1.T + b1  # lin(x), shape [N, D_OUT]
    # add self loops
    loops = jnp.arange(n, dtype=edge_index.dtype)
    src = jnp.concatenate([edge_index[0], loops])  # i (row of dense adj)
    dst = jnp.concatenate([edge_index[1], loops])  # j (neighbor / col)
    # per-edge attention logits: att(cat(h_i, h_j))
    feat = jnp.concatenate([jnp.take(h, src, axis=0), jnp.take(h, dst, axis=0)], axis=1)
    e = (feat @ W2.T + b2).squeeze(-1)  # [E+N]
    e = jax.nn.leaky_relu(e, negative_slope=0.01)
    ex = jnp.exp(e)
    denom = jax.ops.segment_sum(ex, src, num_segments=n)
    alpha = ex / jnp.take(denom, src, axis=0)
    # out[i] = sum_j alpha_ij * h[j]  (== attention_matrix @ lin(x))
    out = jax.ops.segment_sum(alpha[:, None] * jnp.take(h, dst, axis=0), src, num_segments=n)
    return jax.nn.elu(out)

if __name__ == "__main__":
    import jax
    _d = setup_inputs()
    print(jax.jit(kernel)(*tuple(_d.values())))

</pallas_src>

<mosaic_0001>
#map = affine_map<(d0, d1) -> (0, 0)>
#map1 = affine_map<(d0, d1) -> (0, 0, 0, 0)>
#map2 = affine_map<(d0, d1) -> (0, 0, 0)>
module attributes {stable_mosaic.version = 14 : i64} {
  func.func @edge_kernel(%arg0: i32, %arg1: i32, %arg2: memref<10240x128xf32, #tpu.memory_space<hbm>>, %arg3: memref<16x10240xf32, #tpu.memory_space<hbm>>, %arg4: memref<5184x2x1x64xi32, #tpu.memory_space<hbm>>, %arg5: memref<640x128xf32, #tpu.memory_space<hbm>>, %arg6: memref<2x10240x128xf32, #tpu.memory_space<hbm>>, %arg7: memref<2x16x10240xf32, #tpu.memory_space<hbm>>, %arg8: memref<10240xf32, #tpu.memory_space<vmem>>, %arg9: memref<10240xf32, #tpu.memory_space<vmem>>, %arg10: memref<2x1x64xi32, #tpu.memory_space<vmem>>, %arg11: memref<2x1x64xi32, #tpu.memory_space<vmem>>, %arg12: memref<2x1x64xi32, #tpu.memory_space<vmem>>, %arg13: memref<64xf32, #tpu.memory_space<vmem>>, %arg14: memref<64x128xf32, #tpu.memory_space<vmem>>, %arg15: memref<64x128xf32, #tpu.memory_space<vmem>>, %arg16: memref<10240xf32, #tpu.memory_space<vmem>>, %arg17: memref<10240x128xf32, #tpu.memory_space<vmem_shared>>, %arg18: memref<!tpu.dma_semaphore, #tpu.memory_space<semaphore_mem>>, %arg19: memref<!tpu.dma_semaphore, #tpu.memory_space<semaphore_mem>>, %arg20: memref<!tpu.dma_semaphore, #tpu.memory_space<semaphore_mem>>, %arg21: memref<!tpu.dma_semaphore, #tpu.memory_space<semaphore_mem>>) attributes {dimension_semantics = [#tpu.dimension_semantics<core_parallel>, #tpu.dimension_semantics<subcore_parallel>], iteration_bounds = array<i64: 2, 16>, scalar_prefetch = 0 : i64, scratch_operands = 14 : i64, tpu.core_type = #tpu.core_type<sc_vector_subcore>, window_params = [{transform_indices = #map}, {transform_indices = #map}, {transform_indices = #map1}, {transform_indices = #map}, {transform_indices = #map2}, {transform_indices = #map2}]} {
    %mul3A = arith.constant 16 : i32
    %mul3A_0 = arith.muli %arg0, %mul3A : i32
    %add3A = arith.addi %mul3A_0, %arg1 : i32
    %broadcast_in_dim3A = arith.constant 0.000000e+00 : f32
    %broadcast_in_dim3A_1 = vector.broadcast %broadcast_in_dim3A : f32 to vector<16xf32>
    %iota3A = tpu.iota {dimensions = array<i32: 0>} : vector<16xi32>
    %run_scoped3A = arith.constant 0 : i32
    "tpu.region"() ({
      %run_scoped3A_38 = tpu.sem_alloc : memref<!tpu.dma_semaphore, #tpu.memory_space<semaphore_mem>>
      %dma_start3A_39 = arith.constant 0 : i32
      %dma_start3A_40 = tpu.memref_slice %arg3[%run_scoped3A, %dma_start3A_39] : memref<16x10240xf32, #tpu.memory_space<hbm>> -> memref<1x10240xf32, #tpu.memory_space<hbm>>
      %dma_start3A_41 = tpu.memref_squeeze %dma_start3A_40 : memref<1x10240xf32, #tpu.memory_space<hbm>> -> memref<10240xf32, #tpu.memory_space<hbm>>
      %dma_start3A_42 = arith.constant 0 : i32
      %dma_start3A_43 = tpu.memref_slice %arg3[%run_scoped3A, %dma_start3A_42] : memref<16x10240xf32, #tpu.memory_space<hbm>> -> memref<1x10240xf32, #tpu.memory_space<hbm>>
      %dma_start3A_44 = tpu.memref_squeeze %dma_start3A_43 : memref<1x10240xf32, #tpu.memory_space<hbm>> -> memref<10240xf32, #tpu.memory_space<hbm>>
      tpu.enqueue_dma source(%dma_start3A_44 : memref<10240xf32, #tpu.memory_space<hbm>>) target(%arg8 : memref<10240xf32, #tpu.memory_space<vmem>>) target_semaphore(%run_scoped3A_38 : memref<!tpu.dma_semaphore, #tpu.memory_space<semaphore_mem>>)
      %dma_wait3A = arith.constant 0 : i32
      %dma_wait3A_45 = tpu.memref_slice %arg3[%run_scoped3A, %dma_wait3A] : memref<16x10240xf32, #tpu.memory_space<hbm>> -> memref<1x10240xf32, #tpu.memory_space<hbm>>
      %dma_wait3A_46 = tpu.memref_squeeze %dma_wait3A_45 : memref<1x10240xf32, #tpu.memory_space<hbm>> -> memref<10240xf32, #tpu.memory_space<hbm>>
      %dma_wait3A_47 = arith.constant 0 : i32
      %dma_wait3A_48 = tpu.memref_slice %arg3[%run_scoped3A, %dma_wait3A_47] : memref<16x10240xf32, #tpu.memory_space<hbm>> -> memref<1x10240xf32, #tpu.memory_space<hbm>>
      %dma_wait3A_49 = tpu.memref_squeeze %dma_wait3A_48 : memref<1x10240xf32, #tpu.memory_space<hbm>> -> memref<10240xf32, #tpu.memory_space<hbm>>
      tpu.wait_dma2 semaphore(%run_scoped3A_38 : memref<!tpu.dma_semaphore, #tpu.memory_space<semaphore_mem>>) src(%dma_wait3A_49 : memref<10240xf32, #tpu.memory_space<hbm>>) dst(%arg8 : memref<10240xf32, #tpu.memory_space<vmem>>)
      tpu.yield
    }) : () -> ()
    %run_scoped3A_2 = arith.constant 1 : i32
    "tpu.region"() ({
      %run_scoped3A_38 = tpu.sem_alloc : memref<!tpu.dma_semaphore, #tpu.memory_space<semaphore_mem>>
      %dma_start3A_39 = arith.constant 0 : i32
      %dma_start3A_40 = tpu.memref_slice %arg3[%run_scoped3A_2, %dma_start3A_39] : memref<16x10240xf32, #tpu.memory_space<hbm>> -> memref<1x10240xf32, #tpu.memory_space<hbm>>
      %dma_start3A_41 = tpu.memref_squeeze %dma_start3A_40 : memref<1x10240xf32, #tpu.memory_space<hbm>> -> memref<10240xf32, #tpu.memory_space<hbm>>
      %dma_start3A_42 = arith.constant 0 : i32
      %dma_start3A_43 = tpu.memref_slice %arg3[%run_scoped3A_2, %dma_start3A_42] : memref<16x10240xf32, #tpu.memory_space<hbm>> -> memref<1x10240xf32, #tpu.memory_space<hbm>>
      %dma_start3A_44 = tpu.memref_squeeze %dma_start3A_43 : memref<1x10240xf32, #tpu.memory_space<hbm>> -> memref<10240xf32, #tpu.memory_space<hbm>>
      tpu.enqueue_dma source(%dma_start3A_44 : memref<10240xf32, #tpu.memory_space<hbm>>) target(%arg9 : memref<10240xf32, #tpu.memory_space<vmem>>) target_semaphore(%run_scoped3A_38 : memref<!tpu.dma_semaphore, #tpu.memory_space<semaphore_mem>>)
      %dma_wait3A = arith.constant 0 : i32
      %dma_wait3A_45 = tpu.memref_slice %arg3[%run_scoped3A_2, %dma_wait3A] : memref<16x10240xf32, #tpu.memory_space<hbm>> -> memref<1x10240xf32, #tpu.memory_space<hbm>>
      %dma_wait3A_46 = tpu.memref_squeeze %dma_wait3A_45 : memref<1x10240xf32, #tpu.memory_space<hbm>> -> memref<10240xf32, #tpu.memory_space<hbm>>
      %dma_wait3A_47 = arith.constant 0 : i32
      %dma_wait3A_48 = tpu.memref_slice %arg3[%run_scoped3A_2, %dma_wait3A_47] : memref<16x10240xf32, #tpu.memory_space<hbm>> -> memref<1x10240xf32, #tpu.memory_space<hbm>>
      %dma_wait3A_49 = tpu.memref_squeeze %dma_wait3A_48 : memref<1x10240xf32, #tpu.memory_space<hbm>> -> memref<10240xf32, #tpu.memory_space<hbm>>
      tpu.wait_dma2 semaphore(%run_scoped3A_38 : memref<!tpu.dma_semaphore, #tpu.memory_space<semaphore_mem>>) src(%dma_wait3A_49 : memref<10240xf32, #tpu.memory_space<hbm>>) dst(%arg9 : memref<10240xf32, #tpu.memory_space<vmem>>)
      tpu.yield
    }) : () -> ()
    %scan3A = arith.constant 0 : i32
    %scan3A_3 = arith.constant 640 : i32
    %scan3A_4 = arith.addi %scan3A, %scan3A_3 : i32
    %scan3A_5 = arith.constant 1 : i32
    scf.for %scan3A_38 = %scan3A to %scan3A_4 step %scan3A_5  : i32 {
      %mul3A_39 = arith.constant 16 : i32
      %mul3A_40 = arith.muli %scan3A_38, %mul3A_39 : i32
      %add3A_41 = arith.constant 0 : i32
      %add3A_42 = arith.addi %add3A_41, %mul3A_40 : i32
      %swap3A = arith.index_cast %add3A_42 : i32 to index
      %swap3A_43 = tpu.vector_load %arg16[%swap3A] {strides = array<i32>} : memref<10240xf32, #tpu.memory_space<vmem>>, vector<16xf32>,
      tpu.vector_store %arg16[%swap3A], %broadcast_in_dim3A_1 {strides = array<i32>} : memref<10240xf32, #tpu.memory_space<vmem>>, vector<16xf32>,
    }
    %scan3A_6 = arith.constant 640 : i32
    %mul3A_7 = arith.constant 640 : i32
    %mul3A_8 = arith.muli %arg1, %mul3A_7 : i32
    "tpu.region"() ({
      %run_scoped3A_38 = tpu.sem_alloc : memref<!tpu.dma_semaphore, #tpu.memory_space<semaphore_mem>>
      %dma_start3A_39 = arith.constant 0 : i32
      %dma_start3A_40 = tpu.memref_slice %arg17[%mul3A_8, %dma_start3A_39] : memref<10240x128xf32, #tpu.memory_space<vmem_shared>> -> memref<640x128xf32, #tpu.memory_space<vmem_shared>>
      tpu.enqueue_dma source(%arg5 : memref<640x128xf32, #tpu.memory_space<hbm>>) target(%dma_start3A_40 : memref<640x128xf32, #tpu.memory_space<vmem_shared>>) target_semaphore(%run_scoped3A_38 : memref<!tpu.dma_semaphore, #tpu.memory_space<semaphore_mem>>)
      %dma_wait3A = arith.constant 0 : i32
      %dma_wait3A_41 = tpu.memref_slice %arg17[%mul3A_8, %dma_wait3A] : memref<10240x128xf32, #tpu.memory_space<vmem_shared>> -> memref<640x128xf32, #tpu.memory_space<vmem_shared>>
      tpu.wait_dma2 semaphore(%run_scoped3A_38 : memref<!tpu.dma_semaphore, #tpu.memory_space<semaphore_mem>>) src(%arg5 : memref<640x128xf32, #tpu.memory_space<hbm>>) dst(%dma_wait3A_41 : memref<640x128xf32, #tpu.memory_space<vmem_shared>>)
      tpu.yield
    }) : () -> ()
    %barrier3A = arith.constant 0 : index
    tpu.barrier barrier_id(%barrier3A)
    %add3A_9 = arith.constant 0 : i32
    %add3A_10 = arith.addi %add3A_9, %add3A : i32
    "tpu.region"() ({
      %run_scoped3A_38 = tpu.sem_alloc : memref<!tpu.dma_semaphore, #tpu.memory_space<semaphore_mem>>
      %dma_start3A_39 = arith.constant 0 : i32
      %dma_start3A_40 = arith.constant 0 : i32
      %dma_start3A_41 = arith.constant 0 : i32
      %dma_start3A_42 = tpu.memref_slice %arg4[%add3A_10, %dma_start3A_39, %dma_start3A_40, %dma_start3A_41] : memref<5184x2x1x64xi32, #tpu.memory_space<hbm>> -> memref<1x2x1x64xi32, #tpu.memory_space<hbm>>
      %dma_start3A_43 = tpu.memref_squeeze %dma_start3A_42 : memref<1x2x1x64xi32, #tpu.memory_space<hbm>> -> memref<2x1x64xi32, #tpu.memory_space<hbm>>
      %dma_start3A_44 = arith.constant 0 : i32
      %dma_start3A_45 = arith.constant 0 : i32
      %dma_start3A_46 = arith.constant 0 : i32
      %dma_start3A_47 = tpu.memref_slice %arg4[%add3A_10, %dma_start3A_44, %dma_start3A_45, %dma_start3A_46] : memref<5184x2x1x64xi32, #tpu.memory_space<hbm>> -> memref<1x2x1x64xi32, #tpu.memory_space<hbm>>
      %dma_start3A_48 = tpu.memref_squeeze %dma_start3A_47 : memref<1x2x1x64xi32, #tpu.memory_space<hbm>> -> memref<2x1x64xi32, #tpu.memory_space<hbm>>
      tpu.enqueue_dma source(%dma_start3A_48 : memref<2x1x64xi32, #tpu.memory_space<hbm>>) target(%arg10 : memref<2x1x64xi32, #tpu.memory_space<vmem>>) target_semaphore(%run_scoped3A_38 : memref<!tpu.dma_semaphore, #tpu.memory_space<semaphore_mem>>)
      %dma_wait3A = arith.constant 0 : i32
      %dma_wait3A_49 = arith.constant 0 : i32
      %dma_wait3A_50 = arith.constant 0 : i32
      %dma_wait3A_51 = tpu.memref_slice %arg4[%add3A_10, %dma_wait3A, %dma_wait3A_49, %dma_wait3A_50] : memref<5184x2x1x64xi32, #tpu.memory_space<hbm>> -> memref<1x2x1x64xi32, #tpu.memory_space<hbm>>
      %dma_wait3A_52 = tpu.memref_squeeze %dma_wait3A_51 : memref<1x2x1x64xi32, #tpu.memory_space<hbm>> -> memref<2x1x64xi32, #tpu.memory_space<hbm>>
      %dma_wait3A_53 = arith.constant 0 : i32
      %dma_wait3A_54 = arith.constant 0 : i32
      %dma_wait3A_55 = arith.constant 0 : i32
      %dma_wait3A_56 = tpu.memref_slice %arg4[%add3A_10, %dma_wait3A_53, %dma_wait3A_54, %dma_wait3A_55] : memref<5184x2x1x64xi32, #tpu.memory_space<hbm>> -> memref<1x2x1x64xi32, #tpu.memory_space<hbm>>
      %dma_wait3A_57 = tpu.memref_squeeze %dma_wait3A_56 : memref<1x2x1x64xi32, #tpu.memory_space<hbm>> -> memref<2x1x64xi32, #tpu.memory_space<hbm>>
      tpu.wait_dma2 semaphore(%run_scoped3A_38 : memref<!tpu.dma_semaphore, #tpu.memory_space<semaphore_mem>>) src(%dma_wait3A_57 : memref<2x1x64xi32, #tpu.memory_space<hbm>>) dst(%arg10 : memref<2x1x64xi32, #tpu.memory_space<vmem>>)
      tpu.yield
    }) : () -> ()
    %dma_start3A = arith.constant 1 : i32
    %dma_start3A_11 = arith.constant 0 : i32
    %dma_start3A_12 = arith.constant 0 : i32
    %dma_start3A_13 = tpu.memref_slice %arg10[%dma_start3A, %dma_start3A_11, %dma_start3A_12] : memref<2x1x64xi32, #tpu.memory_space<vmem>> -> memref<1x1x64xi32, #tpu.memory_space<vmem>>
    %dma_start3A_14 = tpu.memref_squeeze %dma_start3A_13 : memref<1x1x64xi32, #tpu.memory_space<vmem>> -> memref<64xi32, #tpu.memory_space<vmem>>
    %dma_start3A_15 = arith.constant 0 : i32
    %dma_start3A_16 = arith.constant 0 : i32
    %dma_start3A_17 = tpu.memref_slice %arg2[%dma_start3A_15, %dma_start3A_16] : memref<10240x128xf32, #tpu.memory_space<hbm>> -> memref<10240x128xf32, #tpu.memory_space<hbm>>
    tpu.enqueue_indirect_dma source(%dma_start3A_17 : memref<10240x128xf32, #tpu.memory_space<hbm>>) target(%arg14 : memref<64x128xf32, #tpu.memory_space<vmem>>) offsets(%dma_start3A_14 : memref<64xi32, #tpu.memory_space<vmem>>) semaphore(%arg18 : memref<!tpu.dma_semaphore, #tpu.memory_space<semaphore_mem>>)
    %add3A_18 = arith.constant 32 : i32
    %add3A_19 = arith.addi %add3A_18, %add3A : i32
    "tpu.region"() ({
      %run_scoped3A_38 = tpu.sem_alloc : memref<!tpu.dma_semaphore, #tpu.memory_space<semaphore_mem>>
      %dma_start3A_39 = arith.constant 0 : i32
      %dma_start3A_40 = arith.constant 0 : i32
      %dma_start3A_41 = arith.constant 0 : i32
      %dma_start3A_42 = tpu.memref_slice %arg4[%add3A_19, %dma_start3A_39, %dma_start3A_40, %dma_start3A_41] : memref<5184x2x1x64xi32, #tpu.memory_space<hbm>> -> memref<1x2x1x64xi32, #tpu.memory_space<hbm>>
      %dma_start3A_43 = tpu.memref_squeeze %dma_start3A_42 : memref<1x2x1x64xi32, #tpu.memory_space<hbm>> -> memref<2x1x64xi32, #tpu.memory_space<hbm>>
      %dma_start3A_44 = arith.constant 0 : i32
      %dma_start3A_45 = arith.constant 0 : i32
      %dma_start3A_46 = arith.constant 0 : i32
      %dma_start3A_47 = tpu.memref_slice %arg4[%add3A_19, %dma_start3A_44, %dma_start3A_45, %dma_start3A_46] : memref<5184x2x1x64xi32, #tpu.memory_space<hbm>> -> memref<1x2x1x64xi32, #tpu.memory_space<hbm>>
      %dma_start3A_48 = tpu.memref_squeeze %dma_start3A_47 : memref<1x2x1x64xi32, #tpu.memory_space<hbm>> -> memref<2x1x64xi32, #tpu.memory_space<hbm>>
      tpu.enqueue_dma source(%dma_start3A_48 : memref<2x1x64xi32, #tpu.memory_space<hbm>>) target(%arg11 : memref<2x1x64xi32, #tpu.memory_space<vmem>>) target_semaphore(%run_scoped3A_38 : memref<!tpu.dma_semaphore, #tpu.memory_space<semaphore_mem>>)
      %dma_wait3A = arith.constant 0 : i32
      %dma_wait3A_49 = arith.constant 0 : i32
      %dma_wait3A_50 = arith.constant 0 : i32
      %dma_wait3A_51 = tpu.memref_slice %arg4[%add3A_19, %dma_wait3A, %dma_wait3A_49, %dma_wait3A_50] : memref<5184x2x1x64xi32, #tpu.memory_space<hbm>> -> memref<1x2x1x64xi32, #tpu.memory_space<hbm>>
      %dma_wait3A_52 = tpu.memref_squeeze %dma_wait3A_51 : memref<1x2x1x64xi32, #tpu.memory_space<hbm>> -> memref<2x1x64xi32, #tpu.memory_space<hbm>>
      %dma_wait3A_53 = arith.constant 0 : i32
      %dma_wait3A_54 = arith.constant 0 : i32
      %dma_wait3A_55 = arith.constant 0 : i32
      %dma_wait3A_56 = tpu.memref_slice %arg4[%add3A_19, %dma_wait3A_53, %dma_wait3A_54, %dma_wait3A_55] : memref<5184x2x1x64xi32, #tpu.memory_space<hbm>> -> memref<1x2x1x64xi32, #tpu.memory_space<hbm>>
      %dma_wait3A_57 = tpu.memref_squeeze %dma_wait3A_56 : memref<1x2x1x64xi32, #tpu.memory_space<hbm>> -> memref<2x1x64xi32, #tpu.memory_space<hbm>>
      tpu.wait_dma2 semaphore(%run_scoped3A_38 : memref<!tpu.dma_semaphore, #tpu.memory_space<semaphore_mem>>) src(%dma_wait3A_57 : memref<2x1x64xi32, #tpu.memory_space<hbm>>) dst(%arg11 : memref<2x1x64xi32, #tpu.memory_space<vmem>>)
      tpu.yield
    }) : () -> ()
    %dma_start3A_20 = arith.constant 1 : i32
    %dma_start3A_21 = arith.constant 0 : i32
    %dma_start3A_22 = arith.constant 0 : i32
    %dma_start3A_23 = tpu.memref_slice %arg11[%dma_start3A_20, %dma_start3A_21, %dma_start3A_22] : memref<2x1x64xi32, #tpu.memory_space<vmem>> -> memref<1x1x64xi32, #tpu.memory_space<vmem>>
    %dma_start3A_24 = tpu.memref_squeeze %dma_start3A_23 : memref<1x1x64xi32, #tpu.memory_space<vmem>> -> memref<64xi32, #tpu.memory_space<vmem>>
    %dma_start3A_25 = arith.constant 0 : i32
    %dma_start3A_26 = arith.constant 0 : i32
    %dma_start3A_27 = tpu.memref_slice %arg2[%dma_start3A_25, %dma_start3A_26] : memref<10240x128xf32, #tpu.memory_space<hbm>> -> memref<10240x128xf32, #tpu.memory_space<hbm>>
    tpu.enqueue_indirect_dma source(%dma_start3A_27 : memref<10240x128xf32, #tpu.memory_space<hbm>>) target(%arg15 : memref<64x128xf32, #tpu.memory_space<vmem>>) offsets(%dma_start3A_24 : memref<64xi32, #tpu.memory_space<vmem>>) semaphore(%arg19 : memref<!tpu.dma_semaphore, #tpu.memory_space<semaphore_mem>>)
    %scan3A_28 = arith.constant 0 : i32
    %scan3A_29 = arith.constant 81 : i32
    %scan3A_30 = arith.addi %scan3A_28, %scan3A_29 : i32
    %scan3A_31 = arith.constant 1 : i32
    scf.for %scan3A_38 = %scan3A_28 to %scan3A_30 step %scan3A_31  : i32 {
      %mul3A_39 = arith.constant 2 : i32
      %mul3A_40 = arith.muli %scan3A_38, %mul3A_39 : i32
      %add3A_41 = arith.constant 0 : i32
      %add3A_42 = arith.addi %add3A_41, %mul3A_40 : i32
      %add3A_43 = arith.constant 0 : i32
      %add3A_44 = arith.addi %add3A_42, %add3A_43 : i32
      %dma_wait3A = arith.constant 1 : i32
      %dma_wait3A_45 = arith.constant 0 : i32
      %dma_wait3A_46 = arith.constant 0 : i32
      %dma_wait3A_47 = tpu.memref_slice %arg10[%dma_wait3A, %dma_wait3A_45, %dma_wait3A_46] : memref<2x1x64xi32, #tpu.memory_space<vmem>> -> memref<1x1x64xi32, #tpu.memory_space<vmem>>
      %dma_wait3A_48 = tpu.memref_squeeze %dma_wait3A_47 : memref<1x1x64xi32, #tpu.memory_space<vmem>> -> memref<64xi32, #tpu.memory_space<vmem>>
      %dma_wait3A_49 = arith.constant 0 : i32
      %dma_wait3A_50 = arith.constant 0 : i32
      %dma_wait3A_51 = tpu.memref_slice %arg2[%dma_wait3A_49, %dma_wait3A_50] : memref<10240x128xf32, #tpu.memory_space<hbm>> -> memref<10240x128xf32, #tpu.memory_space<hbm>>
      tpu.wait_indirect_dma semaphore(%arg18 : memref<!tpu.dma_semaphore, #tpu.memory_space<semaphore_mem>>) src(%dma_wait3A_51 : memref<10240x128xf32, #tpu.memory_space<hbm>>) dst(%arg14 : memref<64x128xf32, #tpu.memory_space<vmem>>)
      %scan3A_52 = arith.constant 0 : i32
      %scan3A_53 = arith.constant 4 : i32
      %scan3A_54 = arith.addi %scan3A_52, %scan3A_53 : i32
      %scan3A_55 = arith.constant 1 : i32
      scf.for %scan3A_110 = %scan3A_52 to %scan3A_54 step %scan3A_55  : i32 {
        %mul3A_111 = arith.constant 16 : i32
        %mul3A_112 = arith.muli %scan3A_110, %mul3A_111 : i32
        %add3A_113 = arith.constant 0 : i32
        %add3A_114 = arith.addi %add3A_113, %mul3A_112 : i32
        %get3A = arith.constant 0 : i32
        %get3A_115 = arith.constant 0 : i32
        %get3A_116 = arith.index_cast %get3A : i32 to index
        %get3A_117 = arith.index_cast %get3A_115 : i32 to index
        %get3A_118 = arith.index_cast %add3A_114 : i32 to index
        %get3A_119 = tpu.vector_load %arg10[%get3A_116, %get3A_117, %get3A_118] {strides = array<i32>} : memref<2x1x64xi32, #tpu.memory_space<vmem>>, vector<16xi32>,
        %get3A_120 = arith.constant 1 : i32
        %get3A_121 = arith.constant 0 : i32
        %get3A_122 = arith.index_cast %get3A_120 : i32 to index
        %get3A_123 = arith.index_cast %get3A_121 : i32 to index
        %get3A_124 = arith.index_cast %add3A_114 : i32 to index
        %get3A_125 = tpu.vector_load %arg10[%get3A_122, %get3A_123, %get3A_124] {strides = array<i32>} : memref<2x1x64xi32, #tpu.memory_space<vmem>>, vector<16xi32>,
        %gather3A = tpu.vector_load_idx %arg8[%get3A_119] : memref<10240xf32, #tpu.memory_space<vmem>>[vector<16xi32>], vector<16xf32>,
        %gather3A_126 = tpu.vector_load_idx %arg9[%get3A_125] : memref<10240xf32, #tpu.memory_space<vmem>>[vector<16xi32>], vector<16xf32>,
        %add3A_127 = arith.addf %gather3A, %gather3A_126 : vector<16xf32>
        %mul3A_128 = arith.constant 0.00999999977 : f32
        %mul3A_129 = vector.broadcast %mul3A_128 : f32 to vector<16xf32>
        %mul3A_130 = arith.mulf %mul3A_129, %add3A_127 : vector<16xf32>
        %max3A = arith.maximumf %add3A_127, %mul3A_130 : vector<16xf32>
        %exp3A = math.exp %max3A : vector<16xf32>
        %swap3A = arith.index_cast %add3A_114 : i32 to index
        %swap3A_131 = tpu.vector_load %arg13[%swap3A] {strides = array<i32>} : memref<64xf32, #tpu.memory_space<vmem>>, vector<16xf32>,
        tpu.vector_store %arg13[%swap3A], %exp3A {strides = array<i32>} : memref<64xf32, #tpu.memory_space<vmem>>, vector<16xf32>,
        %eq3A = arith.constant 0 : i32
        %eq3A_132 = vector.broadcast %eq3A : i32 to vector<16xi32>
        %eq3A_133 = arith.cmpi eq, %iota3A, %eq3A_132 : vector<16xi32>
        tpu.vector_store_idx %arg16[%get3A_119], %exp3A masked %eq3A_133 {add = true} : memref<10240xf32, #tpu.memory_space<vmem>>[vector<16xi32>], vector<16xf32>, vector<16xi1>
        %eq3A_134 = arith.constant 1 : i32
        %eq3A_135 = vector.broadcast %eq3A_134 : i32 to vector<16xi32>
        %eq3A_136 = arith.cmpi eq, %iota3A, %eq3A_135 : vector<16xi32>
        tpu.vector_store_idx %arg16[%get3A_119], %exp3A masked %eq3A_136 {add = true} : memref<10240xf32, #tpu.memory_space<vmem>>[vector<16xi32>], vector<16xf32>, vector<16xi1>
        %eq3A_137 = arith.constant 2 : i32
        %eq3A_138 = vector.broadcast %eq3A_137 : i32 to vector<16xi32>
        %eq3A_139 = arith.cmpi eq, %iota3A, %eq3A_138 : vector<16xi32>
        tpu.vector_store_idx %arg16[%get3A_119], %exp3A masked %eq3A_139 {add = true} : memref<10240xf32, #tpu.memory_space<vmem>>[vector<16xi32>], vector<16xf32>, vector<16xi1>
        %eq3A_140 = arith.constant 3 : i32
        %eq3A_141 = vector.broadcast %eq3A_140 : i32 to vector<16xi32>
        %eq3A_142 = arith.cmpi eq, %iota3A, %eq3A_141 : vector<16xi32>
        tpu.vector_store_idx %arg16[%get3A_119], %exp3A masked %eq3A_142 {add = true} : memref<10240xf32, #tpu.memory_space<vmem>>[vector<16xi32>], vector<16xf32>, vector<16xi1>
        %eq3A_143 = arith.constant 4 : i32
        %eq3A_144 = vector.broadcast %eq3A_143 : i32 to vector<16xi32>
        %eq3A_145 = arith.cmpi eq, %iota3A, %eq3A_144 : vector<16xi32>
        tpu.vector_store_idx %arg16[%get3A_119], %exp3A masked %eq3A_145 {add = true} : memref<10240xf32, #tpu.memory_space<vmem>>[vector<16xi32>], vector<16xf32>, vector<16xi1>
        %eq3A_146 = arith.constant 5 : i32
        %eq3A_147 = vector.broadcast %eq3A_146 : i32 to vector<16xi32>
        %eq3A_148 = arith.cmpi eq, %iota3A, %eq3A_147 : vector<16xi32>
        tpu.vector_store_idx %arg16[%get3A_119], %exp3A masked %eq3A_148 {add = true} : memref<10240xf32, #tpu.memory_space<vmem>>[vector<16xi32>], vector<16xf32>, vector<16xi1>
        %eq3A_149 = arith.constant 6 : i32
        %eq3A_150 = vector.broadcast %eq3A_149 : i32 to vector<16xi32>
        %eq3A_151 = arith.cmpi eq, %iota3A, %eq3A_150 : vector<16xi32>
        tpu.vector_store_idx %arg16[%get3A_119], %exp3A masked %eq3A_151 {add = true} : memref<10240xf32, #tpu.memory_space<vmem>>[vector<16xi32>], vector<16xf32>, vector<16xi1>
        %eq3A_152 = arith.constant 7 : i32
        %eq3A_153 = vector.broadcast %eq3A_152 : i32 to vector<16xi32>
        %eq3A_154 = arith.cmpi eq, %iota3A, %eq3A_153 : vector<16xi32>
        tpu.vector_store_idx %arg16[%get3A_119], %exp3A masked %eq3A_154 {add = true} : memref<10240xf32, #tpu.memory_space<vmem>>[vector<16xi32>], vector<16xf32>, vector<16xi1>
        %eq3A_155 = arith.constant 8 : i32
        %eq3A_156 = vector.broadcast %eq3A_155 : i32 to vector<16xi32>
        %eq3A_157 = arith.cmpi eq, %iota3A, %eq3A_156 : vector<16xi32>
        tpu.vector_store_idx %arg16[%get3A_119], %exp3A masked %eq3A_157 {add = true} : memref<10240xf32, #tpu.memory_space<vmem>>[vector<16xi32>], vector<16xf32>, vector<16xi1>
        %eq3A_158 = arith.constant 9 : i32
        %eq3A_159 = vector.broadcast %eq3A_158 : i32 to vector<16xi32>
        %eq3A_160 = arith.cmpi eq, %iota3A, %eq3A_159 : vector<16xi32>
        tpu.vector_store_idx %arg16[%get3A_119], %exp3A masked %eq3A_160 {add = true} : memref<10240xf32, #tpu.memory_space<vmem>>[vector<16xi32>], vector<16xf32>, vector<16xi1>
        %eq3A_161 = arith.constant 10 : i32
        %eq3A_162 = vector.broadcast %eq3A_161 : i32 to vector<16xi32>
        %eq3A_163 = arith.cmpi eq, %iota3A, %eq3A_162 : vector<16xi32>
        tpu.vector_store_idx %arg16[%get3A_119], %exp3A masked %eq3A_163 {add = true} : memref<10240xf32, #tpu.memory_space<vmem>>[vector<16xi32>], vector<16xf32>, vector<16xi1>
        %eq3A_164 = arith.constant 11 : i32
        %eq3A_165 = vector.broadcast %eq3A_164 : i32 to vector<16xi32>
        %eq3A_166 = arith.cmpi eq, %iota3A, %eq3A_165 : vector<16xi32>
        tpu.vector_store_idx %arg16[%get3A_119], %exp3A masked %eq3A_166 {add = true} : memref<10240xf32, #tpu.memory_space<vmem>>[vector<16xi32>], vector<16xf32>, vector<16xi1>
        %eq3A_167 = arith.constant 12 : i32
        %eq3A_168 = vector.broadcast %eq3A_167 : i32 to vector<16xi32>
        %eq3A_169 = arith.cmpi eq, %iota3A, %eq3A_168 : vector<16xi32>
        tpu.vector_store_idx %arg16[%get3A_119], %exp3A masked %eq3A_169 {add = true} : memref<10240xf32, #tpu.memory_space<vmem>>[vector<16xi32>], vector<16xf32>, vector<16xi1>
        %eq3A_170 = arith.constant 13 : i32
        %eq3A_171 = vector.broadcast %eq3A_170 : i32 to vector<16xi32>
        %eq3A_172 = arith.cmpi eq, %iota3A, %eq3A_171 : vector<16xi32>
        tpu.vector_store_idx %arg16[%get3A_119], %exp3A masked %eq3A_172 {add = true} : memref<10240xf32, #tpu.memory_space<vmem>>[vector<16xi32>], vector<16xf32>, vector<16xi1>
        %eq3A_173 = arith.constant 14 : i32
        %eq3A_174 = vector.broadcast %eq3A_173 : i32 to vector<16xi32>
        %eq3A_175 = arith.cmpi eq, %iota3A, %eq3A_174 : vector<16xi32>
        tpu.vector_store_idx %arg16[%get3A_119], %exp3A masked %eq3A_175 {add = true} : memref<10240xf32, #tpu.memory_space<vmem>>[vector<16xi32>], vector<16xf32>, vector<16xi1>
        %eq3A_176 = arith.constant 15 : i32
        %eq3A_177 = vector.broadcast %eq3A_176 : i32 to vector<16xi32>
        %eq3A_178 = arith.cmpi eq, %iota3A, %eq3A_177 : vector<16xi32>
        tpu.vector_store_idx %arg16[%get3A_119], %exp3A masked %eq3A_178 {add = true} : memref<10240xf32, #tpu.memory_space<vmem>>[vector<16xi32>], vector<16xf32>, vector<16xi1>
      }
      %scan3A_56 = arith.constant 4 : i32
      %parallel_loop3A = arith.constant 0 : i32
      %parallel_loop3A_57 = arith.constant 64 : i32
      %parallel_loop3A_58 = arith.constant 16 : i32
      scf.for %parallel_loop3A_110 = %parallel_loop3A to %parallel_loop3A_57 step %parallel_loop3A_58  : i32 {
        %parallel_loop3A_111 = arith.index_cast %parallel_loop3A_110 : i32 to index
        %parallel_loop3A_112 = tpu.vector_load %arg13[%parallel_loop3A_111] {strides = array<i32>} : memref<64xf32, #tpu.memory_space<vmem>>, vector<16xf32>,
        %parallel_loop3A_113 = arith.constant 0 : i32
        %parallel_loop3A_114 = vector.broadcast %parallel_loop3A_113 : i32 to vector<16x1xi32>
        %parallel_loop3A_115 = vector.shape_cast %parallel_loop3A_114 : vector<16x1xi32> to vector<16xi32>
        %parallel_loop3A_116 = tpu.dynamic_gather %parallel_loop3A_112[%parallel_loop3A_115] in [0] : vector<16xf32>, vector<16xi32> -> vector<16xf32>
        %parallel_loop3A_117 = arith.constant 0 : i32
        %parallel_loop3A_118 = arith.addi %parallel_loop3A_110, %parallel_loop3A_117 : i32
        %parallel_loop3A_119 = arith.index_cast %parallel_loop3A_118 : i32 to index
        %parallel_loop3A_120 = arith.constant 0 : index
        %parallel_loop3A_121 = tpu.vector_load %arg14[%parallel_loop3A_119, %parallel_loop3A_120] {strides = array<i32>} : memref<64x128xf32, #tpu.memory_space<vmem>>, vector<16xf32>,
        %parallel_loop3A_122 = arith.mulf %parallel_loop3A_121, %parallel_loop3A_116 : vector<16xf32>
        %parallel_loop3A_123 = arith.constant 0 : i32
        %parallel_loop3A_124 = arith.addi %parallel_loop3A_110, %parallel_loop3A_123 : i32
        %parallel_loop3A_125 = arith.index_cast %parallel_loop3A_124 : i32 to index
        %parallel_loop3A_126 = arith.constant 0 : index
        %parallel_loop3A_127 = tpu.vector_load %arg14[%parallel_loop3A_125, %parallel_loop3A_126] {strides = array<i32>} : memref<64x128xf32, #tpu.memory_space<vmem>>, vector<16xf32>,
        tpu.vector_store %arg14[%parallel_loop3A_125, %parallel_loop3A_126], %parallel_loop3A_122 {strides = array<i32>} : memref<64x128xf32, #tpu.memory_space<vmem>>, vector<16xf32>,
        %parallel_loop3A_128 = arith.constant 0 : i32
        %parallel_loop3A_129 = arith.addi %parallel_loop3A_110, %parallel_loop3A_128 : i32
        %parallel_loop3A_130 = arith.index_cast %parallel_loop3A_129 : i32 to index
        %parallel_loop3A_131 = arith.constant 16 : index
        %parallel_loop3A_132 = tpu.vector_load %arg14[%parallel_loop3A_130, %parallel_loop3A_131] {strides = array<i32>} : memref<64x128xf32, #tpu.memory_space<vmem>>, vector<16xf32>,
        %parallel_loop3A_133 = arith.mulf %parallel_loop3A_132, %parallel_loop3A_116 : vector<16xf32>
        %parallel_loop3A_134 = arith.constant 0 : i32
        %parallel_loop3A_135 = arith.addi %parallel_loop3A_110, %parallel_loop3A_134 : i32
        %parallel_loop3A_136 = arith.index_cast %parallel_loop3A_135 : i32 to index
        %parallel_loop3A_137 = arith.constant 16 : index
        %parallel_loop3A_138 = tpu.vector_load %arg14[%parallel_loop3A_136, %parallel_loop3A_137] {strides = array<i32>} : memref<64x128xf32, #tpu.memory_space<vmem>>, vector<16xf32>,
        tpu.vector_store %arg14[%parallel_loop3A_136, %parallel_loop3A_137], %parallel_loop3A_133 {strides = array<i32>} : memref<64x128xf32, #tpu.memory_space<vmem>>, vector<16xf32>,
        %parallel_loop3A_139 = arith.constant 0 : i32
        %parallel_loop3A_140 = arith.addi %parallel_loop3A_110, %parallel_loop3A_139 : i32
        %parallel_loop3A_141 = arith.index_cast %parallel_loop3A_140 : i32 to index
        %parallel_loop3A_142 = arith.constant 32 : index
        %parallel_loop3A_143 = tpu.vector_load %arg14[%parallel_loop3A_141, %parallel_loop3A_142] {strides = array<i32>} : memref<64x128xf32, #tpu.memory_space<vmem>>, vector<16xf32>,
        %parallel_loop3A_144 = arith.mulf %parallel_loop3A_143, %parallel_loop3A_116 : vector<16xf32>
        %parallel_loop3A_145 = arith.constant 0 : i32
        %parallel_loop3A_146 = arith.addi %parallel_loop3A_110, %parallel_loop3A_145 : i32
        %parallel_loop3A_147 = arith.index_cast %parallel_loop3A_146 : i32 to index
        %parallel_loop3A_148 = arith.constant 32 : index
        %parallel_loop3A_149 = tpu.vector_load %arg14[%parallel_loop3A_147, %parallel_loop3A_148] {strides = array<i32>} : memref<64x128xf32, #tpu.memory_space<vmem>>, vector<16xf32>,
        tpu.vector_store %arg14[%parallel_loop3A_147, %parallel_loop3A_148], %parallel_loop3A_144 {strides = array<i32>} : memref<64x128xf32, #tpu.memory_space<vmem>>, vector<16xf32>,
        %parallel_loop3A_150 = arith.constant 0 : i32
        %parallel_loop3A_151 = arith.addi %parallel_loop3A_110, %parallel_loop3A_150 : i32
        %parallel_loop3A_152 = arith.index_cast %parallel_loop3A_151 : i32 to index
        %parallel_loop3A_153 = arith.constant 48 : index
        %parallel_loop3A_154 = tpu.vector_load %arg14[%parallel_loop3A_152, %parallel_loop3A_153] {strides = array<i32>} : memref<64x128xf32, #tpu.memory_space<vmem>>, vector<16xf32>,
        %parallel_loop3A_155 = arith.mulf %parallel_loop3A_154, %parallel_loop3A_116 : vector<16xf32>
        %parallel_loop3A_156 = arith.constant 0 : i32
        %parallel_loop3A_157 = arith.addi %parallel_loop3A_110, %parallel_loop3A_156 : i32
        %parallel_loop3A_158 = arith.index_cast %parallel_loop3A_157 : i32 to index
        %parallel_loop3A_159 = arith.constant 48 : index
        %parallel_loop3A_160 = tpu.vector_load %arg14[%parallel_loop3A_158, %parallel_loop3A_159] {strides = array<i32>} : memref<64x128xf32, #tpu.memory_space<vmem>>, vector<16xf32>,
        tpu.vector_store %arg14[%parallel_loop3A_158, %parallel_loop3A_159], %parallel_loop3A_155 {strides = array<i32>} : memref<64x128xf32, #tpu.memory_space<vmem>>, vector<16xf32>,
        %parallel_loop3A_161 = arith.constant 0 : i32
        %parallel_loop3A_162 = arith.addi %parallel_loop3A_110, %parallel_loop3A_161 : i32
        %parallel_loop3A_163 = arith.index_cast %parallel_loop3A_162 : i32 to index
        %parallel_loop3A_164 = arith.constant 64 : index
        %parallel_loop3A_165 = tpu.vector_load %arg14[%parallel_loop3A_163, %parallel_loop3A_164] {strides = array<i32>} : memref<64x128xf32, #tpu.memory_space<vmem>>, vector<16xf32>,
        %parallel_loop3A_166 = arith.mulf %parallel_loop3A_165, %parallel_loop3A_116 : vector<16xf32>
        %parallel_loop3A_167 = arith.constant 0 : i32
        %parallel_loop3A_168 = arith.addi %parallel_loop3A_110, %parallel_loop3A_167 : i32
        %parallel_loop3A_169 = arith.index_cast %parallel_loop3A_168 : i32 to index
        %parallel_loop3A_170 = arith.constant 64 : index
        %parallel_loop3A_171 = tpu.vector_load %arg14[%parallel_loop3A_169, %parallel_loop3A_170] {strides = array<i32>} : memref<64x128xf32, #tpu.memory_space<vmem>>, vector<16xf32>,
        tpu.vector_store %arg14[%parallel_loop3A_169, %parallel_loop3A_170], %parallel_loop3A_166 {strides = array<i32>} : memref<64x128xf32, #tpu.memory_space<vmem>>, vector<16xf32>,
        %parallel_loop3A_172 = arith.constant 0 : i32
        %parallel_loop3A_173 = arith.addi %parallel_loop3A_110, %parallel_loop3A_172 : i32
        %parallel_loop3A_174 = arith.index_cast %parallel_loop3A_173 : i32 to index
        %parallel_loop3A_175 = arith.constant 80 : index
        %parallel_loop3A_176 = tpu.vector_load %arg14[%parallel_loop3A_174, %parallel_loop3A_175] {strides = array<i32>} : memref<64x128xf32, #tpu.memory_space<vmem>>, vector<16xf32>,
        %parallel_loop3A_177 = arith.mulf %parallel_loop3A_176, %parallel_loop3A_116 : vector<16xf32>
        %parallel_loop3A_178 = arith.constant 0 : i32
        %parallel_loop3A_179 = arith.addi %parallel_loop3A_110, %parallel_loop3A_178 : i32
        %parallel_loop3A_180 = arith.index_cast %parallel_loop3A_179 : i32 to index
        %parallel_loop3A_181 = arith.constant 80 : index
        %parallel_loop3A_182 = tpu.vector_load %arg14[%parallel_loop3A_180, %parallel_loop3A_181] {strides = array<i32>} : memref<64x128xf32, #tpu.memory_space<vmem>>, vector<16xf32>,
        tpu.vector_store %arg14[%parallel_loop3A_180, %parallel_loop3A_181], %parallel_loop3A_177 {strides = array<i32>} : memref<64x128xf32, #tpu.memory_space<vmem>>, vector<16xf32>,
        %parallel_loop3A_183 = arith.constant 0 : i32
        %parallel_loop3A_184 = arith.addi %parallel_loop3A_110, %parallel_loop3A_183 : i32
        %parallel_loop3A_185 = arith.index_cast %parallel_loop3A_184 : i32 to index
        %parallel_loop3A_186 = arith.constant 96 : index
        %parallel_loop3A_187 = tpu.vector_load %arg14[%parallel_loop3A_185, %parallel_loop3A_186] {strides = array<i32>} : memref<64x128xf32, #tpu.memory_space<vmem>>, vector<16xf32>,
        %parallel_loop3A_188 = arith.mulf %parallel_loop3A_187, %parallel_loop3A_116 : vector<16xf32>
        %parallel_loop3A_189 = arith.constant 0 : i32
        %parallel_loop3A_190 = arith.addi %parallel_loop3A_110, %parallel_loop3A_189 : i32
        %parallel_loop3A_191 = arith.index_cast %parallel_loop3A_190 : i32 to index
        %parallel_loop3A_192 = arith.constant 96 : index
        %parallel_loop3A_193 = tpu.vector_load %arg14[%parallel_loop3A_191, %parallel_loop3A_192] {strides = array<i32>} : memref<64x128xf32, #tpu.memory_space<vmem>>, vector<16xf32>,
        tpu.vector_store %arg14[%parallel_loop3A_191, %parallel_loop3A_192], %parallel_loop3A_188 {strides = array<i32>} : memref<64x128xf32, #tpu.memory_space<vmem>>, vector<16xf32>,
        %parallel_loop3A_194 = arith.constant 0 : i32
        %parallel_loop3A_195 = arith.addi %parallel_loop3A_110, %parallel_loop3A_194 : i32
        %parallel_loop3A_196 = arith.index_cast %parallel_loop3A_195 : i32 to index
        %parallel_loop3A_197 = arith.constant 112 : index
        %parallel_loop3A_198 = tpu.vector_load %arg14[%parallel_loop3A_196, %parallel_loop3A_197] {strides = array<i32>} : memref<64x128xf32, #tpu.memory_space<vmem>>, vector<16xf32>,
        %parallel_loop3A_199 = arith.mulf %parallel_loop3A_198, %parallel_loop3A_116 : vector<16xf32>
        %parallel_loop3A_200 = arith.constant 0 : i32
        %parallel_loop3A_201 = arith.addi %parallel_loop3A_110, %parallel_loop3A_200 : i32
        %parallel_loop3A_202 = arith.index_cast %parallel_loop3A_201 : i32 to index
        %parallel_loop3A_203 = arith.constant 112 : index
        %parallel_loop3A_204 = tpu.vector_load %arg14[%parallel_loop3A_202, %parallel_loop3A_203] {strides = array<i32>} : memref<64x128xf32, #tpu.memory_space<vmem>>, vector<16xf32>,
        tpu.vector_store %arg14[%parallel_loop3A_202, %parallel_loop3A_203], %parallel_loop3A_199 {strides = array<i32>} : memref<64x128xf32, #tpu.memory_space<vmem>>, vector<16xf32>,
        %parallel_loop3A_205 = arith.constant 1 : i32
        %parallel_loop3A_206 = vector.broadcast %parallel_loop3A_205 : i32 to vector<16x1xi32>
        %parallel_loop3A_207 = vector.shape_cast %parallel_loop3A_206 : vector<16x1xi32> to vector<16xi32>
        %parallel_loop3A_208 = tpu.dynamic_gather %parallel_loop3A_112[%parallel_loop3A_207] in [0] : vector<16xf32>, vector<16xi32> -> vector<16xf32>
        %parallel_loop3A_209 = arith.constant 1 : i32
        %parallel_loop3A_210 = arith.addi %parallel_loop3A_110, %parallel_loop3A_209 : i32
        %parallel_loop3A_211 = arith.index_cast %parallel_loop3A_210 : i32 to index
        %parallel_loop3A_212 = arith.constant 0 : index
        %parallel_loop3A_213 = tpu.vector_load %arg14[%parallel_loop3A_211, %parallel_loop3A_212] {strides = array<i32>} : memref<64x128xf32, #tpu.memory_space<vmem>>, vector<16xf32>,
        %parallel_loop3A_214 = arith.mulf %parallel_loop3A_213, %parallel_loop3A_208 : vector<16xf32>
        %parallel_loop3A_215 = arith.constant 1 : i32
        %parallel_loop3A_216 = arith.addi %parallel_loop3A_110, %parallel_loop3A_215 : i32
        %parallel_loop3A_217 = arith.index_cast %parallel_loop3A_216 : i32 to index
        %parallel_loop3A_218 = arith.constant 0 : index
        %parallel_loop3A_219 = tpu.vector_load %arg14[%parallel_loop3A_217, %parallel_loop3A_218] {strides = array<i32>} : memref<64x128xf32, #tpu.memory_space<vmem>>, vector<16xf32>,
        tpu.vector_store %arg14[%parallel_loop3A_217, %parallel_loop3A_218], %parallel_loop3A_214 {strides = array<i32>} : memref<64x128xf32, #tpu.memory_space<vmem>>, vector<16xf32>,
        %parallel_loop3A_220 = arith.constant 1 : i32
        %parallel_loop3A_221 = arith.addi %parallel_loop3A_110, %parallel_loop3A_220 : i32
        %parallel_loop3A_222 = arith.index_cast %parallel_loop3A_221 : i32 to index
        %parallel_loop3A_223 = arith.constant 16 : index
        %parallel_loop3A_224 = tpu.vector_load %arg14[%parallel_loop3A_222, %parallel_loop3A_223] {strides = array<i32>} : memref<64x128xf32, #tpu.memory_space<vmem>>, vector<16xf32>,
        %parallel_loop3A_225 = arith.mulf %parallel_loop3A_224, %parallel_loop3A_208 : vector<16xf32>
        %parallel_loop3A_226 = arith.constant 1 : i32
        %parallel_loop3A_227 = arith.addi %parallel_loop3A_110, %parallel_loop3A_226 : i32
        %parallel_loop3A_228 = arith.index_cast %parallel_loop3A_227 : i32 to index
        %parallel_loop3A_229 = arith.constant 16 : index
        %parallel_loop3A_230 = tpu.vector_load %arg14[%parallel_loop3A_228, %parallel_loop3A_229] {strides = array<i32>} : memref<64x128xf32, #tpu.memory_space<vmem>>, vector<16xf32>,
        tpu.vector_store %arg14[%parallel_loop3A_228, %parallel_loop3A_229], %parallel_loop3A_225 {strides = array<i32>} : memref<64x128xf32, #tpu.memory_space<vmem>>, vector<16xf32>,
        %parallel_loop3A_231 = arith.constant 1 : i32
        %parallel_loop3A_232 = arith.addi %parallel_loop3A_110, %parallel_loop3A_231 : i32
        %parallel_loop3A_233 = arith.index_cast %parallel_loop3A_232 : i32 to index
        %parallel_loop3A_234 = arith.constant 32 : index
        %parallel_loop3A_235 = tpu.vector_load %arg14[%parallel_loop3A_233, %parallel_loop3A_234] {strides = array<i32>} : memref<64x128xf32, #tpu.memory_space<vmem>>, vector<16xf32>,
        %parallel_loop3A_236 = arith.mulf %parallel_loop3A_235, %parallel_loop3A_208 : vector<16xf32>
        %parallel_loop3A_237 = arith.constant 1 : i32
        %parallel_loop3A_238 = arith.addi %parallel_loop3A_110, %parallel_loop3A_237 : i32
        %parallel_loop3A_239 = arith.index_cast %parallel_loop3A_238 : i32 to index
        %parallel_loop3A_240 = arith.constant 32 : index
        %parallel_loop3A_241 = tpu.vector_load %arg14[%parallel_loop3A_239, %parallel_loop3A_240] {strides = array<i32>} : memref<64x128xf32, #tpu.memory_space<vmem>>, vector<16xf32>,
        tpu.vector_store %arg14[%parallel_loop3A_239, %parallel_loop3A_240], %parallel_loop3A_236 {strides = array<i32>} : memref<64x128xf32, #tpu.memory_space<vmem>>, vector<16xf32>,
        %parallel_loop3A_242 = arith.constant 1 : i32
        %parallel_loop3A_243 = arith.addi %parallel_loop3A_110, %parallel_loop3A_242 : i32
        %parallel_loop3A_244 = arith.index_cast %parallel_loop3A_243 : i32 to index
        %parallel_loop3A_245 = arith.constant 48 : index
        %parallel_loop3A_246 = tpu.vector_load %arg14[%parallel_loop3A_244, %parallel_loop3A_245] {strides = array<i32>} : memref<64x128xf32, #tpu.memory_space<vmem>>, vector<16xf32>,
        %parallel_loop3A_247 = arith.mulf %parallel_loop3A_246, %parallel_loop3A_208 : vector<16xf32>
        %parallel_loop3A_248 = arith.constant 1 : i32
        %parallel_loop3A_249 = arith.addi %parallel_loop3A_110, %parallel_loop3A_248 : i32
        %parallel_loop3A_250 = arith.index_cast %parallel_loop3A_249 : i32 to index
        %parallel_loop3A_251 = arith.constant 48 : index
        %parallel_loop3A_252 = tpu.vector_load %arg14[%parallel_loop3A_250, %parallel_loop3A_251] {strides = array<i32>} : memref<64x128xf32, #tpu.memory_space<vmem>>, vector<16xf32>,
        tpu.vector_store %arg14[%parallel_loop3A_250, %parallel_loop3A_251], %parallel_loop3A_247 {strides = array<i32>} : memref<64x128xf32, #tpu.memory_space<vmem>>, vector<16xf32>,
        %parallel_loop3A_253 = arith.constant 1 : i32
        %parallel_loop3A_254 = arith.addi %parallel_loop3A_110, %parallel_loop3A_253 : i32
        %parallel_loop3A_255 = arith.index_cast %parallel_loop3A_254 : i32 to index
        %parallel_loop3A_256 = arith.constant 64 : index
        %parallel_loop3A_257 = tpu.vector_load %arg14[%parallel_loop3A_255, %parallel_loop3A_256] {strides = array<i32>} : memref<64x128xf32, #tpu.memory_space<vmem>>, vector<16xf32>,
        %parallel_loop3A_258 = arith.mulf %parallel_loop3A_257, %parallel_loop3A_208 : vector<16xf32>
        %parallel_loop3A_259 = arith.constant 1 : i32
        %parallel_loop3A_260 = arith.addi %parallel_loop3A_110, %parallel_loop3A_259 : i32
        %parallel_loop3A_261 = arith.index_cast %parallel_loop3A_260 : i32 to index
        %parallel_loop3A_262 = arith.constant 64 : index
        %parallel_loop3A_263 = tpu.vector_load %arg14[%parallel_loop3A_261, %parallel_loop3A_262] {strides = array<i32>} : memref<64x128xf32, #tpu.memory_space<vmem>>, vector<16xf32>,
        tpu.vector_store %arg14[%parallel_loop3A_261, %parallel_loop3A_262], %parallel_loop3A_258 {strides = array<i32>} : memref<64x128xf32, #tpu.memory_space<vmem>>, vector<16xf32>,
        %parallel_loop3A_264 = arith.constant 1 : i32
        %parallel_loop3A_265 = arith.addi %parallel_loop3A_110, %parallel_loop3A_264 : i32
        %parallel_loop3A_266 = arith.index_cast %parallel_loop3A_265 : i32 to index
        %parallel_loop3A_267 = arith.constant 80 : index
        %parallel_loop3A_268 = tpu.vector_load %arg14[%parallel_loop3A_266, %parallel_loop3A_267] {strides = array<i32>} : memref<64x128xf32, #tpu.memory_space<vmem>>, vector<16xf32>,
        %parallel_loop3A_269 = arith.mulf %parallel_loop3A_268, %parallel_loop3A_208 : vector<16xf32>
        %parallel_loop3A_270 = arith.constant 1 : i32
        %parallel_loop3A_271 = arith.addi %parallel_loop3A_110, %parallel_loop3A_270 : i32
        %parallel_loop3A_272 = arith.index_cast %parallel_loop3A_271 : i32 to index
        %parallel_loop3A_273 = arith.constant 80 : index
        %parallel_loop3A_274 = tpu.vector_load %arg14[%parallel_loop3A_272, %parallel_loop3A_273] {strides = array<i32>} : memref<64x128xf32, #tpu.memory_space<vmem>>, vector<16xf32>,
        tpu.vector_store %arg14[%parallel_loop3A_272, %parallel_loop3A_273], %parallel_loop3A_269 {strides = array<i32>} : memref<64x128xf32, #tpu.memory_space<vmem>>, vector<16xf32>,
        %parallel_loop3A_275 = arith.constant 1 : i32
        %parallel_loop3A_276 = arith.addi %parallel_loop3A_110, %parallel_loop3A_275 : i32
        %parallel_loop3A_277 = arith.index_cast %parallel_loop3A_276 : i32 to index
        %parallel_loop3A_278 = arith.constant 96 : index
        %parallel_loop3A_279 = tpu.vector_load %arg14[%parallel_loop3A_277, %parallel_loop3A_278] {strides = array<i32>} : memref<64x128xf32, #tpu.memory_space<vmem>>, vector<16xf32>,
        %parallel_loop3A_280 = arith.mulf %parallel_loop3A_279, %parallel_loop3A_208 : vector<16xf32>
        %parallel_loop3A_281 = arith.constant 1 : i32
        %parallel_loop3A_282 = arith.addi %parallel_loop3A_110, %parallel_loop3A_281 : i32
        %parallel_loop3A_283 = arith.index_cast %parallel_loop3A_282 : i32 to index
        %parallel_loop3A_284 = arith.constant 96 : index
        %parallel_loop3A_285 = tpu.vector_load %arg14[%parallel_loop3A_283, %parallel_loop3A_284] {strides = array<i32>} : memref<64x128xf32, #tpu.memory_space<vmem>>, vector<16xf32>,
        tpu.vector_store %arg14[%parallel_loop3A_283, %parallel_loop3A_284], %parallel_loop3A_280 {strides = array<i32>} : memref<64x128xf32, #tpu.memory_space<vmem>>, vector<16xf32>,
        %parallel_loop3A_286 = arith.constant 1 : i32
        %parallel_loop3A_287 = arith.addi %parallel_loop3A_110, %parallel_loop3A_286 : i32
        %parallel_loop3A_288 = arith.index_cast %parallel_loop3A_287 : i32 to index
        %parallel_loop3A_289 = arith.constant 112 : index
        %parallel_loop3A_290 = tpu.vector_load %arg14[%parallel_loop3A_288, %parallel_loop3A_289] {strides = array<i32>} : memref<64x128xf32, #tpu.memory_space<vmem>>, vector<16xf32>,
        %parallel_loop3A_291 = arith.mulf %parallel_loop3A_290, %parallel_loop3A_208 : vector<16xf32>
        %parallel_loop3A_292 = arith.constant 1 : i32
        %parallel_loop3A_293 = arith.addi %parallel_loop3A_110, %parallel_loop3A_292 : i32
        %parallel_loop3A_294 = arith.index_cast %parallel_loop3A_293 : i32 to index
        %parallel_loop3A_295 = arith.constant 112 : index
        %parallel_loop3A_296 = tpu.vector_load %arg14[%parallel_loop3A_294, %parallel_loop3A_295] {strides = array<i32>} : memref<64x128xf32, #tpu.memory_space<vmem>>, vector<16xf32>,
        tpu.vector_store %arg14[%parallel_loop3A_294, %parallel_loop3A_295], %parallel_loop3A_291 {strides = array<i32>} : memref<64x128xf32, #tpu.memory_space<vmem>>, vector<16xf32>,
        %parallel_loop3A_297 = arith.constant 2 : i32
        %parallel_loop3A_298 = vector.broadcast %parallel_loop3A_297 : i32 to vector<16x1xi32>
        %parallel_loop3A_299 = vector.shape_cast %parallel_loop3A_298 : vector<16x1xi32> to vector<16xi32>
        %parallel_loop3A_300 = tpu.dynamic_gather %parallel_loop3A_112[%parallel_loop3A_299] in [0] : vector<16xf32>, vector<16xi32> -> vector<16xf32>
        %parallel_loop3A_301 = arith.constant 2 : i32
        %parallel_loop3A_302 = arith.addi %parallel_loop3A_110, %parallel_loop3A_301 : i32
        %parallel_loop3A_303 = arith.index_cast %parallel_loop3A_302 : i32 to index
        %parallel_loop3A_304 = arith.constant 0 : index
        %parallel_loop3A_305 = tpu.vector_load %arg14[%parallel_loop3A_303, %parallel_loop3A_304] {strides = array<i32>} : memref<64x128xf32, #tpu.memory_space<vmem>>, vector<16xf32>,
        %parallel_loop3A_306 = arith.mulf %parallel_loop3A_305, %parallel_loop3A_300 : vector<16xf32>
        %parallel_loop3A_307 = arith.constant 2 : i32
        %parallel_loop3A_308 = arith.addi %parallel_loop3A_110, %parallel_loop3A_307 : i32
        %parallel_loop3A_309 = arith.index_cast %parallel_loop3A_308 : i32 to index
        %parallel_loop3A_310 = arith.constant 0 : index
        %parallel_loop3A_311 = tpu.vector_load %arg14[%parallel_loop3A_309, %parallel_loop3A_310] {strides = array<i32>} : memref<64x128xf32, #tpu.memory_space<vmem>>, vector<16xf32>,
        tpu.vector_store %arg14[%parallel_loop3A_309, %parallel_loop3A_310], %parallel_loop3A_306 {strides = array<i32>} : memref<64x128xf32, #tpu.memory_space<vmem>>, vector<16xf32>,
        %parallel_loop3A_312 = arith.constant 2 : i32
        %parallel_loop3A_313 = arith.addi %parallel_loop3A_110, %parallel_loop3A_312 : i32
        %parallel_loop3A_314 = arith.index_cast %parallel_loop3A_313 : i32 to index
        %parallel_loop3A_315 = arith.constant 16 : index
        %parallel_loop3A_316 = tpu.vector_load %arg14[%parallel_loop3A_314, %parallel_loop3A_315] {strides = array<i32>} : memref<64x128xf32, #tpu.memory_space<vmem>>, vector<16xf32>,
        %parallel_loop3A_317 = arith.mulf %parallel_loop3A_316, %parallel_loop3A_300 : vector<16xf32>
        %parallel_loop3A_318 = arith.constant 2 : i32
        %parallel_loop3A_319 = arith.addi %parallel_loop3A_110, %parallel_loop3A_318 : i32
        %parallel_loop3A_320 = arith.index_cast %parallel_loop3A_319 : i32 to index
        %parallel_loop3A_321 = arith.constant 16 : index
        %parallel_loop3A_322 = tpu.vector_load %arg14[%parallel_loop3A_320, %parallel_loop3A_321] {strides = array<i32>} : memref<64x128xf32, #tpu.memory_space<vmem>>, vector<16xf32>,
        tpu.vector_store %arg14[%parallel_loop3A_320, %parallel_loop3A_321], %parallel_loop3A_317 {strides = array<i32>} : memref<64x128xf32, #tpu.memory_space<vmem>>, vector<16xf32>,
        %parallel_loop3A_323 = arith.constant 2 : i32
        %parallel_loop3A_324 = arith.addi %parallel_loop3A_110, %parallel_loop3A_323 : i32
        %parallel_loop3A_325 = arith.index_cast %parallel_loop3A_324 : i32 to index
        %parallel_loop3A_326 = arith.constant 32 : index
        %parallel_loop3A_327 = tpu.vector_load %arg14[%parallel_loop3A_325, %parallel_loop3A_326] {strides = array<i32>} : memref<64x128xf32, #tpu.memory_space<vmem>>, vector<16xf32>,
        %parallel_loop3A_328 = arith.mulf %parallel_loop3A_327, %parallel_loop3A_300 : vector<16xf32>
        %parallel_loop3A_329 = arith.constant 2 : i32
        %parallel_loop3A_330 = arith.addi %parallel_loop3A_110, %parallel_loop3A_329 : i32
        %parallel_loop3A_331 = arith.index_cast %parallel_loop3A_330 : i32 to index
        %parallel_loop3A_332 = arith.constant 32 : index
        %parallel_loop3A_333 = tpu.vector_load %arg14[%parallel_loop3A_331, %parallel_loop3A_332] {strides = array<i32>} : memref<64x128xf32, #tpu.memory_space<vmem>>, vector<16xf32>,
        tpu.vector_store %arg14[%parallel_loop3A_331, %parallel_loop3A_332], %parallel_loop3A_328 {strides = array<i32>} : memref<64x128xf32, #tpu.memory_space<vmem>>, vector<16xf32>,
        %parallel_loop3A_334 = arith.constant 2 : i32
        %parallel_loop3A_335 = arith.addi %parallel_loop3A_110, %parallel_loop3A_334 : i32
        %parallel_loop3A_336 = arith.index_cast %parallel_loop3A_335 : i32 to index
        %parallel_loop3A_337 = arith.constant 48 : index
        %parallel_loop3A_338 = tpu.vector_load %arg14[%parallel_loop3A_336, %parallel_loop3A_337] {strides = array<i32>} : memref<64x128xf32, #tpu.memory_space<vmem>>, vector<16xf32>,
        %parallel_loop3A_339 = arith.mulf %parallel_loop3A_338, %parallel_loop3A_300 : vector<16xf32>
        %parallel_loop3A_340 = arith.constant 2 : i32
        %parallel_loop3A_341 = arith.addi %parallel_loop3A_110, %parallel_loop3A_340 : i32
        %parallel_loop3A_342 = arith.index_cast %parallel_loop3A_341 : i32 to index
        %parallel_loop3A_343 = arith.constant 48 : index
        %parallel_loop3A_344 = tpu.vector_load %arg14[%parallel_loop3A_342, %parallel_loop3A_343] {strides = array<i32>} : memref<64x128xf32, #tpu.memory_space<vmem>>, vector<16xf32>,
        tpu.vector_store %arg14[%parallel_loop3A_342, %parallel_loop3A_343], %parallel_loop3A_339 {strides = array<i32>} : memref<64x128xf32, #tpu.memory_space<vmem>>, vector<16xf32>,
        %parallel_loop3A_345 = arith.constant 2 : i32
        %parallel_loop3A_346 = arith.addi %parallel_loop3A_110, %parallel_loop3A_345 : i32
        %parallel_loop3A_347 = arith.index_cast %parallel_loop3A_346 : i32 to index
        %parallel_loop3A_348 = arith.constant 64 : index
        %parallel_loop3A_349 = tpu.vector_load %arg14[%parallel_loop3A_347, %parallel_loop3A_348] {strides = array<i32>} : memref<64x128xf32, #tpu.memory_space<vmem>>, vector<16xf32>,
        %parallel_loop3A_350 = arith.mulf %parallel_loop3A_349, %parallel_loop3A_300 : vector<16xf32>
        %parallel_loop3A_351 = arith.constant 2 : i32
        %parallel_loop3A_352 = arith.addi %parallel_loop3A_110, %parallel_loop3A_351 : i32
        %parallel_loop3A_353 = arith.index_cast %parallel_loop3A_352 : i32 to index
        %parallel_loop3A_354 = arith.constant 64 : index
        %parallel_loop3A_355 = tpu.vector_load %arg14[%parallel_loop3A_353, %parallel_loop3A_354] {strides = array<i32>} : memref<64x128xf32, #tpu.memory_space<vmem>>, vector<16xf32>,
        tpu.vector_store %arg14[%parallel_loop3A_353, %parallel_loop3A_354], %parallel_loop3A_350 {strides = array<i32>} : memref<64x128xf32, #tpu.memory_space<vmem>>, vector<16xf32>,
        %parallel_loop3A_356 = arith.constant 2 : i32
        %parallel_loop3A_357 = arith.addi %parallel_loop3A_110, %parallel_loop3A_356 : i32
        %parallel_loop3A_358 = arith.index_cast %parallel_loop3A_357 : i32 to index
        %parallel_loop3A_359 = arith.constant 80 : index
        %parallel_loop3A_360 = tpu.vector_load %arg14[%parallel_loop3A_358, %parallel_loop3A_359] {strides = array<i32>} : memref<64x128xf32, #tpu.memory_space<vmem>>, vector<16xf32>,
        %parallel_loop3A_361 = arith.mulf %parallel_loop3A_360, %parallel_loop3A_300 : vector<16xf32>
        %parallel_loop3A_362 = arith.constant 2 : i32
        %parallel_loop3A_363 = arith.addi %parallel_loop3A_110, %parallel_loop3A_362 : i32
        %parallel_loop3A_364 = arith.index_cast %parallel_loop3A_363 : i32 to index
        %parallel_loop3A_365 = arith.constant 80 : index
        %parallel_loop3A_366 = tpu.vector_load %arg14[%parallel_loop3A_364, %parallel_loop3A_365] {strides = array<i32>} : memref<64x128xf32, #tpu.memory_space<vmem>>, vector<16xf32>,
        tpu.vector_store %arg14[%parallel_loop3A_364, %parallel_loop3A_365], %parallel_loop3A_361 {strides = array<i32>} : memref<64x128xf32, #tpu.memory_space<vmem>>, vector<16xf32>,
        %parallel_loop3A_367 = arith.constant 2 : i32
        %parallel_loop3A_368 = arith.addi %parallel_loop3A_110, %parallel_loop3A_367 : i32
        %parallel_loop3A_369 = arith.index_cast %parallel_loop3A_368 : i32 to index
        %parallel_loop3A_370 = arith.constant 96 : index
        %parallel_loop3A_371 = tpu.vector_load %arg14[%parallel_loop3A_369, %parallel_loop3A_370] {strides = array<i32>} : memref<64x128xf32, #tpu.memory_space<vmem>>, vector<16xf32>,
        %parallel_loop3A_372 = arith.mulf %parallel_loop3A_371, %parallel_loop3A_300 : vector<16xf32>
        %parallel_loop3A_373 = arith.constant 2 : i32
        %parallel_loop3A_374 = arith.addi %parallel_loop3A_110, %parallel_loop3A_373 : i32
        %parallel_loop3A_375 = arith.index_cast %parallel_loop3A_374 : i32 to index
        %parallel_loop3A_376 = arith.constant 96 : index
        %parallel_loop3A_377 = tpu.vector_load %arg14[%parallel_loop3A_375, %parallel_loop3A_376] {strides = array<i32>} : memref<64x128xf32, #tpu.memory_space<vmem>>, vector<16xf32>,
        tpu.vector_store %arg14[%parallel_loop3A_375, %parallel_loop3A_376], %parallel_loop3A_372 {strides = array<i32>} : memref<64x128xf32, #tpu.memory_space<vmem>>, vector<16xf32>,
        %parallel_loop3A_378 = arith.constant 2 : i32
        %parallel_loop3A_379 = arith.addi %parallel_loop3A_110, %parallel_loop3A_378 : i32
        %parallel_loop3A_380 = arith.index_cast %parallel_loop3A_379 : i32 to index
        %parallel_loop3A_381 = arith.constant 112 : index
        %parallel_loop3A_382 = tpu.vector_load %arg14[%parallel_loop3A_380, %parallel_loop3A_381] {strides = array<i32>} : memref<64x128xf32, #tpu.memory_space<vmem>>, vector<16xf32>,
        %parallel_loop3A_383 = arith.mulf %parallel_loop3A_382, %parallel_loop3A_300 : vector<16xf32>
        %parallel_loop3A_384 = arith.constant 2 : i32
        %parallel_loop3A_385 = arith.addi %parallel_loop3A_110, %parallel_loop3A_384 : i32
        %parallel_loop3A_386 = arith.index_cast %parallel_loop3A_385 : i32 to index
        %parallel_loop3A_387 = arith.constant 112 : index
        %parallel_loop3A_388 = tpu.vector_load %arg14[%parallel_loop3A_386, %parallel_loop3A_387] {strides = array<i32>} : memref<64x128xf32, #tpu.memory_space<vmem>>, vector<16xf32>,
        tpu.vector_store %arg14[%parallel_loop3A_386, %parallel_loop3A_387], %parallel_loop3A_383 {strides = array<i32>} : memref<64x128xf32, #tpu.memory_space<vmem>>, vector<16xf32>,
        %parallel_loop3A_389 = arith.constant 3 : i32
        %parallel_loop3A_390 = vector.broadcast %parallel_loop3A_389 : i32 to vector<16x1xi32>
        %parallel_loop3A_391 = vector.shape_cast %parallel_loop3A_390 : vector<16x1xi32> to vector<16xi32>
        %parallel_loop3A_392 = tpu.dynamic_gather %parallel_loop3A_112[%parallel_loop3A_391] in [0] : vector<16xf32>, vector<16xi32> -> vector<16xf32>
        %parallel_loop3A_393 = arith.constant 3 : i32
        %parallel_loop3A_394 = arith.addi %parallel_loop3A_110, %parallel_loop3A_393 : i32
        %parallel_loop3A_395 = arith.index_cast %parallel_loop3A_394 : i32 to index
        %parallel_loop3A_396 = arith.constant 0 : index
        %parallel_loop3A_397 = tpu.vector_load %arg14[%parallel_loop3A_395, %parallel_loop3A_396] {strides = array<i32>} : memref<64x128xf32, #tpu.memory_space<vmem>>, vector<16xf32>,
        %parallel_loop3A_398 = arith.mulf %parallel_loop3A_397, %parallel_loop3A_392 : vector<16xf32>
        %parallel_loop3A_399 = arith.constant 3 : i32
        %parallel_loop3A_400 = arith.addi %parallel_loop3A_110, %parallel_loop3A_399 : i32
        %parallel_loop3A_401 = arith.index_cast %parallel_loop3A_400 : i32 to index
        %parallel_loop3A_402 = arith.constant 0 : index
        %parallel_loop3A_403 = tpu.vector_load %arg14[%parallel_loop3A_401, %parallel_loop3A_402] {strides = array<i32>} : memref<64x128xf32, #tpu.memory_space<vmem>>, vector<16xf32>,
        tpu.vector_store %arg14[%parallel_loop3A_401, %parallel_loop3A_402], %parallel_loop3A_398 {strides = array<i32>} : memref<64x128xf32, #tpu.memory_space<vmem>>, vector<16xf32>,
        %parallel_loop3A_404 = arith.constant 3 : i32
        %parallel_loop3A_405 = arith.addi %parallel_loop3A_110, %parallel_loop3A_404 : i32
        %parallel_loop3A_406 = arith.index_cast %parallel_loop3A_405 : i32 to index
        %parallel_loop3A_407 = arith.constant 16 : index
        %parallel_loop3A_408 = tpu.vector_load %arg14[%parallel_loop3A_406, %parallel_loop3A_407] {strides = array<i32>} : memref<64x128xf32, #tpu.memory_space<vmem>>, vector<16xf32>,
        %parallel_loop3A_409 = arith.mulf %parallel_loop3A_408, %parallel_loop3A_392 : vector<16xf32>
        %parallel_loop3A_410 = arith.constant 3 : i32
        %parallel_loop3A_411 = arith.addi %parallel_loop3A_110, %parallel_loop3A_410 : i32
        %parallel_loop3A_412 = arith.index_cast %parallel_loop3A_411 : i32 to index
        %parallel_loop3A_413 = arith.constant 16 : index
        %parallel_loop3A_414 = tpu.vector_load %arg14[%parallel_loop3A_412, %parallel_loop3A_413] {strides = array<i32>} : memref<64x128xf32, #tpu.memory_space<vmem>>, vector<16xf32>,
        tpu.vector_store %arg14[%parallel_loop3A_412, %parallel_loop3A_413], %parallel_loop3A_409 {strides = array<i32>} : memref<64x128xf32, #tpu.memory_space<vmem>>, vector<16xf32>,
        %parallel_loop3A_415 = arith.constant 3 : i32
        %parallel_loop3A_416 = arith.addi %parallel_loop3A_110, %parallel_loop3A_415 : i32
        %parallel_loop3A_417 = arith.index_cast %parallel_loop3A_416 : i32 to index
        %parallel_loop3A_418 = arith.constant 32 : index
        %parallel_loop3A_419 = tpu.vector_load %arg14[%parallel_loop3A_417, %parallel_loop3A_418] {strides = array<i32>} : memref<64x128xf32, #tpu.memory_space<vmem>>, vector<16xf32>,
        %parallel_loop3A_420 = arith.mulf %parallel_loop3A_419, %parallel_loop3A_392 : vector<16xf32>
        %parallel_loop3A_421 = arith.constant 3 : i32
        %parallel_loop3A_422 = arith.addi %parallel_loop3A_110, %parallel_loop3A_421 : i32
        %parallel_loop3A_423 = arith.index_cast %parallel_loop3A_422 : i32 to index
        %parallel_loop3A_424 = arith.constant 32 : index
        %parallel_loop3A_425 = tpu.vector_load %arg14[%parallel_loop3A_423, %parallel_loop3A_424] {strides = array<i32>} : memref<64x128xf32, #tpu.memory_space<vmem>>, vector<16xf32>,
        tpu.vector_store %arg14[%parallel_loop3A_423, %parallel_loop3A_424], %parallel_loop3A_420 {strides = array<i32>} : memref<64x128xf32, #tpu.memory_space<vmem>>, vector<16xf32>,
        %parallel_loop3A_426 = arith.constant 3 : i32
        %parallel_loop3A_427 = arith.addi %parallel_loop3A_110, %parallel_loop3A_426 : i32
        %parallel_loop3A_428 = arith.index_cast %parallel_loop3A_427 : i32 to index
        %parallel_loop3A_429 = arith.constant 48 : index
        %parallel_loop3A_430 = tpu.vector_load %arg14[%parallel_loop3A_428, %parallel_loop3A_429] {strides = array<i32>} : memref<64x128xf32, #tpu.memory_space<vmem>>, vector<16xf32>,
        %parallel_loop3A_431 = arith.mulf %parallel_loop3A_430, %parallel_loop3A_392 : vector<16xf32>
        %parallel_loop3A_432 = arith.constant 3 : i32
        %parallel_loop3A_433 = arith.addi %parallel_loop3A_110, %parallel_loop3A_432 : i32
        %parallel_loop3A_434 = arith.index_cast %parallel_loop3A_433 : i32 to index
        %parallel_loop3A_435 = arith.constant 48 : index
        %parallel_loop3A_436 = tpu.vector_load %arg14[%parallel_loop3A_434, %parallel_loop3A_435] {strides = array<i32>} : memref<64x128xf32, #tpu.memory_space<vmem>>, vector<16xf32>,
        tpu.vector_store %arg14[%parallel_loop3A_434, %parallel_loop3A_435], %parallel_loop3A_431 {strides = array<i32>} : memref<64x128xf32, #tpu.memory_space<vmem>>, vector<16xf32>,
        %parallel_loop3A_437 = arith.constant 3 : i32
        %parallel_loop3A_438 = arith.addi %parallel_loop3A_110, %parallel_loop3A_437 : i32
        %parallel_loop3A_439 = arith.index_cast %parallel_loop3A_438 : i32 to index
        %parallel_loop3A_440 = arith.constant 64 : index
        %parallel_loop3A_441 = tpu.vector_load %arg14[%parallel_loop3A_439, %parallel_loop3A_440] {strides = array<i32>} : memref<64x128xf32, #tpu.memory_space<vmem>>, vector<16xf32>,
        %parallel_loop3A_442 = arith.mulf %parallel_loop3A_441, %parallel_loop3A_392 : vector<16xf32>
        %parallel_loop3A_443 = arith.constant 3 : i32
        %parallel_loop3A_444 = arith.addi %parallel_loop3A_110, %parallel_loop3A_443 : i32
        %parallel_loop3A_445 = arith.index_cast %parallel_loop3A_444 : i32 to index
        %parallel_loop3A_446 = arith.constant 64 : index
        %parallel_loop3A_447 = tpu.vector_load %arg14[%parallel_loop3A_445, %parallel_loop3A_446] {strides = array<i32>} : memref<64x128xf32, #tpu.memory_space<vmem>>, vector<16xf32>,
        tpu.vector_store %arg14[%parallel_loop3A_445, %parallel_loop3A_446], %parallel_loop3A_442 {strides = array<i32>} : memref<64x128xf32, #tpu.memory_space<vmem>>, vector<16xf32>,
        %parallel_loop3A_448 = arith.constant 3 : i32
        %parallel_loop3A_449 = arith.addi %parallel_loop3A_110, %parallel_loop3A_448 : i32
        %parallel_loop3A_450 = arith.index_cast %parallel_loop3A_449 : i32 to index
        %parallel_loop3A_451 = arith.constant 80 : index
        %parallel_loop3A_452 = tpu.vector_load %arg14[%parallel_loop3A_450, %parallel_loop3A_451] {strides = array<i32>} : memref<64x128xf32, #tpu.memory_space<vmem>>, vector<16xf32>,
        %parallel_loop3A_453 = arith.mulf %parallel_loop3A_452, %parallel_loop3A_392 : vector<16xf32>
        %parallel_loop3A_454 = arith.constant 3 : i32
        %parallel_loop3A_455 = arith.addi %parallel_loop3A_110, %parallel_loop3A_454 : i32
        %parallel_loop3A_456 = arith.index_cast %parallel_loop3A_455 : i32 to index
        %parallel_loop3A_457 = arith.constant 80 : index
        %parallel_loop3A_458 = tpu.vector_load %arg14[%parallel_loop3A_456, %parallel_loop3A_457] {strides = array<i32>} : memref<64x128xf32, #tpu.memory_space<vmem>>, vector<16xf32>,
        tpu.vector_store %arg14[%parallel_loop3A_456, %parallel_loop3A_457], %parallel_loop3A_453 {strides = array<i32>} : memref<64x128xf32, #tpu.memory_space<vmem>>, vector<16xf32>,
        %parallel_loop3A_459 = arith.constant 3 : i32
        %parallel_loop3A_460 = arith.addi %parallel_loop3A_110, %parallel_loop3A_459 : i32
        %parallel_loop3A_461 = arith.index_cast %parallel_loop3A_460 : i32 to index
        %parallel_loop3A_462 = arith.constant 96 : index
        %parallel_loop3A_463 = tpu.vector_load %arg14[%parallel_loop3A_461, %parallel_loop3A_462] {strides = array<i32>} : memref<64x128xf32, #tpu.memory_space<vmem>>, vector<16xf32>,
        %parallel_loop3A_464 = arith.mulf %parallel_loop3A_463, %parallel_loop3A_392 : vector<16xf32>
        %parallel_loop3A_465 = arith.constant 3 : i32
        %parallel_loop3A_466 = arith.addi %parallel_loop3A_110, %parallel_loop3A_465 : i32
        %parallel_loop3A_467 = arith.index_cast %parallel_loop3A_466 : i32 to index
        %parallel_loop3A_468 = arith.constant 96 : index
        %parallel_loop3A_469 = tpu.vector_load %arg14[%parallel_loop3A_467, %parallel_loop3A_468] {strides = array<i32>} : memref<64x128xf32, #tpu.memory_space<vmem>>, vector<16xf32>,
        tpu.vector_store %arg14[%parallel_loop3A_467, %parallel_loop3A_468], %parallel_loop3A_464 {strides = array<i32>} : memref<64x128xf32, #tpu.memory_space<vmem>>, vector<16xf32>,
        %parallel_loop3A_470 = arith.constant 3 : i32
        %parallel_loop3A_471 = arith.addi %parallel_loop3A_110, %parallel_loop3A_470 : i32
        %parallel_loop3A_472 = arith.index_cast %parallel_loop3A_471 : i32 to index
        %parallel_loop3A_473 = arith.constant 112 : index
        %parallel_loop3A_474 = tpu.vector_load %arg14[%parallel_loop3A_472, %parallel_loop3A_473] {strides = array<i32>} : memref<64x128xf32, #tpu.memory_space<vmem>>, vector<16xf32>,
        %parallel_loop3A_475 = arith.mulf %parallel_loop3A_474, %parallel_loop3A_392 : vector<16xf32>
        %parallel_loop3A_476 = arith.constant 3 : i32
        %parallel_loop3A_477 = arith.addi %parallel_loop3A_110, %parallel_loop3A_476 : i32
        %parallel_loop3A_478 = arith.index_cast %parallel_loop3A_477 : i32 to index
        %parallel_loop3A_479 = arith.constant 112 : index
        %parallel_loop3A_480 = tpu.vector_load %arg14[%parallel_loop3A_478, %parallel_loop3A_479] {strides = array<i32>} : memref<64x128xf32, #tpu.memory_space<vmem>>, vector<16xf32>,
        tpu.vector_store %arg14[%parallel_loop3A_478, %parallel_loop3A_479], %parallel_loop3A_475 {strides = array<i32>} : memref<64x128xf32, #tpu.memory_space<vmem>>, vector<16xf32>,
        %parallel_loop3A_481 = arith.constant 4 : i32
        %parallel_loop3A_482 = vector.broadcast %parallel_loop3A_481 : i32 to vector<16x1xi32>
        %parallel_loop3A_483 = vector.shape_cast %parallel_loop3A_482 : vector<16x1xi32> to vector<16xi32>
        %parallel_loop3A_484 = tpu.dynamic_gather %parallel_loop3A_112[%parallel_loop3A_483] in [0] : vector<16xf32>, vector<16xi32> -> vector<16xf32>
        %parallel_loop3A_485 = arith.constant 4 : i32
        %parallel_loop3A_486 = arith.addi %parallel_loop3A_110, %parallel_loop3A_485 : i32
        %parallel_loop3A_487 = arith.index_cast %parallel_loop3A_486 : i32 to index
        %parallel_loop3A_488 = arith.constant 0 : index
        %parallel_loop3A_489 = tpu.vector_load %arg14[%parallel_loop3A_487, %parallel_loop3A_488] {strides = array<i32>} : memref<64x128xf32, #tpu.memory_space<vmem>>, vector<16xf32>,
        %parallel_loop3A_490 = arith.mulf %parallel_loop3A_489, %parallel_loop3A_484 : vector<16xf32>
        %parallel_loop3A_491 = arith.constant 4 : i32
        %parallel_loop3A_492 = arith.addi %parallel_loop3A_110, %parallel_loop3A_491 : i32
        %parallel_loop3A_493 = arith.index_cast %parallel_loop3A_492 : i32 to index
        %parallel_loop3A_494 = arith.constant 0 : index
        %parallel_loop3A_495 = tpu.vector_load %arg14[%parallel_loop3A_493, %parallel_loop3A_494] {strides = array<i32>} : memref<64x128xf32, #tpu.memory_space<vmem>>, vector<16xf32>,
        tpu.vector_store %arg14[%parallel_loop3A_493, %parallel_loop3A_494], %parallel_loop3A_490 {strides = array<i32>} : memref<64x128xf32, #tpu.memory_space<vmem>>, vector<16xf32>,
        %parallel_loop3A_496 = arith.constant 4 : i32
        %parallel_loop3A_497 = arith.addi %parallel_loop3A_110, %parallel_loop3A_496 : i32
        %parallel_loop3A_498 = arith.index_cast %parallel_loop3A_497 : i32 to index
        %parallel_loop3A_499 = arith.constant 16 : index
        %parallel_loop3A_500 = tpu.vector_load %arg14[%parallel_loop3A_498, %parallel_loop3A_499] {strides = array<i32>} : memref<64x128xf32, #tpu.memory_space<vmem>>, vector<16xf32>,
        %parallel_loop3A_501 = arith.mulf %parallel_loop3A_500, %parallel_loop3A_484 : vector<16xf32>
        %parallel_loop3A_502 = arith.constant 4 : i32
        %parallel_loop3A_503 = arith.addi %parallel_loop3A_110, %parallel_loop3A_502 : i32
        %parallel_loop3A_504 = arith.index_cast %parallel_loop3A_503 : i32 to index
        %parallel_loop3A_505 = arith.constant 16 : index
        %parallel_loop3A_506 = tpu.vector_load %arg14[%parallel_loop3A_504, %parallel_loop3A_505] {strides = array<i32>} : memref<64x128xf32, #tpu.memory_space<vmem>>, vector<16xf32>,
        tpu.vector_store %arg14[%parallel_loop3A_504, %parallel_loop3A_505], %parallel_loop3A_501 {strides = array<i32>} : memref<64x128xf32, #tpu.memory_space<vmem>>, vector<16xf32>,
        %parallel_loop3A_507 = arith.constant 4 : i32
        %parallel_loop3A_508 = arith.addi %parallel_loop3A_110, %parallel_loop3A_507 : i32
        %parallel_loop3A_509 = arith.index_cast %parallel_loop3A_508 : i32 to index
        %parallel_loop3A_510 = arith.constant 32 : index
        %parallel_loop3A_511 = tpu.vector_load %arg14[%parallel_loop3A_509, %parallel_loop3A_510] {strides = array<i32>} : memref<64x128xf32, #tpu.memory_space<vmem>>, vector<16xf32>,
        %parallel_loop3A_512 = arith.mulf %parallel_loop3A_511, %parallel_loop3A_484 : vector<16xf32>
        %parallel_loop3A_513 = arith.constant 4 : i32
        %parallel_loop3A_514 = arith.addi %parallel_loop3A_110, %parallel_loop3A_513 : i32
        %parallel_loop3A_515 = arith.index_cast %parallel_loop3A_514 : i32 to index
        %parallel_loop3A_516 = arith.constant 32 : index
        %parallel_loop3A_517 = tpu.vector_load %arg14[%parallel_loop3A_515, %parallel_loop3A_516] {strides = array<i32>} : memref<64x128xf32, #tpu.memory_space<vmem>>, vector<16xf32>,
        tpu.vector_store %arg14[%parallel_loop3A_515, %parallel_loop3A_516], %parallel_loop3A_512 {strides = array<i32>} : memref<64x128xf32, #tpu.memory_space<vmem>>, vector<16xf32>,
        %parallel_loop3A_518 = arith.constant 4 : i32
        %parallel_loop3A_519 = arith.addi %parallel_loop3A_110, %parallel_loop3A_518 : i32
        %parallel_loop3A_520 = arith.index_cast %parallel_loop3A_519 : i32 to index
        %parallel_loop3A_521 = arith.constant 48 : index
        %parallel_loop3A_522 = tpu.vector_load %arg14[%parallel_loop3A_520, %parallel_loop3A_521] {strides = array<i32>} : memref<64x128xf32, #tpu.memory_space<vmem>>, vector<16xf32>,
        %parallel_loop3A_523 = arith.mulf %parallel_loop3A_522, %parallel_loop3A_484 : vector<16xf32>
        %parallel_loop3A_524 = arith.constant 4 : i32
        %parallel_loop3A_525 = arith.addi %parallel_loop3A_110, %parallel_loop3A_524 : i32
        %parallel_loop3A_526 = arith.index_cast %parallel_loop3A_525 : i32 to index
        %parallel_loop3A_527 = arith.constant 48 : index
        %parallel_loop3A_528 = tpu.vector_load %arg14[%parallel_loop3A_526, %parallel_loop3A_527] {strides = array<i32>} : memref<64x128xf32, #tpu.memory_space<vmem>>, vector<16xf32>,
        tpu.vector_store %arg14[%parallel_loop3A_526, %parallel_loop3A_527], %parallel_loop3A_523 {strides = array<i32>} : memref<64x128xf32, #tpu.memory_space<vmem>>, vector<16xf32>,
        %parallel_loop3A_529 = arith.constant 4 : i32
        %parallel_loop3A_530 = arith.addi %parallel_loop3A_110, %parallel_loop3A_529 : i32
        %parallel_loop3A_531 = arith.index_cast %parallel_loop3A_530 : i32 to index
        %parallel_loop3A_532 = arith.constant 64 : index
        %parallel_loop3A_533 = tpu.vector_load %arg14[%parallel_loop3A_531, %parallel_loop3A_532] {strides = array<i32>} : memref<64x128xf32, #tpu.memory_space<vmem>>, vector<16xf32>,
        %parallel_loop3A_534 = arith.mulf %parallel_loop3A_533, %parallel_loop3A_484 : vector<16xf32>
        %parallel_loop3A_535 = arith.constant 4 : i32
        %parallel_loop3A_536 = arith.addi %parallel_loop3A_110, %parallel_loop3A_535 : i32
        %parallel_loop3A_537 = arith.index_cast %parallel_loop3A_536 : i32 to index
        %parallel_loop3A_538 = arith.constant 64 : index
        %parallel_loop3A_539 = tpu.vector_load %arg14[%parallel_loop3A_537, %parallel_loop3A_538] {strides = array<i32>} : memref<64x128xf32, #tpu.memory_space<vmem>>, vector<16xf32>,
        tpu.vector_store %arg14[%parallel_loop3A_537, %parallel_loop3A_538], %parallel_loop3A_534 {strides = array<i32>} : memref<64x128xf32, #tpu.memory_space<vmem>>, vector<16xf32>,
        %parallel_loop3A_540 = arith.constant 4 : i32
        %parallel_loop3A_541 = arith.addi %parallel_loop3A_110, %parallel_loop3A_540 : i32
        %parallel_loop3A_542 = arith.index_cast %parallel_loop3A_541 : i32 to index
        %parallel_loop3A_543 = arith.constant 80 : index
        %parallel_loop3A_544 = tpu.vector_load %arg14[%parallel_loop3A_542, %parallel_loop3A_543] {strides = array<i32>} : memref<64x128xf32, #tpu.memory_space<vmem>>, vector<16xf32>,
        %parallel_loop3A_545 = arith.mulf %parallel_loop3A_544, %parallel_loop3A_484 : vector<16xf32>
        %parallel_loop3A_546 = arith.constant 4 : i32
        %parallel_loop3A_547 = arith.addi %parallel_loop3A_110, %parallel_loop3A_546 : i32
        %parallel_loop3A_548 = arith.index_cast %parallel_loop3A_547 : i32 to index
        %parallel_loop3A_549 = arith.constant 80 : index
        %parallel_loop3A_550 = tpu.vector_load %arg14[%parallel_loop3A_548, %parallel_loop3A_549] {strides = array<i32>} : memref<64x128xf32, #tpu.memory_space<vmem>>, vector<16xf32>,
        tpu.vector_store %arg14[%parallel_loop3A_548, %parallel_loop3A_549], %parallel_loop3A_545 {strides = array<i32>} : memref<64x128xf32, #tpu.memory_space<vmem>>, vector<16xf32>,
        %parallel_loop3A_551 = arith.constant 4 : i32
        %parallel_loop3A_552 = arith.addi %parallel_loop3A_110, %parallel_loop3A_551 : i32
        %parallel_loop3A_553 = arith.index_cast %parallel_loop3A_552 : i32 to index
        %parallel_loop3A_554 = arith.constant 96 : index
        %parallel_loop3A_555 = tpu.vector_load %arg14[%parallel_loop3A_553, %parallel_loop3A_554] {strides = array<i32>} : memref<64x128xf32, #tpu.memory_space<vmem>>, vector<16xf32>,
        %parallel_loop3A_556 = arith.mulf %parallel_loop3A_555, %parallel_loop3A_484 : vector<16xf32>
        %parallel_loop3A_557 = arith.constant 4 : i32
        %parallel_loop3A_558 = arith.addi %parallel_loop3A_110, %parallel_loop3A_557 : i32
        %parallel_loop3A_559 = arith.index_cast %parallel_loop3A_558 : i32 to index
        %parallel_loop3A_560 = arith.constant 96 : index
        %parallel_loop3A_561 = tpu.vector_load %arg14[%parallel_loop3A_559, %parallel_loop3A_560] {strides = array<i32>} : memref<64x128xf32, #tpu.memory_space<vmem>>, vector<16xf32>,
        tpu.vector_store %arg14[%parallel_loop3A_559, %parallel_loop3A_560], %parallel_loop3A_556 {strides = array<i32>} : memref<64x128xf32, #tpu.memory_space<vmem>>, vector<16xf32>,
        %parallel_loop3A_562 = arith.constant 4 : i32
        %parallel_loop3A_563 = arith.addi %parallel_loop3A_110, %parallel_loop3A_562 : i32
        %parallel_loop3A_564 = arith.index_cast %parallel_loop3A_563 : i32 to index
        %parallel_loop3A_565 = arith.constant 112 : index
        %parallel_loop3A_566 = tpu.vector_load %arg14[%parallel_loop3A_564, %parallel_loop3A_565] {strides = array<i32>} : memref<64x128xf32, #tpu.memory_space<vmem>>, vector<16xf32>,
        %parallel_loop3A_567 = arith.mulf %parallel_loop3A_566, %parallel_loop3A_484 : vector<16xf32>
        %parallel_loop3A_568 = arith.constant 4 : i32
        %parallel_loop3A_569 = arith.addi %parallel_loop3A_110, %parallel_loop3A_568 : i32
        %parallel_loop3A_570 = arith.index_cast %parallel_loop3A_569 : i32 to index
        %parallel_loop3A_571 = arith.constant 112 : index
        %parallel_loop3A_572 = tpu.vector_load %arg14[%parallel_loop3A_570, %parallel_loop3A_571] {strides = array<i32>} : memref<64x128xf32, #tpu.memory_space<vmem>>, vector<16xf32>,
        tpu.vector_store %arg14[%parallel_loop3A_570, %parallel_loop3A_571], %parallel_loop3A_567 {strides = array<i32>} : memref<64x128xf32, #tpu.memory_space<vmem>>, vector<16xf32>,
        %parallel_loop3A_573 = arith.constant 5 : i32
        %parallel_loop3A_574 = vector.broadcast %parallel_loop3A_573 : i32 to vector<16x1xi32>
        %parallel_loop3A_575 = vector.shape_cast %parallel_loop3A_574 : vector<16x1xi32> to vector<16xi32>
        %parallel_loop3A_576 = tpu.dynamic_gather %parallel_loop3A_112[%parallel_loop3A_575] in [0] : vector<16xf32>, vector<16xi32> -> vector<16xf32>
        %parallel_loop3A_577 = arith.constant 5 : i32
        %parallel_loop3A_578 = arith.addi %parallel_loop3A_110, %parallel_loop3A_577 : i32
        %parallel_loop3A_579 = arith.index_cast %parallel_loop3A_578 : i32 to index
        %parallel_loop3A_580 = arith.constant 0 : index
        %parallel_loop3A_581 = tpu.vector_load %arg14[%parallel_loop3A_579, %parallel_loop3A_580] {strides = array<i32>} : memref<64x128xf32, #tpu.memory_space<vmem>>, vector<16xf32>,
        %parallel_loop3A_582 = arith.mulf %parallel_loop3A_581, %parallel_loop3A_576 : vector<16xf32>
        %parallel_loop3A_583 = arith.constant 5 : i32
        %parallel_loop3A_584 = arith.addi %parallel_loop3A_110, %parallel_loop3A_583 : i32
        %parallel_loop3A_585 = arith.index_cast %parallel_loop3A_584 : i32 to index
        %parallel_loop3A_586 = arith.constant 0 : index
        %parallel_loop3A_587 = tpu.vector_load %arg14[%parallel_loop3A_585, %parallel_loop3A_586] {strides = array<i32>} : memref<64x128xf32, #tpu.memory_space<vmem>>, vector<16xf32>,
        tpu.vector_store %arg14[%parallel_loop3A_585, %parallel_loop3A_586], %parallel_loop3A_582 {strides = array<i32>} : memref<64x128xf32, #tpu.memory_space<vmem>>, vector<16xf32>,
        %parallel_loop3A_588 = arith.constant 5 : i32
        %parallel_loop3A_589 = arith.addi %parallel_loop3A_110, %parallel_loop3A_588 : i32
        %parallel_loop3A_590 = arith.index_cast %parallel_loop3A_589 : i32 to index
        %parallel_loop3A_591 = arith.constant 16 : index
        %parallel_loop3A_592 = tpu.vector_load %arg14[%parallel_loop3A_590, %parallel_loop3A_591] {strides = array<i32>} : memref<64x128xf32, #tpu.memory_space<vmem>>, vector<16xf32>,
        %parallel_loop3A_593 = arith.mulf %parallel_loop3A_592, %parallel_loop3A_576 : vector<16xf32>
        %parallel_loop3A_594 = arith.constant 5 : i32
        %parallel_loop3A_595 = arith.addi %parallel_loop3A_110, %parallel_loop3A_594 : i32
        %parallel_loop3A_596 = arith.index_cast %parallel_loop3A_595 : i32 to index
        %parallel_loop3A_597 = arith.constant 16 : index
        %parallel_loop3A_598 = tpu.vector_load %arg14[%parallel_loop3A_596, %parallel_loop3A_597] {strides = array<i32>} : memref<64x128xf32, #tpu.memory_space<vmem>>, vector<16xf32>,
        tpu.vector_store %arg14[%parallel_loop3A_596, %parallel_loop3A_597], %parallel_loop3A_593 {strides = array<i32>} : memref<64x128xf32, #tpu.memory_space<vmem>>, vector<16xf32>,
        %parallel_loop3A_599 = arith.constant 5 : i32
        %parallel_loop3A_600 = arith.addi %parallel_loop3A_110, %parallel_loop3A_599 : i32
        %parallel_loop3A_601 = arith.index_cast %parallel_loop3A_600 : i32 to index
        %parallel_loop3A_602 = arith.constant 32 : index
        %parallel_loop3A_603 = tpu.vector_load %arg14[%parallel_loop3A_601, %parallel_loop3A_602] {strides = array<i32>} : memref<64x128xf32, #tpu.memory_space<vmem>>, vector<16xf32>,
        %parallel_loop3A_604 = arith.mulf %parallel_loop3A_603, %parallel_loop3A_576 : vector<16xf32>
        %parallel_loop3A_605 = arith.constant 5 : i32
        %parallel_loop3A_606 = arith.addi %parallel_loop3A_110, %parallel_loop3A_605 : i32
        %parallel_loop3A_607 = arith.index_cast %parallel_loop3A_606 : i32 to index
        %parallel_loop3A_608 = arith.constant 32 : index
        %parallel_loop3A_609 = tpu.vector_load %arg14[%parallel_loop3A_607, %parallel_loop3A_608] {strides = array<i32>} : memref<64x128xf32, #tpu.memory_space<vmem>>, vector<16xf32>,
        tpu.vector_store %arg14[%parallel_loop3A_607, %parallel_loop3A_608], %parallel_loop3A_604 {strides = array<i32>} : memref<64x128xf32, #tpu.memory_space<vmem>>, vector<16xf32>,
        %parallel_loop3A_610 = arith.constant 5 : i32
        %parallel_loop3A_611 = arith.addi %parallel_loop3A_110, %parallel_loop3A_610 : i32
        %parallel_loop3A_612 = arith.index_cast %parallel_loop3A_611 : i32 to index
        %parallel_loop3A_613 = arith.constant 48 : index
        %parallel_loop3A_614 = tpu.vector_load %arg14[%parallel_loop3A_612, %parallel_loop3A_613] {strides = array<i32>} : memref<64x128xf32, #tpu.memory_space<vmem>>, vector<16xf32>,
        %parallel_loop3A_615 = arith.mulf %parallel_loop3A_614, %parallel_loop3A_576 : vector<16xf32>
        %parallel_loop3A_616 = arith.constant 5 : i32
        %parallel_loop3A_617 = arith.addi %parallel_loop3A_110, %parallel_loop3A_616 : i32
        %parallel_loop3A_618 = arith.index_cast %parallel_loop3A_617 : i32 to index
        %parallel_loop3A_619 = arith.constant 48 : index
        %parallel_loop3A_620 = tpu.vector_load %arg14[%parallel_loop3A_618, %parallel_loop3A_619] {strides = array<i32>} : memref<64x128xf32, #tpu.memory_space<vmem>>, vector<16xf32>,
        tpu.vector_store %arg14[%parallel_loop3A_618, %parallel_loop3A_619], %parallel_loop3A_615 {strides = array<i32>} : memref<64x128xf32, #tpu.memory_space<vmem>>, vector<16xf32>,
        %parallel_loop3A_621 = arith.constant 5 : i32
        %parallel_loop3A_622 = arith.addi %parallel_loop3A_110, %parallel_loop3A_621 : i32
        %parallel_loop3A_623 = arith.index_cast %parallel_loop3A_622 : i32 to index
        %parallel_loop3A_624 = arith.constant 64 : index
        %parallel_loop3A_625 = tpu.vector_load %arg14[%parallel_loop3A_623, %parallel_loop3A_624] {strides = array<i32>} : memref<64x128xf32, #tpu.memory_space<vmem>>, vector<16xf32>,
        %parallel_loop3A_626 = arith.mulf %parallel_loop3A_625, %parallel_loop3A_576 : vector<16xf32>
        %parallel_loop3A_627 = arith.constant 5 : i32
        %parallel_loop3A_628 = arith.addi %parallel_loop3A_110, %parallel_loop3A_627 : i32
        %parallel_loop3A_629 = arith.index_cast %parallel_loop3A_628 : i32 to index
        %parallel_loop3A_630 = arith.constant 64 : index
        %parallel_loop3A_631 = tpu.vector_load %arg14[%parallel_loop3A_629, %parallel_loop3A_630] {strides = array<i32>} : memref<64x128xf32, #tpu.memory_space<vmem>>, vector<16xf32>,
        tpu.vector_store %arg14[%parallel_loop3A_629, %parallel_loop3A_630], %parallel_loop3A_626 {strides = array<i32>} : memref<64x128xf32, #tpu.memory_space<vmem>>, vector<16xf32>,
        %parallel_loop3A_632 = arith.constant 5 : i32
        %parallel_loop3A_633 = arith.addi %parallel_loop3A_110, %parallel_loop3A_632 : i32
        %parallel_loop3A_634 = arith.index_cast %parallel_loop3A_633 : i32 to index
        %parallel_loop3A_635 = arith.constant 80 : index
        %parallel_loop3A_636 = tpu.vector_load %arg14[%parallel_loop3A_634, %parallel_loop3A_635] {strides = array<i32>} : memref<64x128xf32, #tpu.memory_space<vmem>>, vector<16xf32>,
        %parallel_loop3A_637 = arith.mulf %parallel_loop3A_636, %parallel_loop3A_576 : vector<16xf32>
        %parallel_loop3A_638 = arith.constant 5 : i32
        %parallel_loop3A_639 = arith.addi %parallel_loop3A_110, %parallel_loop3A_638 : i32
        %parallel_loop3A_640 = arith.index_cast %parallel_loop3A_639 : i32 to index
        %parallel_loop3A_641 = arith.constant 80 : index
        %parallel_loop3A_642 = tpu.vector_load %arg14[%parallel_loop3A_640, %parallel_loop3A_641] {strides = array<i32>} : memref<64x128xf32, #tpu.memory_space<vmem>>, vector<16xf32>,
        tpu.vector_store %arg14[%parallel_loop3A_640, %parallel_loop3A_641], %parallel_loop3A_637 {strides = array<i32>} : memref<64x128xf32, #tpu.memory_space<vmem>>, vector<16xf32>,
        %parallel_loop3A_643 = arith.constant 5 : i32
        %parallel_loop3A_644 = arith.addi %parallel_loop3A_110, %parallel_loop3A_643 : i32
        %parallel_loop3A_645 = arith.index_cast %parallel_loop3A_644 : i32 to index
        %parallel_loop3A_646 = arith.constant 96 : index
        %parallel_loop3A_647 = tpu.vector_load %arg14[%parallel_loop3A_645, %parallel_loop3A_646] {strides = array<i32>} : memref<64x128xf32, #tpu.memory_space<vmem>>, vector<16xf32>,
        %parallel_loop3A_648 = arith.mulf %parallel_loop3A_647, %parallel_loop3A_576 : vector<16xf32>
        %parallel_loop3A_649 = arith.constant 5 : i32
        %parallel_loop3A_650 = arith.addi %parallel_loop3A_110, %parallel_loop3A_649 : i32
        %parallel_loop3A_651 = arith.index_cast %parallel_loop3A_650 : i32 to index
        %parallel_loop3A_652 = arith.constant 96 : index
        %parallel_loop3A_653 = tpu.vector_load %arg14[%parallel_loop3A_651, %parallel_loop3A_652] {strides = array<i32>} : memref<64x128xf32, #tpu.memory_space<vmem>>, vector<16xf32>,
        tpu.vector_store %arg14[%parallel_loop3A_651, %parallel_loop3A_652], %parallel_loop3A_648 {strides = array<i32>} : memref<64x128xf32, #tpu.memory_space<vmem>>, vector<16xf32>,
        %parallel_loop3A_654 = arith.constant 5 : i32
        %parallel_loop3A_655 = arith.addi %parallel_loop3A_110, %parallel_loop3A_654 : i32
        %parallel_loop3A_656 = arith.index_cast %parallel_loop3A_655 : i32 to index
        %parallel_loop3A_657 = arith.constant 112 : index
        %parallel_loop3A_658 = tpu.vector_load %arg14[%parallel_loop3A_656, %parallel_loop3A_657] {strides = array<i32>} : memref<64x128xf32, #tpu.memory_space<vmem>>, vector<16xf32>,
        %parallel_loop3A_659 = arith.mulf %parallel_loop3A_658, %parallel_loop3A_576 : vector<16xf32>
        %parallel_loop3A_660 = arith.constant 5 : i32
        %parallel_loop3A_661 = arith.addi %parallel_loop3A_110, %parallel_loop3A_660 : i32
        %parallel_loop3A_662 = arith.index_cast %parallel_loop3A_661 : i32 to index
        %parallel_loop3A_663 = arith.constant 112 : index
        %parallel_loop3A_664 = tpu.vector_load %arg14[%parallel_loop3A_662, %parallel_loop3A_663] {strides = array<i32>} : memref<64x128xf32, #tpu.memory_space<vmem>>, vector<16xf32>,
        tpu.vector_store %arg14[%parallel_loop3A_662, %parallel_loop3A_663], %parallel_loop3A_659 {strides = array<i32>} : memref<64x128xf32, #tpu.memory_space<vmem>>, vector<16xf32>,
        %parallel_loop3A_665 = arith.constant 6 : i32
        %parallel_loop3A_666 = vector.broadcast %parallel_loop3A_665 : i32 to vector<16x1xi32>
        %parallel_loop3A_667 = vector.shape_cast %parallel_loop3A_666 : vector<16x1xi32> to vector<16xi32>
        %parallel_loop3A_668 = tpu.dynamic_gather %parallel_loop3A_112[%parallel_loop3A_667] in [0] : vector<16xf32>, vector<16xi32> -> vector<16xf32>
        %parallel_loop3A_669 = arith.constant 6 : i32
        %parallel_loop3A_670 = arith.addi %parallel_loop3A_110, %parallel_loop3A_669 : i32
        %parallel_loop3A_671 = arith.index_cast %parallel_loop3A_670 : i32 to index
        %parallel_loop3A_672 = arith.constant 0 : index
        %parallel_loop3A_673 = tpu.vector_load %arg14[%parallel_loop3A_671, %parallel_loop3A_672] {strides = array<i32>} : memref<64x128xf32, #tpu.memory_space<vmem>>, vector<16xf32>,
        %parallel_loop3A_674 = arith.mulf %parallel_loop3A_673, %parallel_loop3A_668 : vector<16xf32>
        %parallel_loop3A_675 = arith.constant 6 : i32
        %parallel_loop3A_676 = arith.addi %parallel_loop3A_110, %parallel_loop3A_675 : i32
        %parallel_loop3A_677 = arith.index_cast %parallel_loop3A_676 : i32 to index
        %parallel_loop3A_678 = arith.constant 0 : index
        %parallel_loop3A_679 = tpu.vector_load %arg14[%parallel_loop3A_677, %parallel_loop3A_678] {strides = array<i32>} : memref<64x128xf32, #tpu.memory_space<vmem>>, vector<16xf32>,
        tpu.vector_store %arg14[%parallel_loop3A_677, %parallel_loop3A_678], %parallel_loop3A_674 {strides = array<i32>} : memref<64x128xf32, #tpu.memory_space<vmem>>, vector<16xf32>,
        %parallel_loop3A_680 = arith.constant 6 : i32
        %parallel_loop3A_681 = arith.addi %parallel_loop3A_110, %parallel_loop3A_680 : i32
        %parallel_loop3A_682 = arith.index_cast %parallel_loop3A_681 : i32 to index
        %parallel_loop3A_683 = arith.constant 16 : index
        %parallel_loop3A_684 = tpu.vector_load %arg14[%parallel_loop3A_682, %parallel_loop3A_683] {strides = array<i32>} : memref<64x128xf32, #tpu.memory_space<vmem>>, vector<16xf32>,
        %parallel_loop3A_685 = arith.mulf %parallel_loop3A_684, %parallel_loop3A_668 : vector<16xf32>
        %parallel_loop3A_686 = arith.constant 6 : i32
        %parallel_loop3A_687 = arith.addi %parallel_loop3A_110, %parallel_loop3A_686 : i32
        %parallel_loop3A_688 = arith.index_cast %parallel_loop3A_687 : i32 to index
        %parallel_loop3A_689 = arith.constant 16 : index
        %parallel_loop3A_690 = tpu.vector_load %arg14[%parallel_loop3A_688, %parallel_loop3A_689] {strides = array<i32>} : memref<64x128xf32, #tpu.memory_space<vmem>>, vector<16xf32>,
        tpu.vector_store %arg14[%parallel_loop3A_688, %parallel_loop3A_689], %parallel_loop3A_685 {strides = array<i32>} : memref<64x128xf32, #tpu.memory_space<vmem>>, vector<16xf32>,
        %parallel_loop3A_691 = arith.constant 6 : i32
        %parallel_loop3A_692 = arith.addi %parallel_loop3A_110, %parallel_loop3A_691 : i32
        %parallel_loop3A_693 = arith.index_cast %parallel_loop3A_692 : i32 to index
        %parallel_loop3A_694 = arith.constant 32 : index
        %parallel_loop3A_695 = tpu.vector_load %arg14[%parallel_loop3A_693, %parallel_loop3A_694] {strides = array<i32>} : memref<64x128xf32, #tpu.memory_space<vmem>>, vector<16xf32>,
        %parallel_loop3A_696 = arith.mulf %parallel_loop3A_695, %parallel_loop3A_668 : vector<16xf32>
        %parallel_loop3A_697 = arith.constant 6 : i32
        %parallel_loop3A_698 = arith.addi %parallel_loop3A_110, %parallel_loop3A_697 : i32
        %parallel_loop3A_699 = arith.index_cast %parallel_loop3A_698 : i32 to index
        %parallel_loop3A_700 = arith.constant 32 : index
        %parallel_loop3A_701 = tpu.vector_load %arg14[%parallel_loop3A_699, %parallel_loop3A_700] {strides = array<i32>} : memref<64x128xf32, #tpu.memory_space<vmem>>, vector<16xf32>,
        tpu.vector_store %arg14[%parallel_loop3A_699, %parallel_loop3A_700], %parallel_loop3A_696 {strides = array<i32>} : memref<64x128xf32, #tpu.memory_space<vmem>>, vector<16xf32>,
        %parallel_loop3A_702 = arith.constant 6 : i32
        %parallel_loop3A_703 = arith.addi %parallel_loop3A_110, %parallel_loop3A_702 : i32
        %parallel_loop3A_704 = arith.index_cast %parallel_loop3A_703 : i32 to index
        %parallel_loop3A_705 = arith.constant 48 : index
        %parallel_loop3A_706 = tpu.vector_load %arg14[%parallel_loop3A_704, %parallel_loop3A_705] {strides = array<i32>} : memref<64x128xf32, #tpu.memory_space<vmem>>, vector<16xf32>,
        %parallel_loop3A_707 = arith.mulf %parallel_loop3A_706, %parallel_loop3A_668 : vector<16xf32>
        %parallel_loop3A_708 = arith.constant 6 : i32
        %parallel_loop3A_709 = arith.addi %parallel_loop3A_110, %parallel_loop3A_708 : i32
        %parallel_loop3A_710 = arith.index_cast %parallel_loop3A_709 : i32 to index
        %parallel_loop3A_711 = arith.constant 48 : index
        %parallel_loop3A_712 = tpu.vector_load %arg14[%parallel_loop3A_710, %parallel_loop3A_711] {strides = array<i32>} : memref<64x128xf32, #tpu.memory_space<vmem>>, vector<16xf32>,
        tpu.vector_store %arg14[%parallel_loop3A_710, %parallel_loop3A_711], %parallel_loop3A_707 {strides = array<i32>} : memref<64x128xf32, #tpu.memory_space<vmem>>, vector<16xf32>,
        %parallel_loop3A_713 = arith.constant 6 : i32
        %parallel_loop3A_714 = arith.addi %parallel_loop3A_110, %parallel_loop3A_713 : i32
        %parallel_loop3A_715 = arith.index_cast %parallel_loop3A_714 : i32 to index
        %parallel_loop3A_716 = arith.constant 64 : index
        %parallel_loop3A_717 = tpu.vector_load %arg14[%parallel_loop3A_715, %parallel_loop3A_716] {strides = array<i32>} : memref<64x128xf32, #tpu.memory_space<vmem>>, vector<16xf32>,
        %parallel_loop3A_718 = arith.mulf %parallel_loop3A_717, %parallel_loop3A_668 : vector<16xf32>
        %parallel_loop3A_719 = arith.constant 6 : i32
        %parallel_loop3A_720 = arith.addi %parallel_loop3A_110, %parallel_loop3A_719 : i32
        %parallel_loop3A_721 = arith.index_cast %parallel_loop3A_720 : i32 to index
        %parallel_loop3A_722 = arith.constant 64 : index
        %parallel_loop3A_723 = tpu.vector_load %arg14[%parallel_loop3A_721, %parallel_loop3A_722] {strides = array<i32>} : memref<64x128xf32, #tpu.memory_space<vmem>>, vector<16xf32>,
        tpu.vector_store %arg14[%parallel_loop3A_721, %parallel_loop3A_722], %parallel_loop3A_718 {strides = array<i32>} : memref<64x128xf32, #tpu.memory_space<vmem>>, vector<16xf32>,
        %parallel_loop3A_724 = arith.constant 6 : i32
        %parallel_loop3A_725 = arith.addi %parallel_loop3A_110, %parallel_loop3A_724 : i32
        %parallel_loop3A_726 = arith.index_cast %parallel_loop3A_725 : i32 to index
        %parallel_loop3A_727 = arith.constant 80 : index
        %parallel_loop3A_728 = tpu.vector_load %arg14[%parallel_loop3A_726, %parallel_loop3A_727] {strides = array<i32>} : memref<64x128xf32, #tpu.memory_space<vmem>>, vector<16xf32>,
        %parallel_loop3A_729 = arith.mulf %parallel_loop3A_728, %parallel_loop3A_668 : vector<16xf32>
        %parallel_loop3A_730 = arith.constant 6 : i32
        %parallel_loop3A_731 = arith.addi %parallel_loop3A_110, %parallel_loop3A_730 : i32
        %parallel_loop3A_732 = arith.index_cast %parallel_loop3A_731 : i32 to index
        %parallel_loop3A_733 = arith.constant 80 : index
        %parallel_loop3A_734 = tpu.vector_load %arg14[%parallel_loop3A_732, %parallel_loop3A_733] {strides = array<i32>} : memref<64x128xf32, #tpu.memory_space<vmem>>, vector<16xf32>,
        tpu.vector_store %arg14[%parallel_loop3A_732, %parallel_loop3A_733], %parallel_loop3A_729 {strides = array<i32>} : memref<64x128xf32, #tpu.memory_space<vmem>>, vector<16xf32>,
        %parallel_loop3A_735 = arith.constant 6 : i32
        %parallel_loop3A_736 = arith.addi %parallel_loop3A_110, %parallel_loop3A_735 : i32
        %parallel_loop3A_737 = arith.index_cast %parallel_loop3A_736 : i32 to index
        %parallel_loop3A_738 = arith.constant 96 : index
        %parallel_loop3A_739 = tpu.vector_load %arg14[%parallel_loop3A_737, %parallel_loop3A_738] {strides = array<i32>} : memref<64x128xf32, #tpu.memory_space<vmem>>, vector<16xf32>,
        %parallel_loop3A_740 = arith.mulf %parallel_loop3A_739, %parallel_loop3A_668 : vector<16xf32>
        %parallel_loop3A_741 = arith.constant 6 : i32
        %parallel_loop3A_742 = arith.addi %parallel_loop3A_110, %parallel_loop3A_741 : i32
        %parallel_loop3A_743 = arith.index_cast %parallel_loop3A_742 : i32 to index
        %parallel_loop3A_744 = arith.constant 96 : index
        %parallel_loop3A_745 = tpu.vector_load %arg14[%parallel_loop3A_743, %parallel_loop3A_744] {strides = array<i32>} : memref<64x128xf32, #tpu.memory_space<vmem>>, vector<16xf32>,
        tpu.vector_store %arg14[%parallel_loop3A_743, %parallel_loop3A_744], %parallel_loop3A_740 {strides = array<i32>} : memref<64x128xf32, #tpu.memory_space<vmem>>, vector<16xf32>,
        %parallel_loop3A_746 = arith.constant 6 : i32
        %parallel_loop3A_747 = arith.addi %parallel_loop3A_110, %parallel_loop3A_746 : i32
        %parallel_loop3A_748 = arith.index_cast %parallel_loop3A_747 : i32 to index
        %parallel_loop3A_749 = arith.constant 112 : index
        %parallel_loop3A_750 = tpu.vector_load %arg14[%parallel_loop3A_748, %parallel_loop3A_749] {strides = array<i32>} : memref<64x128xf32, #tpu.memory_space<vmem>>, vector<16xf32>,
        %parallel_loop3A_751 = arith.mulf %parallel_loop3A_750, %parallel_loop3A_668 : vector<16xf32>
        %parallel_loop3A_752 = arith.constant 6 : i32
        %parallel_loop3A_753 = arith.addi %parallel_loop3A_110, %parallel_loop3A_752 : i32
        %parallel_loop3A_754 = arith.index_cast %parallel_loop3A_753 : i32 to index
        %parallel_loop3A_755 = arith.constant 112 : index
        %parallel_loop3A_756 = tpu.vector_load %arg14[%parallel_loop3A_754, %parallel_loop3A_755] {strides = array<i32>} : memref<64x128xf32, #tpu.memory_space<vmem>>, vector<16xf32>,
        tpu.vector_store %arg14[%parallel_loop3A_754, %parallel_loop3A_755], %parallel_loop3A_751 {strides = array<i32>} : memref<64x128xf32, #tpu.memory_space<vmem>>, vector<16xf32>,
        %parallel_loop3A_757 = arith.constant 7 : i32
        %parallel_loop3A_758 = vector.broadcast %parallel_loop3A_757 : i32 to vector<16x1xi32>
        %parallel_loop3A_759 = vector.shape_cast %parallel_loop3A_758 : vector<16x1xi32> to vector<16xi32>
        %parallel_loop3A_760 = tpu.dynamic_gather %parallel_loop3A_112[%parallel_loop3A_759] in [0] : vector<16xf32>, vector<16xi32> -> vector<16xf32>
        %parallel_loop3A_761 = arith.constant 7 : i32
        %parallel_loop3A_762 = arith.addi %parallel_loop3A_110, %parallel_loop3A_761 : i32
        %parallel_loop3A_763 = arith.index_cast %parallel_loop3A_762 : i32 to index
        %parallel_loop3A_764 = arith.constant 0 : index
        %parallel_loop3A_765 = tpu.vector_load %arg14[%parallel_loop3A_763, %parallel_loop3A_764] {strides = array<i32>} : memref<64x128xf32, #tpu.memory_space<vmem>>, vector<16xf32>,
        %parallel_loop3A_766 = arith.mulf %parallel_loop3A_765, %parallel_loop3A_760 : vector<16xf32>
        %parallel_loop3A_767 = arith.constant 7 : i32
        %parallel_loop3A_768 = arith.addi %parallel_loop3A_110, %parallel_loop3A_767 : i32
        %parallel_loop3A_769 = arith.index_cast %parallel_loop3A_768 : i32 to index
        %parallel_loop3A_770 = arith.constant 0 : index
        %parallel_loop3A_771 = tpu.vector_load %arg14[%parallel_loop3A_769, %parallel_loop3A_770] {strides = array<i32>} : memref<64x128xf32, #tpu.memory_space<vmem>>, vector<16xf32>,
        tpu.vector_store %arg14[%parallel_loop3A_769, %parallel_loop3A_770], %parallel_loop3A_766 {strides = array<i32>} : memref<64x128xf32, #tpu.memory_space<vmem>>, vector<16xf32>,
        %parallel_loop3A_772 = arith.constant 7 : i32
        %parallel_loop3A_773 = arith.addi %parallel_loop3A_110, %parallel_loop3A_772 : i32
        %parallel_loop3A_774 = arith.index_cast %parallel_loop3A_773 : i32 to index
        %parallel_loop3A_775 = arith.constant 16 : index
        %parallel_loop3A_776 = tpu.vector_load %arg14[%parallel_loop3A_774, %parallel_loop3A_775] {strides = array<i32>} : memref<64x128xf32, #tpu.memory_space<vmem>>, vector<16xf32>,
        %parallel_loop3A_777 = arith.mulf %parallel_loop3A_776, %parallel_loop3A_760 : vector<16xf32>
        %parallel_loop3A_778 = arith.constant 7 : i32
        %parallel_loop3A_779 = arith.addi %parallel_loop3A_110, %parallel_loop3A_778 : i32
        %parallel_loop3A_780 = arith.index_cast %parallel_loop3A_779 : i32 to index
        %parallel_loop3A_781 = arith.constant 16 : index
        %parallel_loop3A_782 = tpu.vector_load %arg14[%parallel_loop3A_780, %parallel_loop3A_781] {strides = array<i32>} : memref<64x128xf32, #tpu.memory_space<vmem>>, vector<16xf32>,
        tpu.vector_store %arg14[%parallel_loop3A_780, %parallel_loop3A_781], %parallel_loop3A_777 {strides = array<i32>} : memref<64x128xf32, #tpu.memory_space<vmem>>, vector<16xf32>,
        %parallel_loop3A_783 = arith.constant 7 : i32
        %parallel_loop3A_784 = arith.addi %parallel_loop3A_110, %parallel_loop3A_783 : i32
        %parallel_loop3A_785 = arith.index_cast %parallel_loop3A_784 : i32 to index
        %parallel_loop3A_786 = arith.constant 32 : index
        %parallel_loop3A_787 = tpu.vector_load %arg14[%parallel_loop3A_785, %parallel_loop3A_786] {strides = array<i32>} : memref<64x128xf32, #tpu.memory_space<vmem>>, vector<16xf32>,
        %parallel_loop3A_788 = arith.mulf %parallel_loop3A_787, %parallel_loop3A_760 : vector<16xf32>
        %parallel_loop3A_789 = arith.constant 7 : i32
        %parallel_loop3A_790 = arith.addi %parallel_loop3A_110, %parallel_loop3A_789 : i32
        %parallel_loop3A_791 = arith.index_cast %parallel_loop3A_790 : i32 to index
        %parallel_loop3A_792 = arith.constant 32 : index
        %parallel_loop3A_793 = tpu.vector_load %arg14[%parallel_loop3A_791, %parallel_loop3A_792] {strides = array<i32>} : memref<64x128xf32, #tpu.memory_space<vmem>>, vector<16xf32>,
        tpu.vector_store %arg14[%parallel_loop3A_791, %parallel_loop3A_792], %parallel_loop3A_788 {strides = array<i32>} : memref<64x128xf32, #tpu.memory_space<vmem>>, vector<16xf32>,
        %parallel_loop3A_794 = arith.constant 7 : i32
        %parallel_loop3A_795 = arith.addi %parallel_loop3A_110, %parallel_loop3A_794 : i32
        %parallel_loop3A_796 = arith.index_cast %parallel_loop3A_795 : i32 to index
        %parallel_loop3A_797 = arith.constant 48 : index
        %parallel_loop3A_798 = tpu.vector_load %arg14[%parallel_loop3A_796, %parallel_loop3A_797] {strides = array<i32>} : memref<64x128xf32, #tpu.memory_space<vmem>>, vector<16xf32>,
        %parallel_loop3A_799 = arith.mulf %parallel_loop3A_798, %parallel_loop3A_760 : vector<16xf32>
        %parallel_loop3A_800 = arith.constant 7 : i32
        %parallel_loop3A_801 = arith.addi %parallel_loop3A_110, %parallel_loop3A_800 : i32
        %parallel_loop3A_802 = arith.index_cast %parallel_loop3A_801 : i32 to index
        %parallel_loop3A_803 = arith.constant 48 : index
        %parallel_loop3A_804 = tpu.vector_load %arg14[%parallel_loop3A_802, %parallel_loop3A_803] {strides = array<i32>} : memref<64x128xf32, #tpu.memory_space<vmem>>, vector<16xf32>,
        tpu.vector_store %arg14[%parallel_loop3A_802, %parallel_loop3A_803], %parallel_loop3A_799 {strides = array<i32>} : memref<64x128xf32, #tpu.memory_space<vmem>>, vector<16xf32>,
        %parallel_loop3A_805 = arith.constant 7 : i32
        %parallel_loop3A_806 = arith.addi %parallel_loop3A_110, %parallel_loop3A_805 : i32
        %parallel_loop3A_807 = arith.index_cast %parallel_loop3A_806 : i32 to index
        %parallel_loop3A_808 = arith.constant 64 : index
        %parallel_loop3A_809 = tpu.vector_load %arg14[%parallel_loop3A_807, %parallel_loop3A_808] {strides = array<i32>} : memref<64x128xf32, #tpu.memory_space<vmem>>, vector<16xf32>,
        %parallel_loop3A_810 = arith.mulf %parallel_loop3A_809, %parallel_loop3A_760 : vector<16xf32>
        %parallel_loop3A_811 = arith.constant 7 : i32
        %parallel_loop3A_812 = arith.addi %parallel_loop3A_110, %parallel_loop3A_811 : i32
        %parallel_loop3A_813 = arith.index_cast %parallel_loop3A_812 : i32 to index
        %parallel_loop3A_814 = arith.constant 64 : index
        %parallel_loop3A_815 = tpu.vector_load %arg14[%parallel_loop3A_813, %parallel_loop3A_814] {strides = array<i32>} : memref<64x128xf32, #tpu.memory_space<vmem>>, vector<16xf32>,
        tpu.vector_store %arg14[%parallel_loop3A_813, %parallel_loop3A_814], %parallel_loop3A_810 {strides = array<i32>} : memref<64x128xf32, #tpu.memory_space<vmem>>, vector<16xf32>,
        %parallel_loop3A_816 = arith.constant 7 : i32
        %parallel_loop3A_817 = arith.addi %parallel_loop3A_110, %parallel_loop3A_816 : i32
        %parallel_loop3A_818 = arith.index_cast %parallel_loop3A_817 : i32 to index
        %parallel_loop3A_819 = arith.constant 80 : index
        %parallel_loop3A_820 = tpu.vector_load %arg14[%parallel_loop3A_818, %parallel_loop3A_819] {strides = array<i32>} : memref<64x128xf32, #tpu.memory_space<vmem>>, vector<16xf32>,
        %parallel_loop3A_821 = arith.mulf %parallel_loop3A_820, %parallel_loop3A_760 : vector<16xf32>
        %parallel_loop3A_822 = arith.constant 7 : i32
        %parallel_loop3A_823 = arith.addi %parallel_loop3A_110, %parallel_loop3A_822 : i32
        %parallel_loop3A_824 = arith.index_cast %parallel_loop3A_823 : i32 to index
        %parallel_loop3A_825 = arith.constant 80 : index
        %parallel_loop3A_826 = tpu.vector_load %arg14[%parallel_loop3A_824, %parallel_loop3A_825] {strides = array<i32>} : memref<64x128xf32, #tpu.memory_space<vmem>>, vector<16xf32>,
        tpu.vector_store %arg14[%parallel_loop3A_824, %parallel_loop3A_825], %parallel_loop3A_821 {strides = array<i32>} : memref<64x128xf32, #tpu.memory_space<vmem>>, vector<16xf32>,
        %parallel_loop3A_827 = arith.constant 7 : i32
        %parallel_loop3A_828 = arith.addi %parallel_loop3A_110, %parallel_loop3A_827 : i32
        %parallel_loop3A_829 = arith.index_cast %parallel_loop3A_828 : i32 to index
        %parallel_loop3A_830 = arith.constant 96 : index
        %parallel_loop3A_831 = tpu.vector_load %arg14[%parallel_loop3A_829, %parallel_loop3A_830] {strides = array<i32>} : memref<64x128xf32, #tpu.memory_space<vmem>>, vector<16xf32>,
        %parallel_loop3A_832 = arith.mulf %parallel_loop3A_831, %parallel_loop3A_760 : vector<16xf32>
        %parallel_loop3A_833 = arith.constant 7 : i32
        %parallel_loop3A_834 = arith.addi %parallel_loop3A_110, %parallel_loop3A_833 : i32
        %parallel_loop3A_835 = arith.index_cast %parallel_loop3A_834 : i32 to index
        %parallel_loop3A_836 = arith.constant 96 : index
        %parallel_loop3A_837 = tpu.vector_load %arg14[%parallel_loop3A_835, %parallel_loop3A_836] {strides = array<i32>} : memref<64x128xf32, #tpu.memory_space<vmem>>, vector<16xf32>,
        tpu.vector_store %arg14[%parallel_loop3A_835, %parallel_loop3A_836], %parallel_loop3A_832 {strides = array<i32>} : memref<64x128xf32, #tpu.memory_space<vmem>>, vector<16xf32>,
        %parallel_loop3A_838 = arith.constant 7 : i32
        %parallel_loop3A_839 = arith.addi %parallel_loop3A_110, %parallel_loop3A_838 : i32
        %parallel_loop3A_840 = arith.index_cast %parallel_loop3A_839 : i32 to index
        %parallel_loop3A_841 = arith.constant 112 : index
        %parallel_loop3A_842 = tpu.vector_load %arg14[%parallel_loop3A_840, %parallel_loop3A_841] {strides = array<i32>} : memref<64x128xf32, #tpu.memory_space<vmem>>, vector<16xf32>,
        %parallel_loop3A_843 = arith.mulf %parallel_loop3A_842, %parallel_loop3A_760 : vector<16xf32>
        %parallel_loop3A_844 = arith.constant 7 : i32
        %parallel_loop3A_845 = arith.addi %parallel_loop3A_110, %parallel_loop3A_844 : i32
        %parallel_loop3A_846 = arith.index_cast %parallel_loop3A_845 : i32 to index
        %parallel_loop3A_847 = arith.constant 112 : index
        %parallel_loop3A_848 = tpu.vector_load %arg14[%parallel_loop3A_846, %parallel_loop3A_847] {strides = array<i32>} : memref<64x128xf32, #tpu.memory_space<vmem>>, vector<16xf32>,
        tpu.vector_store %arg14[%parallel_loop3A_846, %parallel_loop3A_847], %parallel_loop3A_843 {strides = array<i32>} : memref<64x128xf32, #tpu.memory_space<vmem>>, vector<16xf32>,
        %parallel_loop3A_849 = arith.constant 8 : i32
        %parallel_loop3A_850 = vector.broadcast %parallel_loop3A_849 : i32 to vector<16x1xi32>
        %parallel_loop3A_851 = vector.shape_cast %parallel_loop3A_850 : vector<16x1xi32> to vector<16xi32>
        %parallel_loop3A_852 = tpu.dynamic_gather %parallel_loop3A_112[%parallel_loop3A_851] in [0] : vector<16xf32>, vector<16xi32> -> vector<16xf32>
        %parallel_loop3A_853 = arith.constant 8 : i32
        %parallel_loop3A_854 = arith.addi %parallel_loop3A_110, %parallel_loop3A_853 : i32
        %parallel_loop3A_855 = arith.index_cast %parallel_loop3A_854 : i32 to index
        %parallel_loop3A_856 = arith.constant 0 : index
        %parallel_loop3A_857 = tpu.vector_load %arg14[%parallel_loop3A_855, %parallel_loop3A_856] {strides = array<i32>} : memref<64x128xf32, #tpu.memory_space<vmem>>, vector<16xf32>,
        %parallel_loop3A_858 = arith.mulf %parallel_loop3A_857, %parallel_loop3A_852 : vector<16xf32>
        %parallel_loop3A_859 = arith.constant 8 : i32
        %parallel_loop3A_860 = arith.addi %parallel_loop3A_110, %parallel_loop3A_859 : i32
        %parallel_loop3A_861 = arith.index_cast %parallel_loop3A_860 : i32 to index
        %parallel_loop3A_862 = arith.constant 0 : index
        %parallel_loop3A_863 = tpu.vector_load %arg14[%parallel_loop3A_861, %parallel_loop3A_862] {strides = array<i32>} : memref<64x128xf32, #tpu.memory_space<vmem>>, vector<16xf32>,
        tpu.vector_store %arg14[%parallel_loop3A_861, %parallel_loop3A_862], %parallel_loop3A_858 {strides = array<i32>} : memref<64x128xf32, #tpu.memory_space<vmem>>, vector<16xf32>,
        %parallel_loop3A_864 = arith.constant 8 : i32
        %parallel_loop3A_865 = arith.addi %parallel_loop3A_110, %parallel_loop3A_864 : i32
        %parallel_loop3A_866 = arith.index_cast %parallel_loop3A_865 : i32 to index
        %parallel_loop3A_867 = arith.constant 16 : index
        %parallel_loop3A_868 = tpu.vector_load %arg14[%parallel_loop3A_866, %parallel_loop3A_867] {strides = array<i32>} : memref<64x128xf32, #tpu.memory_space<vmem>>, vector<16xf32>,
        %parallel_loop3A_869 = arith.mulf %parallel_loop3A_868, %parallel_loop3A_852 : vector<16xf32>
        %parallel_loop3A_870 = arith.constant 8 : i32
        %parallel_loop3A_871 = arith.addi %parallel_loop3A_110, %parallel_loop3A_870 : i32
        %parallel_loop3A_872 = arith.index_cast %parallel_loop3A_871 : i32 to index
        %parallel_loop3A_873 = arith.constant 16 : index
        %parallel_loop3A_874 = tpu.vector_load %arg14[%parallel_loop3A_872, %parallel_loop3A_873] {strides = array<i32>} : memref<64x128xf32, #tpu.memory_space<vmem>>, vector<16xf32>,
        tpu.vector_store %arg14[%parallel_loop3A_872, %parallel_loop3A_873], %parallel_loop3A_869 {strides = array<i32>} : memref<64x128xf32, #tpu.memory_space<vmem>>, vector<16xf32>,
        %parallel_loop3A_875 = arith.constant 8 : i32
        %parallel_loop3A_876 = arith.addi %parallel_loop3A_110, %parallel_loop3A_875 : i32
        %parallel_loop3A_877 = arith.index_cast %parallel_loop3A_876 : i32 to index
        %parallel_loop3A_878 = arith.constant 32 : index
        %parallel_loop3A_879 = tpu.vector_load %arg14[%parallel_loop3A_877, %parallel_loop3A_878] {strides = array<i32>} : memref<64x128xf32, #tpu.memory_space<vmem>>, vector<16xf32>,
        %parallel_loop3A_880 = arith.mulf %parallel_loop3A_879, %parallel_loop3A_852 : vector<16xf32>
        %parallel_loop3A_881 = arith.constant 8 : i32
        %parallel_loop3A_882 = arith.addi %parallel_loop3A_110, %parallel_loop3A_881 : i32
        %parallel_loop3A_883 = arith.index_cast %parallel_loop3A_882 : i32 to index
        %parallel_loop3A_884 = arith.constant 32 : index
        %parallel_loop3A_885 = tpu.vector_load %arg14[%parallel_loop3A_883, %parallel_loop3A_884] {strides = array<i32>} : memref<64x128xf32, #tpu.memory_space<vmem>>, vector<16xf32>,
        tpu.vector_store %arg14[%parallel_loop3A_883, %parallel_loop3A_884], %parallel_loop3A_880 {strides = array<i32>} : memref<64x128xf32, #tpu.memory_space<vmem>>, vector<16xf32>,
        %parallel_loop3A_886 = arith.constant 8 : i32
        %parallel_loop3A_887 = arith.addi %parallel_loop3A_110, %parallel_loop3A_886 : i32
        %parallel_loop3A_888 = arith.index_cast %parallel_loop3A_887 : i32 to index
        %parallel_loop3A_889 = arith.constant 48 : index
        %parallel_loop3A_890 = tpu.vector_load %arg14[%parallel_loop3A_888, %parallel_loop3A_889] {strides = array<i32>} : memref<64x128xf32, #tpu.memory_space<vmem>>, vector<16xf32>,
        %parallel_loop3A_891 = arith.mulf %parallel_loop3A_890, %parallel_loop3A_852 : vector<16xf32>
        %parallel_loop3A_892 = arith.constant 8 : i32
        %parallel_loop3A_893 = arith.addi %parallel_loop3A_110, %parallel_loop3A_892 : i32
        %parallel_loop3A_894 = arith.index_cast %parallel_loop3A_893 : i32 to index
        %parallel_loop3A_895 = arith.constant 48 : index
        %parallel_loop3A_896 = tpu.vector_load %arg14[%parallel_loop3A_894, %parallel_loop3A_895] {strides = array<i32>} : memref<64x128xf32, #tpu.memory_space<vmem>>, vector<16xf32>,
        tpu.vector_store %arg14[%parallel_loop3A_894, %parallel_loop3A_895], %parallel_loop3A_891 {strides = array<i32>} : memref<64x128xf32, #tpu.memory_space<vmem>>, vector<16xf32>,
        %parallel_loop3A_897 = arith.constant 8 : i32
        %parallel_loop3A_898 = arith.addi %parallel_loop3A_110, %parallel_loop3A_897 : i32
        %parallel_loop3A_899 = arith.index_cast %parallel_loop3A_898 : i32 to index
        %parallel_loop3A_900 = arith.constant 64 : index
        %parallel_loop3A_901 = tpu.vector_load %arg14[%parallel_loop3A_899, %parallel_loop3A_900] {strides = array<i32>} : memref<64x128xf32, #tpu.memory_space<vmem>>, vector<16xf32>,
        %parallel_loop3A_902 = arith.mulf %parallel_loop3A_901, %parallel_loop3A_852 : vector<16xf32>
        %parallel_loop3A_903 = arith.constant 8 : i32
        %parallel_loop3A_904 = arith.addi %parallel_loop3A_110, %parallel_loop3A_903 : i32
        %parallel_loop3A_905 = arith.index_cast %parallel_loop3A_904 : i32 to index
        %parallel_loop3A_906 = arith.constant 64 : index
        %parallel_loop3A_907 = tpu.vector_load %arg14[%parallel_loop3A_905, %parallel_loop3A_906] {strides = array<i32>} : memref<64x128xf32, #tpu.memory_space<vmem>>, vector<16xf32>,
        tpu.vector_store %arg14[%parallel_loop3A_905, %parallel_loop3A_906], %parallel_loop3A_902 {strides = array<i32>} : memref<64x128xf32, #tpu.memory_space<vmem>>, vector<16xf32>,
        %parallel_loop3A_908 = arith.constant 8 : i32
        %parallel_loop3A_909 = arith.addi %parallel_loop3A_110, %parallel_loop3A_908 : i32
        %parallel_loop3A_910 = arith.index_cast %parallel_loop3A_909 : i32 to index
        %parallel_loop3A_911 = arith.constant 80 : index
        %parallel_loop3A_912 = tpu.vector_load %arg14[%parallel_loop3A_910, %parallel_loop3A_911] {strides = array<i32>} : memref<64x128xf32, #tpu.memory_space<vmem>>, vector<16xf32>,
        %parallel_loop3A_913 = arith.mulf %parallel_loop3A_912, %parallel_loop3A_852 : vector<16xf32>
        %parallel_loop3A_914 = arith.constant 8 : i32
        %parallel_loop3A_915 = arith.addi %parallel_loop3A_110, %parallel_loop3A_914 : i32
        %parallel_loop3A_916 = arith.index_cast %parallel_loop3A_915 : i32 to index
        %parallel_loop3A_917 = arith.constant 80 : index
        %parallel_loop3A_918 = tpu.vector_load %arg14[%parallel_loop3A_916, %parallel_loop3A_917] {strides = array<i32>} : memref<64x128xf32, #tpu.memory_space<vmem>>, vector<16xf32>,
        tpu.vector_store %arg14[%parallel_loop3A_916, %parallel_loop3A_917], %parallel_loop3A_913 {strides = array<i32>} : memref<64x128xf32, #tpu.memory_space<vmem>>, vector<16xf32>,
        %parallel_loop3A_919 = arith.constant 8 : i32
        %parallel_loop3A_920 = arith.addi %parallel_loop3A_110, %parallel_loop3A_919 : i32
        %parallel_loop3A_921 = arith.index_cast %parallel_loop3A_920 : i32 to index
        %parallel_loop3A_922 = arith.constant 96 : index
        %parallel_loop3A_923 = tpu.vector_load %arg14[%parallel_loop3A_921, %parallel_loop3A_922] {strides = array<i32>} : memref<64x128xf32, #tpu.memory_space<vmem>>, vector<16xf32>,
        %parallel_loop3A_924 = arith.mulf %parallel_loop3A_923, %parallel_loop3A_852 : vector<16xf32>
        %parallel_loop3A_925 = arith.constant 8 : i32
        %parallel_loop3A_926 = arith.addi %parallel_loop3A_110, %parallel_loop3A_925 : i32
        %parallel_loop3A_927 = arith.index_cast %parallel_loop3A_926 : i32 to index
        %parallel_loop3A_928 = arith.constant 96 : index
        %parallel_loop3A_929 = tpu.vector_load %arg14[%parallel_loop3A_927, %parallel_loop3A_928] {strides = array<i32>} : memref<64x128xf32, #tpu.memory_space<vmem>>, vector<16xf32>,
        tpu.vector_store %arg14[%parallel_loop3A_927, %parallel_loop3A_928], %parallel_loop3A_924 {strides = array<i32>} : memref<64x128xf32, #tpu.memory_space<vmem>>, vector<16xf32>,
        %parallel_loop3A_930 = arith.constant 8 : i32
        %parallel_loop3A_931 = arith.addi %parallel_loop3A_110, %parallel_loop3A_930 : i32
        %parallel_loop3A_932 = arith.index_cast %parallel_loop3A_931 : i32 to index
        %parallel_loop3A_933 = arith.constant 112 : index
        %parallel_loop3A_934 = tpu.vector_load %arg14[%parallel_loop3A_932, %parallel_loop3A_933] {strides = array<i32>} : memref<64x128xf32, #tpu.memory_space<vmem>>, vector<16xf32>,
        %parallel_loop3A_935 = arith.mulf %parallel_loop3A_934, %parallel_loop3A_852 : vector<16xf32>
        %parallel_loop3A_936 = arith.constant 8 : i32
        %parallel_loop3A_937 = arith.addi %parallel_loop3A_110, %parallel_loop3A_936 : i32
        %parallel_loop3A_938 = arith.index_cast %parallel_loop3A_937 : i32 to index
        %parallel_loop3A_939 = arith.constant 112 : index
        %parallel_loop3A_940 = tpu.vector_load %arg14[%parallel_loop3A_938, %parallel_loop3A_939] {strides = array<i32>} : memref<64x128xf32, #tpu.memory_space<vmem>>, vector<16xf32>,
        tpu.vector_store %arg14[%parallel_loop3A_938, %parallel_loop3A_939], %parallel_loop3A_935 {strides = array<i32>} : memref<64x128xf32, #tpu.memory_space<vmem>>, vector<16xf32>,
        %parallel_loop3A_941 = arith.constant 9 : i32
        %parallel_loop3A_942 = vector.broadcast %parallel_loop3A_941 : i32 to vector<16x1xi32>
        %parallel_loop3A_943 = vector.shape_cast %parallel_loop3A_942 : vector<16x1xi32> to vector<16xi32>
        %parallel_loop3A_944 = tpu.dynamic_gather %parallel_loop3A_112[%parallel_loop3A_943] in [0] : vector<16xf32>, vector<16xi32> -> vector<16xf32>
        %parallel_loop3A_945 = arith.constant 9 : i32
        %parallel_loop3A_946 = arith.addi %parallel_loop3A_110, %parallel_loop3A_945 : i32
        %parallel_loop3A_947 = arith.index_cast %parallel_loop3A_946 : i32 to index
        %parallel_loop3A_948 = arith.constant 0 : index
        %parallel_loop3A_949 = tpu.vector_load %arg14[%parallel_loop3A_947, %parallel_loop3A_948] {strides = array<i32>} : memref<64x128xf32, #tpu.memory_space<vmem>>, vector<16xf32>,
        %parallel_loop3A_950 = arith.mulf %parallel_loop3A_949, %parallel_loop3A_944 : vector<16xf32>
        %parallel_loop3A_951 = arith.constant 9 : i32
        %parallel_loop3A_952 = arith.addi %parallel_loop3A_110, %parallel_loop3A_951 : i32
        %parallel_loop3A_953 = arith.index_cast %parallel_loop3A_952 : i32 to index
        %parallel_loop3A_954 = arith.constant 0 : index
        %parallel_loop3A_955 = tpu.vector_load %arg14[%parallel_loop3A_953, %parallel_loop3A_954] {strides = array<i32>} : memref<64x128xf32, #tpu.memory_space<vmem>>, vector<16xf32>,
        tpu.vector_store %arg14[%parallel_loop3A_953, %parallel_loop3A_954], %parallel_loop3A_950 {strides = array<i32>} : memref<64x128xf32, #tpu.memory_space<vmem>>, vector<16xf32>,
        %parallel_loop3A_956 = arith.constant 9 : i32
        %parallel_loop3A_957 = arith.addi %parallel_loop3A_110, %parallel_loop3A_956 : i32
        %parallel_loop3A_958 = arith.index_cast %parallel_loop3A_957 : i32 to index
        %parallel_loop3A_959 = arith.constant 16 : index
        %parallel_loop3A_960 = tpu.vector_load %arg14[%parallel_loop3A_958, %parallel_loop3A_959] {strides = array<i32>} : memref<64x128xf32, #tpu.memory_space<vmem>>, vector<16xf32>,
        %parallel_loop3A_961 = arith.mulf %parallel_loop3A_960, %parallel_loop3A_944 : vector<16xf32>
        %parallel_loop3A_962 = arith.constant 9 : i32
        %parallel_loop3A_963 = arith.addi %parallel_loop3A_110, %parallel_loop3A_962 : i32
        %parallel_loop3A_964 = arith.index_cast %parallel_loop3A_963 : i32 to index
        %parallel_loop3A_965 = arith.constant 16 : index
        %parallel_loop3A_966 = tpu.vector_load %arg14[%parallel_loop3A_964, %parallel_loop3A_965] {strides = array<i32>} : memref<64x128xf32, #tpu.memory_space<vmem>>, vector<16xf32>,
        tpu.vector_store %arg14[%parallel_loop3A_964, %parallel_loop3A_965], %parallel_loop3A_961 {strides = array<i32>} : memref<64x128xf32, #tpu.memory_space<vmem>>, vector<16xf32>,
        %parallel_loop3A_967 = arith.constant 9 : i32
        %parallel_loop3A_968 = arith.addi %parallel_loop3A_110, %parallel_loop3A_967 : i32
        %parallel_loop3A_969 = arith.index_cast %parallel_loop3A_968 : i32 to index
        %parallel_loop3A_970 = arith.constant 32 : index
        %parallel_loop3A_971 = tpu.vector_load %arg14[%parallel_loop3A_969, %parallel_loop3A_970] {strides = array<i32>} : memref<64x128xf32, #tpu.memory_space<vmem>>, vector<16xf32>,
        %parallel_loop3A_972 = arith.mulf %parallel_loop3A_971, %parallel_loop3A_944 : vector<16xf32>
        %parallel_loop3A_973 = arith.constant 9 : i32
        %parallel_loop3A_974 = arith.addi %parallel_loop3A_110, %parallel_loop3A_973 : i32
        %parallel_loop3A_975 = arith.index_cast %parallel_loop3A_974 : i32 to index
        %parallel_loop3A_976 = arith.constant 32 : index
        %parallel_loop3A_977 = tpu.vector_load %arg14[%parallel_loop3A_975, %parallel_loop3A_976] {strides = array<i32>} : memref<64x128xf32, #tpu.memory_space<vmem>>, vector<16xf32>,
        tpu.vector_store %arg14[%parallel_loop3A_975, %parallel_loop3A_976], %parallel_loop3A_972 {strides = array<i32>} : memref<64x128xf32, #tpu.memory_space<vmem>>, vector<16xf32>,
        %parallel_loop3A_978 = arith.constant 9 : i32
        %parallel_loop3A_979 = arith.addi %parallel_loop3A_110, %parallel_loop3A_978 : i32
        %parallel_loop3A_980 = arith.index_cast %parallel_loop3A_979 : i32 to index
        %parallel_loop3A_981 = arith.constant 48 : index
        %parallel_loop3A_982 = tpu.vector_load %arg14[%parallel_loop3A_980, %parallel_loop3A_981] {strides = array<i32>} : memref<64x128xf32, #tpu.memory_space<vmem>>, vector<16xf32>,
        %parallel_loop3A_983 = arith.mulf %parallel_loop3A_982, %parallel_loop3A_944 : vector<16xf32>
        %parallel_loop3A_984 = arith.constant 9 : i32
        %parallel_loop3A_985 = arith.addi %parallel_loop3A_110, %parallel_loop3A_984 : i32
        %parallel_loop3A_986 = arith.index_cast %parallel_loop3A_985 : i32 to index
        %parallel_loop3A_987 = arith.constant 48 : index
        %parallel_loop3A_988 = tpu.vector_load %arg14[%parallel_loop3A_986, %parallel_loop3A_987] {strides = array<i32>} : memref<64x128xf32, #tpu.memory_space<vmem>>, vector<16xf32>,
        tpu.vector_store %arg14[%parallel_loop3A_986, %parallel_loop3A_987], %parallel_loop3A_983 {strides = array<i32>} : memref<64x128xf32, #tpu.memory_space<vmem>>, vector<16xf32>,
        %parallel_loop3A_989 = arith.constant 9 : i32
        %parallel_loop3A_990 = arith.addi %parallel_loop3A_110, %parallel_loop3A_989 : i32
        %parallel_loop3A_991 = arith.index_cast %parallel_loop3A_990 : i32 to index
        %parallel_loop3A_992 = arith.constant 64 : index
        %parallel_loop3A_993 = tpu.vector_load %arg14[%parallel_loop3A_991, %parallel_loop3A_992] {strides = array<i32>} : memref<64x128xf32, #tpu.memory_space<vmem>>, vector<16xf32>,
        %parallel_loop3A_994 = arith.mulf %parallel_loop3A_993, %parallel_loop3A_944 : vector<16xf32>
        %parallel_loop3A_995 = arith.constant 9 : i32
        %parallel_loop3A_996 = arith.addi %parallel_loop3A_110, %parallel_loop3A_995 : i32
        %parallel_loop3A_997 = arith.index_cast %parallel_loop3A_996 : i32 to index
        %parallel_loop3A_998 = arith.constant 64 : index
        %parallel_loop3A_999 = tpu.vector_load %arg14[%parallel_loop3A_997, %parallel_loop3A_998] {strides = array<i32>} : memref<64x128xf32, #tpu.memory_space<vmem>>, vector<16xf32>,
        tpu.vector_store %arg14[%parallel_loop3A_997, %parallel_loop3A_998], %parallel_loop3A_994 {strides = array<i32>} : memref<64x128xf32, #tpu.memory_space<vmem>>, vector<16xf32>,
        %parallel_loop3A_1000 = arith.constant 9 : i32
        %parallel_loop3A_1001 = arith.addi %parallel_loop3A_110, %parallel_loop3A_1000 : i32
        %parallel_loop3A_1002 = arith.index_cast %parallel_loop3A_1001 : i32 to index
        %parallel_loop3A_1003 = arith.constant 80 : index
        %parallel_loop3A_1004 = tpu.vector_load %arg14[%parallel_loop3A_1002, %parallel_loop3A_1003] {strides = array<i32>} : memref<64x128xf32, #tpu.memory_space<vmem>>, vector<16xf32>,
        %parallel_loop3A_1005 = arith.mulf %parallel_loop3A_1004, %parallel_loop3A_944 : vector<16xf32>
        %parallel_loop3A_1006 = arith.constant 9 : i32
        %parallel_loop3A_1007 = arith.addi %parallel_loop3A_110, %parallel_loop3A_1006 : i32
        %parallel_loop3A_1008 = arith.index_cast %parallel_loop3A_1007 : i32 to index
        %parallel_loop3A_1009 = arith.constant 80 : index
        %parallel_loop3A_1010 = tpu.vector_load %arg14[%parallel_loop3A_1008, %parallel_loop3A_1009] {strides = array<i32>} : memref<64x128xf32, #tpu.memory_space<vmem>>, vector<16xf32>,
        tpu.vector_store %arg14[%parallel_loop3A_1008, %parallel_loop3A_1009], %parallel_loop3A_1005 {strides = array<i32>} : memref<64x128xf32, #tpu.memory_space<vmem>>, vector<16xf32>,
        %parallel_loop3A_1011 = arith.constant 9 : i32
        %parallel_loop3A_1012 = arith.addi %parallel_loop3A_110, %parallel_loop3A_1011 : i32
        %parallel_loop3A_1013 = arith.index_cast %parallel_loop3A_1012 : i32 to index
        %parallel_loop3A_1014 = arith.constant 96 : index
        %parallel_loop3A_1015 = tpu.vector_load %arg14[%parallel_loop3A_1013, %parallel_loop3A_1014] {strides = array<i32>} : memref<64x128xf32, #tpu.memory_space<vmem>>, vector<16xf32>,
        %parallel_loop3A_1016 = arith.mulf %parallel_loop3A_1015, %parallel_loop3A_944 : vector<16xf32>
        %parallel_loop3A_1017 = arith.constant 9 : i32
        %parallel_loop3A_1018 = arith.addi %parallel_loop3A_110, %parallel_loop3A_1017 : i32
        %parallel_loop3A_1019 = arith.index_cast %parallel_loop3A_1018 : i32 to index
        %parallel_loop3A_1020 = arith.constant 96 : index
        %parallel_loop3A_1021 = tpu.vector_load %arg14[%parallel_loop3A_1019, %parallel_loop3A_1020] {strides = array<i32>} : memref<64x128xf32, #tpu.memory_space<vmem>>, vector<16xf32>,
        tpu.vector_store %arg14[%parallel_loop3A_1019, %parallel_loop3A_1020], %parallel_loop3A_1016 {strides = array<i32>} : memref<64x128xf32, #tpu.memory_space<vmem>>, vector<16xf32>,
        %parallel_loop3A_1022 = arith.constant 9 : i32
        %parallel_loop3A_1023 = arith.addi %parallel_loop3A_110, %parallel_loop3A_1022 : i32
        %parallel_loop3A_1024 = arith.index_cast %parallel_loop3A_1023 : i32 to index
        %parallel_loop3A_1025 = arith.constant 112 : index
        %parallel_loop3A_1026 = tpu.vector_load %arg14[%parallel_loop3A_1024, %parallel_loop3A_1025] {strides = array<i32>} : memref<64x128xf32, #tpu.memory_space<vmem>>, vector<16xf32>,
        %parallel_loop3A_1027 = arith.mulf %parallel_loop3A_1026, %parallel_loop3A_944 : vector<16xf32>
        %parallel_loop3A_1028 = arith.constant 9 : i32
        %parallel_loop3A_1029 = arith.addi %parallel_loop3A_110, %parallel_loop3A_1028 : i32
        %parallel_loop3A_1030 = arith.index_cast %parallel_loop3A_1029 : i32 to index
        %parallel_loop3A_1031 = arith.constant 112 : index
        %parallel_loop3A_1032 = tpu.vector_load %arg14[%parallel_loop3A_1030, %parallel_loop3A_1031] {strides = array<i32>} : memref<64x128xf32, #tpu.memory_space<vmem>>, vector<16xf32>,
        tpu.vector_store %arg14[%parallel_loop3A_1030, %parallel_loop3A_1031], %parallel_loop3A_1027 {strides = array<i32>} : memref<64x128xf32, #tpu.memory_space<vmem>>, vector<16xf32>,
        %parallel_loop3A_1033 = arith.constant 10 : i32
        %parallel_loop3A_1034 = vector.broadcast %parallel_loop3A_1033 : i32 to vector<16x1xi32>
        %parallel_loop3A_1035 = vector.shape_cast %parallel_loop3A_1034 : vector<16x1xi32> to vector<16xi32>
        %parallel_loop3A_1036 = tpu.dynamic_gather %parallel_loop3A_112[%parallel_loop3A_1035] in [0] : vector<16xf32>, vector<16xi32> -> vector<16xf32>
        %parallel_loop3A_1037 = arith.constant 10 : i32
        %parallel_loop3A_1038 = arith.addi %parallel_loop3A_110, %parallel_loop3A_1037 : i32
        %parallel_loop3A_1039 = arith.index_cast %parallel_loop3A_1038 : i32 to index
        %parallel_loop3A_1040 = arith.constant 0 : index
        %parallel_loop3A_1041 = tpu.vector_load %arg14[%parallel_loop3A_1039, %parallel_loop3A_1040] {strides = array<i32>} : memref<64x128xf32, #tpu.memory_space<vmem>>, vector<16xf32>,
        %parallel_loop3A_1042 = arith.mulf %parallel_loop3A_1041, %parallel_loop3A_1036 : vector<16xf32>
        %parallel_loop3A_1043 = arith.constant 10 : i32
        %parallel_loop3A_1044 = arith.addi %parallel_loop3A_110, %parallel_loop3A_1043 : i32
        %parallel_loop3A_1045 = arith.index_cast %parallel_loop3A_1044 : i32 to index
        %parallel_loop3A_1046 = arith.constant 0 : index
        %parallel_loop3A_1047 = tpu.vector_load %arg14[%parallel_loop3A_1045, %parallel_loop3A_1046] {strides = array<i32>} : memref<64x128xf32, #tpu.memory_space<vmem>>, vector<16xf32>,
        tpu.vector_store %arg14[%parallel_loop3A_1045, %parallel_loop3A_1046], %parallel_loop3A_1042 {strides = array<i32>} : memref<64x128xf32, #tpu.memory_space<vmem>>, vector<16xf32>,
        %parallel_loop3A_1048 = arith.constant 10 : i32
        %parallel_loop3A_1049 = arith.addi %parallel_loop3A_110, %parallel_loop3A_1048 : i32
        %parallel_loop3A_1050 = arith.index_cast %parallel_loop3A_1049 : i32 to index
        %parallel_loop3A_1051 = arith.constant 16 : index
        %parallel_loop3A_1052 = tpu.vector_load %arg14[%parallel_loop3A_1050, %parallel_loop3A_1051] {strides = array<i32>} : memref<64x128xf32, #tpu.memory_space<vmem>>, vector<16xf32>,
        %parallel_loop3A_1053 = arith.mulf %parallel_loop3A_1052, %parallel_loop3A_1036 : vector<16xf32>
        %parallel_loop3A_1054 = arith.constant 10 : i32
        %parallel_loop3A_1055 = arith.addi %parallel_loop3A_110, %parallel_loop3A_1054 : i32
        %parallel_loop3A_1056 = arith.index_cast %parallel_loop3A_1055 : i32 to index
        %parallel_loop3A_1057 = arith.constant 16 : index
        %parallel_loop3A_1058 = tpu.vector_load %arg14[%parallel_loop3A_1056, %parallel_loop3A_1057] {strides = array<i32>} : memref<64x128xf32, #tpu.memory_space<vmem>>, vector<16xf32>,
        tpu.vector_store %arg14[%parallel_loop3A_1056, %parallel_loop3A_1057], %parallel_loop3A_1053 {strides = array<i32>} : memref<64x128xf32, #tpu.memory_space<vmem>>, vector<16xf32>,
        %parallel_loop3A_1059 = arith.constant 10 : i32
        %parallel_loop3A_1060 = arith.addi %parallel_loop3A_110, %parallel_loop3A_1059 : i32
        %parallel_loop3A_1061 = arith.index_cast %parallel_loop3A_1060 : i32 to index
        %parallel_loop3A_1062 = arith.constant 32 : index
        %parallel_loop3A_1063 = tpu.vector_load %arg14[%parallel_loop3A_1061, %parallel_loop3A_1062] {strides = array<i32>} : memref<64x128xf32, #tpu.memory_space<vmem>>, vector<16xf32>,
        %parallel_loop3A_1064 = arith.mulf %parallel_loop3A_1063, %parallel_loop3A_1036 : vector<16xf32>
        %parallel_loop3A_1065 = arith.constant 10 : i32
        %parallel_loop3A_1066 = arith.addi %parallel_loop3A_110, %parallel_loop3A_1065 : i32
        %parallel_loop3A_1067 = arith.index_cast %parallel_loop3A_1066 : i32 to index
        %parallel_loop3A_1068 = arith.constant 32 : index
        %parallel_loop3A_1069 = tpu.vector_load %arg14[%parallel_loop3A_1067, %parallel_loop3A_1068] {strides = array<i32>} : memref<64x128xf32, #tpu.memory_space<vmem>>, vector<16xf32>,
        tpu.vector_store %arg14[%parallel_loop3A_1067, %parallel_loop3A_1068], %parallel_loop3A_1064 {strides = array<i32>} : memref<64x128xf32, #tpu.memory_space<vmem>>, vector<16xf32>,
        %parallel_loop3A_1070 = arith.constant 10 : i32
        %parallel_loop3A_1071 = arith.addi %parallel_loop3A_110, %parallel_loop3A_1070 : i32
        %parallel_loop3A_1072 = arith.index_cast %parallel_loop3A_1071 : i32 to index
        %parallel_loop3A_1073 = arith.constant 48 : index
        %parallel_loop3A_1074 = tpu.vector_load %arg14[%parallel_loop3A_1072, %parallel_loop3A_1073] {strides = array<i32>} : memref<64x128xf32, #tpu.memory_space<vmem>>, vector<16xf32>,
        %parallel_loop3A_1075 = arith.mulf %parallel_loop3A_1074, %parallel_loop3A_1036 : vector<16xf32>
        %parallel_loop3A_1076 = arith.constant 10 : i32
        %parallel_loop3A_1077 = arith.addi %parallel_loop3A_110, %parallel_loop3A_1076 : i32
        %parallel_loop3A_1078 = arith.index_cast %parallel_loop3A_1077 : i32 to index
        %parallel_loop3A_1079 = arith.constant 48 : index
        %parallel_loop3A_1080 = tpu.vector_load %arg14[%parallel_loop3A_1078, %parallel_loop3A_1079] {strides = array<i32>} : memref<64x128xf32, #tpu.memory_space<vmem>>, vector<16xf32>,
        tpu.vector_store %arg14[%parallel_loop3A_1078, %parallel_loop3A_1079], %parallel_loop3A_1075 {strides = array<i32>} : memref<64x128xf32, #tpu.memory_space<vmem>>, vector<16xf32>,
        %parallel_loop3A_1081 = arith.constant 10 : i32
        %parallel_loop3A_1082 = arith.addi %parallel_loop3A_110, %parallel_loop3A_1081 : i32
        %parallel_loop3A_1083 = arith.index_cast %parallel_loop3A_1082 : i32 to index
        %parallel_loop3A_1084 = arith.constant 64 : index
        %parallel_loop3A_1085 = tpu.vector_load %arg14[%parallel_loop3A_1083, %parallel_loop3A_1084] {strides = array<i32>} : memref<64x128xf32, #tpu.memory_space<vmem>>, vector<16xf32>,
        %parallel_loop3A_1086 = arith.mulf %parallel_loop3A_1085, %parallel_loop3A_1036 : vector<16xf32>
        %parallel_loop3A_1087 = arith.constant 10 : i32
        %parallel_loop3A_1088 = arith.addi %parallel_loop3A_110, %parallel_loop3A_1087 : i32
        %parallel_loop3A_1089 = arith.index_cast %parallel_loop3A_1088 : i32 to index
        %parallel_loop3A_1090 = arith.constant 64 : index
        %parallel_loop3A_1091 = tpu.vector_load %arg14[%parallel_loop3A_1089, %parallel_loop3A_1090] {strides = array<i32>} : memref<64x128xf32, #tpu.memory_space<vmem>>, vector<16xf32>,
        tpu.vector_store %arg14[%parallel_loop3A_1089, %parallel_loop3A_1090], %parallel_loop3A_1086 {strides = array<i32>} : memref<64x128xf32, #tpu.memory_space<vmem>>, vector<16xf32>,
        %parallel_loop3A_1092 = arith.constant 10 : i32
        %parallel_loop3A_1093 = arith.addi %parallel_loop3A_110, %parallel_loop3A_1092 : i32
        %parallel_loop3A_1094 = arith.index_cast %parallel_loop3A_1093 : i32 to index
        %parallel_loop3A_1095 = arith.constant 80 : index
        %parallel_loop3A_1096 = tpu.vector_load %arg14[%parallel_loop3A_1094, %parallel_loop3A_1095] {strides = array<i32>} : memref<64x128xf32, #tpu.memory_space<vmem>>, vector<16xf32>,
        %parallel_loop3A_1097 = arith.mulf %parallel_loop3A_1096, %parallel_loop3A_1036 : vector<16xf32>
        %parallel_loop3A_1098 = arith.constant 10 : i32
        %parallel_loop3A_1099 = arith.addi %parallel_loop3A_110, %parallel_loop3A_1098 : i32
        %parallel_loop3A_1100 = arith.index_cast %parallel_loop3A_1099 : i32 to index
        %parallel_loop3A_1101 = arith.constant 80 : index
        %parallel_loop3A_1102 = tpu.vector_load %arg14[%parallel_loop3A_1100, %parallel_loop3A_1101] {strides = array<i32>} : memref<64x128xf32, #tpu.memory_space<vmem>>, vector<16xf32>,
        tpu.vector_store %arg14[%parallel_loop3A_1100, %parallel_loop3A_1101], %parallel_loop3A_1097 {strides = array<i32>} : memref<64x128xf32, #tpu.memory_space<vmem>>, vector<16xf32>,
        %parallel_loop3A_1103 = arith.constant 10 : i32
        %parallel_loop3A_1104 = arith.addi %parallel_loop3A_110, %parallel_loop3A_1103 : i32
        %parallel_loop3A_1105 = arith.index_cast %parallel_loop3A_1104 : i32 to index
        %parallel_loop3A_1106 = arith.constant 96 : index
        %parallel_loop3A_1107 = tpu.vector_load %arg14[%parallel_loop3A_1105, %parallel_loop3A_1106] {strides = array<i32>} : memref<64x128xf32, #tpu.memory_space<vmem>>, vector<16xf32>,
        %parallel_loop3A_1108 = arith.mulf %parallel_loop3A_1107, %parallel_loop3A_1036 : vector<16xf32>
        %parallel_loop3A_1109 = arith.constant 10 : i32
        %parallel_loop3A_1110 = arith.addi %parallel_loop3A_110, %parallel_loop3A_1109 : i32
        %parallel_loop3A_1111 = arith.index_cast %parallel_loop3A_1110 : i32 to index
        %parallel_loop3A_1112 = arith.constant 96 : index
        %parallel_loop3A_1113 = tpu.vector_load %arg14[%parallel_loop3A_1111, %parallel_loop3A_1112] {strides = array<i32>} : memref<64x128xf32, #tpu.memory_space<vmem>>, vector<16xf32>,
        tpu.vector_store %arg14[%parallel_loop3A_1111, %parallel_loop3A_1112], %parallel_loop3A_1108 {strides = array<i32>} : memref<64x128xf32, #tpu.memory_space<vmem>>, vector<16xf32>,
        %parallel_loop3A_1114 = arith.constant 10 : i32
        %parallel_loop3A_1115 = arith.addi %parallel_loop3A_110, %parallel_loop3A_1114 : i32
        %parallel_loop3A_1116 = arith.index_cast %parallel_loop3A_1115 : i32 to index
        %parallel_loop3A_1117 = arith.constant 112 : index
        %parallel_loop3A_1118 = tpu.vector_load %arg14[%parallel_loop3A_1116, %parallel_loop3A_1117] {strides = array<i32>} : memref<64x128xf32, #tpu.memory_space<vmem>>, vector<16xf32>,
        %parallel_loop3A_1119 = arith.mulf %parallel_loop3A_1118, %parallel_loop3A_1036 : vector<16xf32>
        %parallel_loop3A_1120 = arith.constant 10 : i32
        %parallel_loop3A_1121 = arith.addi %parallel_loop3A_110, %parallel_loop3A_1120 : i32
        %parallel_loop3A_1122 = arith.index_cast %parallel_loop3A_1121 : i32 to index
        %parallel_loop3A_1123 = arith.constant 112 : index
        %parallel_loop3A_1124 = tpu.vector_load %arg14[%parallel_loop3A_1122, %parallel_loop3A_1123] {strides = array<i32>} : memref<64x128xf32, #tpu.memory_space<vmem>>, vector<16xf32>,
        tpu.vector_store %arg14[%parallel_loop3A_1122, %parallel_loop3A_1123], %parallel_loop3A_1119 {strides = array<i32>} : memref<64x128xf32, #tpu.memory_space<vmem>>, vector<16xf32>,
        %parallel_loop3A_1125 = arith.constant 11 : i32
        %parallel_loop3A_1126 = vector.broadcast %parallel_loop3A_1125 : i32 to vector<16x1xi32>
        %parallel_loop3A_1127 = vector.shape_cast %parallel_loop3A_1126 : vector<16x1xi32> to vector<16xi32>
        %parallel_loop3A_1128 = tpu.dynamic_gather %parallel_loop3A_112[%parallel_loop3A_1127] in [0] : vector<16xf32>, vector<16xi32> -> vector<16xf32>
        %parallel_loop3A_1129 = arith.constant 11 : i32
        %parallel_loop3A_1130 = arith.addi %parallel_loop3A_110, %parallel_loop3A_1129 : i32
        %parallel_loop3A_1131 = arith.index_cast %parallel_loop3A_1130 : i32 to index
        %parallel_loop3A_1132 = arith.constant 0 : index
        %parallel_loop3A_1133 = tpu.vector_load %arg14[%parallel_loop3A_1131, %parallel_loop3A_1132] {strides = array<i32>} : memref<64x128xf32, #tpu.memory_space<vmem>>, vector<16xf32>,
        %parallel_loop3A_1134 = arith.mulf %parallel_loop3A_1133, %parallel_loop3A_1128 : vector<16xf32>
        %parallel_loop3A_1135 = arith.constant 11 : i32
        %parallel_loop3A_1136 = arith.addi %parallel_loop3A_110, %parallel_loop3A_1135 : i32
        %parallel_loop3A_1137 = arith.index_cast %parallel_loop3A_1136 : i32 to index
        %parallel_loop3A_1138 = arith.constant 0 : index
        %parallel_loop3A_1139 = tpu.vector_load %arg14[%parallel_loop3A_1137, %parallel_loop3A_1138] {strides = array<i32>} : memref<64x128xf32, #tpu.memory_space<vmem>>, vector<16xf32>,
        tpu.vector_store %arg14[%parallel_loop3A_1137, %parallel_loop3A_1138], %parallel_loop3A_1134 {strides = array<i32>} : memref<64x128xf32, #tpu.memory_space<vmem>>, vector<16xf32>,
        %parallel_loop3A_1140 = arith.constant 11 : i32
        %parallel_loop3A_1141 = arith.addi %parallel_loop3A_110, %parallel_loop3A_1140 : i32
        %parallel_loop3A_1142 = arith.index_cast %parallel_loop3A_1141 : i32 to index
        %parallel_loop3A_1143 = arith.constant 16 : index
        %parallel_loop3A_1144 = tpu.vector_load %arg14[%parallel_loop3A_1142, %parallel_loop3A_1143] {strides = array<i32>} : memref<64x128xf32, #tpu.memory_space<vmem>>, vector<16xf32>,
        %parallel_loop3A_1145 = arith.mulf %parallel_loop3A_1144, %parallel_loop3A_1128 : vector<16xf32>
        %parallel_loop3A_1146 = arith.constant 11 : i32
        %parallel_loop3A_1147 = arith.addi %parallel_loop3A_110, %parallel_loop3A_1146 : i32
        %parallel_loop3A_1148 = arith.index_cast %parallel_loop3A_1147 : i32 to index
        %parallel_loop3A_1149 = arith.constant 16 : index
        %parallel_loop3A_1150 = tpu.vector_load %arg14[%parallel_loop3A_1148, %parallel_loop3A_1149] {strides = array<i32>} : memref<64x128xf32, #tpu.memory_space<vmem>>, vector<16xf32>,
        tpu.vector_store %arg14[%parallel_loop3A_1148, %parallel_loop3A_1149], %parallel_loop3A_1145 {strides = array<i32>} : memref<64x128xf32, #tpu.memory_space<vmem>>, vector<16xf32>,
        %parallel_loop3A_1151 = arith.constant 11 : i32
        %parallel_loop3A_1152 = arith.addi %parallel_loop3A_110, %parallel_loop3A_1151 : i32
        %parallel_loop3A_1153 = arith.index_cast %parallel_loop3A_1152 : i32 to index
        %parallel_loop3A_1154 = arith.constant 32 : index
        %parallel_loop3A_1155 = tpu.vector_load %arg14[%parallel_loop3A_1153, %parallel_loop3A_1154] {strides = array<i32>} : memref<64x128xf32, #tpu.memory_space<vmem>>, vector<16xf32>,
        %parallel_loop3A_1156 = arith.mulf %parallel_loop3A_1155, %parallel_loop3A_1128 : vector<16xf32>
        %parallel_loop3A_1157 = arith.constant 11 : i32
        %parallel_loop3A_1158 = arith.addi %parallel_loop3A_110, %parallel_loop3A_1157 : i32
        %parallel_loop3A_1159 = arith.index_cast %parallel_loop3A_1158 : i32 to index
        %parallel_loop3A_1160 = arith.constant 32 : index
        %parallel_loop3A_1161 = tpu.vector_load %arg14[%parallel_loop3A_1159, %parallel_loop3A_1160] {strides = array<i32>} : memref<64x128xf32, #tpu.memory_space<vmem>>, vector<16xf32>,
        tpu.vector_store %arg14[%parallel_loop3A_1159, %parallel_loop3A_1160], %parallel_loop3A_1156 {strides = array<i32>} : memref<64x128xf32, #tpu.memory_space<vmem>>, vector<16xf32>,
        %parallel_loop3A_1162 = arith.constant 11 : i32
        %parallel_loop3A_1163 = arith.addi %parallel_loop3A_110, %parallel_loop3A_1162 : i32
        %parallel_loop3A_1164 = arith.index_cast %parallel_loop3A_1163 : i32 to index
        %parallel_loop3A_1165 = arith.constant 48 : index
        %parallel_loop3A_1166 = tpu.vector_load %arg14[%parallel_loop3A_1164, %parallel_loop3A_1165] {strides = array<i32>} : memref<64x128xf32, #tpu.memory_space<vmem>>, vector<16xf32>,
        %parallel_loop3A_1167 = arith.mulf %parallel_loop3A_1166, %parallel_loop3A_1128 : vector<16xf32>
        %parallel_loop3A_1168 = arith.constant 11 : i32
        %parallel_loop3A_1169 = arith.addi %parallel_loop3A_110, %parallel_loop3A_1168 : i32
        %parallel_loop3A_1170 = arith.index_cast %parallel_loop3A_1169 : i32 to index
        %parallel_loop3A_1171 = arith.constant 48 : index
        %parallel_loop3A_1172 = tpu.vector_load %arg14[%parallel_loop3A_1170, %parallel_loop3A_1171] {strides = array<i32>} : memref<64x128xf32, #tpu.memory_space<vmem>>, vector<16xf32>,
        tpu.vector_store %arg14[%parallel_loop3A_1170, %parallel_loop3A_1171], %parallel_loop3A_1167 {strides = array<i32>} : memref<64x128xf32, #tpu.memory_space<vmem>>, vector<16xf32>,
        %parallel_loop3A_1173 = arith.constant 11 : i32
        %parallel_loop3A_1174 = arith.addi %parallel_loop3A_110, %parallel_loop3A_1173 : i32
        %parallel_loop3A_1175 = arith.index_cast %parallel_loop3A_1174 : i32 to index
        %parallel_loop3A_1176 = arith.constant 64 : index
        %parallel_loop3A_1177 = tpu.vector_load %arg14[%parallel_loop3A_1175, %parallel_loop3A_1176] {strides = array<i32>} : memref<64x128xf32, #tpu.memory_space<vmem>>, vector<16xf32>,
        %parallel_loop3A_1178 = arith.mulf %parallel_loop3A_1177, %parallel_loop3A_1128 : vector<16xf32>
        %parallel_loop3A_1179 = arith.constant 11 : i32
        %parallel_loop3A_1180 = arith.addi %parallel_loop3A_110, %parallel_loop3A_1179 : i32
        %parallel_loop3A_1181 = arith.index_cast %parallel_loop3A_1180 : i32 to index
        %parallel_loop3A_1182 = arith.constant 64 : index
        %parallel_loop3A_1183 = tpu.vector_load %arg14[%parallel_loop3A_1181, %parallel_loop3A_1182] {strides = array<i32>} : memref<64x128xf32, #tpu.memory_space<vmem>>, vector<16xf32>,
        tpu.vector_store %arg14[%parallel_loop3A_1181, %parallel_loop3A_1182], %parallel_loop3A_1178 {strides = array<i32>} : memref<64x128xf32, #tpu.memory_space<vmem>>, vector<16xf32>,
        %parallel_loop3A_1184 = arith.constant 11 : i32
        %parallel_loop3A_1185 = arith.addi %parallel_loop3A_110, %parallel_loop3A_1184 : i32
        %parallel_loop3A_1186 = arith.index_cast %parallel_loop3A_1185 : i32 to index
        %parallel_loop3A_1187 = arith.constant 80 : index
        %parallel_loop3A_1188 = tpu.vector_load %arg14[%parallel_loop3A_1186, %parallel_loop3A_1187] {strides = array<i32>} : memref<64x128xf32, #tpu.memory_space<vmem>>, vector<16xf32>,
        %parallel_loop3A_1189 = arith.mulf %parallel_loop3A_1188, %parallel_loop3A_1128 : vector<16xf32>
        %parallel_loop3A_1190 = arith.constant 11 : i32
        %parallel_loop3A_1191 = arith.addi %parallel_loop3A_110, %parallel_loop3A_1190 : i32
        %parallel_loop3A_1192 = arith.index_cast %parallel_loop3A_1191 : i32 to index
        %parallel_loop3A_1193 = arith.constant 80 : index
        %parallel_loop3A_1194 = tpu.vector_load %arg14[%parallel_loop3A_1192, %parallel_loop3A_1193] {strides = array<i32>} : memref<64x128xf32, #tpu.memory_space<vmem>>, vector<16xf32>,
        tpu.vector_store %arg14[%parallel_loop3A_1192, %parallel_loop3A_1193], %parallel_loop3A_1189 {strides = array<i32>} : memref<64x128xf32, #tpu.memory_space<vmem>>, vector<16xf32>,
        %parallel_loop3A_1195 = arith.constant 11 : i32
        %parallel_loop3A_1196 = arith.addi %parallel_loop3A_110, %parallel_loop3A_1195 : i32
        %parallel_loop3A_1197 = arith.index_cast %parallel_loop3A_1196 : i32 to index
        %parallel_loop3A_1198 = arith.constant 96 : index
        %parallel_loop3A_1199 = tpu.vector_load %arg14[%parallel_loop3A_1197, %parallel_loop3A_1198] {strides = array<i32>} : memref<64x128xf32, #tpu.memory_space<vmem>>, vector<16xf32>,
        %parallel_loop3A_1200 = arith.mulf %parallel_loop3A_1199, %parallel_loop3A_1128 : vector<16xf32>
        %parallel_loop3A_1201 = arith.constant 11 : i32
        %parallel_loop3A_1202 = arith.addi %parallel_loop3A_110, %parallel_loop3A_1201 : i32
        %parallel_loop3A_1203 = arith.index_cast %parallel_loop3A_1202 : i32 to index
        %parallel_loop3A_1204 = arith.constant 96 : index
        %parallel_loop3A_1205 = tpu.vector_load %arg14[%parallel_loop3A_1203, %parallel_loop3A_1204] {strides = array<i32>} : memref<64x128xf32, #tpu.memory_space<vmem>>, vector<16xf32>,
        tpu.vector_store %arg14[%parallel_loop3A_1203, %parallel_loop3A_1204], %parallel_loop3A_1200 {strides = array<i32>} : memref<64x128xf32, #tpu.memory_space<vmem>>, vector<16xf32>,
        %parallel_loop3A_1206 = arith.constant 11 : i32
        %parallel_loop3A_1207 = arith.addi %parallel_loop3A_110, %parallel_loop3A_1206 : i32
        %parallel_loop3A_1208 = arith.index_cast %parallel_loop3A_1207 : i32 to index
        %parallel_loop3A_1209 = arith.constant 112 : index
        %parallel_loop3A_1210 = tpu.vector_load %arg14[%parallel_loop3A_1208, %parallel_loop3A_1209] {strides = array<i32>} : memref<64x128xf32, #tpu.memory_space<vmem>>, vector<16xf32>,
        %parallel_loop3A_1211 = arith.mulf %parallel_loop3A_1210, %parallel_loop3A_1128 : vector<16xf32>
        %parallel_loop3A_1212 = arith.constant 11 : i32
        %parallel_loop3A_1213 = arith.addi %parallel_loop3A_110, %parallel_loop3A_1212 : i32
        %parallel_loop3A_1214 = arith.index_cast %parallel_loop3A_1213 : i32 to index
        %parallel_loop3A_1215 = arith.constant 112 : index
        %parallel_loop3A_1216 = tpu.vector_load %arg14[%parallel_loop3A_1214, %parallel_loop3A_1215] {strides = array<i32>} : memref<64x128xf32, #tpu.memory_space<vmem>>, vector<16xf32>,
        tpu.vector_store %arg14[%parallel_loop3A_1214, %parallel_loop3A_1215], %parallel_loop3A_1211 {strides = array<i32>} : memref<64x128xf32, #tpu.memory_space<vmem>>, vector<16xf32>,
        %parallel_loop3A_1217 = arith.constant 12 : i32
        %parallel_loop3A_1218 = vector.broadcast %parallel_loop3A_1217 : i32 to vector<16x1xi32>
        %parallel_loop3A_1219 = vector.shape_cast %parallel_loop3A_1218 : vector<16x1xi32> to vector<16xi32>
        %parallel_loop3A_1220 = tpu.dynamic_gather %parallel_loop3A_112[%parallel_loop3A_1219] in [0] : vector<16xf32>, vector<16xi32> -> vector<16xf32>
        %parallel_loop3A_1221 = arith.constant 12 : i32
        %parallel_loop3A_1222 = arith.addi %parallel_loop3A_110, %parallel_loop3A_1221 : i32
        %parallel_loop3A_1223 = arith.index_cast %parallel_loop3A_1222 : i32 to index
        %parallel_loop3A_1224 = arith.constant 0 : index
        %parallel_loop3A_1225 = tpu.vector_load %arg14[%parallel_loop3A_1223, %parallel_loop3A_1224] {strides = array<i32>} : memref<64x128xf32, #tpu.memory_space<vmem>>, vector<16xf32>,
        %parallel_loop3A_1226 = arith.mulf %parallel_loop3A_1225, %parallel_loop3A_1220 : vector<16xf32>
        %parallel_loop3A_1227 = arith.constant 12 : i32
        %parallel_loop3A_1228 = arith.addi %parallel_loop3A_110, %parallel_loop3A_1227 : i32
        %parallel_loop3A_1229 = arith.index_cast %parallel_loop3A_1228 : i32 to index
        %parallel_loop3A_1230 = arith.constant 0 : index
        %parallel_loop3A_1231 = tpu.vector_load %arg14[%parallel_loop3A_1229, %parallel_loop3A_1230] {strides = array<i32>} : memref<64x128xf32, #tpu.memory_space<vmem>>, vector<16xf32>,
        tpu.vector_store %arg14[%parallel_loop3A_1229, %parallel_loop3A_1230], %parallel_loop3A_1226 {strides = array<i32>} : memref<64x128xf32, #tpu.memory_space<vmem>>, vector<16xf32>,
        %parallel_loop3A_1232 = arith.constant 12 : i32
        %parallel_loop3A_1233 = arith.addi %parallel_loop3A_110, %parallel_loop3A_1232 : i32
        %parallel_loop3A_1234 = arith.index_cast %parallel_loop3A_1233 : i32 to index
        %parallel_loop3A_1235 = arith.constant 16 : index
        %parallel_loop3A_1236 = tpu.vector_load %arg14[%parallel_loop3A_1234, %parallel_loop3A_1235] {strides = array<i32>} : memref<64x128xf32, #tpu.memory_space<vmem>>, vector<16xf32>,
        %parallel_loop3A_1237 = arith.mulf %parallel_loop3A_1236, %parallel_loop3A_1220 : vector<16xf32>
        %parallel_loop3A_1238 = arith.constant 12 : i32
        %parallel_loop3A_1239 = arith.addi %parallel_loop3A_110, %parallel_loop3A_1238 : i32
        %parallel_loop3A_1240 = arith.index_cast %parallel_loop3A_1239 : i32 to index
        %parallel_loop3A_1241 = arith.constant 16 : index
        %parallel_loop3A_1242 = tpu.vector_load %arg14[%parallel_loop3A_1240, %parallel_loop3A_1241] {strides = array<i32>} : memref<64x128xf32, #tpu.memory_space<vmem>>, vector<16xf32>,
        tpu.vector_store %arg14[%parallel_loop3A_1240, %parallel_loop3A_1241], %parallel_loop3A_1237 {strides = array<i32>} : memref<64x128xf32, #tpu.memory_space<vmem>>, vector<16xf32>,
        %parallel_loop3A_1243 = arith.constant 12 : i32
        %parallel_loop3A_1244 = arith.addi %parallel_loop3A_110, %parallel_loop3A_1243 : i32
        %parallel_loop3A_1245 = arith.index_cast %parallel_loop3A_1244 : i32 to index
        %parallel_loop3A_1246 = arith.constant 32 : index
        %parallel_loop3A_1247 = tpu.vector_load %arg14[%parallel_loop3A_1245, %parallel_loop3A_1246] {strides = array<i32>} : memref<64x128xf32, #tpu.memory_space<vmem>>, vector<16xf32>,
        %parallel_loop3A_1248 = arith.mulf %parallel_loop3A_1247, %parallel_loop3A_1220 : vector<16xf32>
        %parallel_loop3A_1249 = arith.constant 12 : i32
        %parallel_loop3A_1250 = arith.addi %parallel_loop3A_110, %parallel_loop3A_1249 : i32
        %parallel_loop3A_1251 = arith.index_cast %parallel_loop3A_1250 : i32 to index
        %parallel_loop3A_1252 = arith.constant 32 : index
        %parallel_loop3A_1253 = tpu.vector_load %arg14[%parallel_loop3A_1251, %parallel_loop3A_1252] {strides = array<i32>} : memref<64x128xf32, #tpu.memory_space<vmem>>, vector<16xf32>,
        tpu.vector_store %arg14[%parallel_loop3A_1251, %parallel_loop3A_1252], %parallel_loop3A_1248 {strides = array<i32>} : memref<64x128xf32, #tpu.memory_space<vmem>>, vector<16xf32>,
        %parallel_loop3A_1254 = arith.constant 12 : i32
        %parallel_loop3A_1255 = arith.addi %parallel_loop3A_110, %parallel_loop3A_1254 : i32
        %parallel_loop3A_1256 = arith.index_cast %parallel_loop3A_1255 : i32 to index
        %parallel_loop3A_1257 = arith.constant 48 : index
        %parallel_loop3A_1258 = tpu.vector_load %arg14[%parallel_loop3A_1256, %parallel_loop3A_1257] {strides = array<i32>} : memref<64x128xf32, #tpu.memory_space<vmem>>, vector<16xf32>,
        %parallel_loop3A_1259 = arith.mulf %parallel_loop3A_1258, %parallel_loop3A_1220 : vector<16xf32>
        %parallel_loop3A_1260 = arith.constant 12 : i32
        %parallel_loop3A_1261 = arith.addi %parallel_loop3A_110, %parallel_loop3A_1260 : i32
        %parallel_loop3A_1262 = arith.index_cast %parallel_loop3A_1261 : i32 to index
        %parallel_loop3A_1263 = arith.constant 48 : index
        %parallel_loop3A_1264 = tpu.vector_load %arg14[%parallel_loop3A_1262, %parallel_loop3A_1263] {strides = array<i32>} : memref<64x128xf32, #tpu.memory_space<vmem>>, vector<16xf32>,
        tpu.vector_store %arg14[%parallel_loop3A_1262, %parallel_loop3A_1263], %parallel_loop3A_1259 {strides = array<i32>} : memref<64x128xf32, #tpu.memory_space<vmem>>, vector<16xf32>,
        %parallel_loop3A_1265 = arith.constant 12 : i32
        %parallel_loop3A_1266 = arith.addi %parallel_loop3A_110, %parallel_loop3A_1265 : i32
        %parallel_loop3A_1267 = arith.index_cast %parallel_loop3A_1266 : i32 to index
        %parallel_loop3A_1268 = arith.constant 64 : index
        %parallel_loop3A_1269 = tpu.vector_load %arg14[%parallel_loop3A_1267, %parallel_loop3A_1268] {strides = array<i32>} : memref<64x128xf32, #tpu.memory_space<vmem>>, vector<16xf32>,
        %parallel_loop3A_1270 = arith.mulf %parallel_loop3A_1269, %parallel_loop3A_1220 : vector<16xf32>
        %parallel_loop3A_1271 = arith.constant 12 : i32
        %parallel_loop3A_1272 = arith.addi %parallel_loop3A_110, %parallel_loop3A_1271 : i32
        %parallel_loop3A_1273 = arith.index_cast %parallel_loop3A_1272 : i32 to index
        %parallel_loop3A_1274 = arith.constant 64 : index
        %parallel_loop3A_1275 = tpu.vector_load %arg14[%parallel_loop3A_1273, %parallel_loop3A_1274] {strides = array<i32>} : memref<64x128xf32, #tpu.memory_space<vmem>>, vector<16xf32>,
        tpu.vector_store %arg14[%parallel_loop3A_1273, %parallel_loop3A_1274], %parallel_loop3A_1270 {strides = array<i32>} : memref<64x128xf32, #tpu.memory_space<vmem>>, vector<16xf32>,
        %parallel_loop3A_1276 = arith.constant 12 : i32
        %parallel_loop3A_1277 = arith.addi %parallel_loop3A_110, %parallel_loop3A_1276 : i32
        %parallel_loop3A_1278 = arith.index_cast %parallel_loop3A_1277 : i32 to index
        %parallel_loop3A_1279 = arith.constant 80 : index
        %parallel_loop3A_1280 = tpu.vector_load %arg14[%parallel_loop3A_1278, %parallel_loop3A_1279] {strides = array<i32>} : memref<64x128xf32, #tpu.memory_space<vmem>>, vector<16xf32>,
        %parallel_loop3A_1281 = arith.mulf %parallel_loop3A_1280, %parallel_loop3A_1220 : vector<16xf32>
        %parallel_loop3A_1282 = arith.constant 12 : i32
        %parallel_loop3A_1283 = arith.addi %parallel_loop3A_110, %parallel_loop3A_1282 : i32
        %parallel_loop3A_1284 = arith.index_cast %parallel_loop3A_1283 : i32 to index
        %parallel_loop3A_1285 = arith.constant 80 : index
        %parallel_loop3A_1286 = tpu.vector_load %arg14[%parallel_loop3A_1284, %parallel_loop3A_1285] {strides = array<i32>} : memref<64x128xf32, #tpu.memory_space<vmem>>, vector<16xf32>,
        tpu.vector_store %arg14[%parallel_loop3A_1284, %parallel_loop3A_1285], %parallel_loop3A_1281 {strides = array<i32>} : memref<64x128xf32, #tpu.memory_space<vmem>>, vector<16xf32>,
        %parallel_loop3A_1287 = arith.constant 12 : i32
        %parallel_loop3A_1288 = arith.addi %parallel_loop3A_110, %parallel_loop3A_1287 : i32
        %parallel_loop3A_1289 = arith.index_cast %parallel_loop3A_1288 : i32 to index
        %parallel_loop3A_1290 = arith.constant 96 : index
        %parallel_loop3A_1291 = tpu.vector_load %arg14[%parallel_loop3A_1289, %parallel_loop3A_1290] {strides = array<i32>} : memref<64x128xf32, #tpu.memory_space<vmem>>, vector<16xf32>,
        %parallel_loop3A_1292 = arith.mulf %parallel_loop3A_1291, %parallel_loop3A_1220 : vector<16xf32>
        %parallel_loop3A_1293 = arith.constant 12 : i32
        %parallel_loop3A_1294 = arith.addi %parallel_loop3A_110, %parallel_loop3A_1293 : i32
        %parallel_loop3A_1295 = arith.index_cast %parallel_loop3A_1294 : i32 to index
        %parallel_loop3A_1296 = arith.constant 96 : index
        %parallel_loop3A_1297 = tpu.vector_load %arg14[%parallel_loop3A_1295, %parallel_loop3A_1296] {strides = array<i32>} : memref<64x128xf32, #tpu.memory_space<vmem>>, vector<16xf32>,
        tpu.vector_store %arg14[%parallel_loop3A_1295, %parallel_loop3A_1296], %parallel_loop3A_1292 {strides = array<i32>} : memref<64x128xf32, #tpu.memory_space<vmem>>, vector<16xf32>,
        %parallel_loop3A_1298 = arith.constant 12 : i32
        %parallel_loop3A_1299 = arith.addi %parallel_loop3A_110, %parallel_loop3A_1298 : i32
        %parallel_loop3A_1300 = arith.index_cast %parallel_loop3A_1299 : i32 to index
        %parallel_loop3A_1301 = arith.constant 112 : index
        %parallel_loop3A_1302 = tpu.vector_load %arg14[%parallel_loop3A_1300, %parallel_loop3A_1301] {strides = array<i32>} : memref<64x128xf32, #tpu.memory_space<vmem>>, vector<16xf32>,
        %parallel_loop3A_1303 = arith.mulf %parallel_loop3A_1302, %parallel_loop3A_1220 : vector<16xf32>
        %parallel_loop3A_1304 = arith.constant 12 : i32
        %parallel_loop3A_1305 = arith.addi %parallel_loop3A_110, %parallel_loop3A_1304 : i32
        %parallel_loop3A_1306 = arith.index_cast %parallel_loop3A_1305 : i32 to index
        %parallel_loop3A_1307 = arith.constant 112 : index
        %parallel_loop3A_1308 = tpu.vector_load %arg14[%parallel_loop3A_1306, %parallel_loop3A_1307] {strides = array<i32>} : memref<64x128xf32, #tpu.memory_space<vmem>>, vector<16xf32>,
        tpu.vector_store %arg14[%parallel_loop3A_1306, %parallel_loop3A_1307], %parallel_loop3A_1303 {strides = array<i32>} : memref<64x128xf32, #tpu.memory_space<vmem>>, vector<16xf32>,
        %parallel_loop3A_1309 = arith.constant 13 : i32
        %parallel_loop3A_1310 = vector.broadcast %parallel_loop3A_1309 : i32 to vector<16x1xi32>
        %parallel_loop3A_1311 = vector.shape_cast %parallel_loop3A_1310 : vector<16x1xi32> to vector<16xi32>
        %parallel_loop3A_1312 = tpu.dynamic_gather %parallel_loop3A_112[%parallel_loop3A_1311] in [0] : vector<16xf32>, vector<16xi32> -> vector<16xf32>
        %parallel_loop3A_1313 = arith.constant 13 : i32
        %parallel_loop3A_1314 = arith.addi %parallel_loop3A_110, %parallel_loop3A_1313 : i32
        %parallel_loop3A_1315 = arith.index_cast %parallel_loop3A_1314 : i32 to index
        %parallel_loop3A_1316 = arith.constant 0 : index
        %parallel_loop3A_1317 = tpu.vector_load %arg14[%parallel_loop3A_1315, %parallel_loop3A_1316] {strides = array<i32>} : memref<64x128xf32, #tpu.memory_space<vmem>>, vector<16xf32>,
        %parallel_loop3A_1318 = arith.mulf %parallel_loop3A_1317, %parallel_loop3A_1312 : vector<16xf32>
        %parallel_loop3A_1319 = arith.constant 13 : i32
        %parallel_loop3A_1320 = arith.addi %parallel_loop3A_110, %parallel_loop3A_1319 : i32
        %parallel_loop3A_1321 = arith.index_cast %parallel_loop3A_1320 : i32 to index
        %parallel_loop3A_1322 = arith.constant 0 : index
        %parallel_loop3A_1323 = tpu.vector_load %arg14[%parallel_loop3A_1321, %parallel_loop3A_1322] {strides = array<i32>} : memref<64x128xf32, #tpu.memory_space<vmem>>, vector<16xf32>,
        tpu.vector_store %arg14[%parallel_loop3A_1321, %parallel_loop3A_1322], %parallel_loop3A_1318 {strides = array<i32>} : memref<64x128xf32, #tpu.memory_space<vmem>>, vector<16xf32>,
        %parallel_loop3A_1324 = arith.constant 13 : i32
        %parallel_loop3A_1325 = arith.addi %parallel_loop3A_110, %parallel_loop3A_1324 : i32
        %parallel_loop3A_1326 = arith.index_cast %parallel_loop3A_1325 : i32 to index
        %parallel_loop3A_1327 = arith.constant 16 : index
        %parallel_loop3A_1328 = tpu.vector_load %arg14[%parallel_loop3A_1326, %parallel_loop3A_1327] {strides = array<i32>} : memref<64x128xf32, #tpu.memory_space<vmem>>, vector<16xf32>,
        %parallel_loop3A_1329 = arith.mulf %parallel_loop3A_1328, %parallel_loop3A_1312 : vector<16xf32>
        %parallel_loop3A_1330 = arith.constant 13 : i32
        %parallel_loop3A_1331 = arith.addi %parallel_loop3A_110, %parallel_loop3A_1330 : i32
        %parallel_loop3A_1332 = arith.index_cast %parallel_loop3A_1331 : i32 to index
        %parallel_loop3A_1333 = arith.constant 16 : index
        %parallel_loop3A_1334 = tpu.vector_load %arg14[%parallel_loop3A_1332, %parallel_loop3A_1333] {strides = array<i32>} : memref<64x128xf32, #tpu.memory_space<vmem>>, vector<16xf32>,
        tpu.vector_store %arg14[%parallel_loop3A_1332, %parallel_loop3A_1333], %parallel_loop3A_1329 {strides = array<i32>} : memref<64x128xf32, #tpu.memory_space<vmem>>, vector<16xf32>,
        %parallel_loop3A_1335 = arith.constant 13 : i32
        %parallel_loop3A_1336 = arith.addi %parallel_loop3A_110, %parallel_loop3A_1335 : i32
        %parallel_loop3A_1337 = arith.index_cast %parallel_loop3A_1336 : i32 to index
        %parallel_loop3A_1338 = arith.constant 32 : index
        %parallel_loop3A_1339 = tpu.vector_load %arg14[%parallel_loop3A_1337, %parallel_loop3A_1338] {strides = array<i32>} : memref<64x128xf32, #tpu.memory_space<vmem>>, vector<16xf32>,
        %parallel_loop3A_1340 = arith.mulf %parallel_loop3A_1339, %parallel_loop3A_1312 : vector<16xf32>
        %parallel_loop3A_1341 = arith.constant 13 : i32
        %parallel_loop3A_1342 = arith.addi %parallel_loop3A_110, %parallel_loop3A_1341 : i32
        %parallel_loop3A_1343 = arith.index_cast %parallel_loop3A_1342 : i32 to index
        %parallel_loop3A_1344 = arith.constant 32 : index
        %parallel_loop3A_1345 = tpu.vector_load %arg14[%parallel_loop3A_1343, %parallel_loop3A_1344] {strides = array<i32>} : memref<64x128xf32, #tpu.memory_space<vmem>>, vector<16xf32>,
        tpu.vector_store %arg14[%parallel_loop3A_1343, %parallel_loop3A_1344], %parallel_loop3A_1340 {strides = array<i32>} : memref<64x128xf32, #tpu.memory_space<vmem>>, vector<16xf32>,
        %parallel_loop3A_1346 = arith.constant 13 : i32
        %parallel_loop3A_1347 = arith.addi %parallel_loop3A_110, %parallel_loop3A_1346 : i32
        %parallel_loop3A_1348 = arith.index_cast %parallel_loop3A_1347 : i32 to index
        %parallel_loop3A_1349 = arith.constant 48 : index
        %parallel_loop3A_1350 = tpu.vector_load %arg14[%parallel_loop3A_1348, %parallel_loop3A_1349] {strides = array<i32>} : memref<64x128xf32, #tpu.memory_space<vmem>>, vector<16xf32>,
        %parallel_loop3A_1351 = arith.mulf %parallel_loop3A_1350, %parallel_loop3A_1312 : vector<16xf32>
        %parallel_loop3A_1352 = arith.constant 13 : i32
        %parallel_loop3A_1353 = arith.addi %parallel_loop3A_110, %parallel_loop3A_1352 : i32
        %parallel_loop3A_1354 = arith.index_cast %parallel_loop3A_1353 : i32 to index
        %parallel_loop3A_1355 = arith.constant 48 : index
        %parallel_loop3A_1356 = tpu.vector_load %arg14[%parallel_loop3A_1354, %parallel_loop3A_1355] {strides = array<i32>} : memref<64x128xf32, #tpu.memory_space<vmem>>, vector<16xf32>,
        tpu.vector_store %arg14[%parallel_loop3A_1354, %parallel_loop3A_1355], %parallel_loop3A_1351 {strides = array<i32>} : memref<64x128xf32, #tpu.memory_space<vmem>>, vector<16xf32>,
        %parallel_loop3A_1357 = arith.constant 13 : i32
        %parallel_loop3A_1358 = arith.addi %parallel_loop3A_110, %parallel_loop3A_1357 : i32
        %parallel_loop3A_1359 = arith.index_cast %parallel_loop3A_1358 : i32 to index
        %parallel_loop3A_1360 = arith.constant 64 : index
        %parallel_loop3A_1361 = tpu.vector_load %arg14[%parallel_loop3A_1359, %parallel_loop3A_1360] {strides = array<i32>} : memref<64x128xf32, #tpu.memory_space<vmem>>, vector<16xf32>,
        %parallel_loop3A_1362 = arith.mulf %parallel_loop3A_1361, %parallel_loop3A_1312 : vector<16xf32>
        %parallel_loop3A_1363 = arith.constant 13 : i32
        %parallel_loop3A_1364 = arith.addi %parallel_loop3A_110, %parallel_loop3A_1363 : i32
        %parallel_loop3A_1365 = arith.index_cast %parallel_loop3A_1364 : i32 to index
        %parallel_loop3A_1366 = arith.constant 64 : index
        %parallel_loop3A_1367 = tpu.vector_load %arg14[%parallel_loop3A_1365, %parallel_loop3A_1366] {strides = array<i32>} : memref<64x128xf32, #tpu.memory_space<vmem>>, vector<16xf32>,
        tpu.vector_store %arg14[%parallel_loop3A_1365, %parallel_loop3A_1366], %parallel_loop3A_1362 {strides = array<i32>} : memref<64x128xf32, #tpu.memory_space<vmem>>, vector<16xf32>,
        %parallel_loop3A_1368 = arith.constant 13 : i32
        %parallel_loop3A_1369 = arith.addi %parallel_loop3A_110, %parallel_loop3A_1368 : i32
        %parallel_loop3A_1370 = arith.index_cast %parallel_loop3A_1369 : i32 to index
        %parallel_loop3A_1371 = arith.constant 80 : index
        %parallel_loop3A_1372 = tpu.vector_load %arg14[%parallel_loop3A_1370, %parallel_loop3A_1371] {strides = array<i32>} : memref<64x128xf32, #tpu.memory_space<vmem>>, vector<16xf32>,
        %parallel_loop3A_1373 = arith.mulf %parallel_loop3A_1372, %parallel_loop3A_1312 : vector<16xf32>
        %parallel_loop3A_1374 = arith.constant 13 : i32
        %parallel_loop3A_1375 = arith.addi %parallel_loop3A_110, %parallel_loop3A_1374 : i32
        %parallel_loop3A_1376 = arith.index_cast %parallel_loop3A_1375 : i32 to index
        %parallel_loop3A_1377 = arith.constant 80 : index
        %parallel_loop3A_1378 = tpu.vector_load %arg14[%parallel_loop3A_1376, %parallel_loop3A_1377] {strides = array<i32>} : memref<64x128xf32, #tpu.memory_space<vmem>>, vector<16xf32>,
        tpu.vector_store %arg14[%parallel_loop3A_1376, %parallel_loop3A_1377], %parallel_loop3A_1373 {strides = array<i32>} : memref<64x128xf32, #tpu.memory_space<vmem>>, vector<16xf32>,
        %parallel_loop3A_1379 = arith.constant 13 : i32
        %parallel_loop3A_1380 = arith.addi %parallel_loop3A_110, %parallel_loop3A_1379 : i32
        %parallel_loop3A_1381 = arith.index_cast %parallel_loop3A_1380 : i32 to index
        %parallel_loop3A_1382 = arith.constant 96 : index
        %parallel_loop3A_1383 = tpu.vector_load %arg14[%parallel_loop3A_1381, %parallel_loop3A_1382] {strides = array<i32>} : memref<64x128xf32, #tpu.memory_space<vmem>>, vector<16xf32>,
        %parallel_loop3A_1384 = arith.mulf %parallel_loop3A_1383, %parallel_loop3A_1312 : vector<16xf32>
        %parallel_loop3A_1385 = arith.constant 13 : i32
        %parallel_loop3A_1386 = arith.addi %parallel_loop3A_110, %parallel_loop3A_1385 : i32
        %parallel_loop3A_1387 = arith.index_cast %parallel_loop3A_1386 : i32 to index
        %parallel_loop3A_1388 = arith.constant 96 : index
        %parallel_loop3A_1389 = tpu.vector_load %arg14[%parallel_loop3A_1387, %parallel_loop3A_1388] {strides = array<i32>} : memref<64x128xf32, #tpu.memory_space<vmem>>, vector<16xf32>,
        tpu.vector_store %arg14[%parallel_loop3A_1387, %parallel_loop3A_1388], %parallel_loop3A_1384 {strides = array<i32>} : memref<64x128xf32, #tpu.memory_space<vmem>>, vector<16xf32>,
        %parallel_loop3A_1390 = arith.constant 13 : i32
        %parallel_loop3A_1391 = arith.addi %parallel_loop3A_110, %parallel_loop3A_1390 : i32
        %parallel_loop3A_1392 = arith.index_cast %parallel_loop3A_1391 : i32 to index
        %parallel_loop3A_1393 = arith.constant 112 : index
        %parallel_loop3A_1394 = tpu.vector_load %arg14[%parallel_loop3A_1392, %parallel_loop3A_1393] {strides = array<i32>} : memref<64x128xf32, #tpu.memory_space<vmem>>, vector<16xf32>,
        %parallel_loop3A_1395 = arith.mulf %parallel_loop3A_1394, %parallel_loop3A_1312 : vector<16xf32>
        %parallel_loop3A_1396 = arith.constant 13 : i32
        %parallel_loop3A_1397 = arith.addi %parallel_loop3A_110, %parallel_loop3A_1396 : i32
        %parallel_loop3A_1398 = arith.index_cast %parallel_loop3A_1397 : i32 to index
        %parallel_loop3A_1399 = arith.constant 112 : index
        %parallel_loop3A_1400 = tpu.vector_load %arg14[%parallel_loop3A_1398, %parallel_loop3A_1399] {strides = array<i32>} : memref<64x128xf32, #tpu.memory_space<vmem>>, vector<16xf32>,
        tpu.vector_store %arg14[%parallel_loop3A_1398, %parallel_loop3A_1399], %parallel_loop3A_1395 {strides = array<i32>} : memref<64x128xf32, #tpu.memory_space<vmem>>, vector<16xf32>,
        %parallel_loop3A_1401 = arith.constant 14 : i32
        %parallel_loop3A_1402 = vector.broadcast %parallel_loop3A_1401 : i32 to vector<16x1xi32>
        %parallel_loop3A_1403 = vector.shape_cast %parallel_loop3A_1402 : vector<16x1xi32> to vector<16xi32>
        %parallel_loop3A_1404 = tpu.dynamic_gather %parallel_loop3A_112[%parallel_loop3A_1403] in [0] : vector<16xf32>, vector<16xi32> -> vector<16xf32>
        %parallel_loop3A_1405 = arith.constant 14 : i32
        %parallel_loop3A_1406 = arith.addi %parallel_loop3A_110, %parallel_loop3A_1405 : i32
        %parallel_loop3A_1407 = arith.index_cast %parallel_loop3A_1406 : i32 to index
        %parallel_loop3A_1408 = arith.constant 0 : index
        %parallel_loop3A_1409 = tpu.vector_load %arg14[%parallel_loop3A_1407, %parallel_loop3A_1408] {strides = array<i32>} : memref<64x128xf32, #tpu.memory_space<vmem>>, vector<16xf32>,
        %parallel_loop3A_1410 = arith.mulf %parallel_loop3A_1409, %parallel_loop3A_1404 : vector<16xf32>
        %parallel_loop3A_1411 = arith.constant 14 : i32
        %parallel_loop3A_1412 = arith.addi %parallel_loop3A_110, %parallel_loop3A_1411 : i32
        %parallel_loop3A_1413 = arith.index_cast %parallel_loop3A_1412 : i32 to index
        %parallel_loop3A_1414 = arith.constant 0 : index
        %parallel_loop3A_1415 = tpu.vector_load %arg14[%parallel_loop3A_1413, %parallel_loop3A_1414] {strides = array<i32>} : memref<64x128xf32, #tpu.memory_space<vmem>>, vector<16xf32>,
        tpu.vector_store %arg14[%parallel_loop3A_1413, %parallel_loop3A_1414], %parallel_loop3A_1410 {strides = array<i32>} : memref<64x128xf32, #tpu.memory_space<vmem>>, vector<16xf32>,
        %parallel_loop3A_1416 = arith.constant 14 : i32
        %parallel_loop3A_1417 = arith.addi %parallel_loop3A_110, %parallel_loop3A_1416 : i32
        %parallel_loop3A_1418 = arith.index_cast %parallel_loop3A_1417 : i32 to index
        %parallel_loop3A_1419 = arith.constant 16 : index
        %parallel_loop3A_1420 = tpu.vector_load %arg14[%parallel_loop3A_1418, %parallel_loop3A_1419] {strides = array<i32>} : memref<64x128xf32, #tpu.memory_space<vmem>>, vector<16xf32>,
        %parallel_loop3A_1421 = arith.mulf %parallel_loop3A_1420, %parallel_loop3A_1404 : vector<16xf32>
        %parallel_loop3A_1422 = arith.constant 14 : i32
        %parallel_loop3A_1423 = arith.addi %parallel_loop3A_110, %parallel_loop3A_1422 : i32
        %parallel_loop3A_1424 = arith.index_cast %parallel_loop3A_1423 : i32 to index
        %parallel_loop3A_1425 = arith.constant 16 : index
        %parallel_loop3A_1426 = tpu.vector_load %arg14[%parallel_loop3A_1424, %parallel_loop3A_1425] {strides = array<i32>} : memref<64x128xf32, #tpu.memory_space<vmem>>, vector<16xf32>,
        tpu.vector_store %arg14[%parallel_loop3A_1424, %parallel_loop3A_1425], %parallel_loop3A_1421 {strides = array<i32>} : memref<64x128xf32, #tpu.memory_space<vmem>>, vector<16xf32>,
        %parallel_loop3A_1427 = arith.constant 14 : i32
        %parallel_loop3A_1428 = arith.addi %parallel_loop3A_110, %parallel_loop3A_1427 : i32
        %parallel_loop3A_1429 = arith.index_cast %parallel_loop3A_1428 : i32 to index
        %parallel_loop3A_1430 = arith.constant 32 : index
        %parallel_loop3A_1431 = tpu.vector_load %arg14[%parallel_loop3A_1429, %parallel_loop3A_1430] {strides = array<i32>} : memref<64x128xf32, #tpu.memory_space<vmem>>, vector<16xf32>,
        %parallel_loop3A_1432 = arith.mulf %parallel_loop3A_1431, %parallel_loop3A_1404 : vector<16xf32>
        %parallel_loop3A_1433 = arith.constant 14 : i32
        %parallel_loop3A_1434 = arith.addi %parallel_loop3A_110, %parallel_loop3A_1433 : i32
        %parallel_loop3A_1435 = arith.index_cast %parallel_loop3A_1434 : i32 to index
        %parallel_loop3A_1436 = arith.constant 32 : index
        %parallel_loop3A_1437 = tpu.vector_load %arg14[%parallel_loop3A_1435, %parallel_loop3A_1436] {strides = array<i32>} : memref<64x128xf32, #tpu.memory_space<vmem>>, vector<16xf32>,
        tpu.vector_store %arg14[%parallel_loop3A_1435, %parallel_loop3A_1436], %parallel_loop3A_1432 {strides = array<i32>} : memref<64x128xf32, #tpu.memory_space<vmem>>, vector<16xf32>,
        %parallel_loop3A_1438 = arith.constant 14 : i32
        %parallel_loop3A_1439 = arith.addi %parallel_loop3A_110, %parallel_loop3A_1438 : i32
        %parallel_loop3A_1440 = arith.index_cast %parallel_loop3A_1439 : i32 to index
        %parallel_loop3A_1441 = arith.constant 48 : index
        %parallel_loop3A_1442 = tpu.vector_load %arg14[%parallel_loop3A_1440, %parallel_loop3A_1441] {strides = array<i32>} : memref<64x128xf32, #tpu.memory_space<vmem>>, vector<16xf32>,
        %parallel_loop3A_1443 = arith.mulf %parallel_loop3A_1442, %parallel_loop3A_1404 : vector<16xf32>
        %parallel_loop3A_1444 = arith.constant 14 : i32
        %parallel_loop3A_1445 = arith.addi %parallel_loop3A_110, %parallel_loop3A_1444 : i32
        %parallel_loop3A_1446 = arith.index_cast %parallel_loop3A_1445 : i32 to index
        %parallel_loop3A_1447 = arith.constant 48 : index
        %parallel_loop3A_1448 = tpu.vector_load %arg14[%parallel_loop3A_1446, %parallel_loop3A_1447] {strides = array<i32>} : memref<64x128xf32, #tpu.memory_space<vmem>>, vector<16xf32>,
        tpu.vector_store %arg14[%parallel_loop3A_1446, %parallel_loop3A_1447], %parallel_loop3A_1443 {strides = array<i32>} : memref<64x128xf32, #tpu.memory_space<vmem>>, vector<16xf32>,
        %parallel_loop3A_1449 = arith.constant 14 : i32
        %parallel_loop3A_1450 = arith.addi %parallel_loop3A_110, %parallel_loop3A_1449 : i32
        %parallel_loop3A_1451 = arith.index_cast %parallel_loop3A_1450 : i32 to index
        %parallel_loop3A_1452 = arith.constant 64 : index
        %parallel_loop3A_1453 = tpu.vector_load %arg14[%parallel_loop3A_1451, %parallel_loop3A_1452] {strides = array<i32>} : memref<64x128xf32, #tpu.memory_space<vmem>>, vector<16xf32>,
        %parallel_loop3A_1454 = arith.mulf %parallel_loop3A_1453, %parallel_loop3A_1404 : vector<16xf32>
        %parallel_loop3A_1455 = arith.constant 14 : i32
        %parallel_loop3A_1456 = arith.addi %parallel_loop3A_110, %parallel_loop3A_1455 : i32
        %parallel_loop3A_1457 = arith.index_cast %parallel_loop3A_1456 : i32 to index
        %parallel_loop3A_1458 = arith.constant 64 : index
        %parallel_loop3A_1459 = tpu.vector_load %arg14[%parallel_loop3A_1457, %parallel_loop3A_1458] {strides = array<i32>} : memref<64x128xf32, #tpu.memory_space<vmem>>, vector<16xf32>,
        tpu.vector_store %arg14[%parallel_loop3A_1457, %parallel_loop3A_1458], %parallel_loop3A_1454 {strides = array<i32>} : memref<64x128xf32, #tpu.memory_space<vmem>>, vector<16xf32>,
        %parallel_loop3A_1460 = arith.constant 14 : i32
        %parallel_loop3A_1461 = arith.addi %parallel_loop3A_110, %parallel_loop3A_1460 : i32
        %parallel_loop3A_1462 = arith.index_cast %parallel_loop3A_1461 : i32 to index
        %parallel_loop3A_1463 = arith.constant 80 : index
        %parallel_loop3A_1464 = tpu.vector_load %arg14[%parallel_loop3A_1462, %parallel_loop3A_1463] {strides = array<i32>} : memref<64x128xf32, #tpu.memory_space<vmem>>, vector<16xf32>,
        %parallel_loop3A_1465 = arith.mulf %parallel_loop3A_1464, %parallel_loop3A_1404 : vector<16xf32>
        %parallel_loop3A_1466 = arith.constant 14 : i32
        %parallel_loop3A_1467 = arith.addi %parallel_loop3A_110, %parallel_loop3A_1466 : i32
        %parallel_loop3A_1468 = arith.index_cast %parallel_loop3A_1467 : i32 to index
        %parallel_loop3A_1469 = arith.constant 80 : index
        %parallel_loop3A_1470 = tpu.vector_load %arg14[%parallel_loop3A_1468, %parallel_loop3A_1469] {strides = array<i32>} : memref<64x128xf32, #tpu.memory_space<vmem>>, vector<16xf32>,
        tpu.vector_store %arg14[%parallel_loop3A_1468, %parallel_loop3A_1469], %parallel_loop3A_1465 {strides = array<i32>} : memref<64x128xf32, #tpu.memory_space<vmem>>, vector<16xf32>,
        %parallel_loop3A_1471 = arith.constant 14 : i32
        %parallel_loop3A_1472 = arith.addi %parallel_loop3A_110, %parallel_loop3A_1471 : i32
        %parallel_loop3A_1473 = arith.index_cast %parallel_loop3A_1472 : i32 to index
        %parallel_loop3A_1474 = arith.constant 96 : index
        %parallel_loop3A_1475 = tpu.vector_load %arg14[%parallel_loop3A_1473, %parallel_loop3A_1474] {strides = array<i32>} : memref<64x128xf32, #tpu.memory_space<vmem>>, vector<16xf32>,
        %parallel_loop3A_1476 = arith.mulf %parallel_loop3A_1475, %parallel_loop3A_1404 : vector<16xf32>
        %parallel_loop3A_1477 = arith.constant 14 : i32
        %parallel_loop3A_1478 = arith.addi %parallel_loop3A_110, %parallel_loop3A_1477 : i32
        %parallel_loop3A_1479 = arith.index_cast %parallel_loop3A_1478 : i32 to index
        %parallel_loop3A_1480 = arith.constant 96 : index
        %parallel_loop3A_1481 = tpu.vector_load %arg14[%parallel_loop3A_1479, %parallel_loop3A_1480] {strides = array<i32>} : memref<64x128xf32, #tpu.memory_space<vmem>>, vector<16xf32>,
        tpu.vector_store %arg14[%parallel_loop3A_1479, %parallel_loop3A_1480], %parallel_loop3A_1476 {strides = array<i32>} : memref<64x128xf32, #tpu.memory_space<vmem>>, vector<16xf32>,
        %parallel_loop3A_1482 = arith.constant 14 : i32
        %parallel_loop3A_1483 = arith.addi %parallel_loop3A_110, %parallel_loop3A_1482 : i32
        %parallel_loop3A_1484 = arith.index_cast %parallel_loop3A_1483 : i32 to index
        %parallel_loop3A_1485 = arith.constant 112 : index
        %parallel_loop3A_1486 = tpu.vector_load %arg14[%parallel_loop3A_1484, %parallel_loop3A_1485] {strides = array<i32>} : memref<64x128xf32, #tpu.memory_space<vmem>>, vector<16xf32>,
        %parallel_loop3A_1487 = arith.mulf %parallel_loop3A_1486, %parallel_loop3A_1404 : vector<16xf32>
        %parallel_loop3A_1488 = arith.constant 14 : i32
        %parallel_loop3A_1489 = arith.addi %parallel_loop3A_110, %parallel_loop3A_1488 : i32
        %parallel_loop3A_1490 = arith.index_cast %parallel_loop3A_1489 : i32 to index
        %parallel_loop3A_1491 = arith.constant 112 : index
        %parallel_loop3A_1492 = tpu.vector_load %arg14[%parallel_loop3A_1490, %parallel_loop3A_1491] {strides = array<i32>} : memref<64x128xf32, #tpu.memory_space<vmem>>, vector<16xf32>,
        tpu.vector_store %arg14[%parallel_loop3A_1490, %parallel_loop3A_1491], %parallel_loop3A_1487 {strides = array<i32>} : memref<64x128xf32, #tpu.memory_space<vmem>>, vector<16xf32>,
        %parallel_loop3A_1493 = arith.constant 15 : i32
        %parallel_loop3A_1494 = vector.broadcast %parallel_loop3A_1493 : i32 to vector<16x1xi32>
        %parallel_loop3A_1495 = vector.shape_cast %parallel_loop3A_1494 : vector<16x1xi32> to vector<16xi32>
        %parallel_loop3A_1496 = tpu.dynamic_gather %parallel_loop3A_112[%parallel_loop3A_1495] in [0] : vector<16xf32>, vector<16xi32> -> vector<16xf32>
        %parallel_loop3A_1497 = arith.constant 15 : i32
        %parallel_loop3A_1498 = arith.addi %parallel_loop3A_110, %parallel_loop3A_1497 : i32
        %parallel_loop3A_1499 = arith.index_cast %parallel_loop3A_1498 : i32 to index
        %parallel_loop3A_1500 = arith.constant 0 : index
        %parallel_loop3A_1501 = tpu.vector_load %arg14[%parallel_loop3A_1499, %parallel_loop3A_1500] {strides = array<i32>} : memref<64x128xf32, #tpu.memory_space<vmem>>, vector<16xf32>,
        %parallel_loop3A_1502 = arith.mulf %parallel_loop3A_1501, %parallel_loop3A_1496 : vector<16xf32>
        %parallel_loop3A_1503 = arith.constant 15 : i32
        %parallel_loop3A_1504 = arith.addi %parallel_loop3A_110, %parallel_loop3A_1503 : i32
        %parallel_loop3A_1505 = arith.index_cast %parallel_loop3A_1504 : i32 to index
        %parallel_loop3A_1506 = arith.constant 0 : index
        %parallel_loop3A_1507 = tpu.vector_load %arg14[%parallel_loop3A_1505, %parallel_loop3A_1506] {strides = array<i32>} : memref<64x128xf32, #tpu.memory_space<vmem>>, vector<16xf32>,
        tpu.vector_store %arg14[%parallel_loop3A_1505, %parallel_loop3A_1506], %parallel_loop3A_1502 {strides = array<i32>} : memref<64x128xf32, #tpu.memory_space<vmem>>, vector<16xf32>,
        %parallel_loop3A_1508 = arith.constant 15 : i32
        %parallel_loop3A_1509 = arith.addi %parallel_loop3A_110, %parallel_loop3A_1508 : i32
        %parallel_loop3A_1510 = arith.index_cast %parallel_loop3A_1509 : i32 to index
        %parallel_loop3A_1511 = arith.constant 16 : index
        %parallel_loop3A_1512 = tpu.vector_load %arg14[%parallel_loop3A_1510, %parallel_loop3A_1511] {strides = array<i32>} : memref<64x128xf32, #tpu.memory_space<vmem>>, vector<16xf32>,
        %parallel_loop3A_1513 = arith.mulf %parallel_loop3A_1512, %parallel_loop3A_1496 : vector<16xf32>
        %parallel_loop3A_1514 = arith.constant 15 : i32
        %parallel_loop3A_1515 = arith.addi %parallel_loop3A_110, %parallel_loop3A_1514 : i32
        %parallel_loop3A_1516 = arith.index_cast %parallel_loop3A_1515 : i32 to index
        %parallel_loop3A_1517 = arith.constant 16 : index
        %parallel_loop3A_1518 = tpu.vector_load %arg14[%parallel_loop3A_1516, %parallel_loop3A_1517] {strides = array<i32>} : memref<64x128xf32, #tpu.memory_space<vmem>>, vector<16xf32>,
        tpu.vector_store %arg14[%parallel_loop3A_1516, %parallel_loop3A_1517], %parallel_loop3A_1513 {strides = array<i32>} : memref<64x128xf32, #tpu.memory_space<vmem>>, vector<16xf32>,
        %parallel_loop3A_1519 = arith.constant 15 : i32
        %parallel_loop3A_1520 = arith.addi %parallel_loop3A_110, %parallel_loop3A_1519 : i32
        %parallel_loop3A_1521 = arith.index_cast %parallel_loop3A_1520 : i32 to index
        %parallel_loop3A_1522 = arith.constant 32 : index
        %parallel_loop3A_1523 = tpu.vector_load %arg14[%parallel_loop3A_1521, %parallel_loop3A_1522] {strides = array<i32>} : memref<64x128xf32, #tpu.memory_space<vmem>>, vector<16xf32>,
        %parallel_loop3A_1524 = arith.mulf %parallel_loop3A_1523, %parallel_loop3A_1496 : vector<16xf32>
        %parallel_loop3A_1525 = arith.constant 15 : i32
        %parallel_loop3A_1526 = arith.addi %parallel_loop3A_110, %parallel_loop3A_1525 : i32
        %parallel_loop3A_1527 = arith.index_cast %parallel_loop3A_1526 : i32 to index
        %parallel_loop3A_1528 = arith.constant 32 : index
        %parallel_loop3A_1529 = tpu.vector_load %arg14[%parallel_loop3A_1527, %parallel_loop3A_1528] {strides = array<i32>} : memref<64x128xf32, #tpu.memory_space<vmem>>, vector<16xf32>,
        tpu.vector_store %arg14[%parallel_loop3A_1527, %parallel_loop3A_1528], %parallel_loop3A_1524 {strides = array<i32>} : memref<64x128xf32, #tpu.memory_space<vmem>>, vector<16xf32>,
        %parallel_loop3A_1530 = arith.constant 15 : i32
        %parallel_loop3A_1531 = arith.addi %parallel_loop3A_110, %parallel_loop3A_1530 : i32
        %parallel_loop3A_1532 = arith.index_cast %parallel_loop3A_1531 : i32 to index
        %parallel_loop3A_1533 = arith.constant 48 : index
        %parallel_loop3A_1534 = tpu.vector_load %arg14[%parallel_loop3A_1532, %parallel_loop3A_1533] {strides = array<i32>} : memref<64x128xf32, #tpu.memory_space<vmem>>, vector<16xf32>,
        %parallel_loop3A_1535 = arith.mulf %parallel_loop3A_1534, %parallel_loop3A_1496 : vector<16xf32>
        %parallel_loop3A_1536 = arith.constant 15 : i32
        %parallel_loop3A_1537 = arith.addi %parallel_loop3A_110, %parallel_loop3A_1536 : i32
        %parallel_loop3A_1538 = arith.index_cast %parallel_loop3A_1537 : i32 to index
        %parallel_loop3A_1539 = arith.constant 48 : index
        %parallel_loop3A_1540 = tpu.vector_load %arg14[%parallel_loop3A_1538, %parallel_loop3A_1539] {strides = array<i32>} : memref<64x128xf32, #tpu.memory_space<vmem>>, vector<16xf32>,
        tpu.vector_store %arg14[%parallel_loop3A_1538, %parallel_loop3A_1539], %parallel_loop3A_1535 {strides = array<i32>} : memref<64x128xf32, #tpu.memory_space<vmem>>, vector<16xf32>,
        %parallel_loop3A_1541 = arith.constant 15 : i32
        %parallel_loop3A_1542 = arith.addi %parallel_loop3A_110, %parallel_loop3A_1541 : i32
        %parallel_loop3A_1543 = arith.index_cast %parallel_loop3A_1542 : i32 to index
        %parallel_loop3A_1544 = arith.constant 64 : index
        %parallel_loop3A_1545 = tpu.vector_load %arg14[%parallel_loop3A_1543, %parallel_loop3A_1544] {strides = array<i32>} : memref<64x128xf32, #tpu.memory_space<vmem>>, vector<16xf32>,
        %parallel_loop3A_1546 = arith.mulf %parallel_loop3A_1545, %parallel_loop3A_1496 : vector<16xf32>
        %parallel_loop3A_1547 = arith.constant 15 : i32
        %parallel_loop3A_1548 = arith.addi %parallel_loop3A_110, %parallel_loop3A_1547 : i32
        %parallel_loop3A_1549 = arith.index_cast %parallel_loop3A_1548 : i32 to index
        %parallel_loop3A_1550 = arith.constant 64 : index
        %parallel_loop3A_1551 = tpu.vector_load %arg14[%parallel_loop3A_1549, %parallel_loop3A_1550] {strides = array<i32>} : memref<64x128xf32, #tpu.memory_space<vmem>>, vector<16xf32>,
        tpu.vector_store %arg14[%parallel_loop3A_1549, %parallel_loop3A_1550], %parallel_loop3A_1546 {strides = array<i32>} : memref<64x128xf32, #tpu.memory_space<vmem>>, vector<16xf32>,
        %parallel_loop3A_1552 = arith.constant 15 : i32
        %parallel_loop3A_1553 = arith.addi %parallel_loop3A_110, %parallel_loop3A_1552 : i32
        %parallel_loop3A_1554 = arith.index_cast %parallel_loop3A_1553 : i32 to index
        %parallel_loop3A_1555 = arith.constant 80 : index
        %parallel_loop3A_1556 = tpu.vector_load %arg14[%parallel_loop3A_1554, %parallel_loop3A_1555] {strides = array<i32>} : memref<64x128xf32, #tpu.memory_space<vmem>>, vector<16xf32>,
        %parallel_loop3A_1557 = arith.mulf %parallel_loop3A_1556, %parallel_loop3A_1496 : vector<16xf32>
        %parallel_loop3A_1558 = arith.constant 15 : i32
        %parallel_loop3A_1559 = arith.addi %parallel_loop3A_110, %parallel_loop3A_1558 : i32
        %parallel_loop3A_1560 = arith.index_cast %parallel_loop3A_1559 : i32 to index
        %parallel_loop3A_1561 = arith.constant 80 : index
        %parallel_loop3A_1562 = tpu.vector_load %arg14[%parallel_loop3A_1560, %parallel_loop3A_1561] {strides = array<i32>} : memref<64x128xf32, #tpu.memory_space<vmem>>, vector<16xf32>,
        tpu.vector_store %arg14[%parallel_loop3A_1560, %parallel_loop3A_1561], %parallel_loop3A_1557 {strides = array<i32>} : memref<64x128xf32, #tpu.memory_space<vmem>>, vector<16xf32>,
        %parallel_loop3A_1563 = arith.constant 15 : i32
        %parallel_loop3A_1564 = arith.addi %parallel_loop3A_110, %parallel_loop3A_1563 : i32
        %parallel_loop3A_1565 = arith.index_cast %parallel_loop3A_1564 : i32 to index
        %parallel_loop3A_1566 = arith.constant 96 : index
        %parallel_loop3A_1567 = tpu.vector_load %arg14[%parallel_loop3A_1565, %parallel_loop3A_1566] {strides = array<i32>} : memref<64x128xf32, #tpu.memory_space<vmem>>, vector<16xf32>,
        %parallel_loop3A_1568 = arith.mulf %parallel_loop3A_1567, %parallel_loop3A_1496 : vector<16xf32>
        %parallel_loop3A_1569 = arith.constant 15 : i32
        %parallel_loop3A_1570 = arith.addi %parallel_loop3A_110, %parallel_loop3A_1569 : i32
        %parallel_loop3A_1571 = arith.index_cast %parallel_loop3A_1570 : i32 to index
        %parallel_loop3A_1572 = arith.constant 96 : index
        %parallel_loop3A_1573 = tpu.vector_load %arg14[%parallel_loop3A_1571, %parallel_loop3A_1572] {strides = array<i32>} : memref<64x128xf32, #tpu.memory_space<vmem>>, vector<16xf32>,
        tpu.vector_store %arg14[%parallel_loop3A_1571, %parallel_loop3A_1572], %parallel_loop3A_1568 {strides = array<i32>} : memref<64x128xf32, #tpu.memory_space<vmem>>, vector<16xf32>,
        %parallel_loop3A_1574 = arith.constant 15 : i32
        %parallel_loop3A_1575 = arith.addi %parallel_loop3A_110, %parallel_loop3A_1574 : i32
        %parallel_loop3A_1576 = arith.index_cast %parallel_loop3A_1575 : i32 to index
        %parallel_loop3A_1577 = arith.constant 112 : index
        %parallel_loop3A_1578 = tpu.vector_load %arg14[%parallel_loop3A_1576, %parallel_loop3A_1577] {strides = array<i32>} : memref<64x128xf32, #tpu.memory_space<vmem>>, vector<16xf32>,
        %parallel_loop3A_1579 = arith.mulf %parallel_loop3A_1578, %parallel_loop3A_1496 : vector<16xf32>
        %parallel_loop3A_1580 = arith.constant 15 : i32
        %parallel_loop3A_1581 = arith.addi %parallel_loop3A_110, %parallel_loop3A_1580 : i32
        %parallel_loop3A_1582 = arith.index_cast %parallel_loop3A_1581 : i32 to index
        %parallel_loop3A_1583 = arith.constant 112 : index
        %parallel_loop3A_1584 = tpu.vector_load %arg14[%parallel_loop3A_1582, %parallel_loop3A_1583] {strides = array<i32>} : memref<64x128xf32, #tpu.memory_space<vmem>>, vector<16xf32>,
        tpu.vector_store %arg14[%parallel_loop3A_1582, %parallel_loop3A_1583], %parallel_loop3A_1579 {strides = array<i32>} : memref<64x128xf32, #tpu.memory_space<vmem>>, vector<16xf32>,
      } {sc.loop_unroll_factor = 2 : i64, sc.parallel_access}
      %dma_start3A_59 = arith.constant 0 : i32
      %dma_start3A_60 = arith.constant 0 : i32
      %dma_start3A_61 = arith.constant 0 : i32
      %dma_start3A_62 = tpu.memref_slice %arg10[%dma_start3A_59, %dma_start3A_60, %dma_start3A_61] : memref<2x1x64xi32, #tpu.memory_space<vmem>> -> memref<1x1x64xi32, #tpu.memory_space<vmem>>
      %dma_start3A_63 = tpu.memref_squeeze %dma_start3A_62 : memref<1x1x64xi32, #tpu.memory_space<vmem>> -> memref<64xi32, #tpu.memory_space<vmem>>
      %dma_start3A_64 = arith.constant 0 : i32
      %dma_start3A_65 = arith.constant 0 : i32
      %dma_start3A_66 = tpu.memref_slice %arg17[%dma_start3A_64, %dma_start3A_65] : memref<10240x128xf32, #tpu.memory_space<vmem_shared>> -> memref<10240x128xf32, #tpu.memory_space<vmem_shared>>
      tpu.enqueue_indirect_dma source(%arg14 : memref<64x128xf32, #tpu.memory_space<vmem>>) target(%dma_start3A_66 : memref<10240x128xf32, #tpu.memory_space<vmem_shared>>) offsets(%dma_start3A_63 : memref<64xi32, #tpu.memory_space<vmem>>) semaphore(%arg20 : memref<!tpu.dma_semaphore, #tpu.memory_space<semaphore_mem>>) {add = true}
      %add3A_67 = arith.constant 2 : i32
      %add3A_68 = arith.addi %add3A_44, %add3A_67 : i32
      %lt3A = arith.constant 162 : i32
      %lt3A_69 = arith.cmpi slt, %add3A_68, %lt3A : i32
      %convert_element_type3A = arith.extui %lt3A_69 : i1 to i32
      %cond3A = arith.constant 0 : i32
      %cond3A_70 = arith.cmpi ne, %convert_element_type3A, %cond3A : i32
      scf.if %cond3A_70 {
        %add3A_110 = arith.constant 2 : i32
        %add3A_111 = arith.addi %add3A_44, %add3A_110 : i32
        %mul3A_112 = arith.constant 32 : i32
        %mul3A_113 = arith.muli %add3A_111, %mul3A_112 : i32
        %add3A_114 = arith.addi %mul3A_113, %add3A : i32
        "tpu.region"() ({
          %run_scoped3A_225 = tpu.sem_alloc : memref<!tpu.dma_semaphore, #tpu.memory_space<semaphore_mem>>
          %dma_start3A_226 = arith.constant 0 : i32
          %dma_start3A_227 = arith.constant 0 : i32
          %dma_start3A_228 = arith.constant 0 : i32
          %dma_start3A_229 = tpu.memref_slice %arg4[%add3A_114, %dma_start3A_226, %dma_start3A_227, %dma_start3A_228] : memref<5184x2x1x64xi32, #tpu.memory_space<hbm>> -> memref<1x2x1x64xi32, #tpu.memory_space<hbm>>
          %dma_start3A_230 = tpu.memref_squeeze %dma_start3A_229 : memref<1x2x1x64xi32, #tpu.memory_space<hbm>> -> memref<2x1x64xi32, #tpu.memory_space<hbm>>
          %dma_start3A_231 = arith.constant 0 : i32
          %dma_start3A_232 = arith.constant 0 : i32
          %dma_start3A_233 = arith.constant 0 : i32
          %dma_start3A_234 = tpu.memref_slice %arg4[%add3A_114, %dma_start3A_231, %dma_start3A_232, %dma_start3A_233] : memref<5184x2x1x64xi32, #tpu.memory_space<hbm>> -> memref<1x2x1x64xi32, #tpu.memory_space<hbm>>
          %dma_start3A_235 = tpu.memref_squeeze %dma_start3A_234 : memref<1x2x1x64xi32, #tpu.memory_space<hbm>> -> memref<2x1x64xi32, #tpu.memory_space<hbm>>
          tpu.enqueue_dma source(%dma_start3A_235 : memref<2x1x64xi32, #tpu.memory_space<hbm>>) target(%arg12 : memref<2x1x64xi32, #tpu.memory_space<vmem>>) target_semaphore(%run_scoped3A_225 : memref<!tpu.dma_semaphore, #tpu.memory_space<semaphore_mem>>)
          %dma_wait3A_236 = arith.constant 0 : i32
          %dma_wait3A_237 = arith.constant 0 : i32
          %dma_wait3A_238 = arith.constant 0 : i32
          %dma_wait3A_239 = tpu.memref_slice %arg4[%add3A_114, %dma_wait3A_236, %dma_wait3A_237, %dma_wait3A_238] : memref<5184x2x1x64xi32, #tpu.memory_space<hbm>> -> memref<1x2x1x64xi32, #tpu.memory_space<hbm>>
          %dma_wait3A_240 = tpu.memref_squeeze %dma_wait3A_239 : memref<1x2x1x64xi32, #tpu.memory_space<hbm>> -> memref<2x1x64xi32, #tpu.memory_space<hbm>>
          %dma_wait3A_241 = arith.constant 0 : i32
          %dma_wait3A_242 = arith.constant 0 : i32
          %dma_wait3A_243 = arith.constant 0 : i32
          %dma_wait3A_244 = tpu.memref_slice %arg4[%add3A_114, %dma_wait3A_241, %dma_wait3A_242, %dma_wait3A_243] : memref<5184x2x1x64xi32, #tpu.memory_space<hbm>> -> memref<1x2x1x64xi32, #tpu.memory_space<hbm>>
          %dma_wait3A_245 = tpu.memref_squeeze %dma_wait3A_244 : memref<1x2x1x64xi32, #tpu.memory_space<hbm>> -> memref<2x1x64xi32, #tpu.memory_space<hbm>>
          tpu.wait_dma2 semaphore(%run_scoped3A_225 : memref<!tpu.dma_semaphore, #tpu.memory_space<semaphore_mem>>) src(%dma_wait3A_245 : memref<2x1x64xi32, #tpu.memory_space<hbm>>) dst(%arg12 : memref<2x1x64xi32, #tpu.memory_space<vmem>>)
          tpu.yield
        }) : () -> ()
        %dma_wait3A_115 = arith.constant 0 : i32
        %dma_wait3A_116 = arith.constant 0 : i32
        %dma_wait3A_117 = arith.constant 0 : i32
        %dma_wait3A_118 = tpu.memref_slice %arg10[%dma_wait3A_115, %dma_wait3A_116, %dma_wait3A_117] : memref<2x1x64xi32, #tpu.memory_space<vmem>> -> memref<1x1x64xi32, #tpu.memory_space<vmem>>
        %dma_wait3A_119 = tpu.memref_squeeze %dma_wait3A_118 : memref<1x1x64xi32, #tpu.memory_space<vmem>> -> memref<64xi32, #tpu.memory_space<vmem>>
        %dma_wait3A_120 = arith.constant 0 : i32
        %dma_wait3A_121 = arith.constant 0 : i32
        %dma_wait3A_122 = tpu.memref_slice %arg17[%dma_wait3A_120, %dma_wait3A_121] : memref<10240x128xf32, #tpu.memory_space<vmem_shared>> -> memref<10240x128xf32, #tpu.memory_space<vmem_shared>>
        tpu.wait_indirect_dma semaphore(%arg20 : memref<!tpu.dma_semaphore, #tpu.memory_space<semaphore_mem>>) src(%arg14 : memref<64x128xf32, #tpu.memory_space<vmem>>) dst(%dma_wait3A_122 : memref<10240x128xf32, #tpu.memory_space<vmem_shared>>)
        %get3A = arith.constant 0 : i32
        %get3A_123 = arith.constant 0 : i32
        %get3A_124 = arith.index_cast %get3A : i32 to index
        %get3A_125 = arith.index_cast %get3A_123 : i32 to index
        %get3A_126 = arith.constant 0 : index
        %get3A_127 = tpu.vector_load %arg12[%get3A_124, %get3A_125, %get3A_126] {strides = array<i32>} : memref<2x1x64xi32, #tpu.memory_space<vmem>>, vector<16xi32>,
        %swap3A = arith.constant 0 : i32
        %swap3A_128 = arith.constant 0 : i32
        %swap3A_129 = arith.index_cast %swap3A : i32 to index
        %swap3A_130 = arith.index_cast %swap3A_128 : i32 to index
        %swap3A_131 = arith.constant 0 : index
        %swap3A_132 = tpu.vector_load %arg10[%swap3A_129, %swap3A_130, %swap3A_131] {strides = array<i32>} : memref<2x1x64xi32, #tpu.memory_space<vmem>>, vector<16xi32>,
        tpu.vector_store %arg10[%swap3A_129, %swap3A_130, %swap3A_131], %get3A_127 {strides = array<i32>} : memref<2x1x64xi32, #tpu.memory_space<vmem>>, vector<16xi32>,
        %get3A_133 = arith.constant 0 : i32
        %get3A_134 = arith.constant 0 : i32
        %get3A_135 = arith.index_cast %get3A_133 : i32 to index
        %get3A_136 = arith.index_cast %get3A_134 : i32 to index
        %get3A_137 = arith.constant 16 : index
        %get3A_138 = tpu.vector_load %arg12[%get3A_135, %get3A_136, %get3A_137] {strides = array<i32>} : memref<2x1x64xi32, #tpu.memory_space<vmem>>, vector<16xi32>,
        %swap3A_139 = arith.constant 0 : i32
        %swap3A_140 = arith.constant 0 : i32
        %swap3A_141 = arith.index_cast %swap3A_139 : i32 to index
        %swap3A_142 = arith.index_cast %swap3A_140 : i32 to index
        %swap3A_143 = arith.constant 16 : index
        %swap3A_144 = tpu.vector_load %arg10[%swap3A_141, %swap3A_142, %swap3A_143] {strides = array<i32>} : memref<2x1x64xi32, #tpu.memory_space<vmem>>, vector<16xi32>,
        tpu.vector_store %arg10[%swap3A_141, %swap3A_142, %swap3A_143], %get3A_138 {strides = array<i32>} : memref<2x1x64xi32, #tpu.memory_space<vmem>>, vector<16xi32>,
        %get3A_145 = arith.constant 0 : i32
        %get3A_146 = arith.constant 0 : i32
        %get3A_147 = arith.index_cast %get3A_145 : i32 to index
        %get3A_148 = arith.index_cast %get3A_146 : i32 to index
        %get3A_149 = arith.constant 32 : index
        %get3A_150 = tpu.vector_load %arg12[%get3A_147, %get3A_148, %get3A_149] {strides = array<i32>} : memref<2x1x64xi32, #tpu.memory_space<vmem>>, vector<16xi32>,
        %swap3A_151 = arith.constant 0 : i32
        %swap3A_152 = arith.constant 0 : i32
        %swap3A_153 = arith.index_cast %swap3A_151 : i32 to index
        %swap3A_154 = arith.index_cast %swap3A_152 : i32 to index
        %swap3A_155 = arith.constant 32 : index
        %swap3A_156 = tpu.vector_load %arg10[%swap3A_153, %swap3A_154, %swap3A_155] {strides = array<i32>} : memref<2x1x64xi32, #tpu.memory_space<vmem>>, vector<16xi32>,
        tpu.vector_store %arg10[%swap3A_153, %swap3A_154, %swap3A_155], %get3A_150 {strides = array<i32>} : memref<2x1x64xi32, #tpu.memory_space<vmem>>, vector<16xi32>,
        %get3A_157 = arith.constant 0 : i32
        %get3A_158 = arith.constant 0 : i32
        %get3A_159 = arith.index_cast %get3A_157 : i32 to index
        %get3A_160 = arith.index_cast %get3A_158 : i32 to index
        %get3A_161 = arith.constant 48 : index
        %get3A_162 = tpu.vector_load %arg12[%get3A_159, %get3A_160, %get3A_161] {strides = array<i32>} : memref<2x1x64xi32, #tpu.memory_space<vmem>>, vector<16xi32>,
        %swap3A_163 = arith.constant 0 : i32
        %swap3A_164 = arith.constant 0 : i32
        %swap3A_165 = arith.index_cast %swap3A_163 : i32 to index
        %swap3A_166 = arith.index_cast %swap3A_164 : i32 to index
        %swap3A_167 = arith.constant 48 : index
        %swap3A_168 = tpu.vector_load %arg10[%swap3A_165, %swap3A_166, %swap3A_167] {strides = array<i32>} : memref<2x1x64xi32, #tpu.memory_space<vmem>>, vector<16xi32>,
        tpu.vector_store %arg10[%swap3A_165, %swap3A_166, %swap3A_167], %get3A_162 {strides = array<i32>} : memref<2x1x64xi32, #tpu.memory_space<vmem>>, vector<16xi32>,
        %get3A_169 = arith.constant 1 : i32
        %get3A_170 = arith.constant 0 : i32
        %get3A_171 = arith.index_cast %get3A_169 : i32 to index
        %get3A_172 = arith.index_cast %get3A_170 : i32 to index
        %get3A_173 = arith.constant 0 : index
        %get3A_174 = tpu.vector_load %arg12[%get3A_171, %get3A_172, %get3A_173] {strides = array<i32>} : memref<2x1x64xi32, #tpu.memory_space<vmem>>, vector<16xi32>,
        %swap3A_175 = arith.constant 1 : i32
        %swap3A_176 = arith.constant 0 : i32
        %swap3A_177 = arith.index_cast %swap3A_175 : i32 to index
        %swap3A_178 = arith.index_cast %swap3A_176 : i32 to index
        %swap3A_179 = arith.constant 0 : index
        %swap3A_180 = tpu.vector_load %arg10[%swap3A_177, %swap3A_178, %swap3A_179] {strides = array<i32>} : memref<2x1x64xi32, #tpu.memory_space<vmem>>, vector<16xi32>,
        tpu.vector_store %arg10[%swap3A_177, %swap3A_178, %swap3A_179], %get3A_174 {strides = array<i32>} : memref<2x1x64xi32, #tpu.memory_space<vmem>>, vector<16xi32>,
        %get3A_181 = arith.constant 1 : i32
        %get3A_182 = arith.constant 0 : i32
        %get3A_183 = arith.index_cast %get3A_181 : i32 to index
        %get3A_184 = arith.index_cast %get3A_182 : i32 to index
        %get3A_185 = arith.constant 16 : index
        %get3A_186 = tpu.vector_load %arg12[%get3A_183, %get3A_184, %get3A_185] {strides = array<i32>} : memref<2x1x64xi32, #tpu.memory_space<vmem>>, vector<16xi32>,
        %swap3A_187 = arith.constant 1 : i32
        %swap3A_188 = arith.constant 0 : i32
        %swap3A_189 = arith.index_cast %swap3A_187 : i32 to index
        %swap3A_190 = arith.index_cast %swap3A_188 : i32 to index
        %swap3A_191 = arith.constant 16 : index
        %swap3A_192 = tpu.vector_load %arg10[%swap3A_189, %swap3A_190, %swap3A_191] {strides = array<i32>} : memref<2x1x64xi32, #tpu.memory_space<vmem>>, vector<16xi32>,
        tpu.vector_store %arg10[%swap3A_189, %swap3A_190, %swap3A_191], %get3A_186 {strides = array<i32>} : memref<2x1x64xi32, #tpu.memory_space<vmem>>, vector<16xi32>,
        %get3A_193 = arith.constant 1 : i32
        %get3A_194 = arith.constant 0 : i32
        %get3A_195 = arith.index_cast %get3A_193 : i32 to index
        %get3A_196 = arith.index_cast %get3A_194 : i32 to index
        %get3A_197 = arith.constant 32 : index
        %get3A_198 = tpu.vector_load %arg12[%get3A_195, %get3A_196, %get3A_197] {strides = array<i32>} : memref<2x1x64xi32, #tpu.memory_space<vmem>>, vector<16xi32>,
        %swap3A_199 = arith.constant 1 : i32
        %swap3A_200 = arith.constant 0 : i32
        %swap3A_201 = arith.index_cast %swap3A_199 : i32 to index
        %swap3A_202 = arith.index_cast %swap3A_200 : i32 to index
        %swap3A_203 = arith.constant 32 : index
        %swap3A_204 = tpu.vector_load %arg10[%swap3A_201, %swap3A_202, %swap3A_203] {strides = array<i32>} : memref<2x1x64xi32, #tpu.memory_space<vmem>>, vector<16xi32>,
        tpu.vector_store %arg10[%swap3A_201, %swap3A_202, %swap3A_203], %get3A_198 {strides = array<i32>} : memref<2x1x64xi32, #tpu.memory_space<vmem>>, vector<16xi32>,
        %get3A_205 = arith.constant 1 : i32
        %get3A_206 = arith.constant 0 : i32
        %get3A_207 = arith.index_cast %get3A_205 : i32 to index
        %get3A_208 = arith.index_cast %get3A_206 : i32 to index
        %get3A_209 = arith.constant 48 : index
        %get3A_210 = tpu.vector_load %arg12[%get3A_207, %get3A_208, %get3A_209] {strides = array<i32>} : memref<2x1x64xi32, #tpu.memory_space<vmem>>, vector<16xi32>,
        %swap3A_211 = arith.constant 1 : i32
        %swap3A_212 = arith.constant 0 : i32
        %swap3A_213 = arith.index_cast %swap3A_211 : i32 to index
        %swap3A_214 = arith.index_cast %swap3A_212 : i32 to index
        %swap3A_215 = arith.constant 48 : index
        %swap3A_216 = tpu.vector_load %arg10[%swap3A_213, %swap3A_214, %swap3A_215] {strides = array<i32>} : memref<2x1x64xi32, #tpu.memory_space<vmem>>, vector<16xi32>,
        tpu.vector_store %arg10[%swap3A_213, %swap3A_214, %swap3A_215], %get3A_210 {strides = array<i32>} : memref<2x1x64xi32, #tpu.memory_space<vmem>>, vector<16xi32>,
        %dma_start3A_217 = arith.constant 1 : i32
        %dma_start3A_218 = arith.constant 0 : i32
        %dma_start3A_219 = arith.constant 0 : i32
        %dma_start3A_220 = tpu.memref_slice %arg10[%dma_start3A_217, %dma_start3A_218, %dma_start3A_219] : memref<2x1x64xi32, #tpu.memory_space<vmem>> -> memref<1x1x64xi32, #tpu.memory_space<vmem>>
        %dma_start3A_221 = tpu.memref_squeeze %dma_start3A_220 : memref<1x1x64xi32, #tpu.memory_space<vmem>> -> memref<64xi32, #tpu.memory_space<vmem>>
        %dma_start3A_222 = arith.constant 0 : i32
        %dma_start3A_223 = arith.constant 0 : i32
        %dma_start3A_224 = tpu.memref_slice %arg2[%dma_start3A_222, %dma_start3A_223] : memref<10240x128xf32, #tpu.memory_space<hbm>> -> memref<10240x128xf32, #tpu.memory_space<hbm>>
        tpu.enqueue_indirect_dma source(%dma_start3A_224 : memref<10240x128xf32, #tpu.memory_space<hbm>>) target(%arg14 : memref<64x128xf32, #tpu.memory_space<vmem>>) offsets(%dma_start3A_221 : memref<64xi32, #tpu.memory_space<vmem>>) semaphore(%arg18 : memref<!tpu.dma_semaphore, #tpu.memory_space<semaphore_mem>>)
      } else {
      }
      %add3A_71 = arith.constant 1 : i32
      %add3A_72 = arith.addi %add3A_42, %add3A_71 : i32
      %dma_wait3A_73 = arith.constant 1 : i32
      %dma_wait3A_74 = arith.constant 0 : i32
      %dma_wait3A_75 = arith.constant 0 : i32
      %dma_wait3A_76 = tpu.memref_slice %arg11[%dma_wait3A_73, %dma_wait3A_74, %dma_wait3A_75] : memref<2x1x64xi32, #tpu.memory_space<vmem>> -> memref<1x1x64xi32, #tpu.memory_space<vmem>>
      %dma_wait3A_77 = tpu.memref_squeeze %dma_wait3A_76 : memref<1x1x64xi32, #tpu.memory_space<vmem>> -> memref<64xi32, #tpu.memory_space<vmem>>
      %dma_wait3A_78 = arith.constant 0 : i32
      %dma_wait3A_79 = arith.constant 0 : i32
      %dma_wait3A_80 = tpu.memref_slice %arg2[%dma_wait3A_78, %dma_wait3A_79] : memref<10240x128xf32, #tpu.memory_space<hbm>> -> memref<10240x128xf32, #tpu.memory_space<hbm>>
      tpu.wait_indirect_dma semaphore(%arg19 : memref<!tpu.dma_semaphore, #tpu.memory_space<semaphore_mem>>) src(%dma_wait3A_80 : memref<10240x128xf32, #tpu.memory_space<hbm>>) dst(%arg15 : memref<64x128xf32, #tpu.memory_space<vmem>>)
      %scan3A_81 = arith.constant 0 : i32
      %scan3A_82 = arith.constant 4 : i32
      %scan3A_83 = arith.addi %scan3A_81, %scan3A_82 : i32
      %scan3A_84 = arith.constant 1 : i32
      scf.for %scan3A_110 = %scan3A_81 to %scan3A_83 step %scan3A_84  : i32 {
        %mul3A_111 = arith.constant 16 : i32
        %mul3A_112 = arith.muli %scan3A_110, %mul3A_111 : i32
        %add3A_113 = arith.constant 0 : i32
        %add3A_114 = arith.addi %add3A_113, %mul3A_112 : i32
        %get3A = arith.constant 0 : i32
        %get3A_115 = arith.constant 0 : i32
        %get3A_116 = arith.index_cast %get3A : i32 to index
        %get3A_117 = arith.index_cast %get3A_115 : i32 to index
        %get3A_118 = arith.index_cast %add3A_114 : i32 to index
        %get3A_119 = tpu.vector_load %arg11[%get3A_116, %get3A_117, %get3A_118] {strides = array<i32>} : memref<2x1x64xi32, #tpu.memory_space<vmem>>, vector<16xi32>,
        %get3A_120 = arith.constant 1 : i32
        %get3A_121 = arith.constant 0 : i32
        %get3A_122 = arith.index_cast %get3A_120 : i32 to index
        %get3A_123 = arith.index_cast %get3A_121 : i32 to index
        %get3A_124 = arith.index_cast %add3A_114 : i32 to index
        %get3A_125 = tpu.vector_load %arg11[%get3A_122, %get3A_123, %get3A_124] {strides = array<i32>} : memref<2x1x64xi32, #tpu.memory_space<vmem>>, vector<16xi32>,
        %gather3A = tpu.vector_load_idx %arg8[%get3A_119] : memref<10240xf32, #tpu.memory_space<vmem>>[vector<16xi32>], vector<16xf32>,
        %gather3A_126 = tpu.vector_load_idx %arg9[%get3A_125] : memref<10240xf32, #tpu.memory_space<vmem>>[vector<16xi32>], vector<16xf32>,
        %add3A_127 = arith.addf %gather3A, %gather3A_126 : vector<16xf32>
        %mul3A_128 = arith.constant 0.00999999977 : f32
        %mul3A_129 = vector.broadcast %mul3A_128 : f32 to vector<16xf32>
        %mul3A_130 = arith.mulf %mul3A_129, %add3A_127 : vector<16xf32>
        %max3A = arith.maximumf %add3A_127, %mul3A_130 : vector<16xf32>
        %exp3A = math.exp %max3A : vector<16xf32>
        %swap3A = arith.index_cast %add3A_114 : i32 to index
        %swap3A_131 = tpu.vector_load %arg13[%swap3A] {strides = array<i32>} : memref<64xf32, #tpu.memory_space<vmem>>, vector<16xf32>,
        tpu.vector_store %arg13[%swap3A], %exp3A {strides = array<i32>} : memref<64xf32, #tpu.memory_space<vmem>>, vector<16xf32>,
        %eq3A = arith.constant 0 : i32
        %eq3A_132 = vector.broadcast %eq3A : i32 to vector<16xi32>
        %eq3A_133 = arith.cmpi eq, %iota3A, %eq3A_132 : vector<16xi32>
        tpu.vector_store_idx %arg16[%get3A_119], %exp3A masked %eq3A_133 {add = true} : memref<10240xf32, #tpu.memory_space<vmem>>[vector<16xi32>], vector<16xf32>, vector<16xi1>
        %eq3A_134 = arith.constant 1 : i32
        %eq3A_135 = vector.broadcast %eq3A_134 : i32 to vector<16xi32>
        %eq3A_136 = arith.cmpi eq, %iota3A, %eq3A_135 : vector<16xi32>
        tpu.vector_store_idx %arg16[%get3A_119], %exp3A masked %eq3A_136 {add = true} : memref<10240xf32, #tpu.memory_space<vmem>>[vector<16xi32>], vector<16xf32>, vector<16xi1>
        %eq3A_137 = arith.constant 2 : i32
        %eq3A_138 = vector.broadcast %eq3A_137 : i32 to vector<16xi32>
        %eq3A_139 = arith.cmpi eq, %iota3A, %eq3A_138 : vector<16xi32>
        tpu.vector_store_idx %arg16[%get3A_119], %exp3A masked %eq3A_139 {add = true} : memref<10240xf32, #tpu.memory_space<vmem>>[vector<16xi32>], vector<16xf32>, vector<16xi1>
        %eq3A_140 = arith.constant 3 : i32
        %eq3A_141 = vector.broadcast %eq3A_140 : i32 to vector<16xi32>
        %eq3A_142 = arith.cmpi eq, %iota3A, %eq3A_141 : vector<16xi32>
        tpu.vector_store_idx %arg16[%get3A_119], %exp3A masked %eq3A_142 {add = true} : memref<10240xf32, #tpu.memory_space<vmem>>[vector<16xi32>], vector<16xf32>, vector<16xi1>
        %eq3A_143 = arith.constant 4 : i32
        %eq3A_144 = vector.broadcast %eq3A_143 : i32 to vector<16xi32>
        %eq3A_145 = arith.cmpi eq, %iota3A, %eq3A_144 : vector<16xi32>
        tpu.vector_store_idx %arg16[%get3A_119], %exp3A masked %eq3A_145 {add = true} : memref<10240xf32, #tpu.memory_space<vmem>>[vector<16xi32>], vector<16xf32>, vector<16xi1>
        %eq3A_146 = arith.constant 5 : i32
        %eq3A_147 = vector.broadcast %eq3A_146 : i32 to vector<16xi32>
        %eq3A_148 = arith.cmpi eq, %iota3A, %eq3A_147 : vector<16xi32>
        tpu.vector_store_idx %arg16[%get3A_119], %exp3A masked %eq3A_148 {add = true} : memref<10240xf32, #tpu.memory_space<vmem>>[vector<16xi32>], vector<16xf32>, vector<16xi1>
        %eq3A_149 = arith.constant 6 : i32
        %eq3A_150 = vector.broadcast %eq3A_149 : i32 to vector<16xi32>
        %eq3A_151 = arith.cmpi eq, %iota3A, %eq3A_150 : vector<16xi32>
        tpu.vector_store_idx %arg16[%get3A_119], %exp3A masked %eq3A_151 {add = true} : memref<10240xf32, #tpu.memory_space<vmem>>[vector<16xi32>], vector<16xf32>, vector<16xi1>
        %eq3A_152 = arith.constant 7 : i32
        %eq3A_153 = vector.broadcast %eq3A_152 : i32 to vector<16xi32>
        %eq3A_154 = arith.cmpi eq, %iota3A, %eq3A_153 : vector<16xi32>
        tpu.vector_store_idx %arg16[%get3A_119], %exp3A masked %eq3A_154 {add = true} : memref<10240xf32, #tpu.memory_space<vmem>>[vector<16xi32>], vector<16xf32>, vector<16xi1>
        %eq3A_155 = arith.constant 8 : i32
        %eq3A_156 = vector.broadcast %eq3A_155 : i32 to vector<16xi32>
        %eq3A_157 = arith.cmpi eq, %iota3A, %eq3A_156 : vector<16xi32>
        tpu.vector_store_idx %arg16[%get3A_119], %exp3A masked %eq3A_157 {add = true} : memref<10240xf32, #tpu.memory_space<vmem>>[vector<16xi32>], vector<16xf32>, vector<16xi1>
        %eq3A_158 = arith.constant 9 : i32
        %eq3A_159 = vector.broadcast %eq3A_158 : i32 to vector<16xi32>
        %eq3A_160 = arith.cmpi eq, %iota3A, %eq3A_159 : vector<16xi32>
        tpu.vector_store_idx %arg16[%get3A_119], %exp3A masked %eq3A_160 {add = true} : memref<10240xf32, #tpu.memory_space<vmem>>[vector<16xi32>], vector<16xf32>, vector<16xi1>
        %eq3A_161 = arith.constant 10 : i32
        %eq3A_162 = vector.broadcast %eq3A_161 : i32 to vector<16xi32>
        %eq3A_163 = arith.cmpi eq, %iota3A, %eq3A_162 : vector<16xi32>
        tpu.vector_store_idx %arg16[%get3A_119], %exp3A masked %eq3A_163 {add = true} : memref<10240xf32, #tpu.memory_space<vmem>>[vector<16xi32>], vector<16xf32>, vector<16xi1>
        %eq3A_164 = arith.constant 11 : i32
        %eq3A_165 = vector.broadcast %eq3A_164 : i32 to vector<16xi32>
        %eq3A_166 = arith.cmpi eq, %iota3A, %eq3A_165 : vector<16xi32>
        tpu.vector_store_idx %arg16[%get3A_119], %exp3A masked %eq3A_166 {add = true} : memref<10240xf32, #tpu.memory_space<vmem>>[vector<16xi32>], vector<16xf32>, vector<16xi1>
        %eq3A_167 = arith.constant 12 : i32
        %eq3A_168 = vector.broadcast %eq3A_167 : i32 to vector<16xi32>
        %eq3A_169 = arith.cmpi eq, %iota3A, %eq3A_168 : vector<16xi32>
        tpu.vector_store_idx %arg16[%get3A_119], %exp3A masked %eq3A_169 {add = true} : memref<10240xf32, #tpu.memory_space<vmem>>[vector<16xi32>], vector<16xf32>, vector<16xi1>
        %eq3A_170 = arith.constant 13 : i32
        %eq3A_171 = vector.broadcast %eq3A_170 : i32 to vector<16xi32>
        %eq3A_172 = arith.cmpi eq, %iota3A, %eq3A_171 : vector<16xi32>
        tpu.vector_store_idx %arg16[%get3A_119], %exp3A masked %eq3A_172 {add = true} : memref<10240xf32, #tpu.memory_space<vmem>>[vector<16xi32>], vector<16xf32>, vector<16xi1>
        %eq3A_173 = arith.constant 14 : i32
        %eq3A_174 = vector.broadcast %eq3A_173 : i32 to vector<16xi32>
        %eq3A_175 = arith.cmpi eq, %iota3A, %eq3A_174 : vector<16xi32>
        tpu.vector_store_idx %arg16[%get3A_119], %exp3A masked %eq3A_175 {add = true} : memref<10240xf32, #tpu.memory_space<vmem>>[vector<16xi32>], vector<16xf32>, vector<16xi1>
        %eq3A_176 = arith.constant 15 : i32
        %eq3A_177 = vector.broadcast %eq3A_176 : i32 to vector<16xi32>
        %eq3A_178 = arith.cmpi eq, %iota3A, %eq3A_177 : vector<16xi32>
        tpu.vector_store_idx %arg16[%get3A_119], %exp3A masked %eq3A_178 {add = true} : memref<10240xf32, #tpu.memory_space<vmem>>[vector<16xi32>], vector<16xf32>, vector<16xi1>
      }
      %scan3A_85 = arith.constant 4 : i32
      %parallel_loop3A_86 = arith.constant 0 : i32
      %parallel_loop3A_87 = arith.constant 64 : i32
      %parallel_loop3A_88 = arith.constant 16 : i32
      scf.for %parallel_loop3A_110 = %parallel_loop3A_86 to %parallel_loop3A_87 step %parallel_loop3A_88  : i32 {
        %parallel_loop3A_111 = arith.index_cast %parallel_loop3A_110 : i32 to index
        %parallel_loop3A_112 = tpu.vector_load %arg13[%parallel_loop3A_111] {strides = array<i32>} : memref<64xf32, #tpu.memory_space<vmem>>, vector<16xf32>,
        %parallel_loop3A_113 = arith.constant 0 : i32
        %parallel_loop3A_114 = vector.broadcast %parallel_loop3A_113 : i32 to vector<16x1xi32>
        %parallel_loop3A_115 = vector.shape_cast %parallel_loop3A_114 : vector<16x1xi32> to vector<16xi32>
        %parallel_loop3A_116 = tpu.dynamic_gather %parallel_loop3A_112[%parallel_loop3A_115] in [0] : vector<16xf32>, vector<16xi32> -> vector<16xf32>
        %parallel_loop3A_117 = arith.constant 0 : i32
        %parallel_loop3A_118 = arith.addi %parallel_loop3A_110, %parallel_loop3A_117 : i32
        %parallel_loop3A_119 = arith.index_cast %parallel_loop3A_118 : i32 to index
        %parallel_loop3A_120 = arith.constant 0 : index
        %parallel_loop3A_121 = tpu.vector_load %arg15[%parallel_loop3A_119, %parallel_loop3A_120] {strides = array<i32>} : memref<64x128xf32, #tpu.memory_space<vmem>>, vector<16xf32>,
        %parallel_loop3A_122 = arith.mulf %parallel_loop3A_121, %parallel_loop3A_116 : vector<16xf32>
        %parallel_loop3A_123 = arith.constant 0 : i32
        %parallel_loop3A_124 = arith.addi %parallel_loop3A_110, %parallel_loop3A_123 : i32
        %parallel_loop3A_125 = arith.index_cast %parallel_loop3A_124 : i32 to index
        %parallel_loop3A_126 = arith.constant 0 : index
        %parallel_loop3A_127 = tpu.vector_load %arg15[%parallel_loop3A_125, %parallel_loop3A_126] {strides = array<i32>} : memref<64x128xf32, #tpu.memory_space<vmem>>, vector<16xf32>,
        tpu.vector_store %arg15[%parallel_loop3A_125, %parallel_loop3A_126], %parallel_loop3A_122 {strides = array<i32>} : memref<64x128xf32, #tpu.memory_space<vmem>>, vector<16xf32>,
        %parallel_loop3A_128 = arith.constant 0 : i32
        %parallel_loop3A_129 = arith.addi %parallel_loop3A_110, %parallel_loop3A_128 : i32
        %parallel_loop3A_130 = arith.index_cast %parallel_loop3A_129 : i32 to index
        %parallel_loop3A_131 = arith.constant 16 : index
        %parallel_loop3A_132 = tpu.vector_load %arg15[%parallel_loop3A_130, %parallel_loop3A_131] {strides = array<i32>} : memref<64x128xf32, #tpu.memory_space<vmem>>, vector<16xf32>,
        %parallel_loop3A_133 = arith.mulf %parallel_loop3A_132, %parallel_loop3A_116 : vector<16xf32>
        %parallel_loop3A_134 = arith.constant 0 : i32
        %parallel_loop3A_135 = arith.addi %parallel_loop3A_110, %parallel_loop3A_134 : i32
        %parallel_loop3A_136 = arith.index_cast %parallel_loop3A_135 : i32 to index
        %parallel_loop3A_137 = arith.constant 16 : index
        %parallel_loop3A_138 = tpu.vector_load %arg15[%parallel_loop3A_136, %parallel_loop3A_137] {strides = array<i32>} : memref<64x128xf32, #tpu.memory_space<vmem>>, vector<16xf32>,
        tpu.vector_store %arg15[%parallel_loop3A_136, %parallel_loop3A_137], %parallel_loop3A_133 {strides = array<i32>} : memref<64x128xf32, #tpu.memory_space<vmem>>, vector<16xf32>,
        %parallel_loop3A_139 = arith.constant 0 : i32
        %parallel_loop3A_140 = arith.addi %parallel_loop3A_110, %parallel_loop3A_139 : i32
        %parallel_loop3A_141 = arith.index_cast %parallel_loop3A_140 : i32 to index
        %parallel_loop3A_142 = arith.constant 32 : index
        %parallel_loop3A_143 = tpu.vector_load %arg15[%parallel_loop3A_141, %parallel_loop3A_142] {strides = array<i32>} : memref<64x128xf32, #tpu.memory_space<vmem>>, vector<16xf32>,
        %parallel_loop3A_144 = arith.mulf %parallel_loop3A_143, %parallel_loop3A_116 : vector<16xf32>
        %parallel_loop3A_145 = arith.constant 0 : i32
        %parallel_loop3A_146 = arith.addi %parallel_loop3A_110, %parallel_loop3A_145 : i32
        %parallel_loop3A_147 = arith.index_cast %parallel_loop3A_146 : i32 to index
        %parallel_loop3A_148 = arith.constant 32 : index
        %parallel_loop3A_149 = tpu.vector_load %arg15[%parallel_loop3A_147, %parallel_loop3A_148] {strides = array<i32>} : memref<64x128xf32, #tpu.memory_space<vmem>>, vector<16xf32>,
        tpu.vector_store %arg15[%parallel_loop3A_147, %parallel_loop3A_148], %parallel_loop3A_144 {strides = array<i32>} : memref<64x128xf32, #tpu.memory_space<vmem>>, vector<16xf32>,
        %parallel_loop3A_150 = arith.constant 0 : i32
        %parallel_loop3A_151 = arith.addi %parallel_loop3A_110, %parallel_loop3A_150 : i32
        %parallel_loop3A_152 = arith.index_cast %parallel_loop3A_151 : i32 to index
        %parallel_loop3A_153 = arith.constant 48 : index
        %parallel_loop3A_154 = tpu.vector_load %arg15[%parallel_loop3A_152, %parallel_loop3A_153] {strides = array<i32>} : memref<64x128xf32, #tpu.memory_space<vmem>>, vector<16xf32>,
        %parallel_loop3A_155 = arith.mulf %parallel_loop3A_154, %parallel_loop3A_116 : vector<16xf32>
        %parallel_loop3A_156 = arith.constant 0 : i32
        %parallel_loop3A_157 = arith.addi %parallel_loop3A_110, %parallel_loop3A_156 : i32
        %parallel_loop3A_158 = arith.index_cast %parallel_loop3A_157 : i32 to index
        %parallel_loop3A_159 = arith.constant 48 : index
        %parallel_loop3A_160 = tpu.vector_load %arg15[%parallel_loop3A_158, %parallel_loop3A_159] {strides = array<i32>} : memref<64x128xf32, #tpu.memory_space<vmem>>, vector<16xf32>,
        tpu.vector_store %arg15[%parallel_loop3A_158, %parallel_loop3A_159], %parallel_loop3A_155 {strides = array<i32>} : memref<64x128xf32, #tpu.memory_space<vmem>>, vector<16xf32>,
        %parallel_loop3A_161 = arith.constant 0 : i32
        %parallel_loop3A_162 = arith.addi %parallel_loop3A_110, %parallel_loop3A_161 : i32
        %parallel_loop3A_163 = arith.index_cast %parallel_loop3A_162 : i32 to index
        %parallel_loop3A_164 = arith.constant 64 : index
        %parallel_loop3A_165 = tpu.vector_load %arg15[%parallel_loop3A_163, %parallel_loop3A_164] {strides = array<i32>} : memref<64x128xf32, #tpu.memory_space<vmem>>, vector<16xf32>,
        %parallel_loop3A_166 = arith.mulf %parallel_loop3A_165, %parallel_loop3A_116 : vector<16xf32>
        %parallel_loop3A_167 = arith.constant 0 : i32
        %parallel_loop3A_168 = arith.addi %parallel_loop3A_110, %parallel_loop3A_167 : i32
        %parallel_loop3A_169 = arith.index_cast %parallel_loop3A_168 : i32 to index
        %parallel_loop3A_170 = arith.constant 64 : index
        %parallel_loop3A_171 = tpu.vector_load %arg15[%parallel_loop3A_169, %parallel_loop3A_170] {strides = array<i32>} : memref<64x128xf32, #tpu.memory_space<vmem>>, vector<16xf32>,
        tpu.vector_store %arg15[%parallel_loop3A_169, %parallel_loop3A_170], %parallel_loop3A_166 {strides = array<i32>} : memref<64x128xf32, #tpu.memory_space<vmem>>, vector<16xf32>,
        %parallel_loop3A_172 = arith.constant 0 : i32
        %parallel_loop3A_173 = arith.addi %parallel_loop3A_110, %parallel_loop3A_172 : i32
        %parallel_loop3A_174 = arith.index_cast %parallel_loop3A_173 : i32 to index
        %parallel_loop3A_175 = arith.constant 80 : index
        %parallel_loop3A_176 = tpu.vector_load %arg15[%parallel_loop3A_174, %parallel_loop3A_175] {strides = array<i32>} : memref<64x128xf32, #tpu.memory_space<vmem>>, vector<16xf32>,
        %parallel_loop3A_177 = arith.mulf %parallel_loop3A_176, %parallel_loop3A_116 : vector<16xf32>
        %parallel_loop3A_178 = arith.constant 0 : i32
        %parallel_loop3A_179 = arith.addi %parallel_loop3A_110, %parallel_loop3A_178 : i32
        %parallel_loop3A_180 = arith.index_cast %parallel_loop3A_179 : i32 to index
        %parallel_loop3A_181 = arith.constant 80 : index
        %parallel_loop3A_182 = tpu.vector_load %arg15[%parallel_loop3A_180, %parallel_loop3A_181] {strides = array<i32>} : memref<64x128xf32, #tpu.memory_space<vmem>>, vector<16xf32>,
        tpu.vector_store %arg15[%parallel_loop3A_180, %parallel_loop3A_181], %parallel_loop3A_177 {strides = array<i32>} : memref<64x128xf32, #tpu.memory_space<vmem>>, vector<16xf32>,
        %parallel_loop3A_183 = arith.constant 0 : i32
        %parallel_loop3A_184 = arith.addi %parallel_loop3A_110, %parallel_loop3A_183 : i32
        %parallel_loop3A_185 = arith.index_cast %parallel_loop3A_184 : i32 to index
        %parallel_loop3A_186 = arith.constant 96 : index
        %parallel_loop3A_187 = tpu.vector_load %arg15[%parallel_loop3A_185, %parallel_loop3A_186] {strides = array<i32>} : memref<64x128xf32, #tpu.memory_space<vmem>>, vector<16xf32>,
        %parallel_loop3A_188 = arith.mulf %parallel_loop3A_187, %parallel_loop3A_116 : vector<16xf32>
        %parallel_loop3A_189 = arith.constant 0 : i32
        %parallel_loop3A_190 = arith.addi %parallel_loop3A_110, %parallel_loop3A_189 : i32
        %parallel_loop3A_191 = arith.index_cast %parallel_loop3A_190 : i32 to index
        %parallel_loop3A_192 = arith.constant 96 : index
        %parallel_loop3A_193 = tpu.vector_load %arg15[%parallel_loop3A_191, %parallel_loop3A_192] {strides = array<i32>} : memref<64x128xf32, #tpu.memory_space<vmem>>, vector<16xf32>,
        tpu.vector_store %arg15[%parallel_loop3A_191, %parallel_loop3A_192], %parallel_loop3A_188 {strides = array<i32>} : memref<64x128xf32, #tpu.memory_space<vmem>>, vector<16xf32>,
        %parallel_loop3A_194 = arith.constant 0 : i32
        %parallel_loop3A_195 = arith.addi %parallel_loop3A_110, %parallel_loop3A_194 : i32
        %parallel_loop3A_196 = arith.index_cast %parallel_loop3A_195 : i32 to index
        %parallel_loop3A_197 = arith.constant 112 : index
        %parallel_loop3A_198 = tpu.vector_load %arg15[%parallel_loop3A_196, %parallel_loop3A_197] {strides = array<i32>} : memref<64x128xf32, #tpu.memory_space<vmem>>, vector<16xf32>,
        %parallel_loop3A_199 = arith.mulf %parallel_loop3A_198, %parallel_loop3A_116 : vector<16xf32>
        %parallel_loop3A_200 = arith.constant 0 : i32
        %parallel_loop3A_201 = arith.addi %parallel_loop3A_110, %parallel_loop3A_200 : i32
        %parallel_loop3A_202 = arith.index_cast %parallel_loop3A_201 : i32 to index
        %parallel_loop3A_203 = arith.constant 112 : index
        %parallel_loop3A_204 = tpu.vector_load %arg15[%parallel_loop3A_202, %parallel_loop3A_203] {strides = array<i32>} : memref<64x128xf32, #tpu.memory_space<vmem>>, vector<16xf32>,
        tpu.vector_store %arg15[%parallel_loop3A_202, %parallel_loop3A_203], %parallel_loop3A_199 {strides = array<i32>} : memref<64x128xf32, #tpu.memory_space<vmem>>, vector<16xf32>,
        %parallel_loop3A_205 = arith.constant 1 : i32
        %parallel_loop3A_206 = vector.broadcast %parallel_loop3A_205 : i32 to vector<16x1xi32>
        %parallel_loop3A_207 = vector.shape_cast %parallel_loop3A_206 : vector<16x1xi32> to vector<16xi32>
        %parallel_loop3A_208 = tpu.dynamic_gather %parallel_loop3A_112[%parallel_loop3A_207] in [0] : vector<16xf32>, vector<16xi32> -> vector<16xf32>
        %parallel_loop3A_209 = arith.constant 1 : i32
        %parallel_loop3A_210 = arith.addi %parallel_loop3A_110, %parallel_loop3A_209 : i32
        %parallel_loop3A_211 = arith.index_cast %parallel_loop3A_210 : i32 to index
        %parallel_loop3A_212 = arith.constant 0 : index
        %parallel_loop3A_213 = tpu.vector_load %arg15[%parallel_loop3A_211, %parallel_loop3A_212] {strides = array<i32>} : memref<64x128xf32, #tpu.memory_space<vmem>>, vector<16xf32>,
        %parallel_loop3A_214 = arith.mulf %parallel_loop3A_213, %parallel_loop3A_208 : vector<16xf32>
        %parallel_loop3A_215 = arith.constant 1 : i32
        %parallel_loop3A_216 = arith.addi %parallel_loop3A_110, %parallel_loop3A_215 : i32
        %parallel_loop3A_217 = arith.index_cast %parallel_loop3A_216 : i32 to index
        %parallel_loop3A_218 = arith.constant 0 : index
        %parallel_loop3A_219 = tpu.vector_load %arg15[%parallel_loop3A_217, %parallel_loop3A_218] {strides = array<i32>} : memref<64x128xf32, #tpu.memory_space<vmem>>, vector<16xf32>,
        tpu.vector_store %arg15[%parallel_loop3A_217, %parallel_loop3A_218], %parallel_loop3A_214 {strides = array<i32>} : memref<64x128xf32, #tpu.memory_space<vmem>>, vector<16xf32>,
        %parallel_loop3A_220 = arith.constant 1 : i32
        %parallel_loop3A_221 = arith.addi %parallel_loop3A_110, %parallel_loop3A_220 : i32
        %parallel_loop3A_222 = arith.index_cast %parallel_loop3A_221 : i32 to index
        %parallel_loop3A_223 = arith.constant 16 : index
        %parallel_loop3A_224 = tpu.vector_load %arg15[%parallel_loop3A_222, %parallel_loop3A_223] {strides = array<i32>} : memref<64x128xf32, #tpu.memory_space<vmem>>, vector<16xf32>,
        %parallel_loop3A_225 = arith.mulf %parallel_loop3A_224, %parallel_loop3A_208 : vector<16xf32>
        %parallel_loop3A_226 = arith.constant 1 : i32
        %parallel_loop3A_227 = arith.addi %parallel_loop3A_110, %parallel_loop3A_226 : i32
        %parallel_loop3A_228 = arith.index_cast %parallel_loop3A_227 : i32 to index
        %parallel_loop3A_229 = arith.constant 16 : index
        %parallel_loop3A_230 = tpu.vector_load %arg15[%parallel_loop3A_228, %parallel_loop3A_229] {strides = array<i32>} : memref<64x128xf32, #tpu.memory_space<vmem>>, vector<16xf32>,
        tpu.vector_store %arg15[%parallel_loop3A_228, %parallel_loop3A_229], %parallel_loop3A_225 {strides = array<i32>} : memref<64x128xf32, #tpu.memory_space<vmem>>, vector<16xf32>,
        %parallel_loop3A_231 = arith.constant 1 : i32
        %parallel_loop3A_232 = arith.addi %parallel_loop3A_110, %parallel_loop3A_231 : i32
        %parallel_loop3A_233 = arith.index_cast %parallel_loop3A_232 : i32 to index
        %parallel_loop3A_234 = arith.constant 32 : index
        %parallel_loop3A_235 = tpu.vector_load %arg15[%parallel_loop3A_233, %parallel_loop3A_234] {strides = array<i32>} : memref<64x128xf32, #tpu.memory_space<vmem>>, vector<16xf32>,
        %parallel_loop3A_236 = arith.mulf %parallel_loop3A_235, %parallel_loop3A_208 : vector<16xf32>
        %parallel_loop3A_237 = arith.constant 1 : i32
        %parallel_loop3A_238 = arith.addi %parallel_loop3A_110, %parallel_loop3A_237 : i32
        %parallel_loop3A_239 = arith.index_cast %parallel_loop3A_238 : i32 to index
        %parallel_loop3A_240 = arith.constant 32 : index
        %parallel_loop3A_241 = tpu.vector_load %arg15[%parallel_loop3A_239, %parallel_loop3A_240] {strides = array<i32>} : memref<64x128xf32, #tpu.memory_space<vmem>>, vector<16xf32>,
        tpu.vector_store %arg15[%parallel_loop3A_239, %parallel_loop3A_240], %parallel_loop3A_236 {strides = array<i32>} : memref<64x128xf32, #tpu.memory_space<vmem>>, vector<16xf32>,
        %parallel_loop3A_242 = arith.constant 1 : i32
        %parallel_loop3A_243 = arith.addi %parallel_loop3A_110, %parallel_loop3A_242 : i32
        %parallel_loop3A_244 = arith.index_cast %parallel_loop3A_243 : i32 to index
        %parallel_loop3A_245 = arith.constant 48 : index
        %parallel_loop3A_246 = tpu.vector_load %arg15[%parallel_loop3A_244, %parallel_loop3A_245] {strides = array<i32>} : memref<64x128xf32, #tpu.memory_space<vmem>>, vector<16xf32>,
        %parallel_loop3A_247 = arith.mulf %parallel_loop3A_246, %parallel_loop3A_208 : vector<16xf32>
        %parallel_loop3A_248 = arith.constant 1 : i32
        %parallel_loop3A_249 = arith.addi %parallel_loop3A_110, %parallel_loop3A_248 : i32
        %parallel_loop3A_250 = arith.index_cast %parallel_loop3A_249 : i32 to index
        %parallel_loop3A_251 = arith.constant 48 : index
        %parallel_loop3A_252 = tpu.vector_load %arg15[%parallel_loop3A_250, %parallel_loop3A_251] {strides = array<i32>} : memref<64x128xf32, #tpu.memory_space<vmem>>, vector<16xf32>,
        tpu.vector_store %arg15[%parallel_loop3A_250, %parallel_loop3A_251], %parallel_loop3A_247 {strides = array<i32>} : memref<64x128xf32, #tpu.memory_space<vmem>>, vector<16xf32>,
        %parallel_loop3A_253 = arith.constant 1 : i32
        %parallel_loop3A_254 = arith.addi %parallel_loop3A_110, %parallel_loop3A_253 : i32
        %parallel_loop3A_255 = arith.index_cast %parallel_loop3A_254 : i32 to index
        %parallel_loop3A_256 = arith.constant 64 : index
        %parallel_loop3A_257 = tpu.vector_load %arg15[%parallel_loop3A_255, %parallel_loop3A_256] {strides = array<i32>} : memref<64x128xf32, #tpu.memory_space<vmem>>, vector<16xf32>,
        %parallel_loop3A_258 = arith.mulf %parallel_loop3A_257, %parallel_loop3A_208 : vector<16xf32>
        %parallel_loop3A_259 = arith.constant 1 : i32
        %parallel_loop3A_260 = arith.addi %parallel_loop3A_110, %parallel_loop3A_259 : i32
        %parallel_loop3A_261 = arith.index_cast %parallel_loop3A_260 : i32 to index
        %parallel_loop3A_262 = arith.constant 64 : index
        %parallel_loop3A_263 = tpu.vector_load %arg15[%parallel_loop3A_261, %parallel_loop3A_262] {strides = array<i32>} : memref<64x128xf32, #tpu.memory_space<vmem>>, vector<16xf32>,
        tpu.vector_store %arg15[%parallel_loop3A_261, %parallel_loop3A_262], %parallel_loop3A_258 {strides = array<i32>} : memref<64x128xf32, #tpu.memory_space<vmem>>, vector<16xf32>,
        %parallel_loop3A_264 = arith.constant 1 : i32
        %parallel_loop3A_265 = arith.addi %parallel_loop3A_110, %parallel_loop3A_264 : i32
        %parallel_loop3A_266 = arith.index_cast %parallel_loop3A_265 : i32 to index
        %parallel_loop3A_267 = arith.constant 80 : index
        %parallel_loop3A_268 = tpu.vector_load %arg15[%parallel_loop3A_266, %parallel_loop3A_267] {strides = array<i32>} : memref<64x128xf32, #tpu.memory_space<vmem>>, vector<16xf32>,
        %parallel_loop3A_269 = arith.mulf %parallel_loop3A_268, %parallel_loop3A_208 : vector<16xf32>
        %parallel_loop3A_270 = arith.constant 1 : i32
        %parallel_loop3A_271 = arith.addi %parallel_loop3A_110, %parallel_loop3A_270 : i32
        %parallel_loop3A_272 = arith.index_cast %parallel_loop3A_271 : i32 to index
        %parallel_loop3A_273 = arith.constant 80 : index
        %parallel_loop3A_274 = tpu.vector_load %arg15[%parallel_loop3A_272, %parallel_loop3A_273] {strides = array<i32>} : memref<64x128xf32, #tpu.memory_space<vmem>>, vector<16xf32>,
        tpu.vector_store %arg15[%parallel_loop3A_272, %parallel_loop3A_273], %parallel_loop3A_269 {strides = array<i32>} : memref<64x128xf32, #tpu.memory_space<vmem>>, vector<16xf32>,
        %parallel_loop3A_275 = arith.constant 1 : i32
        %parallel_loop3A_276 = arith.addi %parallel_loop3A_110, %parallel_loop3A_275 : i32
        %parallel_loop3A_277 = arith.index_cast %parallel_loop3A_276 : i32 to index
        %parallel_loop3A_278 = arith.constant 96 : index
        %parallel_loop3A_279 = tpu.vector_load %arg15[%parallel_loop3A_277, %parallel_loop3A_278] {strides = array<i32>} : memref<64x128xf32, #tpu.memory_space<vmem>>, vector<16xf32>,
        %parallel_loop3A_280 = arith.mulf %parallel_loop3A_279, %parallel_loop3A_208 : vector<16xf32>
        %parallel_loop3A_281 = arith.constant 1 : i32
        %parallel_loop3A_282 = arith.addi %parallel_loop3A_110, %parallel_loop3A_281 : i32
        %parallel_loop3A_283 = arith.index_cast %parallel_loop3A_282 : i32 to index
        %parallel_loop3A_284 = arith.constant 96 : index
        %parallel_loop3A_285 = tpu.vector_load %arg15[%parallel_loop3A_283, %parallel_loop3A_284] {strides = array<i32>} : memref<64x128xf32, #tpu.memory_space<vmem>>, vector<16xf32>,
        tpu.vector_store %arg15[%parallel_loop3A_283, %parallel_loop3A_284], %parallel_loop3A_280 {strides = array<i32>} : memref<64x128xf32, #tpu.memory_space<vmem>>, vector<16xf32>,
        %parallel_loop3A_286 = arith.constant 1 : i32
        %parallel_loop3A_287 = arith.addi %parallel_loop3A_110, %parallel_loop3A_286 : i32
        %parallel_loop3A_288 = arith.index_cast %parallel_loop3A_287 : i32 to index
        %parallel_loop3A_289 = arith.constant 112 : index
        %parallel_loop3A_290 = tpu.vector_load %arg15[%parallel_loop3A_288, %parallel_loop3A_289] {strides = array<i32>} : memref<64x128xf32, #tpu.memory_space<vmem>>, vector<16xf32>,
        %parallel_loop3A_291 = arith.mulf %parallel_loop3A_290, %parallel_loop3A_208 : vector<16xf32>
        %parallel_loop3A_292 = arith.constant 1 : i32
        %parallel_loop3A_293 = arith.addi %parallel_loop3A_110, %parallel_loop3A_292 : i32
        %parallel_loop3A_294 = arith.index_cast %parallel_loop3A_293 : i32 to index
        %parallel_loop3A_295 = arith.constant 112 : index
        %parallel_loop3A_296 = tpu.vector_load %arg15[%parallel_loop3A_294, %parallel_loop3A_295] {strides = array<i32>} : memref<64x128xf32, #tpu.memory_space<vmem>>, vector<16xf32>,
        tpu.vector_store %arg15[%parallel_loop3A_294, %parallel_loop3A_295], %parallel_loop3A_291 {strides = array<i32>} : memref<64x128xf32, #tpu.memory_space<vmem>>, vector<16xf32>,
        %parallel_loop3A_297 = arith.constant 2 : i32
        %parallel_loop3A_298 = vector.broadcast %parallel_loop3A_297 : i32 to vector<16x1xi32>
        %parallel_loop3A_299 = vector.shape_cast %parallel_loop3A_298 : vector<16x1xi32> to vector<16xi32>
        %parallel_loop3A_300 = tpu.dynamic_gather %parallel_loop3A_112[%parallel_loop3A_299] in [0] : vector<16xf32>, vector<16xi32> -> vector<16xf32>
        %parallel_loop3A_301 = arith.constant 2 : i32
        %parallel_loop3A_302 = arith.addi %parallel_loop3A_110, %parallel_loop3A_301 : i32
        %parallel_loop3A_303 = arith.index_cast %parallel_loop3A_302 : i32 to index
        %parallel_loop3A_304 = arith.constant 0 : index
        %parallel_loop3A_305 = tpu.vector_load %arg15[%parallel_loop3A_303, %parallel_loop3A_304] {strides = array<i32>} : memref<64x128xf32, #tpu.memory_space<vmem>>, vector<16xf32>,
        %parallel_loop3A_306 = arith.mulf %parallel_loop3A_305, %parallel_loop3A_300 : vector<16xf32>
        %parallel_loop3A_307 = arith.constant 2 : i32
        %parallel_loop3A_308 = arith.addi %parallel_loop3A_110, %parallel_loop3A_307 : i32
        %parallel_loop3A_309 = arith.index_cast %parallel_loop3A_308 : i32 to index
        %parallel_loop3A_310 = arith.constant 0 : index
        %parallel_loop3A_311 = tpu.vector_load %arg15[%parallel_loop3A_309, %parallel_loop3A_310] {strides = array<i32>} : memref<64x128xf32, #tpu.memory_space<vmem>>, vector<16xf32>,
        tpu.vector_store %arg15[%parallel_loop3A_309, %parallel_loop3A_310], %parallel_loop3A_306 {strides = array<i32>} : memref<64x128xf32, #tpu.memory_space<vmem>>, vector<16xf32>,
        %parallel_loop3A_312 = arith.constant 2 : i32
        %parallel_loop3A_313 = arith.addi %parallel_loop3A_110, %parallel_loop3A_312 : i32
        %parallel_loop3A_314 = arith.index_cast %parallel_loop3A_313 : i32 to index
        %parallel_loop3A_315 = arith.constant 16 : index
        %parallel_loop3A_316 = tpu.vector_load %arg15[%parallel_loop3A_314, %parallel_loop3A_315] {strides = array<i32>} : memref<64x128xf32, #tpu.memory_space<vmem>>, vector<16xf32>,
        %parallel_loop3A_317 = arith.mulf %parallel_loop3A_316, %parallel_loop3A_300 : vector<16xf32>
        %parallel_loop3A_318 = arith.constant 2 : i32
        %parallel_loop3A_319 = arith.addi %parallel_loop3A_110, %parallel_loop3A_318 : i32
        %parallel_loop3A_320 = arith.index_cast %parallel_loop3A_319 : i32 to index
        %parallel_loop3A_321 = arith.constant 16 : index
        %parallel_loop3A_322 = tpu.vector_load %arg15[%parallel_loop3A_320, %parallel_loop3A_321] {strides = array<i32>} : memref<64x128xf32, #tpu.memory_space<vmem>>, vector<16xf32>,
        tpu.vector_store %arg15[%parallel_loop3A_320, %parallel_loop3A_321], %parallel_loop3A_317 {strides = array<i32>} : memref<64x128xf32, #tpu.memory_space<vmem>>, vector<16xf32>,
        %parallel_loop3A_323 = arith.constant 2 : i32
        %parallel_loop3A_324 = arith.addi %parallel_loop3A_110, %parallel_loop3A_323 : i32
        %parallel_loop3A_325 = arith.index_cast %parallel_loop3A_324 : i32 to index
        %parallel_loop3A_326 = arith.constant 32 : index
        %parallel_loop3A_327 = tpu.vector_load %arg15[%parallel_loop3A_325, %parallel_loop3A_326] {strides = array<i32>} : memref<64x128xf32, #tpu.memory_space<vmem>>, vector<16xf32>,
        %parallel_loop3A_328 = arith.mulf %parallel_loop3A_327, %parallel_loop3A_300 : vector<16xf32>
        %parallel_loop3A_329 = arith.constant 2 : i32
        %parallel_loop3A_330 = arith.addi %parallel_loop3A_110, %parallel_loop3A_329 : i32
        %parallel_loop3A_331 = arith.index_cast %parallel_loop3A_330 : i32 to index
        %parallel_loop3A_332 = arith.constant 32 : index
        %parallel_loop3A_333 = tpu.vector_load %arg15[%parallel_loop3A_331, %parallel_loop3A_332] {strides = array<i32>} : memref<64x128xf32, #tpu.memory_space<vmem>>, vector<16xf32>,
        tpu.vector_store %arg15[%parallel_loop3A_331, %parallel_loop3A_332], %parallel_loop3A_328 {strides = array<i32>} : memref<64x128xf32, #tpu.memory_space<vmem>>, vector<16xf32>,
        %parallel_loop3A_334 = arith.constant 2 : i32
        %parallel_loop3A_335 = arith.addi %parallel_loop3A_110, %parallel_loop3A_334 : i32
        %parallel_loop3A_336 = arith.index_cast %parallel_loop3A_335 : i32 to index
        %parallel_loop3A_337 = arith.constant 48 : index
        %parallel_loop3A_338 = tpu.vector_load %arg15[%parallel_loop3A_336, %parallel_loop3A_337] {strides = array<i32>} : memref<64x128xf32, #tpu.memory_space<vmem>>, vector<16xf32>,
        %parallel_loop3A_339 = arith.mulf %parallel_loop3A_338, %parallel_loop3A_300 : vector<16xf32>
        %parallel_loop3A_340 = arith.constant 2 : i32
        %parallel_loop3A_341 = arith.addi %parallel_loop3A_110, %parallel_loop3A_340 : i32
        %parallel_loop3A_342 = arith.index_cast %parallel_loop3A_341 : i32 to index
        %parallel_loop3A_343 = arith.constant 48 : index
        %parallel_loop3A_344 = tpu.vector_load %arg15[%parallel_loop3A_342, %parallel_loop3A_343] {strides = array<i32>} : memref<64x128xf32, #tpu.memory_space<vmem>>, vector<16xf32>,
        tpu.vector_store %arg15[%parallel_loop3A_342, %parallel_loop3A_343], %parallel_loop3A_339 {strides = array<i32>} : memref<64x128xf32, #tpu.memory_space<vmem>>, vector<16xf32>,
        %parallel_loop3A_345 = arith.constant 2 : i32
        %parallel_loop3A_346 = arith.addi %parallel_loop3A_110, %parallel_loop3A_345 : i32
        %parallel_loop3A_347 = arith.index_cast %parallel_loop3A_346 : i32 to index
        %parallel_loop3A_348 = arith.constant 64 : index
        %parallel_loop3A_349 = tpu.vector_load %arg15[%parallel_loop3A_347, %parallel_loop3A_348] {strides = array<i32>} : memref<64x128xf32, #tpu.memory_space<vmem>>, vector<16xf32>,
        %parallel_loop3A_350 = arith.mulf %parallel_loop3A_349, %parallel_loop3A_300 : vector<16xf32>
        %parallel_loop3A_351 = arith.constant 2 : i32
        %parallel_loop3A_352 = arith.addi %parallel_loop3A_110, %parallel_loop3A_351 : i32
        %parallel_loop3A_353 = arith.index_cast %parallel_loop3A_352 : i32 to index
        %parallel_loop3A_354 = arith.constant 64 : index
        %parallel_loop3A_355 = tpu.vector_load %arg15[%parallel_loop3A_353, %parallel_loop3A_354] {strides = array<i32>} : memref<64x128xf32, #tpu.memory_space<vmem>>, vector<16xf32>,
        tpu.vector_store %arg15[%parallel_loop3A_353, %parallel_loop3A_354], %parallel_loop3A_350 {strides = array<i32>} : memref<64x128xf32, #tpu.memory_space<vmem>>, vector<16xf32>,
        %parallel_loop3A_356 = arith.constant 2 : i32
        %parallel_loop3A_357 = arith.addi %parallel_loop3A_110, %parallel_loop3A_356 : i32
        %parallel_loop3A_358 = arith.index_cast %parallel_loop3A_357 : i32 to index
        %parallel_loop3A_359 = arith.constant 80 : index
        %parallel_loop3A_360 = tpu.vector_load %arg15[%parallel_loop3A_358, %parallel_loop3A_359] {strides = array<i32>} : memref<64x128xf32, #tpu.memory_space<vmem>>, vector<16xf32>,
        %parallel_loop3A_361 = arith.mulf %parallel_loop3A_360, %parallel_loop3A_300 : vector<16xf32>
        %parallel_loop3A_362 = arith.constant 2 : i32
        %parallel_loop3A_363 = arith.addi %parallel_loop3A_110, %parallel_loop3A_362 : i32
        %parallel_loop3A_364 = arith.index_cast %parallel_loop3A_363 : i32 to index
        %parallel_loop3A_365 = arith.constant 80 : index
        %parallel_loop3A_366 = tpu.vector_load %arg15[%parallel_loop3A_364, %parallel_loop3A_365] {strides = array<i32>} : memref<64x128xf32, #tpu.memory_space<vmem>>, vector<16xf32>,
        tpu.vector_store %arg15[%parallel_loop3A_364, %parallel_loop3A_365], %parallel_loop3A_361 {strides = array<i32>} : memref<64x128xf32, #tpu.memory_space<vmem>>, vector<16xf32>,
        %parallel_loop3A_367 = arith.constant 2 : i32
        %parallel_loop3A_368 = arith.addi %parallel_loop3A_110, %parallel_loop3A_367 : i32
        %parallel_loop3A_369 = arith.index_cast %parallel_loop3A_368 : i32 to index
        %parallel_loop3A_370 = arith.constant 96 : index
        %parallel_loop3A_371 = tpu.vector_load %arg15[%parallel_loop3A_369, %parallel_loop3A_370] {strides = array<i32>} : memref<64x128xf32, #tpu.memory_space<vmem>>, vector<16xf32>,
        %parallel_loop3A_372 = arith.mulf %parallel_loop3A_371, %parallel_loop3A_300 : vector<16xf32>
        %parallel_loop3A_373 = arith.constant 2 : i32
        %parallel_loop3A_374 = arith.addi %parallel_loop3A_110, %parallel_loop3A_373 : i32
        %parallel_loop3A_375 = arith.index_cast %parallel_loop3A_374 : i32 to index
        %parallel_loop3A_376 = arith.constant 96 : index
        %parallel_loop3A_377 = tpu.vector_load %arg15[%parallel_loop3A_375, %parallel_loop3A_376] {strides = array<i32>} : memref<64x128xf32, #tpu.memory_space<vmem>>, vector<16xf32>,
        tpu.vector_store %arg15[%parallel_loop3A_375, %parallel_loop3A_376], %parallel_loop3A_372 {strides = array<i32>} : memref<64x128xf32, #tpu.memory_space<vmem>>, vector<16xf32>,
        %parallel_loop3A_378 = arith.constant 2 : i32
        %parallel_loop3A_379 = arith.addi %parallel_loop3A_110, %parallel_loop3A_378 : i32
        %parallel_loop3A_380 = arith.index_cast %parallel_loop3A_379 : i32 to index
        %parallel_loop3A_381 = arith.constant 112 : index
        %parallel_loop3A_382 = tpu.vector_load %arg15[%parallel_loop3A_380, %parallel_loop3A_381] {strides = array<i32>} : memref<64x128xf32, #tpu.memory_space<vmem>>, vector<16xf32>,
        %parallel_loop3A_383 = arith.mulf %parallel_loop3A_382, %parallel_loop3A_300 : vector<16xf32>
        %parallel_loop3A_384 = arith.constant 2 : i32
        %parallel_loop3A_385 = arith.addi %parallel_loop3A_110, %parallel_loop3A_384 : i32
        %parallel_loop3A_386 = arith.index_cast %parallel_loop3A_385 : i32 to index
        %parallel_loop3A_387 = arith.constant 112 : index
        %parallel_loop3A_388 = tpu.vector_load %arg15[%parallel_loop3A_386, %parallel_loop3A_387] {strides = array<i32>} : memref<64x128xf32, #tpu.memory_space<vmem>>, vector<16xf32>,
        tpu.vector_store %arg15[%parallel_loop3A_386, %parallel_loop3A_387], %parallel_loop3A_383 {strides = array<i32>} : memref<64x128xf32, #tpu.memory_space<vmem>>, vector<16xf32>,
        %parallel_loop3A_389 = arith.constant 3 : i32
        %parallel_loop3A_390 = vector.broadcast %parallel_loop3A_389 : i32 to vector<16x1xi32>
        %parallel_loop3A_391 = vector.shape_cast %parallel_loop3A_390 : vector<16x1xi32> to vector<16xi32>
        %parallel_loop3A_392 = tpu.dynamic_gather %parallel_loop3A_112[%parallel_loop3A_391] in [0] : vector<16xf32>, vector<16xi32> -> vector<16xf32>
        %parallel_loop3A_393 = arith.constant 3 : i32
        %parallel_loop3A_394 = arith.addi %parallel_loop3A_110, %parallel_loop3A_393 : i32
        %parallel_loop3A_395 = arith.index_cast %parallel_loop3A_394 : i32 to index
        %parallel_loop3A_396 = arith.constant 0 : index
        %parallel_loop3A_397 = tpu.vector_load %arg15[%parallel_loop3A_395, %parallel_loop3A_396] {strides = array<i32>} : memref<64x128xf32, #tpu.memory_space<vmem>>, vector<16xf32>,
        %parallel_loop3A_398 = arith.mulf %parallel_loop3A_397, %parallel_loop3A_392 : vector<16xf32>
        %parallel_loop3A_399 = arith.constant 3 : i32
        %parallel_loop3A_400 = arith.addi %parallel_loop3A_110, %parallel_loop3A_399 : i32
        %parallel_loop3A_401 = arith.index_cast %parallel_loop3A_400 : i32 to index
        %parallel_loop3A_402 = arith.constant 0 : index
        %parallel_loop3A_403 = tpu.vector_load %arg15[%parallel_loop3A_401, %parallel_loop3A_402] {strides = array<i32>} : memref<64x128xf32, #tpu.memory_space<vmem>>, vector<16xf32>,
        tpu.vector_store %arg15[%parallel_loop3A_401, %parallel_loop3A_402], %parallel_loop3A_398 {strides = array<i32>} : memref<64x128xf32, #tpu.memory_space<vmem>>, vector<16xf32>,
        %parallel_loop3A_404 = arith.constant 3 : i32
        %parallel_loop3A_405 = arith.addi %parallel_loop3A_110, %parallel_loop3A_404 : i32
        %parallel_loop3A_406 = arith.index_cast %parallel_loop3A_405 : i32 to index
        %parallel_loop3A_407 = arith.constant 16 : index
        %parallel_loop3A_408 = tpu.vector_load %arg15[%parallel_loop3A_406, %parallel_loop3A_407] {strides = array<i32>} : memref<64x128xf32, #tpu.memory_space<vmem>>, vector<16xf32>,
        %parallel_loop3A_409 = arith.mulf %parallel_loop3A_408, %parallel_loop3A_392 : vector<16xf32>
        %parallel_loop3A_410 = arith.constant 3 : i32
        %parallel_loop3A_411 = arith.addi %parallel_loop3A_110, %parallel_loop3A_410 : i32
        %parallel_loop3A_412 = arith.index_cast %parallel_loop3A_411 : i32 to index
        %parallel_loop3A_413 = arith.constant 16 : index
        %parallel_loop3A_414 = tpu.vector_load %arg15[%parallel_loop3A_412, %parallel_loop3A_413] {strides = array<i32>} : memref<64x128xf32, #tpu.memory_space<vmem>>, vector<16xf32>,
        tpu.vector_store %arg15[%parallel_loop3A_412, %parallel_loop3A_413], %parallel_loop3A_409 {strides = array<i32>} : memref<64x128xf32, #tpu.memory_space<vmem>>, vector<16xf32>,
        %parallel_loop3A_415 = arith.constant 3 : i32
        %parallel_loop3A_416 = arith.addi %parallel_loop3A_110, %parallel_loop3A_415 : i32
        %parallel_loop3A_417 = arith.index_cast %parallel_loop3A_416 : i32 to index
        %parallel_loop3A_418 = arith.constant 32 : index
        %parallel_loop3A_419 = tpu.vector_load %arg15[%parallel_loop3A_417, %parallel_loop3A_418] {strides = array<i32>} : memref<64x128xf32, #tpu.memory_space<vmem>>, vector<16xf32>,
        %parallel_loop3A_420 = arith.mulf %parallel_loop3A_419, %parallel_loop3A_392 : vector<16xf32>
        %parallel_loop3A_421 = arith.constant 3 : i32
        %parallel_loop3A_422 = arith.addi %parallel_loop3A_110, %parallel_loop3A_421 : i32
        %parallel_loop3A_423 = arith.index_cast %parallel_loop3A_422 : i32 to index
        %parallel_loop3A_424 = arith.constant 32 : index
        %parallel_loop3A_425 = tpu.vector_load %arg15[%parallel_loop3A_423, %parallel_loop3A_424] {strides = array<i32>} : memref<64x128xf32, #tpu.memory_space<vmem>>, vector<16xf32>,
        tpu.vector_store %arg15[%parallel_loop3A_423, %parallel_loop3A_424], %parallel_loop3A_420 {strides = array<i32>} : memref<64x128xf32, #tpu.memory_space<vmem>>, vector<16xf32>,
        %parallel_loop3A_426 = arith.constant 3 : i32
        %parallel_loop3A_427 = arith.addi %parallel_loop3A_110, %parallel_loop3A_426 : i32
        %parallel_loop3A_428 = arith.index_cast %parallel_loop3A_427 : i32 to index
        %parallel_loop3A_429 = arith.constant 48 : index
        %parallel_loop3A_430 = tpu.vector_load %arg15[%parallel_loop3A_428, %parallel_loop3A_429] {strides = array<i32>} : memref<64x128xf32, #tpu.memory_space<vmem>>, vector<16xf32>,
        %parallel_loop3A_431 = arith.mulf %parallel_loop3A_430, %parallel_loop3A_392 : vector<16xf32>
        %parallel_loop3A_432 = arith.constant 3 : i32
        %parallel_loop3A_433 = arith.addi %parallel_loop3A_110, %parallel_loop3A_432 : i32
        %parallel_loop3A_434 = arith.index_cast %parallel_loop3A_433 : i32 to index
        %parallel_loop3A_435 = arith.constant 48 : index
        %parallel_loop3A_436 = tpu.vector_load %arg15[%parallel_loop3A_434, %parallel_loop3A_435] {strides = array<i32>} : memref<64x128xf32, #tpu.memory_space<vmem>>, vector<16xf32>,
        tpu.vector_store %arg15[%parallel_loop3A_434, %parallel_loop3A_435], %parallel_loop3A_431 {strides = array<i32>} : memref<64x128xf32, #tpu.memory_space<vmem>>, vector<16xf32>,
        %parallel_loop3A_437 = arith.constant 3 : i32
        %parallel_loop3A_438 = arith.addi %parallel_loop3A_110, %parallel_loop3A_437 : i32
        %parallel_loop3A_439 = arith.index_cast %parallel_loop3A_438 : i32 to index
        %parallel_loop3A_440 = arith.constant 64 : index
        %parallel_loop3A_441 = tpu.vector_load %arg15[%parallel_loop3A_439, %parallel_loop3A_440] {strides = array<i32>} : memref<64x128xf32, #tpu.memory_space<vmem>>, vector<16xf32>,
        %parallel_loop3A_442 = arith.mulf %parallel_loop3A_441, %parallel_loop3A_392 : vector<16xf32>
        %parallel_loop3A_443 = arith.constant 3 : i32
        %parallel_loop3A_444 = arith.addi %parallel_loop3A_110, %parallel_loop3A_443 : i32
        %parallel_loop3A_445 = arith.index_cast %parallel_loop3A_444 : i32 to index
        %parallel_loop3A_446 = arith.constant 64 : index
        %parallel_loop3A_447 = tpu.vector_load %arg15[%parallel_loop3A_445, %parallel_loop3A_446] {strides = array<i32>} : memref<64x128xf32, #tpu.memory_space<vmem>>, vector<16xf32>,
        tpu.vector_store %arg15[%parallel_loop3A_445, %parallel_loop3A_446], %parallel_loop3A_442 {strides = array<i32>} : memref<64x128xf32, #tpu.memory_space<vmem>>, vector<16xf32>,
        %parallel_loop3A_448 = arith.constant 3 : i32
        %parallel_loop3A_449 = arith.addi %parallel_loop3A_110, %parallel_loop3A_448 : i32
        %parallel_loop3A_450 = arith.index_cast %parallel_loop3A_449 : i32 to index
        %parallel_loop3A_451 = arith.constant 80 : index
        %parallel_loop3A_452 = tpu.vector_load %arg15[%parallel_loop3A_450, %parallel_loop3A_451] {strides = array<i32>} : memref<64x128xf32, #tpu.memory_space<vmem>>, vector<16xf32>,
        %parallel_loop3A_453 = arith.mulf %parallel_loop3A_452, %parallel_loop3A_392 : vector<16xf32>
        %parallel_loop3A_454 = arith.constant 3 : i32
        %parallel_loop3A_455 = arith.addi %parallel_loop3A_110, %parallel_loop3A_454 : i32
        %parallel_loop3A_456 = arith.index_cast %parallel_loop3A_455 : i32 to index
        %parallel_loop3A_457 = arith.constant 80 : index
        %parallel_loop3A_458 = tpu.vector_load %arg15[%parallel_loop3A_456, %parallel_loop3A_457] {strides = array<i32>} : memref<64x128xf32, #tpu.memory_space<vmem>>, vector<16xf32>,
        tpu.vector_store %arg15[%parallel_loop3A_456, %parallel_loop3A_457], %parallel_loop3A_453 {strides = array<i32>} : memref<64x128xf32, #tpu.memory_space<vmem>>, vector<16xf32>,
        %parallel_loop3A_459 = arith.constant 3 : i32
        %parallel_loop3A_460 = arith.addi %parallel_loop3A_110, %parallel_loop3A_459 : i32
        %parallel_loop3A_461 = arith.index_cast %parallel_loop3A_460 : i32 to index
        %parallel_loop3A_462 = arith.constant 96 : index
        %parallel_loop3A_463 = tpu.vector_load %arg15[%parallel_loop3A_461, %parallel_loop3A_462] {strides = array<i32>} : memref<64x128xf32, #tpu.memory_space<vmem>>, vector<16xf32>,
        %parallel_loop3A_464 = arith.mulf %parallel_loop3A_463, %parallel_loop3A_392 : vector<16xf32>
        %parallel_loop3A_465 = arith.constant 3 : i32
        %parallel_loop3A_466 = arith.addi %parallel_loop3A_110, %parallel_loop3A_465 : i32
        %parallel_loop3A_467 = arith.index_cast %parallel_loop3A_466 : i32 to index
        %parallel_loop3A_468 = arith.constant 96 : index
        %parallel_loop3A_469 = tpu.vector_load %arg15[%parallel_loop3A_467, %parallel_loop3A_468] {strides = array<i32>} : memref<64x128xf32, #tpu.memory_space<vmem>>, vector<16xf32>,
        tpu.vector_store %arg15[%parallel_loop3A_467, %parallel_loop3A_468], %parallel_loop3A_464 {strides = array<i32>} : memref<64x128xf32, #tpu.memory_space<vmem>>, vector<16xf32>,
        %parallel_loop3A_470 = arith.constant 3 : i32
        %parallel_loop3A_471 = arith.addi %parallel_loop3A_110, %parallel_loop3A_470 : i32
        %parallel_loop3A_472 = arith.index_cast %parallel_loop3A_471 : i32 to index
        %parallel_loop3A_473 = arith.constant 112 : index
        %parallel_loop3A_474 = tpu.vector_load %arg15[%parallel_loop3A_472, %parallel_loop3A_473] {strides = array<i32>} : memref<64x128xf32, #tpu.memory_space<vmem>>, vector<16xf32>,
        %parallel_loop3A_475 = arith.mulf %parallel_loop3A_474, %parallel_loop3A_392 : vector<16xf32>
        %parallel_loop3A_476 = arith.constant 3 : i32
        %parallel_loop3A_477 = arith.addi %parallel_loop3A_110, %parallel_loop3A_476 : i32
        %parallel_loop3A_478 = arith.index_cast %parallel_loop3A_477 : i32 to index
        %parallel_loop3A_479 = arith.constant 112 : index
        %parallel_loop3A_480 = tpu.vector_load %arg15[%parallel_loop3A_478, %parallel_loop3A_479] {strides = array<i32>} : memref<64x128xf32, #tpu.memory_space<vmem>>, vector<16xf32>,
        tpu.vector_store %arg15[%parallel_loop3A_478, %parallel_loop3A_479], %parallel_loop3A_475 {strides = array<i32>} : memref<64x128xf32, #tpu.memory_space<vmem>>, vector<16xf32>,
        %parallel_loop3A_481 = arith.constant 4 : i32
        %parallel_loop3A_482 = vector.broadcast %parallel_loop3A_481 : i32 to vector<16x1xi32>
        %parallel_loop3A_483 = vector.shape_cast %parallel_loop3A_482 : vector<16x1xi32> to vector<16xi32>
        %parallel_loop3A_484 = tpu.dynamic_gather %parallel_loop3A_112[%parallel_loop3A_483] in [0] : vector<16xf32>, vector<16xi32> -> vector<16xf32>
        %parallel_loop3A_485 = arith.constant 4 : i32
        %parallel_loop3A_486 = arith.addi %parallel_loop3A_110, %parallel_loop3A_485 : i32
        %parallel_loop3A_487 = arith.index_cast %parallel_loop3A_486 : i32 to index
        %parallel_loop3A_488 = arith.constant 0 : index
        %parallel_loop3A_489 = tpu.vector_load %arg15[%parallel_loop3A_487, %parallel_loop3A_488] {strides = array<i32>} : memref<64x128xf32, #tpu.memory_space<vmem>>, vector<16xf32>,
        %parallel_loop3A_490 = arith.mulf %parallel_loop3A_489, %parallel_loop3A_484 : vector<16xf32>
        %parallel_loop3A_491 = arith.constant 4 : i32
        %parallel_loop3A_492 = arith.addi %parallel_loop3A_110, %parallel_loop3A_491 : i32
        %parallel_loop3A_493 = arith.index_cast %parallel_loop3A_492 : i32 to index
        %parallel_loop3A_494 = arith.constant 0 : index
        %parallel_loop3A_495 = tpu.vector_load %arg15[%parallel_loop3A_493, %parallel_loop3A_494] {strides = array<i32>} : memref<64x128xf32, #tpu.memory_space<vmem>>, vector<16xf32>,
        tpu.vector_store %arg15[%parallel_loop3A_493, %parallel_loop3A_494], %parallel_loop3A_490 {strides = array<i32>} : memref<64x128xf32, #tpu.memory_space<vmem>>, vector<16xf32>,
        %parallel_loop3A_496 = arith.constant 4 : i32
        %parallel_loop3A_497 = arith.addi %parallel_loop3A_110, %parallel_loop3A_496 : i32
        %parallel_loop3A_498 = arith.index_cast %parallel_loop3A_497 : i32 to index
        %parallel_loop3A_499 = arith.constant 16 : index
        %parallel_loop3A_500 = tpu.vector_load %arg15[%parallel_loop3A_498, %parallel_loop3A_499] {strides = array<i32>} : memref<64x128xf32, #tpu.memory_space<vmem>>, vector<16xf32>,
        %parallel_loop3A_501 = arith.mulf %parallel_loop3A_500, %parallel_loop3A_484 : vector<16xf32>
        %parallel_loop3A_502 = arith.constant 4 : i32
        %parallel_loop3A_503 = arith.addi %parallel_loop3A_110, %parallel_loop3A_502 : i32
        %parallel_loop3A_504 = arith.index_cast %parallel_loop3A_503 : i32 to index
        %parallel_loop3A_505 = arith.constant 16 : index
        %parallel_loop3A_506 = tpu.vector_load %arg15[%parallel_loop3A_504, %parallel_loop3A_505] {strides = array<i32>} : memref<64x128xf32, #tpu.memory_space<vmem>>, vector<16xf32>,
        tpu.vector_store %arg15[%parallel_loop3A_504, %parallel_loop3A_505], %parallel_loop3A_501 {strides = array<i32>} : memref<64x128xf32, #tpu.memory_space<vmem>>, vector<16xf32>,
        %parallel_loop3A_507 = arith.constant 4 : i32
        %parallel_loop3A_508 = arith.addi %parallel_loop3A_110, %parallel_loop3A_507 : i32
        %parallel_loop3A_509 = arith.index_cast %parallel_loop3A_508 : i32 to index
        %parallel_loop3A_510 = arith.constant 32 : index
        %parallel_loop3A_511 = tpu.vector_load %arg15[%parallel_loop3A_509, %parallel_loop3A_510] {strides = array<i32>} : memref<64x128xf32, #tpu.memory_space<vmem>>, vector<16xf32>,
        %parallel_loop3A_512 = arith.mulf %parallel_loop3A_511, %parallel_loop3A_484 : vector<16xf32>
        %parallel_loop3A_513 = arith.constant 4 : i32
        %parallel_loop3A_514 = arith.addi %parallel_loop3A_110, %parallel_loop3A_513 : i32
        %parallel_loop3A_515 = arith.index_cast %parallel_loop3A_514 : i32 to index
        %parallel_loop3A_516 = arith.constant 32 : index
        %parallel_loop3A_517 = tpu.vector_load %arg15[%parallel_loop3A_515, %parallel_loop3A_516] {strides = array<i32>} : memref<64x128xf32, #tpu.memory_space<vmem>>, vector<16xf32>,
        tpu.vector_store %arg15[%parallel_loop3A_515, %parallel_loop3A_516], %parallel_loop3A_512 {strides = array<i32>} : memref<64x128xf32, #tpu.memory_space<vmem>>, vector<16xf32>,
        %parallel_loop3A_518 = arith.constant 4 : i32
        %parallel_loop3A_519 = arith.addi %parallel_loop3A_110, %parallel_loop3A_518 : i32
        %parallel_loop3A_520 = arith.index_cast %parallel_loop3A_519 : i32 to index
        %parallel_loop3A_521 = arith.constant 48 : index
        %parallel_loop3A_522 = tpu.vector_load %arg15[%parallel_loop3A_520, %parallel_loop3A_521] {strides = array<i32>} : memref<64x128xf32, #tpu.memory_space<vmem>>, vector<16xf32>,
        %parallel_loop3A_523 = arith.mulf %parallel_loop3A_522, %parallel_loop3A_484 : vector<16xf32>
        %parallel_loop3A_524 = arith.constant 4 : i32
        %parallel_loop3A_525 = arith.addi %parallel_loop3A_110, %parallel_loop3A_524 : i32
        %parallel_loop3A_526 = arith.index_cast %parallel_loop3A_525 : i32 to index
        %parallel_loop3A_527 = arith.constant 48 : index
        %parallel_loop3A_528 = tpu.vector_load %arg15[%parallel_loop3A_526, %parallel_loop3A_527] {strides = array<i32>} : memref<64x128xf32, #tpu.memory_space<vmem>>, vector<16xf32>,
        tpu.vector_store %arg15[%parallel_loop3A_526, %parallel_loop3A_527], %parallel_loop3A_523 {strides = array<i32>} : memref<64x128xf32, #tpu.memory_space<vmem>>, vector<16xf32>,
        %parallel_loop3A_529 = arith.constant 4 : i32
        %parallel_loop3A_530 = arith.addi %parallel_loop3A_110, %parallel_loop3A_529 : i32
        %parallel_loop3A_531 = arith.index_cast %parallel_loop3A_530 : i32 to index
        %parallel_loop3A_532 = arith.constant 64 : index
        %parallel_loop3A_533 = tpu.vector_load %arg15[%parallel_loop3A_531, %parallel_loop3A_532] {strides = array<i32>} : memref<64x128xf32, #tpu.memory_space<vmem>>, vector<16xf32>,
        %parallel_loop3A_534 = arith.mulf %parallel_loop3A_533, %parallel_loop3A_484 : vector<16xf32>
        %parallel_loop3A_535 = arith.constant 4 : i32
        %parallel_loop3A_536 = arith.addi %parallel_loop3A_110, %parallel_loop3A_535 : i32
        %parallel_loop3A_537 = arith.index_cast %parallel_loop3A_536 : i32 to index
        %parallel_loop3A_538 = arith.constant 64 : index
        %parallel_loop3A_539 = tpu.vector_load %arg15[%parallel_loop3A_537, %parallel_loop3A_538] {strides = array<i32>} : memref<64x128xf32, #tpu.memory_space<vmem>>, vector<16xf32>,
        tpu.vector_store %arg15[%parallel_loop3A_537, %parallel_loop3A_538], %parallel_loop3A_534 {strides = array<i32>} : memref<64x128xf32, #tpu.memory_space<vmem>>, vector<16xf32>,
        %parallel_loop3A_540 = arith.constant 4 : i32
        %parallel_loop3A_541 = arith.addi %parallel_loop3A_110, %parallel_loop3A_540 : i32
        %parallel_loop3A_542 = arith.index_cast %parallel_loop3A_541 : i32 to index
        %parallel_loop3A_543 = arith.constant 80 : index
        %parallel_loop3A_544 = tpu.vector_load %arg15[%parallel_loop3A_542, %parallel_loop3A_543] {strides = array<i32>} : memref<64x128xf32, #tpu.memory_space<vmem>>, vector<16xf32>,
        %parallel_loop3A_545 = arith.mulf %parallel_loop3A_544, %parallel_loop3A_484 : vector<16xf32>
        %parallel_loop3A_546 = arith.constant 4 : i32
        %parallel_loop3A_547 = arith.addi %parallel_loop3A_110, %parallel_loop3A_546 : i32
        %parallel_loop3A_548 = arith.index_cast %parallel_loop3A_547 : i32 to index
        %parallel_loop3A_549 = arith.constant 80 : index
        %parallel_loop3A_550 = tpu.vector_load %arg15[%parallel_loop3A_548, %parallel_loop3A_549] {strides = array<i32>} : memref<64x128xf32, #tpu.memory_space<vmem>>, vector<16xf32>,
        tpu.vector_store %arg15[%parallel_loop3A_548, %parallel_loop3A_549], %parallel_loop3A_545 {strides = array<i32>} : memref<64x128xf32, #tpu.memory_space<vmem>>, vector<16xf32>,
        %parallel_loop3A_551 = arith.constant 4 : i32
        %parallel_loop3A_552 = arith.addi %parallel_loop3A_110, %parallel_loop3A_551 : i32
        %parallel_loop3A_553 = arith.index_cast %parallel_loop3A_552 : i32 to index
        %parallel_loop3A_554 = arith.constant 96 : index
        %parallel_loop3A_555 = tpu.vector_load %arg15[%parallel_loop3A_553, %parallel_loop3A_554] {strides = array<i32>} : memref<64x128xf32, #tpu.memory_space<vmem>>, vector<16xf32>,
        %parallel_loop3A_556 = arith.mulf %parallel_loop3A_555, %parallel_loop3A_484 : vector<16xf32>
        %parallel_loop3A_557 = arith.constant 4 : i32
        %parallel_loop3A_558 = arith.addi %parallel_loop3A_110, %parallel_loop3A_557 : i32
        %parallel_loop3A_559 = arith.index_cast %parallel_loop3A_558 : i32 to index
        %parallel_loop3A_560 = arith.constant 96 : index
        %parallel_loop3A_561 = tpu.vector_load %arg15[%parallel_loop3A_559, %parallel_loop3A_560] {strides = array<i32>} : memref<64x128xf32, #tpu.memory_space<vmem>>, vector<16xf32>,
        tpu.vector_store %arg15[%parallel_loop3A_559, %parallel_loop3A_560], %parallel_loop3A_556 {strides = array<i32>} : memref<64x128xf32, #tpu.memory_space<vmem>>, vector<16xf32>,
        %parallel_loop3A_562 = arith.constant 4 : i32
        %parallel_loop3A_563 = arith.addi %parallel_loop3A_110, %parallel_loop3A_562 : i32
        %parallel_loop3A_564 = arith.index_cast %parallel_loop3A_563 : i32 to index
        %parallel_loop3A_565 = arith.constant 112 : index
        %parallel_loop3A_566 = tpu.vector_load %arg15[%parallel_loop3A_564, %parallel_loop3A_565] {strides = array<i32>} : memref<64x128xf32, #tpu.memory_space<vmem>>, vector<16xf32>,
        %parallel_loop3A_567 = arith.mulf %parallel_loop3A_566, %parallel_loop3A_484 : vector<16xf32>
        %parallel_loop3A_568 = arith.constant 4 : i32
        %parallel_loop3A_569 = arith.addi %parallel_loop3A_110, %parallel_loop3A_568 : i32
        %parallel_loop3A_570 = arith.index_cast %parallel_loop3A_569 : i32 to index
        %parallel_loop3A_571 = arith.constant 112 : index
        %parallel_loop3A_572 = tpu.vector_load %arg15[%parallel_loop3A_570, %parallel_loop3A_571] {strides = array<i32>} : memref<64x128xf32, #tpu.memory_space<vmem>>, vector<16xf32>,
        tpu.vector_store %arg15[%parallel_loop3A_570, %parallel_loop3A_571], %parallel_loop3A_567 {strides = array<i32>} : memref<64x128xf32, #tpu.memory_space<vmem>>, vector<16xf32>,
        %parallel_loop3A_573 = arith.constant 5 : i32
        %parallel_loop3A_574 = vector.broadcast %parallel_loop3A_573 : i32 to vector<16x1xi32>
        %parallel_loop3A_575 = vector.shape_cast %parallel_loop3A_574 : vector<16x1xi32> to vector<16xi32>
        %parallel_loop3A_576 = tpu.dynamic_gather %parallel_loop3A_112[%parallel_loop3A_575] in [0] : vector<16xf32>, vector<16xi32> -> vector<16xf32>
        %parallel_loop3A_577 = arith.constant 5 : i32
        %parallel_loop3A_578 = arith.addi %parallel_loop3A_110, %parallel_loop3A_577 : i32
        %parallel_loop3A_579 = arith.index_cast %parallel_loop3A_578 : i32 to index
        %parallel_loop3A_580 = arith.constant 0 : index
        %parallel_loop3A_581 = tpu.vector_load %arg15[%parallel_loop3A_579, %parallel_loop3A_580] {strides = array<i32>} : memref<64x128xf32, #tpu.memory_space<vmem>>, vector<16xf32>,
        %parallel_loop3A_582 = arith.mulf %parallel_loop3A_581, %parallel_loop3A_576 : vector<16xf32>
        %parallel_loop3A_583 = arith.constant 5 : i32
        %parallel_loop3A_584 = arith.addi %parallel_loop3A_110, %parallel_loop3A_583 : i32
        %parallel_loop3A_585 = arith.index_cast %parallel_loop3A_584 : i32 to index
        %parallel_loop3A_586 = arith.constant 0 : index
        %parallel_loop3A_587 = tpu.vector_load %arg15[%parallel_loop3A_585, %parallel_loop3A_586] {strides = array<i32>} : memref<64x128xf32, #tpu.memory_space<vmem>>, vector<16xf32>,
        tpu.vector_store %arg15[%parallel_loop3A_585, %parallel_loop3A_586], %parallel_loop3A_582 {strides = array<i32>} : memref<64x128xf32, #tpu.memory_space<vmem>>, vector<16xf32>,
        %parallel_loop3A_588 = arith.constant 5 : i32
        %parallel_loop3A_589 = arith.addi %parallel_loop3A_110, %parallel_loop3A_588 : i32
        %parallel_loop3A_590 = arith.index_cast %parallel_loop3A_589 : i32 to index
        %parallel_loop3A_591 = arith.constant 16 : index
        %parallel_loop3A_592 = tpu.vector_load %arg15[%parallel_loop3A_590, %parallel_loop3A_591] {strides = array<i32>} : memref<64x128xf32, #tpu.memory_space<vmem>>, vector<16xf32>,
        %parallel_loop3A_593 = arith.mulf %parallel_loop3A_592, %parallel_loop3A_576 : vector<16xf32>
        %parallel_loop3A_594 = arith.constant 5 : i32
        %parallel_loop3A_595 = arith.addi %parallel_loop3A_110, %parallel_loop3A_594 : i32
        %parallel_loop3A_596 = arith.index_cast %parallel_loop3A_595 : i32 to index
        %parallel_loop3A_597 = arith.constant 16 : index
        %parallel_loop3A_598 = tpu.vector_load %arg15[%parallel_loop3A_596, %parallel_loop3A_597] {strides = array<i32>} : memref<64x128xf32, #tpu.memory_space<vmem>>, vector<16xf32>,
        tpu.vector_store %arg15[%parallel_loop3A_596, %parallel_loop3A_597], %parallel_loop3A_593 {strides = array<i32>} : memref<64x128xf32, #tpu.memory_space<vmem>>, vector<16xf32>,
        %parallel_loop3A_599 = arith.constant 5 : i32
        %parallel_loop3A_600 = arith.addi %parallel_loop3A_110, %parallel_loop3A_599 : i32
        %parallel_loop3A_601 = arith.index_cast %parallel_loop3A_600 : i32 to index
        %parallel_loop3A_602 = arith.constant 32 : index
        %parallel_loop3A_603 = tpu.vector_load %arg15[%parallel_loop3A_601, %parallel_loop3A_602] {strides = array<i32>} : memref<64x128xf32, #tpu.memory_space<vmem>>, vector<16xf32>,
        %parallel_loop3A_604 = arith.mulf %parallel_loop3A_603, %parallel_loop3A_576 : vector<16xf32>
        %parallel_loop3A_605 = arith.constant 5 : i32
        %parallel_loop3A_606 = arith.addi %parallel_loop3A_110, %parallel_loop3A_605 : i32
        %parallel_loop3A_607 = arith.index_cast %parallel_loop3A_606 : i32 to index
        %parallel_loop3A_608 = arith.constant 32 : index
        %parallel_loop3A_609 = tpu.vector_load %arg15[%parallel_loop3A_607, %parallel_loop3A_608] {strides = array<i32>} : memref<64x128xf32, #tpu.memory_space<vmem>>, vector<16xf32>,
        tpu.vector_store %arg15[%parallel_loop3A_607, %parallel_loop3A_608], %parallel_loop3A_604 {strides = array<i32>} : memref<64x128xf32, #tpu.memory_space<vmem>>, vector<16xf32>,
        %parallel_loop3A_610 = arith.constant 5 : i32
        %parallel_loop3A_611 = arith.addi %parallel_loop3A_110, %parallel_loop3A_610 : i32
        %parallel_loop3A_612 = arith.index_cast %parallel_loop3A_611 : i32 to index
        %parallel_loop3A_613 = arith.constant 48 : index
        %parallel_loop3A_614 = tpu.vector_load %arg15[%parallel_loop3A_612, %parallel_loop3A_613] {strides = array<i32>} : memref<64x128xf32, #tpu.memory_space<vmem>>, vector<16xf32>,
        %parallel_loop3A_615 = arith.mulf %parallel_loop3A_614, %parallel_loop3A_576 : vector<16xf32>
        %parallel_loop3A_616 = arith.constant 5 : i32
        %parallel_loop3A_617 = arith.addi %parallel_loop3A_110, %parallel_loop3A_616 : i32
        %parallel_loop3A_618 = arith.index_cast %parallel_loop3A_617 : i32 to index
        %parallel_loop3A_619 = arith.constant 48 : index
        %parallel_loop3A_620 = tpu.vector_load %arg15[%parallel_loop3A_618, %parallel_loop3A_619] {strides = array<i32>} : memref<64x128xf32, #tpu.memory_space<vmem>>, vector<16xf32>,
        tpu.vector_store %arg15[%parallel_loop3A_618, %parallel_loop3A_619], %parallel_loop3A_615 {strides = array<i32>} : memref<64x128xf32, #tpu.memory_space<vmem>>, vector<16xf32>,
        %parallel_loop3A_621 = arith.constant 5 : i32
        %parallel_loop3A_622 = arith.addi %parallel_loop3A_110, %parallel_loop3A_621 : i32
        %parallel_loop3A_623 = arith.index_cast %parallel_loop3A_622 : i32 to index
        %parallel_loop3A_624 = arith.constant 64 : index
        %parallel_loop3A_625 = tpu.vector_load %arg15[%parallel_loop3A_623, %parallel_loop3A_624] {strides = array<i32>} : memref<64x128xf32, #tpu.memory_space<vmem>>, vector<16xf32>,
        %parallel_loop3A_626 = arith.mulf %parallel_loop3A_625, %parallel_loop3A_576 : vector<16xf32>
        %parallel_loop3A_627 = arith.constant 5 : i32
        %parallel_loop3A_628 = arith.addi %parallel_loop3A_110, %parallel_loop3A_627 : i32
        %parallel_loop3A_629 = arith.index_cast %parallel_loop3A_628 : i32 to index
        %parallel_loop3A_630 = arith.constant 64 : index
        %parallel_loop3A_631 = tpu.vector_load %arg15[%parallel_loop3A_629, %parallel_loop3A_630] {strides = array<i32>} : memref<64x128xf32, #tpu.memory_space<vmem>>, vector<16xf32>,
        tpu.vector_store %arg15[%parallel_loop3A_629, %parallel_loop3A_630], %parallel_loop3A_626 {strides = array<i32>} : memref<64x128xf32, #tpu.memory_space<vmem>>, vector<16xf32>,
        %parallel_loop3A_632 = arith.constant 5 : i32
        %parallel_loop3A_633 = arith.addi %parallel_loop3A_110, %parallel_loop3A_632 : i32
        %parallel_loop3A_634 = arith.index_cast %parallel_loop3A_633 : i32 to index
        %parallel_loop3A_635 = arith.constant 80 : index
        %parallel_loop3A_636 = tpu.vector_load %arg15[%parallel_loop3A_634, %parallel_loop3A_635] {strides = array<i32>} : memref<64x128xf32, #tpu.memory_space<vmem>>, vector<16xf32>,
        %parallel_loop3A_637 = arith.mulf %parallel_loop3A_636, %parallel_loop3A_576 : vector<16xf32>
        %parallel_loop3A_638 = arith.constant 5 : i32
        %parallel_loop3A_639 = arith.addi %parallel_loop3A_110, %parallel_loop3A_638 : i32
        %parallel_loop3A_640 = arith.index_cast %parallel_loop3A_639 : i32 to index
        %parallel_loop3A_641 = arith.constant 80 : index
        %parallel_loop3A_642 = tpu.vector_load %arg15[%parallel_loop3A_640, %parallel_loop3A_641] {strides = array<i32>} : memref<64x128xf32, #tpu.memory_space<vmem>>, vector<16xf32>,
        tpu.vector_store %arg15[%parallel_loop3A_640, %parallel_loop3A_641], %parallel_loop3A_637 {strides = array<i32>} : memref<64x128xf32, #tpu.memory_space<vmem>>, vector<16xf32>,
        %parallel_loop3A_643 = arith.constant 5 : i32
        %parallel_loop3A_644 = arith.addi %parallel_loop3A_110, %parallel_loop3A_643 : i32
        %parallel_loop3A_645 = arith.index_cast %parallel_loop3A_644 : i32 to index
        %parallel_loop3A_646 = arith.constant 96 : index
        %parallel_loop3A_647 = tpu.vector_load %arg15[%parallel_loop3A_645, %parallel_loop3A_646] {strides = array<i32>} : memref<64x128xf32, #tpu.memory_space<vmem>>, vector<16xf32>,
        %parallel_loop3A_648 = arith.mulf %parallel_loop3A_647, %parallel_loop3A_576 : vector<16xf32>
        %parallel_loop3A_649 = arith.constant 5 : i32
        %parallel_loop3A_650 = arith.addi %parallel_loop3A_110, %parallel_loop3A_649 : i32
        %parallel_loop3A_651 = arith.index_cast %parallel_loop3A_650 : i32 to index
        %parallel_loop3A_652 = arith.constant 96 : index
        %parallel_loop3A_653 = tpu.vector_load %arg15[%parallel_loop3A_651, %parallel_loop3A_652] {strides = array<i32>} : memref<64x128xf32, #tpu.memory_space<vmem>>, vector<16xf32>,
        tpu.vector_store %arg15[%parallel_loop3A_651, %parallel_loop3A_652], %parallel_loop3A_648 {strides = array<i32>} : memref<64x128xf32, #tpu.memory_space<vmem>>, vector<16xf32>,
        %parallel_loop3A_654 = arith.constant 5 : i32
        %parallel_loop3A_655 = arith.addi %parallel_loop3A_110, %parallel_loop3A_654 : i32
        %parallel_loop3A_656 = arith.index_cast %parallel_loop3A_655 : i32 to index
        %parallel_loop3A_657 = arith.constant 112 : index
        %parallel_loop3A_658 = tpu.vector_load %arg15[%parallel_loop3A_656, %parallel_loop3A_657] {strides = array<i32>} : memref<64x128xf32, #tpu.memory_space<vmem>>, vector<16xf32>,
        %parallel_loop3A_659 = arith.mulf %parallel_loop3A_658, %parallel_loop3A_576 : vector<16xf32>
        %parallel_loop3A_660 = arith.constant 5 : i32
        %parallel_loop3A_661 = arith.addi %parallel_loop3A_110, %parallel_loop3A_660 : i32
        %parallel_loop3A_662 = arith.index_cast %parallel_loop3A_661 : i32 to index
        %parallel_loop3A_663 = arith.constant 112 : index
        %parallel_loop3A_664 = tpu.vector_load %arg15[%parallel_loop3A_662, %parallel_loop3A_663] {strides = array<i32>} : memref<64x128xf32, #tpu.memory_space<vmem>>, vector<16xf32>,
        tpu.vector_store %arg15[%parallel_loop3A_662, %parallel_loop3A_663], %parallel_loop3A_659 {strides = array<i32>} : memref<64x128xf32, #tpu.memory_space<vmem>>, vector<16xf32>,
        %parallel_loop3A_665 = arith.constant 6 : i32
        %parallel_loop3A_666 = vector.broadcast %parallel_loop3A_665 : i32 to vector<16x1xi32>
        %parallel_loop3A_667 = vector.shape_cast %parallel_loop3A_666 : vector<16x1xi32> to vector<16xi32>
        %parallel_loop3A_668 = tpu.dynamic_gather %parallel_loop3A_112[%parallel_loop3A_667] in [0] : vector<16xf32>, vector<16xi32> -> vector<16xf32>
        %parallel_loop3A_669 = arith.constant 6 : i32
        %parallel_loop3A_670 = arith.addi %parallel_loop3A_110, %parallel_loop3A_669 : i32
        %parallel_loop3A_671 = arith.index_cast %parallel_loop3A_670 : i32 to index
        %parallel_loop3A_672 = arith.constant 0 : index
        %parallel_loop3A_673 = tpu.vector_load %arg15[%parallel_loop3A_671, %parallel_loop3A_672] {strides = array<i32>} : memref<64x128xf32, #tpu.memory_space<vmem>>, vector<16xf32>,
        %parallel_loop3A_674 = arith.mulf %parallel_loop3A_673, %parallel_loop3A_668 : vector<16xf32>
        %parallel_loop3A_675 = arith.constant 6 : i32
        %parallel_loop3A_676 = arith.addi %parallel_loop3A_110, %parallel_loop3A_675 : i32
        %parallel_loop3A_677 = arith.index_cast %parallel_loop3A_676 : i32 to index
        %parallel_loop3A_678 = arith.constant 0 : index
        %parallel_loop3A_679 = tpu.vector_load %arg15[%parallel_loop3A_677, %parallel_loop3A_678] {strides = array<i32>} : memref<64x128xf32, #tpu.memory_space<vmem>>, vector<16xf32>,
        tpu.vector_store %arg15[%parallel_loop3A_677, %parallel_loop3A_678], %parallel_loop3A_674 {strides = array<i32>} : memref<64x128xf32, #tpu.memory_space<vmem>>, vector<16xf32>,
        %parallel_loop3A_680 = arith.constant 6 : i32
        %parallel_loop3A_681 = arith.addi %parallel_loop3A_110, %parallel_loop3A_680 : i32
        %parallel_loop3A_682 = arith.index_cast %parallel_loop3A_681 : i32 to index
        %parallel_loop3A_683 = arith.constant 16 : index
        %parallel_loop3A_684 = tpu.vector_load %arg15[%parallel_loop3A_682, %parallel_loop3A_683] {strides = array<i32>} : memref<64x128xf32, #tpu.memory_space<vmem>>, vector<16xf32>,
        %parallel_loop3A_685 = arith.mulf %parallel_loop3A_684, %parallel_loop3A_668 : vector<16xf32>
        %parallel_loop3A_686 = arith.constant 6 : i32
        %parallel_loop3A_687 = arith.addi %parallel_loop3A_110, %parallel_loop3A_686 : i32
        %parallel_loop3A_688 = arith.index_cast %parallel_loop3A_687 : i32 to index
        %parallel_loop3A_689 = arith.constant 16 : index
        %parallel_loop3A_690 = tpu.vector_load %arg15[%parallel_loop3A_688, %parallel_loop3A_689] {strides = array<i32>} : memref<64x128xf32, #tpu.memory_space<vmem>>, vector<16xf32>,
        tpu.vector_store %arg15[%parallel_loop3A_688, %parallel_loop3A_689], %parallel_loop3A_685 {strides = array<i32>} : memref<64x128xf32, #tpu.memory_space<vmem>>, vector<16xf32>,
        %parallel_loop3A_691 = arith.constant 6 : i32
        %parallel_loop3A_692 = arith.addi %parallel_loop3A_110, %parallel_loop3A_691 : i32
        %parallel_loop3A_693 = arith.index_cast %parallel_loop3A_692 : i32 to index
        %parallel_loop3A_694 = arith.constant 32 : index
        %parallel_loop3A_695 = tpu.vector_load %arg15[%parallel_loop3A_693, %parallel_loop3A_694] {strides = array<i32>} : memref<64x128xf32, #tpu.memory_space<vmem>>, vector<16xf32>,
        %parallel_loop3A_696 = arith.mulf %parallel_loop3A_695, %parallel_loop3A_668 : vector<16xf32>
        %parallel_loop3A_697 = arith.constant 6 : i32
        %parallel_loop3A_698 = arith.addi %parallel_loop3A_110, %parallel_loop3A_697 : i32
        %parallel_loop3A_699 = arith.index_cast %parallel_loop3A_698 : i32 to index
        %parallel_loop3A_700 = arith.constant 32 : index
        %parallel_loop3A_701 = tpu.vector_load %arg15[%parallel_loop3A_699, %parallel_loop3A_700] {strides = array<i32>} : memref<64x128xf32, #tpu.memory_space<vmem>>, vector<16xf32>,
        tpu.vector_store %arg15[%parallel_loop3A_699, %parallel_loop3A_700], %parallel_loop3A_696 {strides = array<i32>} : memref<64x128xf32, #tpu.memory_space<vmem>>, vector<16xf32>,
        %parallel_loop3A_702 = arith.constant 6 : i32
        %parallel_loop3A_703 = arith.addi %parallel_loop3A_110, %parallel_loop3A_702 : i32
        %parallel_loop3A_704 = arith.index_cast %parallel_loop3A_703 : i32 to index
        %parallel_loop3A_705 = arith.constant 48 : index
        %parallel_loop3A_706 = tpu.vector_load %arg15[%parallel_loop3A_704, %parallel_loop3A_705] {strides = array<i32>} : memref<64x128xf32, #tpu.memory_space<vmem>>, vector<16xf32>,
        %parallel_loop3A_707 = arith.mulf %parallel_loop3A_706, %parallel_loop3A_668 : vector<16xf32>
        %parallel_loop3A_708 = arith.constant 6 : i32
        %parallel_loop3A_709 = arith.addi %parallel_loop3A_110, %parallel_loop3A_708 : i32
        %parallel_loop3A_710 = arith.index_cast %parallel_loop3A_709 : i32 to index
        %parallel_loop3A_711 = arith.constant 48 : index
        %parallel_loop3A_712 = tpu.vector_load %arg15[%parallel_loop3A_710, %parallel_loop3A_711] {strides = array<i32>} : memref<64x128xf32, #tpu.memory_space<vmem>>, vector<16xf32>,
        tpu.vector_store %arg15[%parallel_loop3A_710, %parallel_loop3A_711], %parallel_loop3A_707 {strides = array<i32>} : memref<64x128xf32, #tpu.memory_space<vmem>>, vector<16xf32>,
        %parallel_loop3A_713 = arith.constant 6 : i32
        %parallel_loop3A_714 = arith.addi %parallel_loop3A_110, %parallel_loop3A_713 : i32
        %parallel_loop3A_715 = arith.index_cast %parallel_loop3A_714 : i32 to index
        %parallel_loop3A_716 = arith.constant 64 : index
        %parallel_loop3A_717 = tpu.vector_load %arg15[%parallel_loop3A_715, %parallel_loop3A_716] {strides = array<i32>} : memref<64x128xf32, #tpu.memory_space<vmem>>, vector<16xf32>,
        %parallel_loop3A_718 = arith.mulf %parallel_loop3A_717, %parallel_loop3A_668 : vector<16xf32>
        %parallel_loop3A_719 = arith.constant 6 : i32
        %parallel_loop3A_720 = arith.addi %parallel_loop3A_110, %parallel_loop3A_719 : i32
        %parallel_loop3A_721 = arith.index_cast %parallel_loop3A_720 : i32 to index
        %parallel_loop3A_722 = arith.constant 64 : index
        %parallel_loop3A_723 = tpu.vector_load %arg15[%parallel_loop3A_721, %parallel_loop3A_722] {strides = array<i32>} : memref<64x128xf32, #tpu.memory_space<vmem>>, vector<16xf32>,
        tpu.vector_store %arg15[%parallel_loop3A_721, %parallel_loop3A_722], %parallel_loop3A_718 {strides = array<i32>} : memref<64x128xf32, #tpu.memory_space<vmem>>, vector<16xf32>,
        %parallel_loop3A_724 = arith.constant 6 : i32
        %parallel_loop3A_725 = arith.addi %parallel_loop3A_110, %parallel_loop3A_724 : i32
        %parallel_loop3A_726 = arith.index_cast %parallel_loop3A_725 : i32 to index
        %parallel_loop3A_727 = arith.constant 80 : index
        %parallel_loop3A_728 = tpu.vector_load %arg15[%parallel_loop3A_726, %parallel_loop3A_727] {strides = array<i32>} : memref<64x128xf32, #tpu.memory_space<vmem>>, vector<16xf32>,
        %parallel_loop3A_729 = arith.mulf %parallel_loop3A_728, %parallel_loop3A_668 : vector<16xf32>
        %parallel_loop3A_730 = arith.constant 6 : i32
        %parallel_loop3A_731 = arith.addi %parallel_loop3A_110, %parallel_loop3A_730 : i32
        %parallel_loop3A_732 = arith.index_cast %parallel_loop3A_731 : i32 to index
        %parallel_loop3A_733 = arith.constant 80 : index
        %parallel_loop3A_734 = tpu.vector_load %arg15[%parallel_loop3A_732, %parallel_loop3A_733] {strides = array<i32>} : memref<64x128xf32, #tpu.memory_space<vmem>>, vector<16xf32>,
        tpu.vector_store %arg15[%parallel_loop3A_732, %parallel_loop3A_733], %parallel_loop3A_729 {strides = array<i32>} : memref<64x128xf32, #tpu.memory_space<vmem>>, vector<16xf32>,
        %parallel_loop3A_735 = arith.constant 6 : i32
        %parallel_loop3A_736 = arith.addi %parallel_loop3A_110, %parallel_loop3A_735 : i32
        %parallel_loop3A_737 = arith.index_cast %parallel_loop3A_736 : i32 to index
        %parallel_loop3A_738 = arith.constant 96 : index
        %parallel_loop3A_739 = tpu.vector_load %arg15[%parallel_loop3A_737, %parallel_loop3A_738] {strides = array<i32>} : memref<64x128xf32, #tpu.memory_space<vmem>>, vector<16xf32>,
        %parallel_loop3A_740 = arith.mulf %parallel_loop3A_739, %parallel_loop3A_668 : vector<16xf32>
        %parallel_loop3A_741 = arith.constant 6 : i32
        %parallel_loop3A_742 = arith.addi %parallel_loop3A_110, %parallel_loop3A_741 : i32
        %parallel_loop3A_743 = arith.index_cast %parallel_loop3A_742 : i32 to index
        %parallel_loop3A_744 = arith.constant 96 : index
        %parallel_loop3A_745 = tpu.vector_load %arg15[%parallel_loop3A_743, %parallel_loop3A_744] {strides = array<i32>} : memref<64x128xf32, #tpu.memory_space<vmem>>, vector<16xf32>,
        tpu.vector_store %arg15[%parallel_loop3A_743, %parallel_loop3A_744], %parallel_loop3A_740 {strides = array<i32>} : memref<64x128xf32, #tpu.memory_space<vmem>>, vector<16xf32>,
        %parallel_loop3A_746 = arith.constant 6 : i32
        %parallel_loop3A_747 = arith.addi %parallel_loop3A_110, %parallel_loop3A_746 : i32
        %parallel_loop3A_748 = arith.index_cast %parallel_loop3A_747 : i32 to index
        %parallel_loop3A_749 = arith.constant 112 : index
        %parallel_loop3A_750 = tpu.vector_load %arg15[%parallel_loop3A_748, %parallel_loop3A_749] {strides = array<i32>} : memref<64x128xf32, #tpu.memory_space<vmem>>, vector<16xf32>,
        %parallel_loop3A_751 = arith.mulf %parallel_loop3A_750, %parallel_loop3A_668 : vector<16xf32>
        %parallel_loop3A_752 = arith.constant 6 : i32
        %parallel_loop3A_753 = arith.addi %parallel_loop3A_110, %parallel_loop3A_752 : i32
        %parallel_loop3A_754 = arith.index_cast %parallel_loop3A_753 : i32 to index
        %parallel_loop3A_755 = arith.constant 112 : index
        %parallel_loop3A_756 = tpu.vector_load %arg15[%parallel_loop3A_754, %parallel_loop3A_755] {strides = array<i32>} : memref<64x128xf32, #tpu.memory_space<vmem>>, vector<16xf32>,
        tpu.vector_store %arg15[%parallel_loop3A_754, %parallel_loop3A_755], %parallel_loop3A_751 {strides = array<i32>} : memref<64x128xf32, #tpu.memory_space<vmem>>, vector<16xf32>,
        %parallel_loop3A_757 = arith.constant 7 : i32
        %parallel_loop3A_758 = vector.broadcast %parallel_loop3A_757 : i32 to vector<16x1xi32>
        %parallel_loop3A_759 = vector.shape_cast %parallel_loop3A_758 : vector<16x1xi32> to vector<16xi32>
        %parallel_loop3A_760 = tpu.dynamic_gather %parallel_loop3A_112[%parallel_loop3A_759] in [0] : vector<16xf32>, vector<16xi32> -> vector<16xf32>
        %parallel_loop3A_761 = arith.constant 7 : i32
        %parallel_loop3A_762 = arith.addi %parallel_loop3A_110, %parallel_loop3A_761 : i32
        %parallel_loop3A_763 = arith.index_cast %parallel_loop3A_762 : i32 to index
        %parallel_loop3A_764 = arith.constant 0 : index
        %parallel_loop3A_765 = tpu.vector_load %arg15[%parallel_loop3A_763, %parallel_loop3A_764] {strides = array<i32>} : memref<64x128xf32, #tpu.memory_space<vmem>>, vector<16xf32>,
        %parallel_loop3A_766 = arith.mulf %parallel_loop3A_765, %parallel_loop3A_760 : vector<16xf32>
        %parallel_loop3A_767 = arith.constant 7 : i32
        %parallel_loop3A_768 = arith.addi %parallel_loop3A_110, %parallel_loop3A_767 : i32
        %parallel_loop3A_769 = arith.index_cast %parallel_loop3A_768 : i32 to index
        %parallel_loop3A_770 = arith.constant 0 : index
        %parallel_loop3A_771 = tpu.vector_load %arg15[%parallel_loop3A_769, %parallel_loop3A_770] {strides = array<i32>} : memref<64x128xf32, #tpu.memory_space<vmem>>, vector<16xf32>,
        tpu.vector_store %arg15[%parallel_loop3A_769, %parallel_loop3A_770], %parallel_loop3A_766 {strides = array<i32>} : memref<64x128xf32, #tpu.memory_space<vmem>>, vector<16xf32>,
        %parallel_loop3A_772 = arith.constant 7 : i32
        %parallel_loop3A_773 = arith.addi %parallel_loop3A_110, %parallel_loop3A_772 : i32
        %parallel_loop3A_774 = arith.index_cast %parallel_loop3A_773 : i32 to index
        %parallel_loop3A_775 = arith.constant 16 : index
        %parallel_loop3A_776 = tpu.vector_load %arg15[%parallel_loop3A_774, %parallel_loop3A_775] {strides = array<i32>} : memref<64x128xf32, #tpu.memory_space<vmem>>, vector<16xf32>,
        %parallel_loop3A_777 = arith.mulf %parallel_loop3A_776, %parallel_loop3A_760 : vector<16xf32>
        %parallel_loop3A_778 = arith.constant 7 : i32
        %parallel_loop3A_779 = arith.addi %parallel_loop3A_110, %parallel_loop3A_778 : i32
        %parallel_loop3A_780 = arith.index_cast %parallel_loop3A_779 : i32 to index
        %parallel_loop3A_781 = arith.constant 16 : index
        %parallel_loop3A_782 = tpu.vector_load %arg15[%parallel_loop3A_780, %parallel_loop3A_781] {strides = array<i32>} : memref<64x128xf32, #tpu.memory_space<vmem>>, vector<16xf32>,
        tpu.vector_store %arg15[%parallel_loop3A_780, %parallel_loop3A_781], %parallel_loop3A_777 {strides = array<i32>} : memref<64x128xf32, #tpu.memory_space<vmem>>, vector<16xf32>,
        %parallel_loop3A_783 = arith.constant 7 : i32
        %parallel_loop3A_784 = arith.addi %parallel_loop3A_110, %parallel_loop3A_783 : i32
        %parallel_loop3A_785 = arith.index_cast %parallel_loop3A_784 : i32 to index
        %parallel_loop3A_786 = arith.constant 32 : index
        %parallel_loop3A_787 = tpu.vector_load %arg15[%parallel_loop3A_785, %parallel_loop3A_786] {strides = array<i32>} : memref<64x128xf32, #tpu.memory_space<vmem>>, vector<16xf32>,
        %parallel_loop3A_788 = arith.mulf %parallel_loop3A_787, %parallel_loop3A_760 : vector<16xf32>
        %parallel_loop3A_789 = arith.constant 7 : i32
        %parallel_loop3A_790 = arith.addi %parallel_loop3A_110, %parallel_loop3A_789 : i32
        %parallel_loop3A_791 = arith.index_cast %parallel_loop3A_790 : i32 to index
        %parallel_loop3A_792 = arith.constant 32 : index
        %parallel_loop3A_793 = tpu.vector_load %arg15[%parallel_loop3A_791, %parallel_loop3A_792] {strides = array<i32>} : memref<64x128xf32, #tpu.memory_space<vmem>>, vector<16xf32>,
        tpu.vector_store %arg15[%parallel_loop3A_791, %parallel_loop3A_792], %parallel_loop3A_788 {strides = array<i32>} : memref<64x128xf32, #tpu.memory_space<vmem>>, vector<16xf32>,
        %parallel_loop3A_794 = arith.constant 7 : i32
        %parallel_loop3A_795 = arith.addi %parallel_loop3A_110, %parallel_loop3A_794 : i32
        %parallel_loop3A_796 = arith.index_cast %parallel_loop3A_795 : i32 to index
        %parallel_loop3A_797 = arith.constant 48 : index
        %parallel_loop3A_798 = tpu.vector_load %arg15[%parallel_loop3A_796, %parallel_loop3A_797] {strides = array<i32>} : memref<64x128xf32, #tpu.memory_space<vmem>>, vector<16xf32>,
        %parallel_loop3A_799 = arith.mulf %parallel_loop3A_798, %parallel_loop3A_760 : vector<16xf32>
        %parallel_loop3A_800 = arith.constant 7 : i32
        %parallel_loop3A_801 = arith.addi %parallel_loop3A_110, %parallel_loop3A_800 : i32
        %parallel_loop3A_802 = arith.index_cast %parallel_loop3A_801 : i32 to index
        %parallel_loop3A_803 = arith.constant 48 : index
        %parallel_loop3A_804 = tpu.vector_load %arg15[%parallel_loop3A_802, %parallel_loop3A_803] {strides = array<i32>} : memref<64x128xf32, #tpu.memory_space<vmem>>, vector<16xf32>,
        tpu.vector_store %arg15[%parallel_loop3A_802, %parallel_loop3A_803], %parallel_loop3A_799 {strides = array<i32>} : memref<64x128xf32, #tpu.memory_space<vmem>>, vector<16xf32>,
        %parallel_loop3A_805 = arith.constant 7 : i32
        %parallel_loop3A_806 = arith.addi %parallel_loop3A_110, %parallel_loop3A_805 : i32
        %parallel_loop3A_807 = arith.index_cast %parallel_loop3A_806 : i32 to index
        %parallel_loop3A_808 = arith.constant 64 : index
        %parallel_loop3A_809 = tpu.vector_load %arg15[%parallel_loop3A_807, %parallel_loop3A_808] {strides = array<i32>} : memref<64x128xf32, #tpu.memory_space<vmem>>, vector<16xf32>,
        %parallel_loop3A_810 = arith.mulf %parallel_loop3A_809, %parallel_loop3A_760 : vector<16xf32>
        %parallel_loop3A_811 = arith.constant 7 : i32
        %parallel_loop3A_812 = arith.addi %parallel_loop3A_110, %parallel_loop3A_811 : i32
        %parallel_loop3A_813 = arith.index_cast %parallel_loop3A_812 : i32 to index
        %parallel_loop3A_814 = arith.constant 64 : index
        %parallel_loop3A_815 = tpu.vector_load %arg15[%parallel_loop3A_813, %parallel_loop3A_814] {strides = array<i32>} : memref<64x128xf32, #tpu.memory_space<vmem>>, vector<16xf32>,
        tpu.vector_store %arg15[%parallel_loop3A_813, %parallel_loop3A_814], %parallel_loop3A_810 {strides = array<i32>} : memref<64x128xf32, #tpu.memory_space<vmem>>, vector<16xf32>,
        %parallel_loop3A_816 = arith.constant 7 : i32
        %parallel_loop3A_817 = arith.addi %parallel_loop3A_110, %parallel_loop3A_816 : i32
        %parallel_loop3A_818 = arith.index_cast %parallel_loop3A_817 : i32 to index
        %parallel_loop3A_819 = arith.constant 80 : index
        %parallel_loop3A_820 = tpu.vector_load %arg15[%parallel_loop3A_818, %parallel_loop3A_819] {strides = array<i32>} : memref<64x128xf32, #tpu.memory_space<vmem>>, vector<16xf32>,
        %parallel_loop3A_821 = arith.mulf %parallel_loop3A_820, %parallel_loop3A_760 : vector<16xf32>
        %parallel_loop3A_822 = arith.constant 7 : i32
        %parallel_loop3A_823 = arith.addi %parallel_loop3A_110, %parallel_loop3A_822 : i32
        %parallel_loop3A_824 = arith.index_cast %parallel_loop3A_823 : i32 to index
        %parallel_loop3A_825 = arith.constant 80 : index
        %parallel_loop3A_826 = tpu.vector_load %arg15[%parallel_loop3A_824, %parallel_loop3A_825] {strides = array<i32>} : memref<64x128xf32, #tpu.memory_space<vmem>>, vector<16xf32>,
        tpu.vector_store %arg15[%parallel_loop3A_824, %parallel_loop3A_825], %parallel_loop3A_821 {strides = array<i32>} : memref<64x128xf32, #tpu.memory_space<vmem>>, vector<16xf32>,
        %parallel_loop3A_827 = arith.constant 7 : i32
        %parallel_loop3A_828 = arith.addi %parallel_loop3A_110, %parallel_loop3A_827 : i32
        %parallel_loop3A_829 = arith.index_cast %parallel_loop3A_828 : i32 to index
        %parallel_loop3A_830 = arith.constant 96 : index
        %parallel_loop3A_831 = tpu.vector_load %arg15[%parallel_loop3A_829, %parallel_loop3A_830] {strides = array<i32>} : memref<64x128xf32, #tpu.memory_space<vmem>>, vector<16xf32>,
        %parallel_loop3A_832 = arith.mulf %parallel_loop3A_831, %parallel_loop3A_760 : vector<16xf32>
        %parallel_loop3A_833 = arith.constant 7 : i32
        %parallel_loop3A_834 = arith.addi %parallel_loop3A_110, %parallel_loop3A_833 : i32
        %parallel_loop3A_835 = arith.index_cast %parallel_loop3A_834 : i32 to index
        %parallel_loop3A_836 = arith.constant 96 : index
        %parallel_loop3A_837 = tpu.vector_load %arg15[%parallel_loop3A_835, %parallel_loop3A_836] {strides = array<i32>} : memref<64x128xf32, #tpu.memory_space<vmem>>, vector<16xf32>,
        tpu.vector_store %arg15[%parallel_loop3A_835, %parallel_loop3A_836], %parallel_loop3A_832 {strides = array<i32>} : memref<64x128xf32, #tpu.memory_space<vmem>>, vector<16xf32>,
        %parallel_loop3A_838 = arith.constant 7 : i32
        %parallel_loop3A_839 = arith.addi %parallel_loop3A_110, %parallel_loop3A_838 : i32
        %parallel_loop3A_840 = arith.index_cast %parallel_loop3A_839 : i32 to index
        %parallel_loop3A_841 = arith.constant 112 : index
        %parallel_loop3A_842 = tpu.vector_load %arg15[%parallel_loop3A_840, %parallel_loop3A_841] {strides = array<i32>} : memref<64x128xf32, #tpu.memory_space<vmem>>, vector<16xf32>,
        %parallel_loop3A_843 = arith.mulf %parallel_loop3A_842, %parallel_loop3A_760 : vector<16xf32>
        %parallel_loop3A_844 = arith.constant 7 : i32
        %parallel_loop3A_845 = arith.addi %parallel_loop3A_110, %parallel_loop3A_844 : i32
        %parallel_loop3A_846 = arith.index_cast %parallel_loop3A_845 : i32 to index
        %parallel_loop3A_847 = arith.constant 112 : index
        %parallel_loop3A_848 = tpu.vector_load %arg15[%parallel_loop3A_846, %parallel_loop3A_847] {strides = array<i32>} : memref<64x128xf32, #tpu.memory_space<vmem>>, vector<16xf32>,
        tpu.vector_store %arg15[%parallel_loop3A_846, %parallel_loop3A_847], %parallel_loop3A_843 {strides = array<i32>} : memref<64x128xf32, #tpu.memory_space<vmem>>, vector<16xf32>,
        %parallel_loop3A_849 = arith.constant 8 : i32
        %parallel_loop3A_850 = vector.broadcast %parallel_loop3A_849 : i32 to vector<16x1xi32>
        %parallel_loop3A_851 = vector.shape_cast %parallel_loop3A_850 : vector<16x1xi32> to vector<16xi32>
        %parallel_loop3A_852 = tpu.dynamic_gather %parallel_loop3A_112[%parallel_loop3A_851] in [0] : vector<16xf32>, vector<16xi32> -> vector<16xf32>
        %parallel_loop3A_853 = arith.constant 8 : i32
        %parallel_loop3A_854 = arith.addi %parallel_loop3A_110, %parallel_loop3A_853 : i32
        %parallel_loop3A_855 = arith.index_cast %parallel_loop3A_854 : i32 to index
        %parallel_loop3A_856 = arith.constant 0 : index
        %parallel_loop3A_857 = tpu.vector_load %arg15[%parallel_loop3A_855, %parallel_loop3A_856] {strides = array<i32>} : memref<64x128xf32, #tpu.memory_space<vmem>>, vector<16xf32>,
        %parallel_loop3A_858 = arith.mulf %parallel_loop3A_857, %parallel_loop3A_852 : vector<16xf32>
        %parallel_loop3A_859 = arith.constant 8 : i32
        %parallel_loop3A_860 = arith.addi %parallel_loop3A_110, %parallel_loop3A_859 : i32
        %parallel_loop3A_861 = arith.index_cast %parallel_loop3A_860 : i32 to index
        %parallel_loop3A_862 = arith.constant 0 : index
        %parallel_loop3A_863 = tpu.vector_load %arg15[%parallel_loop3A_861, %parallel_loop3A_862] {strides = array<i32>} : memref<64x128xf32, #tpu.memory_space<vmem>>, vector<16xf32>,
        tpu.vector_store %arg15[%parallel_loop3A_861, %parallel_loop3A_862], %parallel_loop3A_858 {strides = array<i32>} : memref<64x128xf32, #tpu.memory_space<vmem>>, vector<16xf32>,
        %parallel_loop3A_864 = arith.constant 8 : i32
        %parallel_loop3A_865 = arith.addi %parallel_loop3A_110, %parallel_loop3A_864 : i32
        %parallel_loop3A_866 = arith.index_cast %parallel_loop3A_865 : i32 to index
        %parallel_loop3A_867 = arith.constant 16 : index
        %parallel_loop3A_868 = tpu.vector_load %arg15[%parallel_loop3A_866, %parallel_loop3A_867] {strides = array<i32>} : memref<64x128xf32, #tpu.memory_space<vmem>>, vector<16xf32>,
        %parallel_loop3A_869 = arith.mulf %parallel_loop3A_868, %parallel_loop3A_852 : vector<16xf32>
        %parallel_loop3A_870 = arith.constant 8 : i32
        %parallel_loop3A_871 = arith.addi %parallel_loop3A_110, %parallel_loop3A_870 : i32
        %parallel_loop3A_872 = arith.index_cast %parallel_loop3A_871 : i32 to index
        %parallel_loop3A_873 = arith.constant 16 : index
        %parallel_loop3A_874 = tpu.vector_load %arg15[%parallel_loop3A_872, %parallel_loop3A_873] {strides = array<i32>} : memref<64x128xf32, #tpu.memory_space<vmem>>, vector<16xf32>,
        tpu.vector_store %arg15[%parallel_loop3A_872, %parallel_loop3A_873], %parallel_loop3A_869 {strides = array<i32>} : memref<64x128xf32, #tpu.memory_space<vmem>>, vector<16xf32>,
        %parallel_loop3A_875 = arith.constant 8 : i32
        %parallel_loop3A_876 = arith.addi %parallel_loop3A_110, %parallel_loop3A_875 : i32
        %parallel_loop3A_877 = arith.index_cast %parallel_loop3A_876 : i32 to index
        %parallel_loop3A_878 = arith.constant 32 : index
        %parallel_loop3A_879 = tpu.vector_load %arg15[%parallel_loop3A_877, %parallel_loop3A_878] {strides = array<i32>} : memref<64x128xf32, #tpu.memory_space<vmem>>, vector<16xf32>,
        %parallel_loop3A_880 = arith.mulf %parallel_loop3A_879, %parallel_loop3A_852 : vector<16xf32>
        %parallel_loop3A_881 = arith.constant 8 : i32
        %parallel_loop3A_882 = arith.addi %parallel_loop3A_110, %parallel_loop3A_881 : i32
        %parallel_loop3A_883 = arith.index_cast %parallel_loop3A_882 : i32 to index
        %parallel_loop3A_884 = arith.constant 32 : index
        %parallel_loop3A_885 = tpu.vector_load %arg15[%parallel_loop3A_883, %parallel_loop3A_884] {strides = array<i32>} : memref<64x128xf32, #tpu.memory_space<vmem>>, vector<16xf32>,
        tpu.vector_store %arg15[%parallel_loop3A_883, %parallel_loop3A_884], %parallel_loop3A_880 {strides = array<i32>} : memref<64x128xf32, #tpu.memory_space<vmem>>, vector<16xf32>,
        %parallel_loop3A_886 = arith.constant 8 : i32
        %parallel_loop3A_887 = arith.addi %parallel_loop3A_110, %parallel_loop3A_886 : i32
        %parallel_loop3A_888 = arith.index_cast %parallel_loop3A_887 : i32 to index
        %parallel_loop3A_889 = arith.constant 48 : index
        %parallel_loop3A_890 = tpu.vector_load %arg15[%parallel_loop3A_888, %parallel_loop3A_889] {strides = array<i32>} : memref<64x128xf32, #tpu.memory_space<vmem>>, vector<16xf32>,
        %parallel_loop3A_891 = arith.mulf %parallel_loop3A_890, %parallel_loop3A_852 : vector<16xf32>
        %parallel_loop3A_892 = arith.constant 8 : i32
        %parallel_loop3A_893 = arith.addi %parallel_loop3A_110, %parallel_loop3A_892 : i32
        %parallel_loop3A_894 = arith.index_cast %parallel_loop3A_893 : i32 to index
        %parallel_loop3A_895 = arith.constant 48 : index
        %parallel_loop3A_896 = tpu.vector_load %arg15[%parallel_loop3A_894, %parallel_loop3A_895] {strides = array<i32>} : memref<64x128xf32, #tpu.memory_space<vmem>>, vector<16xf32>,
        tpu.vector_store %arg15[%parallel_loop3A_894, %parallel_loop3A_895], %parallel_loop3A_891 {strides = array<i32>} : memref<64x128xf32, #tpu.memory_space<vmem>>, vector<16xf32>,
        %parallel_loop3A_897 = arith.constant 8 : i32
        %parallel_loop3A_898 = arith.addi %parallel_loop3A_110, %parallel_loop3A_897 : i32
        %parallel_loop3A_899 = arith.index_cast %parallel_loop3A_898 : i32 to index
        %parallel_loop3A_900 = arith.constant 64 : index
        %parallel_loop3A_901 = tpu.vector_load %arg15[%parallel_loop3A_899, %parallel_loop3A_900] {strides = array<i32>} : memref<64x128xf32, #tpu.memory_space<vmem>>, vector<16xf32>,
        %parallel_loop3A_902 = arith.mulf %parallel_loop3A_901, %parallel_loop3A_852 : vector<16xf32>
        %parallel_loop3A_903 = arith.constant 8 : i32
        %parallel_loop3A_904 = arith.addi %parallel_loop3A_110, %parallel_loop3A_903 : i32
        %parallel_loop3A_905 = arith.index_cast %parallel_loop3A_904 : i32 to index
        %parallel_loop3A_906 = arith.constant 64 : index
        %parallel_loop3A_907 = tpu.vector_load %arg15[%parallel_loop3A_905, %parallel_loop3A_906] {strides = array<i32>} : memref<64x128xf32, #tpu.memory_space<vmem>>, vector<16xf32>,
        tpu.vector_store %arg15[%parallel_loop3A_905, %parallel_loop3A_906], %parallel_loop3A_902 {strides = array<i32>} : memref<64x128xf32, #tpu.memory_space<vmem>>, vector<16xf32>,
        %parallel_loop3A_908 = arith.constant 8 : i32
        %parallel_loop3A_909 = arith.addi %parallel_loop3A_110, %parallel_loop3A_908 : i32
        %parallel_loop3A_910 = arith.index_cast %parallel_loop3A_909 : i32 to index
        %parallel_loop3A_911 = arith.constant 80 : index
        %parallel_loop3A_912 = tpu.vector_load %arg15[%parallel_loop3A_910, %parallel_loop3A_911] {strides = array<i32>} : memref<64x128xf32, #tpu.memory_space<vmem>>, vector<16xf32>,
        %parallel_loop3A_913 = arith.mulf %parallel_loop3A_912, %parallel_loop3A_852 : vector<16xf32>
        %parallel_loop3A_914 = arith.constant 8 : i32
        %parallel_loop3A_915 = arith.addi %parallel_loop3A_110, %parallel_loop3A_914 : i32
        %parallel_loop3A_916 = arith.index_cast %parallel_loop3A_915 : i32 to index
        %parallel_loop3A_917 = arith.constant 80 : index
        %parallel_loop3A_918 = tpu.vector_load %arg15[%parallel_loop3A_916, %parallel_loop3A_917] {strides = array<i32>} : memref<64x128xf32, #tpu.memory_space<vmem>>, vector<16xf32>,
        tpu.vector_store %arg15[%parallel_loop3A_916, %parallel_loop3A_917], %parallel_loop3A_913 {strides = array<i32>} : memref<64x128xf32, #tpu.memory_space<vmem>>, vector<16xf32>,
        %parallel_loop3A_919 = arith.constant 8 : i32
        %parallel_loop3A_920 = arith.addi %parallel_loop3A_110, %parallel_loop3A_919 : i32
        %parallel_loop3A_921 = arith.index_cast %parallel_loop3A_920 : i32 to index
        %parallel_loop3A_922 = arith.constant 96 : index
        %parallel_loop3A_923 = tpu.vector_load %arg15[%parallel_loop3A_921, %parallel_loop3A_922] {strides = array<i32>} : memref<64x128xf32, #tpu.memory_space<vmem>>, vector<16xf32>,
        %parallel_loop3A_924 = arith.mulf %parallel_loop3A_923, %parallel_loop3A_852 : vector<16xf32>
        %parallel_loop3A_925 = arith.constant 8 : i32
        %parallel_loop3A_926 = arith.addi %parallel_loop3A_110, %parallel_loop3A_925 : i32
        %parallel_loop3A_927 = arith.index_cast %parallel_loop3A_926 : i32 to index
        %parallel_loop3A_928 = arith.constant 96 : index
        %parallel_loop3A_929 = tpu.vector_load %arg15[%parallel_loop3A_927, %parallel_loop3A_928] {strides = array<i32>} : memref<64x128xf32, #tpu.memory_space<vmem>>, vector<16xf32>,
        tpu.vector_store %arg15[%parallel_loop3A_927, %parallel_loop3A_928], %parallel_loop3A_924 {strides = array<i32>} : memref<64x128xf32, #tpu.memory_space<vmem>>, vector<16xf32>,
        %parallel_loop3A_930 = arith.constant 8 : i32
        %parallel_loop3A_931 = arith.addi %parallel_loop3A_110, %parallel_loop3A_930 : i32
        %parallel_loop3A_932 = arith.index_cast %parallel_loop3A_931 : i32 to index
        %parallel_loop3A_933 = arith.constant 112 : index
        %parallel_loop3A_934 = tpu.vector_load %arg15[%parallel_loop3A_932, %parallel_loop3A_933] {strides = array<i32>} : memref<64x128xf32, #tpu.memory_space<vmem>>, vector<16xf32>,
        %parallel_loop3A_935 = arith.mulf %parallel_loop3A_934, %parallel_loop3A_852 : vector<16xf32>
        %parallel_loop3A_936 = arith.constant 8 : i32
        %parallel_loop3A_937 = arith.addi %parallel_loop3A_110, %parallel_loop3A_936 : i32
        %parallel_loop3A_938 = arith.index_cast %parallel_loop3A_937 : i32 to index
        %parallel_loop3A_939 = arith.constant 112 : index
        %parallel_loop3A_940 = tpu.vector_load %arg15[%parallel_loop3A_938, %parallel_loop3A_939] {strides = array<i32>} : memref<64x128xf32, #tpu.memory_space<vmem>>, vector<16xf32>,
        tpu.vector_store %arg15[%parallel_loop3A_938, %parallel_loop3A_939], %parallel_loop3A_935 {strides = array<i32>} : memref<64x128xf32, #tpu.memory_space<vmem>>, vector<16xf32>,
        %parallel_loop3A_941 = arith.constant 9 : i32
        %parallel_loop3A_942 = vector.broadcast %parallel_loop3A_941 : i32 to vector<16x1xi32>
        %parallel_loop3A_943 = vector.shape_cast %parallel_loop3A_942 : vector<16x1xi32> to vector<16xi32>
        %parallel_loop3A_944 = tpu.dynamic_gather %parallel_loop3A_112[%parallel_loop3A_943] in [0] : vector<16xf32>, vector<16xi32> -> vector<16xf32>
        %parallel_loop3A_945 = arith.constant 9 : i32
        %parallel_loop3A_946 = arith.addi %parallel_loop3A_110, %parallel_loop3A_945 : i32
        %parallel_loop3A_947 = arith.index_cast %parallel_loop3A_946 : i32 to index
        %parallel_loop3A_948 = arith.constant 0 : index
        %parallel_loop3A_949 = tpu.vector_load %arg15[%parallel_loop3A_947, %parallel_loop3A_948] {strides = array<i32>} : memref<64x128xf32, #tpu.memory_space<vmem>>, vector<16xf32>,
        %parallel_loop3A_950 = arith.mulf %parallel_loop3A_949, %parallel_loop3A_944 : vector<16xf32>
        %parallel_loop3A_951 = arith.constant 9 : i32
        %parallel_loop3A_952 = arith.addi %parallel_loop3A_110, %parallel_loop3A_951 : i32
        %parallel_loop3A_953 = arith.index_cast %parallel_loop3A_952 : i32 to index
        %parallel_loop3A_954 = arith.constant 0 : index
        %parallel_loop3A_955 = tpu.vector_load %arg15[%parallel_loop3A_953, %parallel_loop3A_954] {strides = array<i32>} : memref<64x128xf32, #tpu.memory_space<vmem>>, vector<16xf32>,
        tpu.vector_store %arg15[%parallel_loop3A_953, %parallel_loop3A_954], %parallel_loop3A_950 {strides = array<i32>} : memref<64x128xf32, #tpu.memory_space<vmem>>, vector<16xf32>,
        %parallel_loop3A_956 = arith.constant 9 : i32
        %parallel_loop3A_957 = arith.addi %parallel_loop3A_110, %parallel_loop3A_956 : i32
        %parallel_loop3A_958 = arith.index_cast %parallel_loop3A_957 : i32 to index
        %parallel_loop3A_959 = arith.constant 16 : index
        %parallel_loop3A_960 = tpu.vector_load %arg15[%parallel_loop3A_958, %parallel_loop3A_959] {strides = array<i32>} : memref<64x128xf32, #tpu.memory_space<vmem>>, vector<16xf32>,
        %parallel_loop3A_961 = arith.mulf %parallel_loop3A_960, %parallel_loop3A_944 : vector<16xf32>
        %parallel_loop3A_962 = arith.constant 9 : i32
        %parallel_loop3A_963 = arith.addi %parallel_loop3A_110, %parallel_loop3A_962 : i32
        %parallel_loop3A_964 = arith.index_cast %parallel_loop3A_963 : i32 to index
        %parallel_loop3A_965 = arith.constant 16 : index
        %parallel_loop3A_966 = tpu.vector_load %arg15[%parallel_loop3A_964, %parallel_loop3A_965] {strides = array<i32>} : memref<64x128xf32, #tpu.memory_space<vmem>>, vector<16xf32>,
        tpu.vector_store %arg15[%parallel_loop3A_964, %parallel_loop3A_965], %parallel_loop3A_961 {strides = array<i32>} : memref<64x128xf32, #tpu.memory_space<vmem>>, vector<16xf32>,
        %parallel_loop3A_967 = arith.constant 9 : i32
        %parallel_loop3A_968 = arith.addi %parallel_loop3A_110, %parallel_loop3A_967 : i32
        %parallel_loop3A_969 = arith.index_cast %parallel_loop3A_968 : i32 to index
        %parallel_loop3A_970 = arith.constant 32 : index
        %parallel_loop3A_971 = tpu.vector_load %arg15[%parallel_loop3A_969, %parallel_loop3A_970] {strides = array<i32>} : memref<64x128xf32, #tpu.memory_space<vmem>>, vector<16xf32>,
        %parallel_loop3A_972 = arith.mulf %parallel_loop3A_971, %parallel_loop3A_944 : vector<16xf32>
        %parallel_loop3A_973 = arith.constant 9 : i32
        %parallel_loop3A_974 = arith.addi %parallel_loop3A_110, %parallel_loop3A_973 : i32
        %parallel_loop3A_975 = arith.index_cast %parallel_loop3A_974 : i32 to index
        %parallel_loop3A_976 = arith.constant 32 : index
        %parallel_loop3A_977 = tpu.vector_load %arg15[%parallel_loop3A_975, %parallel_loop3A_976] {strides = array<i32>} : memref<64x128xf32, #tpu.memory_space<vmem>>, vector<16xf32>,
        tpu.vector_store %arg15[%parallel_loop3A_975, %parallel_loop3A_976], %parallel_loop3A_972 {strides = array<i32>} : memref<64x128xf32, #tpu.memory_space<vmem>>, vector<16xf32>,
        %parallel_loop3A_978 = arith.constant 9 : i32
        %parallel_loop3A_979 = arith.addi %parallel_loop3A_110, %parallel_loop3A_978 : i32
        %parallel_loop3A_980 = arith.index_cast %parallel_loop3A_979 : i32 to index
        %parallel_loop3A_981 = arith.constant 48 : index
        %parallel_loop3A_982 = tpu.vector_load %arg15[%parallel_loop3A_980, %parallel_loop3A_981] {strides = array<i32>} : memref<64x128xf32, #tpu.memory_space<vmem>>, vector<16xf32>,
        %parallel_loop3A_983 = arith.mulf %parallel_loop3A_982, %parallel_loop3A_944 : vector<16xf32>
        %parallel_loop3A_984 = arith.constant 9 : i32
        %parallel_loop3A_985 = arith.addi %parallel_loop3A_110, %parallel_loop3A_984 : i32
        %parallel_loop3A_986 = arith.index_cast %parallel_loop3A_985 : i32 to index
        %parallel_loop3A_987 = arith.constant 48 : index
        %parallel_loop3A_988 = tpu.vector_load %arg15[%parallel_loop3A_986, %parallel_loop3A_987] {strides = array<i32>} : memref<64x128xf32, #tpu.memory_space<vmem>>, vector<16xf32>,
        tpu.vector_store %arg15[%parallel_loop3A_986, %parallel_loop3A_987], %parallel_loop3A_983 {strides = array<i32>} : memref<64x128xf32, #tpu.memory_space<vmem>>, vector<16xf32>,
        %parallel_loop3A_989 = arith.constant 9 : i32
        %parallel_loop3A_990 = arith.addi %parallel_loop3A_110, %parallel_loop3A_989 : i32
        %parallel_loop3A_991 = arith.index_cast %parallel_loop3A_990 : i32 to index
        %parallel_loop3A_992 = arith.constant 64 : index
        %parallel_loop3A_993 = tpu.vector_load %arg15[%parallel_loop3A_991, %parallel_loop3A_992] {strides = array<i32>} : memref<64x128xf32, #tpu.memory_space<vmem>>, vector<16xf32>,
        %parallel_loop3A_994 = arith.mulf %parallel_loop3A_993, %parallel_loop3A_944 : vector<16xf32>
        %parallel_loop3A_995 = arith.constant 9 : i32
        %parallel_loop3A_996 = arith.addi %parallel_loop3A_110, %parallel_loop3A_995 : i32
        %parallel_loop3A_997 = arith.index_cast %parallel_loop3A_996 : i32 to index
        %parallel_loop3A_998 = arith.constant 64 : index
        %parallel_loop3A_999 = tpu.vector_load %arg15[%parallel_loop3A_997, %parallel_loop3A_998] {strides = array<i32>} : memref<64x128xf32, #tpu.memory_space<vmem>>, vector<16xf32>,
        tpu.vector_store %arg15[%parallel_loop3A_997, %parallel_loop3A_998], %parallel_loop3A_994 {strides = array<i32>} : memref<64x128xf32, #tpu.memory_space<vmem>>, vector<16xf32>,
        %parallel_loop3A_1000 = arith.constant 9 : i32
        %parallel_loop3A_1001 = arith.addi %parallel_loop3A_110, %parallel_loop3A_1000 : i32
        %parallel_loop3A_1002 = arith.index_cast %parallel_loop3A_1001 : i32 to index
        %parallel_loop3A_1003 = arith.constant 80 : index
        %parallel_loop3A_1004 = tpu.vector_load %arg15[%parallel_loop3A_1002, %parallel_loop3A_1003] {strides = array<i32>} : memref<64x128xf32, #tpu.memory_space<vmem>>, vector<16xf32>,
        %parallel_loop3A_1005 = arith.mulf %parallel_loop3A_1004, %parallel_loop3A_944 : vector<16xf32>
        %parallel_loop3A_1006 = arith.constant 9 : i32
        %parallel_loop3A_1007 = arith.addi %parallel_loop3A_110, %parallel_loop3A_1006 : i32
        %parallel_loop3A_1008 = arith.index_cast %parallel_loop3A_1007 : i32 to index
        %parallel_loop3A_1009 = arith.constant 80 : index
        %parallel_loop3A_1010 = tpu.vector_load %arg15[%parallel_loop3A_1008, %parallel_loop3A_1009] {strides = array<i32>} : memref<64x128xf32, #tpu.memory_space<vmem>>, vector<16xf32>,
        tpu.vector_store %arg15[%parallel_loop3A_1008, %parallel_loop3A_1009], %parallel_loop3A_1005 {strides = array<i32>} : memref<64x128xf32, #tpu.memory_space<vmem>>, vector<16xf32>,
        %parallel_loop3A_1011 = arith.constant 9 : i32
        %parallel_loop3A_1012 = arith.addi %parallel_loop3A_110, %parallel_loop3A_1011 : i32
        %parallel_loop3A_1013 = arith.index_cast %parallel_loop3A_1012 : i32 to index
        %parallel_loop3A_1014 = arith.constant 96 : index
        %parallel_loop3A_1015 = tpu.vector_load %arg15[%parallel_loop3A_1013, %parallel_loop3A_1014] {strides = array<i32>} : memref<64x128xf32, #tpu.memory_space<vmem>>, vector<16xf32>,
        %parallel_loop3A_1016 = arith.mulf %parallel_loop3A_1015, %parallel_loop3A_944 : vector<16xf32>
        %parallel_loop3A_1017 = arith.constant 9 : i32
        %parallel_loop3A_1018 = arith.addi %parallel_loop3A_110, %parallel_loop3A_1017 : i32
        %parallel_loop3A_1019 = arith.index_cast %parallel_loop3A_1018 : i32 to index
        %parallel_loop3A_1020 = arith.constant 96 : index
        %parallel_loop3A_1021 = tpu.vector_load %arg15[%parallel_loop3A_1019, %parallel_loop3A_1020] {strides = array<i32>} : memref<64x128xf32, #tpu.memory_space<vmem>>, vector<16xf32>,
        tpu.vector_store %arg15[%parallel_loop3A_1019, %parallel_loop3A_1020], %parallel_loop3A_1016 {strides = array<i32>} : memref<64x128xf32, #tpu.memory_space<vmem>>, vector<16xf32>,
        %parallel_loop3A_1022 = arith.constant 9 : i32
        %parallel_loop3A_1023 = arith.addi %parallel_loop3A_110, %parallel_loop3A_1022 : i32
        %parallel_loop3A_1024 = arith.index_cast %parallel_loop3A_1023 : i32 to index
        %parallel_loop3A_1025 = arith.constant 112 : index
        %parallel_loop3A_1026 = tpu.vector_load %arg15[%parallel_loop3A_1024, %parallel_loop3A_1025] {strides = array<i32>} : memref<64x128xf32, #tpu.memory_space<vmem>>, vector<16xf32>,
        %parallel_loop3A_1027 = arith.mulf %parallel_loop3A_1026, %parallel_loop3A_944 : vector<16xf32>
        %parallel_loop3A_1028 = arith.constant 9 : i32
        %parallel_loop3A_1029 = arith.addi %parallel_loop3A_110, %parallel_loop3A_1028 : i32
        %parallel_loop3A_1030 = arith.index_cast %parallel_loop3A_1029 : i32 to index
        %parallel_loop3A_1031 = arith.constant 112 : index
        %parallel_loop3A_1032 = tpu.vector_load %arg15[%parallel_loop3A_1030, %parallel_loop3A_1031] {strides = array<i32>} : memref<64x128xf32, #tpu.memory_space<vmem>>, vector<16xf32>,
        tpu.vector_store %arg15[%parallel_loop3A_1030, %parallel_loop3A_1031], %parallel_loop3A_1027 {strides = array<i32>} : memref<64x128xf32, #tpu.memory_space<vmem>>, vector<16xf32>,
        %parallel_loop3A_1033 = arith.constant 10 : i32
        %parallel_loop3A_1034 = vector.broadcast %parallel_loop3A_1033 : i32 to vector<16x1xi32>
        %parallel_loop3A_1035 = vector.shape_cast %parallel_loop3A_1034 : vector<16x1xi32> to vector<16xi32>
        %parallel_loop3A_1036 = tpu.dynamic_gather %parallel_loop3A_112[%parallel_loop3A_1035] in [0] : vector<16xf32>, vector<16xi32> -> vector<16xf32>
        %parallel_loop3A_1037 = arith.constant 10 : i32
        %parallel_loop3A_1038 = arith.addi %parallel_loop3A_110, %parallel_loop3A_1037 : i32
        %parallel_loop3A_1039 = arith.index_cast %parallel_loop3A_1038 : i32 to index
        %parallel_loop3A_1040 = arith.constant 0 : index
        %parallel_loop3A_1041 = tpu.vector_load %arg15[%parallel_loop3A_1039, %parallel_loop3A_1040] {strides = array<i32>} : memref<64x128xf32, #tpu.memory_space<vmem>>, vector<16xf32>,
        %parallel_loop3A_1042 = arith.mulf %parallel_loop3A_1041, %parallel_loop3A_1036 : vector<16xf32>
        %parallel_loop3A_1043 = arith.constant 10 : i32
        %parallel_loop3A_1044 = arith.addi %parallel_loop3A_110, %parallel_loop3A_1043 : i32
        %parallel_loop3A_1045 = arith.index_cast %parallel_loop3A_1044 : i32 to index
        %parallel_loop3A_1046 = arith.constant 0 : index
        %parallel_loop3A_1047 = tpu.vector_load %arg15[%parallel_loop3A_1045, %parallel_loop3A_1046] {strides = array<i32>} : memref<64x128xf32, #tpu.memory_space<vmem>>, vector<16xf32>,
        tpu.vector_store %arg15[%parallel_loop3A_1045, %parallel_loop3A_1046], %parallel_loop3A_1042 {strides = array<i32>} : memref<64x128xf32, #tpu.memory_space<vmem>>, vector<16xf32>,
        %parallel_loop3A_1048 = arith.constant 10 : i32
        %parallel_loop3A_1049 = arith.addi %parallel_loop3A_110, %parallel_loop3A_1048 : i32
        %parallel_loop3A_1050 = arith.index_cast %parallel_loop3A_1049 : i32 to index
        %parallel_loop3A_1051 = arith.constant 16 : index
        %parallel_loop3A_1052 = tpu.vector_load %arg15[%parallel_loop3A_1050, %parallel_loop3A_1051] {strides = array<i32>} : memref<64x128xf32, #tpu.memory_space<vmem>>, vector<16xf32>,
        %parallel_loop3A_1053 = arith.mulf %parallel_loop3A_1052, %parallel_loop3A_1036 : vector<16xf32>
        %parallel_loop3A_1054 = arith.constant 10 : i32
        %parallel_loop3A_1055 = arith.addi %parallel_loop3A_110, %parallel_loop3A_1054 : i32
        %parallel_loop3A_1056 = arith.index_cast %parallel_loop3A_1055 : i32 to index
        %parallel_loop3A_1057 = arith.constant 16 : index
        %parallel_loop3A_1058 = tpu.vector_load %arg15[%parallel_loop3A_1056, %parallel_loop3A_1057] {strides = array<i32>} : memref<64x128xf32, #tpu.memory_space<vmem>>, vector<16xf32>,
        tpu.vector_store %arg15[%parallel_loop3A_1056, %parallel_loop3A_1057], %parallel_loop3A_1053 {strides = array<i32>} : memref<64x128xf32, #tpu.memory_space<vmem>>, vector<16xf32>,
        %parallel_loop3A_1059 = arith.constant 10 : i32
        %parallel_loop3A_1060 = arith.addi %parallel_loop3A_110, %parallel_loop3A_1059 : i32
        %parallel_loop3A_1061 = arith.index_cast %parallel_loop3A_1060 : i32 to index
        %parallel_loop3A_1062 = arith.constant 32 : index
        %parallel_loop3A_1063 = tpu.vector_load %arg15[%parallel_loop3A_1061, %parallel_loop3A_1062] {strides = array<i32>} : memref<64x128xf32, #tpu.memory_space<vmem>>, vector<16xf32>,
        %parallel_loop3A_1064 = arith.mulf %parallel_loop3A_1063, %parallel_loop3A_1036 : vector<16xf32>
        %parallel_loop3A_1065 = arith.constant 10 : i32
        %parallel_loop3A_1066 = arith.addi %parallel_loop3A_110, %parallel_loop3A_1065 : i32
        %parallel_loop3A_1067 = arith.index_cast %parallel_loop3A_1066 : i32 to index
        %parallel_loop3A_1068 = arith.constant 32 : index
        %parallel_loop3A_1069 = tpu.vector_load %arg15[%parallel_loop3A_1067, %parallel_loop3A_1068] {strides = array<i32>} : memref<64x128xf32, #tpu.memory_space<vmem>>, vector<16xf32>,
        tpu.vector_store %arg15[%parallel_loop3A_1067, %parallel_loop3A_1068], %parallel_loop3A_1064 {strides = array<i32>} : memref<64x128xf32, #tpu.memory_space<vmem>>, vector<16xf32>,
        %parallel_loop3A_1070 = arith.constant 10 : i32
        %parallel_loop3A_1071 = arith.addi %parallel_loop3A_110, %parallel_loop3A_1070 : i32
        %parallel_loop3A_1072 = arith.index_cast %parallel_loop3A_1071 : i32 to index
        %parallel_loop3A_1073 = arith.constant 48 : index
        %parallel_loop3A_1074 = tpu.vector_load %arg15[%parallel_loop3A_1072, %parallel_loop3A_1073] {strides = array<i32>} : memref<64x128xf32, #tpu.memory_space<vmem>>, vector<16xf32>,
        %parallel_loop3A_1075 = arith.mulf %parallel_loop3A_1074, %parallel_loop3A_1036 : vector<16xf32>
        %parallel_loop3A_1076 = arith.constant 10 : i32
        %parallel_loop3A_1077 = arith.addi %parallel_loop3A_110, %parallel_loop3A_1076 : i32
        %parallel_loop3A_1078 = arith.index_cast %parallel_loop3A_1077 : i32 to index
        %parallel_loop3A_1079 = arith.constant 48 : index
        %parallel_loop3A_1080 = tpu.vector_load %arg15[%parallel_loop3A_1078, %parallel_loop3A_1079] {strides = array<i32>} : memref<64x128xf32, #tpu.memory_space<vmem>>, vector<16xf32>,
        tpu.vector_store %arg15[%parallel_loop3A_1078, %parallel_loop3A_1079], %parallel_loop3A_1075 {strides = array<i32>} : memref<64x128xf32, #tpu.memory_space<vmem>>, vector<16xf32>,
        %parallel_loop3A_1081 = arith.constant 10 : i32
        %parallel_loop3A_1082 = arith.addi %parallel_loop3A_110, %parallel_loop3A_1081 : i32
        %parallel_loop3A_1083 = arith.index_cast %parallel_loop3A_1082 : i32 to index
        %parallel_loop3A_1084 = arith.constant 64 : index
        %parallel_loop3A_1085 = tpu.vector_load %arg15[%parallel_loop3A_1083, %parallel_loop3A_1084] {strides = array<i32>} : memref<64x128xf32, #tpu.memory_space<vmem>>, vector<16xf32>,
        %parallel_loop3A_1086 = arith.mulf %parallel_loop3A_1085, %parallel_loop3A_1036 : vector<16xf32>
        %parallel_loop3A_1087 = arith.constant 10 : i32
        %parallel_loop3A_1088 = arith.addi %parallel_loop3A_110, %parallel_loop3A_1087 : i32
        %parallel_loop3A_1089 = arith.index_cast %parallel_loop3A_1088 : i32 to index
        %parallel_loop3A_1090 = arith.constant 64 : index
        %parallel_loop3A_1091 = tpu.vector_load %arg15[%parallel_loop3A_1089, %parallel_loop3A_1090] {strides = array<i32>} : memref<64x128xf32, #tpu.memory_space<vmem>>, vector<16xf32>,
        tpu.vector_store %arg15[%parallel_loop3A_1089, %parallel_loop3A_1090], %parallel_loop3A_1086 {strides = array<i32>} : memref<64x128xf32, #tpu.memory_space<vmem>>, vector<16xf32>,
        %parallel_loop3A_1092 = arith.constant 10 : i32
        %parallel_loop3A_1093 = arith.addi %parallel_loop3A_110, %parallel_loop3A_1092 : i32
        %parallel_loop3A_1094 = arith.index_cast %parallel_loop3A_1093 : i32 to index
        %parallel_loop3A_1095 = arith.constant 80 : index
        %parallel_loop3A_1096 = tpu.vector_load %arg15[%parallel_loop3A_1094, %parallel_loop3A_1095] {strides = array<i32>} : memref<64x128xf32, #tpu.memory_space<vmem>>, vector<16xf32>,
        %parallel_loop3A_1097 = arith.mulf %parallel_loop3A_1096, %parallel_loop3A_1036 : vector<16xf32>
        %parallel_loop3A_1098 = arith.constant 10 : i32
        %parallel_loop3A_1099 = arith.addi %parallel_loop3A_110, %parallel_loop3A_1098 : i32
        %parallel_loop3A_1100 = arith.index_cast %parallel_loop3A_1099 : i32 to index
        %parallel_loop3A_1101 = arith.constant 80 : index
        %parallel_loop3A_1102 = tpu.vector_load %arg15[%parallel_loop3A_1100, %parallel_loop3A_1101] {strides = array<i32>} : memref<64x128xf32, #tpu.memory_space<vmem>>, vector<16xf32>,
        tpu.vector_store %arg15[%parallel_loop3A_1100, %parallel_loop3A_1101], %parallel_loop3A_1097 {strides = array<i32>} : memref<64x128xf32, #tpu.memory_space<vmem>>, vector<16xf32>,
        %parallel_loop3A_1103 = arith.constant 10 : i32
        %parallel_loop3A_1104 = arith.addi %parallel_loop3A_110, %parallel_loop3A_1103 : i32
        %parallel_loop3A_1105 = arith.index_cast %parallel_loop3A_1104 : i32 to index
        %parallel_loop3A_1106 = arith.constant 96 : index
        %parallel_loop3A_1107 = tpu.vector_load %arg15[%parallel_loop3A_1105, %parallel_loop3A_1106] {strides = array<i32>} : memref<64x128xf32, #tpu.memory_space<vmem>>, vector<16xf32>,
        %parallel_loop3A_1108 = arith.mulf %parallel_loop3A_1107, %parallel_loop3A_1036 : vector<16xf32>
        %parallel_loop3A_1109 = arith.constant 10 : i32
        %parallel_loop3A_1110 = arith.addi %parallel_loop3A_110, %parallel_loop3A_1109 : i32
        %parallel_loop3A_1111 = arith.index_cast %parallel_loop3A_1110 : i32 to index
        %parallel_loop3A_1112 = arith.constant 96 : index
        %parallel_loop3A_1113 = tpu.vector_load %arg15[%parallel_loop3A_1111, %parallel_loop3A_1112] {strides = array<i32>} : memref<64x128xf32, #tpu.memory_space<vmem>>, vector<16xf32>,
        tpu.vector_store %arg15[%parallel_loop3A_1111, %parallel_loop3A_1112], %parallel_loop3A_1108 {strides = array<i32>} : memref<64x128xf32, #tpu.memory_space<vmem>>, vector<16xf32>,
        %parallel_loop3A_1114 = arith.constant 10 : i32
        %parallel_loop3A_1115 = arith.addi %parallel_loop3A_110, %parallel_loop3A_1114 : i32
        %parallel_loop3A_1116 = arith.index_cast %parallel_loop3A_1115 : i32 to index
        %parallel_loop3A_1117 = arith.constant 112 : index
        %parallel_loop3A_1118 = tpu.vector_load %arg15[%parallel_loop3A_1116, %parallel_loop3A_1117] {strides = array<i32>} : memref<64x128xf32, #tpu.memory_space<vmem>>, vector<16xf32>,
        %parallel_loop3A_1119 = arith.mulf %parallel_loop3A_1118, %parallel_loop3A_1036 : vector<16xf32>
        %parallel_loop3A_1120 = arith.constant 10 : i32
        %parallel_loop3A_1121 = arith.addi %parallel_loop3A_110, %parallel_loop3A_1120 : i32
        %parallel_loop3A_1122 = arith.index_cast %parallel_loop3A_1121 : i32 to index
        %parallel_loop3A_1123 = arith.constant 112 : index
        %parallel_loop3A_1124 = tpu.vector_load %arg15[%parallel_loop3A_1122, %parallel_loop3A_1123] {strides = array<i32>} : memref<64x128xf32, #tpu.memory_space<vmem>>, vector<16xf32>,
        tpu.vector_store %arg15[%parallel_loop3A_1122, %parallel_loop3A_1123], %parallel_loop3A_1119 {strides = array<i32>} : memref<64x128xf32, #tpu.memory_space<vmem>>, vector<16xf32>,
        %parallel_loop3A_1125 = arith.constant 11 : i32
        %parallel_loop3A_1126 = vector.broadcast %parallel_loop3A_1125 : i32 to vector<16x1xi32>
        %parallel_loop3A_1127 = vector.shape_cast %parallel_loop3A_1126 : vector<16x1xi32> to vector<16xi32>
        %parallel_loop3A_1128 = tpu.dynamic_gather %parallel_loop3A_112[%parallel_loop3A_1127] in [0] : vector<16xf32>, vector<16xi32> -> vector<16xf32>
        %parallel_loop3A_1129 = arith.constant 11 : i32
        %parallel_loop3A_1130 = arith.addi %parallel_loop3A_110, %parallel_loop3A_1129 : i32
        %parallel_loop3A_1131 = arith.index_cast %parallel_loop3A_1130 : i32 to index
        %parallel_loop3A_1132 = arith.constant 0 : index
        %parallel_loop3A_1133 = tpu.vector_load %arg15[%parallel_loop3A_1131, %parallel_loop3A_1132] {strides = array<i32>} : memref<64x128xf32, #tpu.memory_space<vmem>>, vector<16xf32>,
        %parallel_loop3A_1134 = arith.mulf %parallel_loop3A_1133, %parallel_loop3A_1128 : vector<16xf32>
        %parallel_loop3A_1135 = arith.constant 11 : i32
        %parallel_loop3A_1136 = arith.addi %parallel_loop3A_110, %parallel_loop3A_1135 : i32
        %parallel_loop3A_1137 = arith.index_cast %parallel_loop3A_1136 : i32 to index
        %parallel_loop3A_1138 = arith.constant 0 : index
        %parallel_loop3A_1139 = tpu.vector_load %arg15[%parallel_loop3A_1137, %parallel_loop3A_1138] {strides = array<i32>} : memref<64x128xf32, #tpu.memory_space<vmem>>, vector<16xf32>,
        tpu.vector_store %arg15[%parallel_loop3A_1137, %parallel_loop3A_1138], %parallel_loop3A_1134 {strides = array<i32>} : memref<64x128xf32, #tpu.memory_space<vmem>>, vector<16xf32>,
        %parallel_loop3A_1140 = arith.constant 11 : i32
        %parallel_loop3A_1141 = arith.addi %parallel_loop3A_110, %parallel_loop3A_1140 : i32
        %parallel_loop3A_1142 = arith.index_cast %parallel_loop3A_1141 : i32 to index
        %parallel_loop3A_1143 = arith.constant 16 : index
        %parallel_loop3A_1144 = tpu.vector_load %arg15[%parallel_loop3A_1142, %parallel_loop3A_1143] {strides = array<i32>} : memref<64x128xf32, #tpu.memory_space<vmem>>, vector<16xf32>,
        %parallel_loop3A_1145 = arith.mulf %parallel_loop3A_1144, %parallel_loop3A_1128 : vector<16xf32>
        %parallel_loop3A_1146 = arith.constant 11 : i32
        %parallel_loop3A_1147 = arith.addi %parallel_loop3A_110, %parallel_loop3A_1146 : i32
        %parallel_loop3A_1148 = arith.index_cast %parallel_loop3A_1147 : i32 to index
        %parallel_loop3A_1149 = arith.constant 16 : index
        %parallel_loop3A_1150 = tpu.vector_load %arg15[%parallel_loop3A_1148, %parallel_loop3A_1149] {strides = array<i32>} : memref<64x128xf32, #tpu.memory_space<vmem>>, vector<16xf32>,
        tpu.vector_store %arg15[%parallel_loop3A_1148, %parallel_loop3A_1149], %parallel_loop3A_1145 {strides = array<i32>} : memref<64x128xf32, #tpu.memory_space<vmem>>, vector<16xf32>,
        %parallel_loop3A_1151 = arith.constant 11 : i32
        %parallel_loop3A_1152 = arith.addi %parallel_loop3A_110, %parallel_loop3A_1151 : i32
        %parallel_loop3A_1153 = arith.index_cast %parallel_loop3A_1152 : i32 to index
        %parallel_loop3A_1154 = arith.constant 32 : index
        %parallel_loop3A_1155 = tpu.vector_load %arg15[%parallel_loop3A_1153, %parallel_loop3A_1154] {strides = array<i32>} : memref<64x128xf32, #tpu.memory_space<vmem>>, vector<16xf32>,
        %parallel_loop3A_1156 = arith.mulf %parallel_loop3A_1155, %parallel_loop3A_1128 : vector<16xf32>
        %parallel_loop3A_1157 = arith.constant 11 : i32
        %parallel_loop3A_1158 = arith.addi %parallel_loop3A_110, %parallel_loop3A_1157 : i32
        %parallel_loop3A_1159 = arith.index_cast %parallel_loop3A_1158 : i32 to index
        %parallel_loop3A_1160 = arith.constant 32 : index
        %parallel_loop3A_1161 = tpu.vector_load %arg15[%parallel_loop3A_1159, %parallel_loop3A_1160] {strides = array<i32>} : memref<64x128xf32, #tpu.memory_space<vmem>>, vector<16xf32>,
        tpu.vector_store %arg15[%parallel_loop3A_1159, %parallel_loop3A_1160], %parallel_loop3A_1156 {strides = array<i32>} : memref<64x128xf32, #tpu.memory_space<vmem>>, vector<16xf32>,
        %parallel_loop3A_1162 = arith.constant 11 : i32
        %parallel_loop3A_1163 = arith.addi %parallel_loop3A_110, %parallel_loop3A_1162 : i32
        %parallel_loop3A_1164 = arith.index_cast %parallel_loop3A_1163 : i32 to index
        %parallel_loop3A_1165 = arith.constant 48 : index
        %parallel_loop3A_1166 = tpu.vector_load %arg15[%parallel_loop3A_1164, %parallel_loop3A_1165] {strides = array<i32>} : memref<64x128xf32, #tpu.memory_space<vmem>>, vector<16xf32>,
        %parallel_loop3A_1167 = arith.mulf %parallel_loop3A_1166, %parallel_loop3A_1128 : vector<16xf32>
        %parallel_loop3A_1168 = arith.constant 11 : i32
        %parallel_loop3A_1169 = arith.addi %parallel_loop3A_110, %parallel_loop3A_1168 : i32
        %parallel_loop3A_1170 = arith.index_cast %parallel_loop3A_1169 : i32 to index
        %parallel_loop3A_1171 = arith.constant 48 : index
        %parallel_loop3A_1172 = tpu.vector_load %arg15[%parallel_loop3A_1170, %parallel_loop3A_1171] {strides = array<i32>} : memref<64x128xf32, #tpu.memory_space<vmem>>, vector<16xf32>,
        tpu.vector_store %arg15[%parallel_loop3A_1170, %parallel_loop3A_1171], %parallel_loop3A_1167 {strides = array<i32>} : memref<64x128xf32, #tpu.memory_space<vmem>>, vector<16xf32>,
        %parallel_loop3A_1173 = arith.constant 11 : i32
        %parallel_loop3A_1174 = arith.addi %parallel_loop3A_110, %parallel_loop3A_1173 : i32
        %parallel_loop3A_1175 = arith.index_cast %parallel_loop3A_1174 : i32 to index
        %parallel_loop3A_1176 = arith.constant 64 : index
        %parallel_loop3A_1177 = tpu.vector_load %arg15[%parallel_loop3A_1175, %parallel_loop3A_1176] {strides = array<i32>} : memref<64x128xf32, #tpu.memory_space<vmem>>, vector<16xf32>,
        %parallel_loop3A_1178 = arith.mulf %parallel_loop3A_1177, %parallel_loop3A_1128 : vector<16xf32>
        %parallel_loop3A_1179 = arith.constant 11 : i32
        %parallel_loop3A_1180 = arith.addi %parallel_loop3A_110, %parallel_loop3A_1179 : i32
        %parallel_loop3A_1181 = arith.index_cast %parallel_loop3A_1180 : i32 to index
        %parallel_loop3A_1182 = arith.constant 64 : index
        %parallel_loop3A_1183 = tpu.vector_load %arg15[%parallel_loop3A_1181, %parallel_loop3A_1182] {strides = array<i32>} : memref<64x128xf32, #tpu.memory_space<vmem>>, vector<16xf32>,
        tpu.vector_store %arg15[%parallel_loop3A_1181, %parallel_loop3A_1182], %parallel_loop3A_1178 {strides = array<i32>} : memref<64x128xf32, #tpu.memory_space<vmem>>, vector<16xf32>,
        %parallel_loop3A_1184 = arith.constant 11 : i32
        %parallel_loop3A_1185 = arith.addi %parallel_loop3A_110, %parallel_loop3A_1184 : i32
        %parallel_loop3A_1186 = arith.index_cast %parallel_loop3A_1185 : i32 to index
        %parallel_loop3A_1187 = arith.constant 80 : index
        %parallel_loop3A_1188 = tpu.vector_load %arg15[%parallel_loop3A_1186, %parallel_loop3A_1187] {strides = array<i32>} : memref<64x128xf32, #tpu.memory_space<vmem>>, vector<16xf32>,
        %parallel_loop3A_1189 = arith.mulf %parallel_loop3A_1188, %parallel_loop3A_1128 : vector<16xf32>
        %parallel_loop3A_1190 = arith.constant 11 : i32
        %parallel_loop3A_1191 = arith.addi %parallel_loop3A_110, %parallel_loop3A_1190 : i32
        %parallel_loop3A_1192 = arith.index_cast %parallel_loop3A_1191 : i32 to index
        %parallel_loop3A_1193 = arith.constant 80 : index
        %parallel_loop3A_1194 = tpu.vector_load %arg15[%parallel_loop3A_1192, %parallel_loop3A_1193] {strides = array<i32>} : memref<64x128xf32, #tpu.memory_space<vmem>>, vector<16xf32>,
        tpu.vector_store %arg15[%parallel_loop3A_1192, %parallel_loop3A_1193], %parallel_loop3A_1189 {strides = array<i32>} : memref<64x128xf32, #tpu.memory_space<vmem>>, vector<16xf32>,
        %parallel_loop3A_1195 = arith.constant 11 : i32
        %parallel_loop3A_1196 = arith.addi %parallel_loop3A_110, %parallel_loop3A_1195 : i32
        %parallel_loop3A_1197 = arith.index_cast %parallel_loop3A_1196 : i32 to index
        %parallel_loop3A_1198 = arith.constant 96 : index
        %parallel_loop3A_1199 = tpu.vector_load %arg15[%parallel_loop3A_1197, %parallel_loop3A_1198] {strides = array<i32>} : memref<64x128xf32, #tpu.memory_space<vmem>>, vector<16xf32>,
        %parallel_loop3A_1200 = arith.mulf %parallel_loop3A_1199, %parallel_loop3A_1128 : vector<16xf32>
        %parallel_loop3A_1201 = arith.constant 11 : i32
        %parallel_loop3A_1202 = arith.addi %parallel_loop3A_110, %parallel_loop3A_1201 : i32
        %parallel_loop3A_1203 = arith.index_cast %parallel_loop3A_1202 : i32 to index
        %parallel_loop3A_1204 = arith.constant 96 : index
        %parallel_loop3A_1205 = tpu.vector_load %arg15[%parallel_loop3A_1203, %parallel_loop3A_1204] {strides = array<i32>} : memref<64x128xf32, #tpu.memory_space<vmem>>, vector<16xf32>,
        tpu.vector_store %arg15[%parallel_loop3A_1203, %parallel_loop3A_1204], %parallel_loop3A_1200 {strides = array<i32>} : memref<64x128xf32, #tpu.memory_space<vmem>>, vector<16xf32>,
        %parallel_loop3A_1206 = arith.constant 11 : i32
        %parallel_loop3A_1207 = arith.addi %parallel_loop3A_110, %parallel_loop3A_1206 : i32
        %parallel_loop3A_1208 = arith.index_cast %parallel_loop3A_1207 : i32 to index
        %parallel_loop3A_1209 = arith.constant 112 : index
        %parallel_loop3A_1210 = tpu.vector_load %arg15[%parallel_loop3A_1208, %parallel_loop3A_1209] {strides = array<i32>} : memref<64x128xf32, #tpu.memory_space<vmem>>, vector<16xf32>,
        %parallel_loop3A_1211 = arith.mulf %parallel_loop3A_1210, %parallel_loop3A_1128 : vector<16xf32>
        %parallel_loop3A_1212 = arith.constant 11 : i32
        %parallel_loop3A_1213 = arith.addi %parallel_loop3A_110, %parallel_loop3A_1212 : i32
        %parallel_loop3A_1214 = arith.index_cast %parallel_loop3A_1213 : i32 to index
        %parallel_loop3A_1215 = arith.constant 112 : index
        %parallel_loop3A_1216 = tpu.vector_load %arg15[%parallel_loop3A_1214, %parallel_loop3A_1215] {strides = array<i32>} : memref<64x128xf32, #tpu.memory_space<vmem>>, vector<16xf32>,
        tpu.vector_store %arg15[%parallel_loop3A_1214, %parallel_loop3A_1215], %parallel_loop3A_1211 {strides = array<i32>} : memref<64x128xf32, #tpu.memory_space<vmem>>, vector<16xf32>,
        %parallel_loop3A_1217 = arith.constant 12 : i32
        %parallel_loop3A_1218 = vector.broadcast %parallel_loop3A_1217 : i32 to vector<16x1xi32>
        %parallel_loop3A_1219 = vector.shape_cast %parallel_loop3A_1218 : vector<16x1xi32> to vector<16xi32>
        %parallel_loop3A_1220 = tpu.dynamic_gather %parallel_loop3A_112[%parallel_loop3A_1219] in [0] : vector<16xf32>, vector<16xi32> -> vector<16xf32>
        %parallel_loop3A_1221 = arith.constant 12 : i32
        %parallel_loop3A_1222 = arith.addi %parallel_loop3A_110, %parallel_loop3A_1221 : i32
        %parallel_loop3A_1223 = arith.index_cast %parallel_loop3A_1222 : i32 to index
        %parallel_loop3A_1224 = arith.constant 0 : index
        %parallel_loop3A_1225 = tpu.vector_load %arg15[%parallel_loop3A_1223, %parallel_loop3A_1224] {strides = array<i32>} : memref<64x128xf32, #tpu.memory_space<vmem>>, vector<16xf32>,
        %parallel_loop3A_1226 = arith.mulf %parallel_loop3A_1225, %parallel_loop3A_1220 : vector<16xf32>
        %parallel_loop3A_1227 = arith.constant 12 : i32
        %parallel_loop3A_1228 = arith.addi %parallel_loop3A_110, %parallel_loop3A_1227 : i32
        %parallel_loop3A_1229 = arith.index_cast %parallel_loop3A_1228 : i32 to index
        %parallel_loop3A_1230 = arith.constant 0 : index
        %parallel_loop3A_1231 = tpu.vector_load %arg15[%parallel_loop3A_1229, %parallel_loop3A_1230] {strides = array<i32>} : memref<64x128xf32, #tpu.memory_space<vmem>>, vector<16xf32>,
        tpu.vector_store %arg15[%parallel_loop3A_1229, %parallel_loop3A_1230], %parallel_loop3A_1226 {strides = array<i32>} : memref<64x128xf32, #tpu.memory_space<vmem>>, vector<16xf32>,
        %parallel_loop3A_1232 = arith.constant 12 : i32
        %parallel_loop3A_1233 = arith.addi %parallel_loop3A_110, %parallel_loop3A_1232 : i32
        %parallel_loop3A_1234 = arith.index_cast %parallel_loop3A_1233 : i32 to index
        %parallel_loop3A_1235 = arith.constant 16 : index
        %parallel_loop3A_1236 = tpu.vector_load %arg15[%parallel_loop3A_1234, %parallel_loop3A_1235] {strides = array<i32>} : memref<64x128xf32, #tpu.memory_space<vmem>>, vector<16xf32>,
        %parallel_loop3A_1237 = arith.mulf %parallel_loop3A_1236, %parallel_loop3A_1220 : vector<16xf32>
        %parallel_loop3A_1238 = arith.constant 12 : i32
        %parallel_loop3A_1239 = arith.addi %parallel_loop3A_110, %parallel_loop3A_1238 : i32
        %parallel_loop3A_1240 = arith.index_cast %parallel_loop3A_1239 : i32 to index
        %parallel_loop3A_1241 = arith.constant 16 : index
        %parallel_loop3A_1242 = tpu.vector_load %arg15[%parallel_loop3A_1240, %parallel_loop3A_1241] {strides = array<i32>} : memref<64x128xf32, #tpu.memory_space<vmem>>, vector<16xf32>,
        tpu.vector_store %arg15[%parallel_loop3A_1240, %parallel_loop3A_1241], %parallel_loop3A_1237 {strides = array<i32>} : memref<64x128xf32, #tpu.memory_space<vmem>>, vector<16xf32>,
        %parallel_loop3A_1243 = arith.constant 12 : i32
        %parallel_loop3A_1244 = arith.addi %parallel_loop3A_110, %parallel_loop3A_1243 : i32
        %parallel_loop3A_1245 = arith.index_cast %parallel_loop3A_1244 : i32 to index
        %parallel_loop3A_1246 = arith.constant 32 : index
        %parallel_loop3A_1247 = tpu.vector_load %arg15[%parallel_loop3A_1245, %parallel_loop3A_1246] {strides = array<i32>} : memref<64x128xf32, #tpu.memory_space<vmem>>, vector<16xf32>,
        %parallel_loop3A_1248 = arith.mulf %parallel_loop3A_1247, %parallel_loop3A_1220 : vector<16xf32>
        %parallel_loop3A_1249 = arith.constant 12 : i32
        %parallel_loop3A_1250 = arith.addi %parallel_loop3A_110, %parallel_loop3A_1249 : i32
        %parallel_loop3A_1251 = arith.index_cast %parallel_loop3A_1250 : i32 to index
        %parallel_loop3A_1252 = arith.constant 32 : index
        %parallel_loop3A_1253 = tpu.vector_load %arg15[%parallel_loop3A_1251, %parallel_loop3A_1252] {strides = array<i32>} : memref<64x128xf32, #tpu.memory_space<vmem>>, vector<16xf32>,
        tpu.vector_store %arg15[%parallel_loop3A_1251, %parallel_loop3A_1252], %parallel_loop3A_1248 {strides = array<i32>} : memref<64x128xf32, #tpu.memory_space<vmem>>, vector<16xf32>,
        %parallel_loop3A_1254 = arith.constant 12 : i32
        %parallel_loop3A_1255 = arith.addi %parallel_loop3A_110, %parallel_loop3A_1254 : i32
        %parallel_loop3A_1256 = arith.index_cast %parallel_loop3A_1255 : i32 to index
        %parallel_loop3A_1257 = arith.constant 48 : index
        %parallel_loop3A_1258 = tpu.vector_load %arg15[%parallel_loop3A_1256, %parallel_loop3A_1257] {strides = array<i32>} : memref<64x128xf32, #tpu.memory_space<vmem>>, vector<16xf32>,
        %parallel_loop3A_1259 = arith.mulf %parallel_loop3A_1258, %parallel_loop3A_1220 : vector<16xf32>
        %parallel_loop3A_1260 = arith.constant 12 : i32
        %parallel_loop3A_1261 = arith.addi %parallel_loop3A_110, %parallel_loop3A_1260 : i32
        %parallel_loop3A_1262 = arith.index_cast %parallel_loop3A_1261 : i32 to index
        %parallel_loop3A_1263 = arith.constant 48 : index
        %parallel_loop3A_1264 = tpu.vector_load %arg15[%parallel_loop3A_1262, %parallel_loop3A_1263] {strides = array<i32>} : memref<64x128xf32, #tpu.memory_space<vmem>>, vector<16xf32>,
        tpu.vector_store %arg15[%parallel_loop3A_1262, %parallel_loop3A_1263], %parallel_loop3A_1259 {strides = array<i32>} : memref<64x128xf32, #tpu.memory_space<vmem>>, vector<16xf32>,
        %parallel_loop3A_1265 = arith.constant 12 : i32
        %parallel_loop3A_1266 = arith.addi %parallel_loop3A_110, %parallel_loop3A_1265 : i32
        %parallel_loop3A_1267 = arith.index_cast %parallel_loop3A_1266 : i32 to index
        %parallel_loop3A_1268 = arith.constant 64 : index
        %parallel_loop3A_1269 = tpu.vector_load %arg15[%parallel_loop3A_1267, %parallel_loop3A_1268] {strides = array<i32>} : memref<64x128xf32, #tpu.memory_space<vmem>>, vector<16xf32>,
        %parallel_loop3A_1270 = arith.mulf %parallel_loop3A_1269, %parallel_loop3A_1220 : vector<16xf32>
        %parallel_loop3A_1271 = arith.constant 12 : i32
        %parallel_loop3A_1272 = arith.addi %parallel_loop3A_110, %parallel_loop3A_1271 : i32
        %parallel_loop3A_1273 = arith.index_cast %parallel_loop3A_1272 : i32 to index
        %parallel_loop3A_1274 = arith.constant 64 : index
        %parallel_loop3A_1275 = tpu.vector_load %arg15[%parallel_loop3A_1273, %parallel_loop3A_1274] {strides = array<i32>} : memref<64x128xf32, #tpu.memory_space<vmem>>, vector<16xf32>,
        tpu.vector_store %arg15[%parallel_loop3A_1273, %parallel_loop3A_1274], %parallel_loop3A_1270 {strides = array<i32>} : memref<64x128xf32, #tpu.memory_space<vmem>>, vector<16xf32>,
        %parallel_loop3A_1276 = arith.constant 12 : i32
        %parallel_loop3A_1277 = arith.addi %parallel_loop3A_110, %parallel_loop3A_1276 : i32
        %parallel_loop3A_1278 = arith.index_cast %parallel_loop3A_1277 : i32 to index
        %parallel_loop3A_1279 = arith.constant 80 : index
        %parallel_loop3A_1280 = tpu.vector_load %arg15[%parallel_loop3A_1278, %parallel_loop3A_1279] {strides = array<i32>} : memref<64x128xf32, #tpu.memory_space<vmem>>, vector<16xf32>,
        %parallel_loop3A_1281 = arith.mulf %parallel_loop3A_1280, %parallel_loop3A_1220 : vector<16xf32>
        %parallel_loop3A_1282 = arith.constant 12 : i32
        %parallel_loop3A_1283 = arith.addi %parallel_loop3A_110, %parallel_loop3A_1282 : i32
        %parallel_loop3A_1284 = arith.index_cast %parallel_loop3A_1283 : i32 to index
        %parallel_loop3A_1285 = arith.constant 80 : index
        %parallel_loop3A_1286 = tpu.vector_load %arg15[%parallel_loop3A_1284, %parallel_loop3A_1285] {strides = array<i32>} : memref<64x128xf32, #tpu.memory_space<vmem>>, vector<16xf32>,
        tpu.vector_store %arg15[%parallel_loop3A_1284, %parallel_loop3A_1285], %parallel_loop3A_1281 {strides = array<i32>} : memref<64x128xf32, #tpu.memory_space<vmem>>, vector<16xf32>,
        %parallel_loop3A_1287 = arith.constant 12 : i32
        %parallel_loop3A_1288 = arith.addi %parallel_loop3A_110, %parallel_loop3A_1287 : i32
        %parallel_loop3A_1289 = arith.index_cast %parallel_loop3A_1288 : i32 to index
        %parallel_loop3A_1290 = arith.constant 96 : index
        %parallel_loop3A_1291 = tpu.vector_load %arg15[%parallel_loop3A_1289, %parallel_loop3A_1290] {strides = array<i32>} : memref<64x128xf32, #tpu.memory_space<vmem>>, vector<16xf32>,
        %parallel_loop3A_1292 = arith.mulf %parallel_loop3A_1291, %parallel_loop3A_1220 : vector<16xf32>
        %parallel_loop3A_1293 = arith.constant 12 : i32
        %parallel_loop3A_1294 = arith.addi %parallel_loop3A_110, %parallel_loop3A_1293 : i32
        %parallel_loop3A_1295 = arith.index_cast %parallel_loop3A_1294 : i32 to index
        %parallel_loop3A_1296 = arith.constant 96 : index
        %parallel_loop3A_1297 = tpu.vector_load %arg15[%parallel_loop3A_1295, %parallel_loop3A_1296] {strides = array<i32>} : memref<64x128xf32, #tpu.memory_space<vmem>>, vector<16xf32>,
        tpu.vector_store %arg15[%parallel_loop3A_1295, %parallel_loop3A_1296], %parallel_loop3A_1292 {strides = array<i32>} : memref<64x128xf32, #tpu.memory_space<vmem>>, vector<16xf32>,
        %parallel_loop3A_1298 = arith.constant 12 : i32
        %parallel_loop3A_1299 = arith.addi %parallel_loop3A_110, %parallel_loop3A_1298 : i32
        %parallel_loop3A_1300 = arith.index_cast %parallel_loop3A_1299 : i32 to index
        %parallel_loop3A_1301 = arith.constant 112 : index
        %parallel_loop3A_1302 = tpu.vector_load %arg15[%parallel_loop3A_1300, %parallel_loop3A_1301] {strides = array<i32>} : memref<64x128xf32, #tpu.memory_space<vmem>>, vector<16xf32>,
        %parallel_loop3A_1303 = arith.mulf %parallel_loop3A_1302, %parallel_loop3A_1220 : vector<16xf32>
        %parallel_loop3A_1304 = arith.constant 12 : i32
        %parallel_loop3A_1305 = arith.addi %parallel_loop3A_110, %parallel_loop3A_1304 : i32
        %parallel_loop3A_1306 = arith.index_cast %parallel_loop3A_1305 : i32 to index
        %parallel_loop3A_1307 = arith.constant 112 : index
        %parallel_loop3A_1308 = tpu.vector_load %arg15[%parallel_loop3A_1306, %parallel_loop3A_1307] {strides = array<i32>} : memref<64x128xf32, #tpu.memory_space<vmem>>, vector<16xf32>,
        tpu.vector_store %arg15[%parallel_loop3A_1306, %parallel_loop3A_1307], %parallel_loop3A_1303 {strides = array<i32>} : memref<64x128xf32, #tpu.memory_space<vmem>>, vector<16xf32>,
        %parallel_loop3A_1309 = arith.constant 13 : i32
        %parallel_loop3A_1310 = vector.broadcast %parallel_loop3A_1309 : i32 to vector<16x1xi32>
        %parallel_loop3A_1311 = vector.shape_cast %parallel_loop3A_1310 : vector<16x1xi32> to vector<16xi32>
        %parallel_loop3A_1312 = tpu.dynamic_gather %parallel_loop3A_112[%parallel_loop3A_1311] in [0] : vector<16xf32>, vector<16xi32> -> vector<16xf32>
        %parallel_loop3A_1313 = arith.constant 13 : i32
        %parallel_loop3A_1314 = arith.addi %parallel_loop3A_110, %parallel_loop3A_1313 : i32
        %parallel_loop3A_1315 = arith.index_cast %parallel_loop3A_1314 : i32 to index
        %parallel_loop3A_1316 = arith.constant 0 : index
        %parallel_loop3A_1317 = tpu.vector_load %arg15[%parallel_loop3A_1315, %parallel_loop3A_1316] {strides = array<i32>} : memref<64x128xf32, #tpu.memory_space<vmem>>, vector<16xf32>,
        %parallel_loop3A_1318 = arith.mulf %parallel_loop3A_1317, %parallel_loop3A_1312 : vector<16xf32>
        %parallel_loop3A_1319 = arith.constant 13 : i32
        %parallel_loop3A_1320 = arith.addi %parallel_loop3A_110, %parallel_loop3A_1319 : i32
        %parallel_loop3A_1321 = arith.index_cast %parallel_loop3A_1320 : i32 to index
        %parallel_loop3A_1322 = arith.constant 0 : index
        %parallel_loop3A_1323 = tpu.vector_load %arg15[%parallel_loop3A_1321, %parallel_loop3A_1322] {strides = array<i32>} : memref<64x128xf32, #tpu.memory_space<vmem>>, vector<16xf32>,
        tpu.vector_store %arg15[%parallel_loop3A_1321, %parallel_loop3A_1322], %parallel_loop3A_1318 {strides = array<i32>} : memref<64x128xf32, #tpu.memory_space<vmem>>, vector<16xf32>,
        %parallel_loop3A_1324 = arith.constant 13 : i32
        %parallel_loop3A_1325 = arith.addi %parallel_loop3A_110, %parallel_loop3A_1324 : i32
        %parallel_loop3A_1326 = arith.index_cast %parallel_loop3A_1325 : i32 to index
        %parallel_loop3A_1327 = arith.constant 16 : index
        %parallel_loop3A_1328 = tpu.vector_load %arg15[%parallel_loop3A_1326, %parallel_loop3A_1327] {strides = array<i32>} : memref<64x128xf32, #tpu.memory_space<vmem>>, vector<16xf32>,
        %parallel_loop3A_1329 = arith.mulf %parallel_loop3A_1328, %parallel_loop3A_1312 : vector<16xf32>
        %parallel_loop3A_1330 = arith.constant 13 : i32
        %parallel_loop3A_1331 = arith.addi %parallel_loop3A_110, %parallel_loop3A_1330 : i32
        %parallel_loop3A_1332 = arith.index_cast %parallel_loop3A_1331 : i32 to index
        %parallel_loop3A_1333 = arith.constant 16 : index
        %parallel_loop3A_1334 = tpu.vector_load %arg15[%parallel_loop3A_1332, %parallel_loop3A_1333] {strides = array<i32>} : memref<64x128xf32, #tpu.memory_space<vmem>>, vector<16xf32>,
        tpu.vector_store %arg15[%parallel_loop3A_1332, %parallel_loop3A_1333], %parallel_loop3A_1329 {strides = array<i32>} : memref<64x128xf32, #tpu.memory_space<vmem>>, vector<16xf32>,
        %parallel_loop3A_1335 = arith.constant 13 : i32
        %parallel_loop3A_1336 = arith.addi %parallel_loop3A_110, %parallel_loop3A_1335 : i32
        %parallel_loop3A_1337 = arith.index_cast %parallel_loop3A_1336 : i32 to index
        %parallel_loop3A_1338 = arith.constant 32 : index
        %parallel_loop3A_1339 = tpu.vector_load %arg15[%parallel_loop3A_1337, %parallel_loop3A_1338] {strides = array<i32>} : memref<64x128xf32, #tpu.memory_space<vmem>>, vector<16xf32>,
        %parallel_loop3A_1340 = arith.mulf %parallel_loop3A_1339, %parallel_loop3A_1312 : vector<16xf32>
        %parallel_loop3A_1341 = arith.constant 13 : i32
        %parallel_loop3A_1342 = arith.addi %parallel_loop3A_110, %parallel_loop3A_1341 : i32
        %parallel_loop3A_1343 = arith.index_cast %parallel_loop3A_1342 : i32 to index
        %parallel_loop3A_1344 = arith.constant 32 : index
        %parallel_loop3A_1345 = tpu.vector_load %arg15[%parallel_loop3A_1343, %parallel_loop3A_1344] {strides = array<i32>} : memref<64x128xf32, #tpu.memory_space<vmem>>, vector<16xf32>,
        tpu.vector_store %arg15[%parallel_loop3A_1343, %parallel_loop3A_1344], %parallel_loop3A_1340 {strides = array<i32>} : memref<64x128xf32, #tpu.memory_space<vmem>>, vector<16xf32>,
        %parallel_loop3A_1346 = arith.constant 13 : i32
        %parallel_loop3A_1347 = arith.addi %parallel_loop3A_110, %parallel_loop3A_1346 : i32
        %parallel_loop3A_1348 = arith.index_cast %parallel_loop3A_1347 : i32 to index
        %parallel_loop3A_1349 = arith.constant 48 : index
        %parallel_loop3A_1350 = tpu.vector_load %arg15[%parallel_loop3A_1348, %parallel_loop3A_1349] {strides = array<i32>} : memref<64x128xf32, #tpu.memory_space<vmem>>, vector<16xf32>,
        %parallel_loop3A_1351 = arith.mulf %parallel_loop3A_1350, %parallel_loop3A_1312 : vector<16xf32>
        %parallel_loop3A_1352 = arith.constant 13 : i32
        %parallel_loop3A_1353 = arith.addi %parallel_loop3A_110, %parallel_loop3A_1352 : i32
        %parallel_loop3A_1354 = arith.index_cast %parallel_loop3A_1353 : i32 to index
        %parallel_loop3A_1355 = arith.constant 48 : index
        %parallel_loop3A_1356 = tpu.vector_load %arg15[%parallel_loop3A_1354, %parallel_loop3A_1355] {strides = array<i32>} : memref<64x128xf32, #tpu.memory_space<vmem>>, vector<16xf32>,
        tpu.vector_store %arg15[%parallel_loop3A_1354, %parallel_loop3A_1355], %parallel_loop3A_1351 {strides = array<i32>} : memref<64x128xf32, #tpu.memory_space<vmem>>, vector<16xf32>,
        %parallel_loop3A_1357 = arith.constant 13 : i32
        %parallel_loop3A_1358 = arith.addi %parallel_loop3A_110, %parallel_loop3A_1357 : i32
        %parallel_loop3A_1359 = arith.index_cast %parallel_loop3A_1358 : i32 to index
        %parallel_loop3A_1360 = arith.constant 64 : index
        %parallel_loop3A_1361 = tpu.vector_load %arg15[%parallel_loop3A_1359, %parallel_loop3A_1360] {strides = array<i32>} : memref<64x128xf32, #tpu.memory_space<vmem>>, vector<16xf32>,
        %parallel_loop3A_1362 = arith.mulf %parallel_loop3A_1361, %parallel_loop3A_1312 : vector<16xf32>
        %parallel_loop3A_1363 = arith.constant 13 : i32
        %parallel_loop3A_1364 = arith.addi %parallel_loop3A_110, %parallel_loop3A_1363 : i32
        %parallel_loop3A_1365 = arith.index_cast %parallel_loop3A_1364 : i32 to index
        %parallel_loop3A_1366 = arith.constant 64 : index
        %parallel_loop3A_1367 = tpu.vector_load %arg15[%parallel_loop3A_1365, %parallel_loop3A_1366] {strides = array<i32>} : memref<64x128xf32, #tpu.memory_space<vmem>>, vector<16xf32>,
        tpu.vector_store %arg15[%parallel_loop3A_1365, %parallel_loop3A_1366], %parallel_loop3A_1362 {strides = array<i32>} : memref<64x128xf32, #tpu.memory_space<vmem>>, vector<16xf32>,
        %parallel_loop3A_1368 = arith.constant 13 : i32
        %parallel_loop3A_1369 = arith.addi %parallel_loop3A_110, %parallel_loop3A_1368 : i32
        %parallel_loop3A_1370 = arith.index_cast %parallel_loop3A_1369 : i32 to index
        %parallel_loop3A_1371 = arith.constant 80 : index
        %parallel_loop3A_1372 = tpu.vector_load %arg15[%parallel_loop3A_1370, %parallel_loop3A_1371] {strides = array<i32>} : memref<64x128xf32, #tpu.memory_space<vmem>>, vector<16xf32>,
        %parallel_loop3A_1373 = arith.mulf %parallel_loop3A_1372, %parallel_loop3A_1312 : vector<16xf32>
        %parallel_loop3A_1374 = arith.constant 13 : i32
        %parallel_loop3A_1375 = arith.addi %parallel_loop3A_110, %parallel_loop3A_1374 : i32
        %parallel_loop3A_1376 = arith.index_cast %parallel_loop3A_1375 : i32 to index
        %parallel_loop3A_1377 = arith.constant 80 : index
        %parallel_loop3A_1378 = tpu.vector_load %arg15[%parallel_loop3A_1376, %parallel_loop3A_1377] {strides = array<i32>} : memref<64x128xf32, #tpu.memory_space<vmem>>, vector<16xf32>,
        tpu.vector_store %arg15[%parallel_loop3A_1376, %parallel_loop3A_1377], %parallel_loop3A_1373 {strides = array<i32>} : memref<64x128xf32, #tpu.memory_space<vmem>>, vector<16xf32>,
        %parallel_loop3A_1379 = arith.constant 13 : i32
        %parallel_loop3A_1380 = arith.addi %parallel_loop3A_110, %parallel_loop3A_1379 : i32
        %parallel_loop3A_1381 = arith.index_cast %parallel_loop3A_1380 : i32 to index
        %parallel_loop3A_1382 = arith.constant 96 : index
        %parallel_loop3A_1383 = tpu.vector_load %arg15[%parallel_loop3A_1381, %parallel_loop3A_1382] {strides = array<i32>} : memref<64x128xf32, #tpu.memory_space<vmem>>, vector<16xf32>,
        %parallel_loop3A_1384 = arith.mulf %parallel_loop3A_1383, %parallel_loop3A_1312 : vector<16xf32>
        %parallel_loop3A_1385 = arith.constant 13 : i32
        %parallel_loop3A_1386 = arith.addi %parallel_loop3A_110, %parallel_loop3A_1385 : i32
        %parallel_loop3A_1387 = arith.index_cast %parallel_loop3A_1386 : i32 to index
        %parallel_loop3A_1388 = arith.constant 96 : index
        %parallel_loop3A_1389 = tpu.vector_load %arg15[%parallel_loop3A_1387, %parallel_loop3A_1388] {strides = array<i32>} : memref<64x128xf32, #tpu.memory_space<vmem>>, vector<16xf32>,
        tpu.vector_store %arg15[%parallel_loop3A_1387, %parallel_loop3A_1388], %parallel_loop3A_1384 {strides = array<i32>} : memref<64x128xf32, #tpu.memory_space<vmem>>, vector<16xf32>,
        %parallel_loop3A_1390 = arith.constant 13 : i32
        %parallel_loop3A_1391 = arith.addi %parallel_loop3A_110, %parallel_loop3A_1390 : i32
        %parallel_loop3A_1392 = arith.index_cast %parallel_loop3A_1391 : i32 to index
        %parallel_loop3A_1393 = arith.constant 112 : index
        %parallel_loop3A_1394 = tpu.vector_load %arg15[%parallel_loop3A_1392, %parallel_loop3A_1393] {strides = array<i32>} : memref<64x128xf32, #tpu.memory_space<vmem>>, vector<16xf32>,
        %parallel_loop3A_1395 = arith.mulf %parallel_loop3A_1394, %parallel_loop3A_1312 : vector<16xf32>
        %parallel_loop3A_1396 = arith.constant 13 : i32
        %parallel_loop3A_1397 = arith.addi %parallel_loop3A_110, %parallel_loop3A_1396 : i32
        %parallel_loop3A_1398 = arith.index_cast %parallel_loop3A_1397 : i32 to index
        %parallel_loop3A_1399 = arith.constant 112 : index
        %parallel_loop3A_1400 = tpu.vector_load %arg15[%parallel_loop3A_1398, %parallel_loop3A_1399] {strides = array<i32>} : memref<64x128xf32, #tpu.memory_space<vmem>>, vector<16xf32>,
        tpu.vector_store %arg15[%parallel_loop3A_1398, %parallel_loop3A_1399], %parallel_loop3A_1395 {strides = array<i32>} : memref<64x128xf32, #tpu.memory_space<vmem>>, vector<16xf32>,
        %parallel_loop3A_1401 = arith.constant 14 : i32
        %parallel_loop3A_1402 = vector.broadcast %parallel_loop3A_1401 : i32 to vector<16x1xi32>
        %parallel_loop3A_1403 = vector.shape_cast %parallel_loop3A_1402 : vector<16x1xi32> to vector<16xi32>
        %parallel_loop3A_1404 = tpu.dynamic_gather %parallel_loop3A_112[%parallel_loop3A_1403] in [0] : vector<16xf32>, vector<16xi32> -> vector<16xf32>
        %parallel_loop3A_1405 = arith.constant 14 : i32
        %parallel_loop3A_1406 = arith.addi %parallel_loop3A_110, %parallel_loop3A_1405 : i32
        %parallel_loop3A_1407 = arith.index_cast %parallel_loop3A_1406 : i32 to index
        %parallel_loop3A_1408 = arith.constant 0 : index
        %parallel_loop3A_1409 = tpu.vector_load %arg15[%parallel_loop3A_1407, %parallel_loop3A_1408] {strides = array<i32>} : memref<64x128xf32, #tpu.memory_space<vmem>>, vector<16xf32>,
        %parallel_loop3A_1410 = arith.mulf %parallel_loop3A_1409, %parallel_loop3A_1404 : vector<16xf32>
        %parallel_loop3A_1411 = arith.constant 14 : i32
        %parallel_loop3A_1412 = arith.addi %parallel_loop3A_110, %parallel_loop3A_1411 : i32
        %parallel_loop3A_1413 = arith.index_cast %parallel_loop3A_1412 : i32 to index
        %parallel_loop3A_1414 = arith.constant 0 : index
        %parallel_loop3A_1415 = tpu.vector_load %arg15[%parallel_loop3A_1413, %parallel_loop3A_1414] {strides = array<i32>} : memref<64x128xf32, #tpu.memory_space<vmem>>, vector<16xf32>,
        tpu.vector_store %arg15[%parallel_loop3A_1413, %parallel_loop3A_1414], %parallel_loop3A_1410 {strides = array<i32>} : memref<64x128xf32, #tpu.memory_space<vmem>>, vector<16xf32>,
        %parallel_loop3A_1416 = arith.constant 14 : i32
        %parallel_loop3A_1417 = arith.addi %parallel_loop3A_110, %parallel_loop3A_1416 : i32
        %parallel_loop3A_1418 = arith.index_cast %parallel_loop3A_1417 : i32 to index
        %parallel_loop3A_1419 = arith.constant 16 : index
        %parallel_loop3A_1420 = tpu.vector_load %arg15[%parallel_loop3A_1418, %parallel_loop3A_1419] {strides = array<i32>} : memref<64x128xf32, #tpu.memory_space<vmem>>, vector<16xf32>,
        %parallel_loop3A_1421 = arith.mulf %parallel_loop3A_1420, %parallel_loop3A_1404 : vector<16xf32>
        %parallel_loop3A_1422 = arith.constant 14 : i32
        %parallel_loop3A_1423 = arith.addi %parallel_loop3A_110, %parallel_loop3A_1422 : i32
        %parallel_loop3A_1424 = arith.index_cast %parallel_loop3A_1423 : i32 to index
        %parallel_loop3A_1425 = arith.constant 16 : index
        %parallel_loop3A_1426 = tpu.vector_load %arg15[%parallel_loop3A_1424, %parallel_loop3A_1425] {strides = array<i32>} : memref<64x128xf32, #tpu.memory_space<vmem>>, vector<16xf32>,
        tpu.vector_store %arg15[%parallel_loop3A_1424, %parallel_loop3A_1425], %parallel_loop3A_1421 {strides = array<i32>} : memref<64x128xf32, #tpu.memory_space<vmem>>, vector<16xf32>,
        %parallel_loop3A_1427 = arith.constant 14 : i32
        %parallel_loop3A_1428 = arith.addi %parallel_loop3A_110, %parallel_loop3A_1427 : i32
        %parallel_loop3A_1429 = arith.index_cast %parallel_loop3A_1428 : i32 to index
        %parallel_loop3A_1430 = arith.constant 32 : index
        %parallel_loop3A_1431 = tpu.vector_load %arg15[%parallel_loop3A_1429, %parallel_loop3A_1430] {strides = array<i32>} : memref<64x128xf32, #tpu.memory_space<vmem>>, vector<16xf32>,
        %parallel_loop3A_1432 = arith.mulf %parallel_loop3A_1431, %parallel_loop3A_1404 : vector<16xf32>
        %parallel_loop3A_1433 = arith.constant 14 : i32
        %parallel_loop3A_1434 = arith.addi %parallel_loop3A_110, %parallel_loop3A_1433 : i32
        %parallel_loop3A_1435 = arith.index_cast %parallel_loop3A_1434 : i32 to index
        %parallel_loop3A_1436 = arith.constant 32 : index
        %parallel_loop3A_1437 = tpu.vector_load %arg15[%parallel_loop3A_1435, %parallel_loop3A_1436] {strides = array<i32>} : memref<64x128xf32, #tpu.memory_space<vmem>>, vector<16xf32>,
        tpu.vector_store %arg15[%parallel_loop3A_1435, %parallel_loop3A_1436], %parallel_loop3A_1432 {strides = array<i32>} : memref<64x128xf32, #tpu.memory_space<vmem>>, vector<16xf32>,
        %parallel_loop3A_1438 = arith.constant 14 : i32
        %parallel_loop3A_1439 = arith.addi %parallel_loop3A_110, %parallel_loop3A_1438 : i32
        %parallel_loop3A_1440 = arith.index_cast %parallel_loop3A_1439 : i32 to index
        %parallel_loop3A_1441 = arith.constant 48 : index
        %parallel_loop3A_1442 = tpu.vector_load %arg15[%parallel_loop3A_1440, %parallel_loop3A_1441] {strides = array<i32>} : memref<64x128xf32, #tpu.memory_space<vmem>>, vector<16xf32>,
        %parallel_loop3A_1443 = arith.mulf %parallel_loop3A_1442, %parallel_loop3A_1404 : vector<16xf32>
        %parallel_loop3A_1444 = arith.constant 14 : i32
        %parallel_loop3A_1445 = arith.addi %parallel_loop3A_110, %parallel_loop3A_1444 : i32
        %parallel_loop3A_1446 = arith.index_cast %parallel_loop3A_1445 : i32 to index
        %parallel_loop3A_1447 = arith.constant 48 : index
        %parallel_loop3A_1448 = tpu.vector_load %arg15[%parallel_loop3A_1446, %parallel_loop3A_1447] {strides = array<i32>} : memref<64x128xf32, #tpu.memory_space<vmem>>, vector<16xf32>,
        tpu.vector_store %arg15[%parallel_loop3A_1446, %parallel_loop3A_1447], %parallel_loop3A_1443 {strides = array<i32>} : memref<64x128xf32, #tpu.memory_space<vmem>>, vector<16xf32>,
        %parallel_loop3A_1449 = arith.constant 14 : i32
        %parallel_loop3A_1450 = arith.addi %parallel_loop3A_110, %parallel_loop3A_1449 : i32
        %parallel_loop3A_1451 = arith.index_cast %parallel_loop3A_1450 : i32 to index
        %parallel_loop3A_1452 = arith.constant 64 : index
        %parallel_loop3A_1453 = tpu.vector_load %arg15[%parallel_loop3A_1451, %parallel_loop3A_1452] {strides = array<i32>} : memref<64x128xf32, #tpu.memory_space<vmem>>, vector<16xf32>,
        %parallel_loop3A_1454 = arith.mulf %parallel_loop3A_1453, %parallel_loop3A_1404 : vector<16xf32>
        %parallel_loop3A_1455 = arith.constant 14 : i32
        %parallel_loop3A_1456 = arith.addi %parallel_loop3A_110, %parallel_loop3A_1455 : i32
        %parallel_loop3A_1457 = arith.index_cast %parallel_loop3A_1456 : i32 to index
        %parallel_loop3A_1458 = arith.constant 64 : index
        %parallel_loop3A_1459 = tpu.vector_load %arg15[%parallel_loop3A_1457, %parallel_loop3A_1458] {strides = array<i32>} : memref<64x128xf32, #tpu.memory_space<vmem>>, vector<16xf32>,
        tpu.vector_store %arg15[%parallel_loop3A_1457, %parallel_loop3A_1458], %parallel_loop3A_1454 {strides = array<i32>} : memref<64x128xf32, #tpu.memory_space<vmem>>, vector<16xf32>,
        %parallel_loop3A_1460 = arith.constant 14 : i32
        %parallel_loop3A_1461 = arith.addi %parallel_loop3A_110, %parallel_loop3A_1460 : i32
        %parallel_loop3A_1462 = arith.index_cast %parallel_loop3A_1461 : i32 to index
        %parallel_loop3A_1463 = arith.constant 80 : index
        %parallel_loop3A_1464 = tpu.vector_load %arg15[%parallel_loop3A_1462, %parallel_loop3A_1463] {strides = array<i32>} : memref<64x128xf32, #tpu.memory_space<vmem>>, vector<16xf32>,
        %parallel_loop3A_1465 = arith.mulf %parallel_loop3A_1464, %parallel_loop3A_1404 : vector<16xf32>
        %parallel_loop3A_1466 = arith.constant 14 : i32
        %parallel_loop3A_1467 = arith.addi %parallel_loop3A_110, %parallel_loop3A_1466 : i32
        %parallel_loop3A_1468 = arith.index_cast %parallel_loop3A_1467 : i32 to index
        %parallel_loop3A_1469 = arith.constant 80 : index
        %parallel_loop3A_1470 = tpu.vector_load %arg15[%parallel_loop3A_1468, %parallel_loop3A_1469] {strides = array<i32>} : memref<64x128xf32, #tpu.memory_space<vmem>>, vector<16xf32>,
        tpu.vector_store %arg15[%parallel_loop3A_1468, %parallel_loop3A_1469], %parallel_loop3A_1465 {strides = array<i32>} : memref<64x128xf32, #tpu.memory_space<vmem>>, vector<16xf32>,
        %parallel_loop3A_1471 = arith.constant 14 : i32
        %parallel_loop3A_1472 = arith.addi %parallel_loop3A_110, %parallel_loop3A_1471 : i32
        %parallel_loop3A_1473 = arith.index_cast %parallel_loop3A_1472 : i32 to index
        %parallel_loop3A_1474 = arith.constant 96 : index
        %parallel_loop3A_1475 = tpu.vector_load %arg15[%parallel_loop3A_1473, %parallel_loop3A_1474] {strides = array<i32>} : memref<64x128xf32, #tpu.memory_space<vmem>>, vector<16xf32>,
        %parallel_loop3A_1476 = arith.mulf %parallel_loop3A_1475, %parallel_loop3A_1404 : vector<16xf32>
        %parallel_loop3A_1477 = arith.constant 14 : i32
        %parallel_loop3A_1478 = arith.addi %parallel_loop3A_110, %parallel_loop3A_1477 : i32
        %parallel_loop3A_1479 = arith.index_cast %parallel_loop3A_1478 : i32 to index
        %parallel_loop3A_1480 = arith.constant 96 : index
        %parallel_loop3A_1481 = tpu.vector_load %arg15[%parallel_loop3A_1479, %parallel_loop3A_1480] {strides = array<i32>} : memref<64x128xf32, #tpu.memory_space<vmem>>, vector<16xf32>,
        tpu.vector_store %arg15[%parallel_loop3A_1479, %parallel_loop3A_1480], %parallel_loop3A_1476 {strides = array<i32>} : memref<64x128xf32, #tpu.memory_space<vmem>>, vector<16xf32>,
        %parallel_loop3A_1482 = arith.constant 14 : i32
        %parallel_loop3A_1483 = arith.addi %parallel_loop3A_110, %parallel_loop3A_1482 : i32
        %parallel_loop3A_1484 = arith.index_cast %parallel_loop3A_1483 : i32 to index
        %parallel_loop3A_1485 = arith.constant 112 : index
        %parallel_loop3A_1486 = tpu.vector_load %arg15[%parallel_loop3A_1484, %parallel_loop3A_1485] {strides = array<i32>} : memref<64x128xf32, #tpu.memory_space<vmem>>, vector<16xf32>,
        %parallel_loop3A_1487 = arith.mulf %parallel_loop3A_1486, %parallel_loop3A_1404 : vector<16xf32>
        %parallel_loop3A_1488 = arith.constant 14 : i32
        %parallel_loop3A_1489 = arith.addi %parallel_loop3A_110, %parallel_loop3A_1488 : i32
        %parallel_loop3A_1490 = arith.index_cast %parallel_loop3A_1489 : i32 to index
        %parallel_loop3A_1491 = arith.constant 112 : index
        %parallel_loop3A_1492 = tpu.vector_load %arg15[%parallel_loop3A_1490, %parallel_loop3A_1491] {strides = array<i32>} : memref<64x128xf32, #tpu.memory_space<vmem>>, vector<16xf32>,
        tpu.vector_store %arg15[%parallel_loop3A_1490, %parallel_loop3A_1491], %parallel_loop3A_1487 {strides = array<i32>} : memref<64x128xf32, #tpu.memory_space<vmem>>, vector<16xf32>,
        %parallel_loop3A_1493 = arith.constant 15 : i32
        %parallel_loop3A_1494 = vector.broadcast %parallel_loop3A_1493 : i32 to vector<16x1xi32>
        %parallel_loop3A_1495 = vector.shape_cast %parallel_loop3A_1494 : vector<16x1xi32> to vector<16xi32>
        %parallel_loop3A_1496 = tpu.dynamic_gather %parallel_loop3A_112[%parallel_loop3A_1495] in [0] : vector<16xf32>, vector<16xi32> -> vector<16xf32>
        %parallel_loop3A_1497 = arith.constant 15 : i32
        %parallel_loop3A_1498 = arith.addi %parallel_loop3A_110, %parallel_loop3A_1497 : i32
        %parallel_loop3A_1499 = arith.index_cast %parallel_loop3A_1498 : i32 to index
        %parallel_loop3A_1500 = arith.constant 0 : index
        %parallel_loop3A_1501 = tpu.vector_load %arg15[%parallel_loop3A_1499, %parallel_loop3A_1500] {strides = array<i32>} : memref<64x128xf32, #tpu.memory_space<vmem>>, vector<16xf32>,
        %parallel_loop3A_1502 = arith.mulf %parallel_loop3A_1501, %parallel_loop3A_1496 : vector<16xf32>
        %parallel_loop3A_1503 = arith.constant 15 : i32
        %parallel_loop3A_1504 = arith.addi %parallel_loop3A_110, %parallel_loop3A_1503 : i32
        %parallel_loop3A_1505 = arith.index_cast %parallel_loop3A_1504 : i32 to index
        %parallel_loop3A_1506 = arith.constant 0 : index
        %parallel_loop3A_1507 = tpu.vector_load %arg15[%parallel_loop3A_1505, %parallel_loop3A_1506] {strides = array<i32>} : memref<64x128xf32, #tpu.memory_space<vmem>>, vector<16xf32>,
        tpu.vector_store %arg15[%parallel_loop3A_1505, %parallel_loop3A_1506], %parallel_loop3A_1502 {strides = array<i32>} : memref<64x128xf32, #tpu.memory_space<vmem>>, vector<16xf32>,
        %parallel_loop3A_1508 = arith.constant 15 : i32
        %parallel_loop3A_1509 = arith.addi %parallel_loop3A_110, %parallel_loop3A_1508 : i32
        %parallel_loop3A_1510 = arith.index_cast %parallel_loop3A_1509 : i32 to index
        %parallel_loop3A_1511 = arith.constant 16 : index
        %parallel_loop3A_1512 = tpu.vector_load %arg15[%parallel_loop3A_1510, %parallel_loop3A_1511] {strides = array<i32>} : memref<64x128xf32, #tpu.memory_space<vmem>>, vector<16xf32>,
        %parallel_loop3A_1513 = arith.mulf %parallel_loop3A_1512, %parallel_loop3A_1496 : vector<16xf32>
        %parallel_loop3A_1514 = arith.constant 15 : i32
        %parallel_loop3A_1515 = arith.addi %parallel_loop3A_110, %parallel_loop3A_1514 : i32
        %parallel_loop3A_1516 = arith.index_cast %parallel_loop3A_1515 : i32 to index
        %parallel_loop3A_1517 = arith.constant 16 : index
        %parallel_loop3A_1518 = tpu.vector_load %arg15[%parallel_loop3A_1516, %parallel_loop3A_1517] {strides = array<i32>} : memref<64x128xf32, #tpu.memory_space<vmem>>, vector<16xf32>,
        tpu.vector_store %arg15[%parallel_loop3A_1516, %parallel_loop3A_1517], %parallel_loop3A_1513 {strides = array<i32>} : memref<64x128xf32, #tpu.memory_space<vmem>>, vector<16xf32>,
        %parallel_loop3A_1519 = arith.constant 15 : i32
        %parallel_loop3A_1520 = arith.addi %parallel_loop3A_110, %parallel_loop3A_1519 : i32
        %parallel_loop3A_1521 = arith.index_cast %parallel_loop3A_1520 : i32 to index
        %parallel_loop3A_1522 = arith.constant 32 : index
        %parallel_loop3A_1523 = tpu.vector_load %arg15[%parallel_loop3A_1521, %parallel_loop3A_1522] {strides = array<i32>} : memref<64x128xf32, #tpu.memory_space<vmem>>, vector<16xf32>,
        %parallel_loop3A_1524 = arith.mulf %parallel_loop3A_1523, %parallel_loop3A_1496 : vector<16xf32>
        %parallel_loop3A_1525 = arith.constant 15 : i32
        %parallel_loop3A_1526 = arith.addi %parallel_loop3A_110, %parallel_loop3A_1525 : i32
        %parallel_loop3A_1527 = arith.index_cast %parallel_loop3A_1526 : i32 to index
        %parallel_loop3A_1528 = arith.constant 32 : index
        %parallel_loop3A_1529 = tpu.vector_load %arg15[%parallel_loop3A_1527, %parallel_loop3A_1528] {strides = array<i32>} : memref<64x128xf32, #tpu.memory_space<vmem>>, vector<16xf32>,
        tpu.vector_store %arg15[%parallel_loop3A_1527, %parallel_loop3A_1528], %parallel_loop3A_1524 {strides = array<i32>} : memref<64x128xf32, #tpu.memory_space<vmem>>, vector<16xf32>,
        %parallel_loop3A_1530 = arith.constant 15 : i32
        %parallel_loop3A_1531 = arith.addi %parallel_loop3A_110, %parallel_loop3A_1530 : i32
        %parallel_loop3A_1532 = arith.index_cast %parallel_loop3A_1531 : i32 to index
        %parallel_loop3A_1533 = arith.constant 48 : index
        %parallel_loop3A_1534 = tpu.vector_load %arg15[%parallel_loop3A_1532, %parallel_loop3A_1533] {strides = array<i32>} : memref<64x128xf32, #tpu.memory_space<vmem>>, vector<16xf32>,
        %parallel_loop3A_1535 = arith.mulf %parallel_loop3A_1534, %parallel_loop3A_1496 : vector<16xf32>
        %parallel_loop3A_1536 = arith.constant 15 : i32
        %parallel_loop3A_1537 = arith.addi %parallel_loop3A_110, %parallel_loop3A_1536 : i32
        %parallel_loop3A_1538 = arith.index_cast %parallel_loop3A_1537 : i32 to index
        %parallel_loop3A_1539 = arith.constant 48 : index
        %parallel_loop3A_1540 = tpu.vector_load %arg15[%parallel_loop3A_1538, %parallel_loop3A_1539] {strides = array<i32>} : memref<64x128xf32, #tpu.memory_space<vmem>>, vector<16xf32>,
        tpu.vector_store %arg15[%parallel_loop3A_1538, %parallel_loop3A_1539], %parallel_loop3A_1535 {strides = array<i32>} : memref<64x128xf32, #tpu.memory_space<vmem>>, vector<16xf32>,
        %parallel_loop3A_1541 = arith.constant 15 : i32
        %parallel_loop3A_1542 = arith.addi %parallel_loop3A_110, %parallel_loop3A_1541 : i32
        %parallel_loop3A_1543 = arith.index_cast %parallel_loop3A_1542 : i32 to index
        %parallel_loop3A_1544 = arith.constant 64 : index
        %parallel_loop3A_1545 = tpu.vector_load %arg15[%parallel_loop3A_1543, %parallel_loop3A_1544] {strides = array<i32>} : memref<64x128xf32, #tpu.memory_space<vmem>>, vector<16xf32>,
        %parallel_loop3A_1546 = arith.mulf %parallel_loop3A_1545, %parallel_loop3A_1496 : vector<16xf32>
        %parallel_loop3A_1547 = arith.constant 15 : i32
        %parallel_loop3A_1548 = arith.addi %parallel_loop3A_110, %parallel_loop3A_1547 : i32
        %parallel_loop3A_1549 = arith.index_cast %parallel_loop3A_1548 : i32 to index
        %parallel_loop3A_1550 = arith.constant 64 : index
        %parallel_loop3A_1551 = tpu.vector_load %arg15[%parallel_loop3A_1549, %parallel_loop3A_1550] {strides = array<i32>} : memref<64x128xf32, #tpu.memory_space<vmem>>, vector<16xf32>,
        tpu.vector_store %arg15[%parallel_loop3A_1549, %parallel_loop3A_1550], %parallel_loop3A_1546 {strides = array<i32>} : memref<64x128xf32, #tpu.memory_space<vmem>>, vector<16xf32>,
        %parallel_loop3A_1552 = arith.constant 15 : i32
        %parallel_loop3A_1553 = arith.addi %parallel_loop3A_110, %parallel_loop3A_1552 : i32
        %parallel_loop3A_1554 = arith.index_cast %parallel_loop3A_1553 : i32 to index
        %parallel_loop3A_1555 = arith.constant 80 : index
        %parallel_loop3A_1556 = tpu.vector_load %arg15[%parallel_loop3A_1554, %parallel_loop3A_1555] {strides = array<i32>} : memref<64x128xf32, #tpu.memory_space<vmem>>, vector<16xf32>,
        %parallel_loop3A_1557 = arith.mulf %parallel_loop3A_1556, %parallel_loop3A_1496 : vector<16xf32>
        %parallel_loop3A_1558 = arith.constant 15 : i32
        %parallel_loop3A_1559 = arith.addi %parallel_loop3A_110, %parallel_loop3A_1558 : i32
        %parallel_loop3A_1560 = arith.index_cast %parallel_loop3A_1559 : i32 to index
        %parallel_loop3A_1561 = arith.constant 80 : index
        %parallel_loop3A_1562 = tpu.vector_load %arg15[%parallel_loop3A_1560, %parallel_loop3A_1561] {strides = array<i32>} : memref<64x128xf32, #tpu.memory_space<vmem>>, vector<16xf32>,
        tpu.vector_store %arg15[%parallel_loop3A_1560, %parallel_loop3A_1561], %parallel_loop3A_1557 {strides = array<i32>} : memref<64x128xf32, #tpu.memory_space<vmem>>, vector<16xf32>,
        %parallel_loop3A_1563 = arith.constant 15 : i32
        %parallel_loop3A_1564 = arith.addi %parallel_loop3A_110, %parallel_loop3A_1563 : i32
        %parallel_loop3A_1565 = arith.index_cast %parallel_loop3A_1564 : i32 to index
        %parallel_loop3A_1566 = arith.constant 96 : index
        %parallel_loop3A_1567 = tpu.vector_load %arg15[%parallel_loop3A_1565, %parallel_loop3A_1566] {strides = array<i32>} : memref<64x128xf32, #tpu.memory_space<vmem>>, vector<16xf32>,
        %parallel_loop3A_1568 = arith.mulf %parallel_loop3A_1567, %parallel_loop3A_1496 : vector<16xf32>
        %parallel_loop3A_1569 = arith.constant 15 : i32
        %parallel_loop3A_1570 = arith.addi %parallel_loop3A_110, %parallel_loop3A_1569 : i32
        %parallel_loop3A_1571 = arith.index_cast %parallel_loop3A_1570 : i32 to index
        %parallel_loop3A_1572 = arith.constant 96 : index
        %parallel_loop3A_1573 = tpu.vector_load %arg15[%parallel_loop3A_1571, %parallel_loop3A_1572] {strides = array<i32>} : memref<64x128xf32, #tpu.memory_space<vmem>>, vector<16xf32>,
        tpu.vector_store %arg15[%parallel_loop3A_1571, %parallel_loop3A_1572], %parallel_loop3A_1568 {strides = array<i32>} : memref<64x128xf32, #tpu.memory_space<vmem>>, vector<16xf32>,
        %parallel_loop3A_1574 = arith.constant 15 : i32
        %parallel_loop3A_1575 = arith.addi %parallel_loop3A_110, %parallel_loop3A_1574 : i32
        %parallel_loop3A_1576 = arith.index_cast %parallel_loop3A_1575 : i32 to index
        %parallel_loop3A_1577 = arith.constant 112 : index
        %parallel_loop3A_1578 = tpu.vector_load %arg15[%parallel_loop3A_1576, %parallel_loop3A_1577] {strides = array<i32>} : memref<64x128xf32, #tpu.memory_space<vmem>>, vector<16xf32>,
        %parallel_loop3A_1579 = arith.mulf %parallel_loop3A_1578, %parallel_loop3A_1496 : vector<16xf32>
        %parallel_loop3A_1580 = arith.constant 15 : i32
        %parallel_loop3A_1581 = arith.addi %parallel_loop3A_110, %parallel_loop3A_1580 : i32
        %parallel_loop3A_1582 = arith.index_cast %parallel_loop3A_1581 : i32 to index
        %parallel_loop3A_1583 = arith.constant 112 : index
        %parallel_loop3A_1584 = tpu.vector_load %arg15[%parallel_loop3A_1582, %parallel_loop3A_1583] {strides = array<i32>} : memref<64x128xf32, #tpu.memory_space<vmem>>, vector<16xf32>,
        tpu.vector_store %arg15[%parallel_loop3A_1582, %parallel_loop3A_1583], %parallel_loop3A_1579 {strides = array<i32>} : memref<64x128xf32, #tpu.memory_space<vmem>>, vector<16xf32>,
      } {sc.loop_unroll_factor = 2 : i64, sc.parallel_access}
      %dma_start3A_89 = arith.constant 0 : i32
      %dma_start3A_90 = arith.constant 0 : i32
      %dma_start3A_91 = arith.constant 0 : i32
      %dma_start3A_92 = tpu.memref_slice %arg11[%dma_start3A_89, %dma_start3A_90, %dma_start3A_91] : memref<2x1x64xi32, #tpu.memory_space<vmem>> -> memref<1x1x64xi32, #tpu.memory_space<vmem>>
      %dma_start3A_93 = tpu.memref_squeeze %dma_start3A_92 : memref<1x1x64xi32, #tpu.memory_space<vmem>> -> memref<64xi32, #tpu.memory_space<vmem>>
      %dma_start3A_94 = arith.constant 0 : i32
      %dma_start3A_95 = arith.constant 0 : i32
      %dma_start3A_96 = tpu.memref_slice %arg17[%dma_start3A_94, %dma_start3A_95] : memref<10240x128xf32, #tpu.memory_space<vmem_shared>> -> memref<10240x128xf32, #tpu.memory_space<vmem_shared>>
      tpu.enqueue_indirect_dma source(%arg15 : memref<64x128xf32, #tpu.memory_space<vmem>>) target(%dma_start3A_96 : memref<10240x128xf32, #tpu.memory_space<vmem_shared>>) offsets(%dma_start3A_93 : memref<64xi32, #tpu.memory_space<vmem>>) semaphore(%arg21 : memref<!tpu.dma_semaphore, #tpu.memory_space<semaphore_mem>>) {add = true}
      %add3A_97 = arith.constant 2 : i32
      %add3A_98 = arith.addi %add3A_72, %add3A_97 : i32
      %lt3A_99 = arith.constant 162 : i32
      %lt3A_100 = arith.cmpi slt, %add3A_98, %lt3A_99 : i32
      %convert_element_type3A_101 = arith.extui %lt3A_100 : i1 to i32
      %cond3A_102 = arith.constant 0 : i32
      %cond3A_103 = arith.cmpi ne, %convert_element_type3A_101, %cond3A_102 : i32
      scf.if %cond3A_103 {
        %add3A_110 = arith.constant 2 : i32
        %add3A_111 = arith.addi %add3A_72, %add3A_110 : i32
        %mul3A_112 = arith.constant 32 : i32
        %mul3A_113 = arith.muli %add3A_111, %mul3A_112 : i32
        %add3A_114 = arith.addi %mul3A_113, %add3A : i32
        "tpu.region"() ({
          %run_scoped3A_225 = tpu.sem_alloc : memref<!tpu.dma_semaphore, #tpu.memory_space<semaphore_mem>>
          %dma_start3A_226 = arith.constant 0 : i32
          %dma_start3A_227 = arith.constant 0 : i32
          %dma_start3A_228 = arith.constant 0 : i32
          %dma_start3A_229 = tpu.memref_slice %arg4[%add3A_114, %dma_start3A_226, %dma_start3A_227, %dma_start3A_228] : memref<5184x2x1x64xi32, #tpu.memory_space<hbm>> -> memref<1x2x1x64xi32, #tpu.memory_space<hbm>>
          %dma_start3A_230 = tpu.memref_squeeze %dma_start3A_229 : memref<1x2x1x64xi32, #tpu.memory_space<hbm>> -> memref<2x1x64xi32, #tpu.memory_space<hbm>>
          %dma_start3A_231 = arith.constant 0 : i32
          %dma_start3A_232 = arith.constant 0 : i32
          %dma_start3A_233 = arith.constant 0 : i32
          %dma_start3A_234 = tpu.memref_slice %arg4[%add3A_114, %dma_start3A_231, %dma_start3A_232, %dma_start3A_233] : memref<5184x2x1x64xi32, #tpu.memory_space<hbm>> -> memref<1x2x1x64xi32, #tpu.memory_space<hbm>>
          %dma_start3A_235 = tpu.memref_squeeze %dma_start3A_234 : memref<1x2x1x64xi32, #tpu.memory_space<hbm>> -> memref<2x1x64xi32, #tpu.memory_space<hbm>>
          tpu.enqueue_dma source(%dma_start3A_235 : memref<2x1x64xi32, #tpu.memory_space<hbm>>) target(%arg12 : memref<2x1x64xi32, #tpu.memory_space<vmem>>) target_semaphore(%run_scoped3A_225 : memref<!tpu.dma_semaphore, #tpu.memory_space<semaphore_mem>>)
          %dma_wait3A_236 = arith.constant 0 : i32
          %dma_wait3A_237 = arith.constant 0 : i32
          %dma_wait3A_238 = arith.constant 0 : i32
          %dma_wait3A_239 = tpu.memref_slice %arg4[%add3A_114, %dma_wait3A_236, %dma_wait3A_237, %dma_wait3A_238] : memref<5184x2x1x64xi32, #tpu.memory_space<hbm>> -> memref<1x2x1x64xi32, #tpu.memory_space<hbm>>
          %dma_wait3A_240 = tpu.memref_squeeze %dma_wait3A_239 : memref<1x2x1x64xi32, #tpu.memory_space<hbm>> -> memref<2x1x64xi32, #tpu.memory_space<hbm>>
          %dma_wait3A_241 = arith.constant 0 : i32
          %dma_wait3A_242 = arith.constant 0 : i32
          %dma_wait3A_243 = arith.constant 0 : i32
          %dma_wait3A_244 = tpu.memref_slice %arg4[%add3A_114, %dma_wait3A_241, %dma_wait3A_242, %dma_wait3A_243] : memref<5184x2x1x64xi32, #tpu.memory_space<hbm>> -> memref<1x2x1x64xi32, #tpu.memory_space<hbm>>
          %dma_wait3A_245 = tpu.memref_squeeze %dma_wait3A_244 : memref<1x2x1x64xi32, #tpu.memory_space<hbm>> -> memref<2x1x64xi32, #tpu.memory_space<hbm>>
          tpu.wait_dma2 semaphore(%run_scoped3A_225 : memref<!tpu.dma_semaphore, #tpu.memory_space<semaphore_mem>>) src(%dma_wait3A_245 : memref<2x1x64xi32, #tpu.memory_space<hbm>>) dst(%arg12 : memref<2x1x64xi32, #tpu.memory_space<vmem>>)
          tpu.yield
        }) : () -> ()
        %dma_wait3A_115 = arith.constant 0 : i32
        %dma_wait3A_116 = arith.constant 0 : i32
        %dma_wait3A_117 = arith.constant 0 : i32
        %dma_wait3A_118 = tpu.memref_slice %arg11[%dma_wait3A_115, %dma_wait3A_116, %dma_wait3A_117] : memref<2x1x64xi32, #tpu.memory_space<vmem>> -> memref<1x1x64xi32, #tpu.memory_space<vmem>>
        %dma_wait3A_119 = tpu.memref_squeeze %dma_wait3A_118 : memref<1x1x64xi32, #tpu.memory_space<vmem>> -> memref<64xi32, #tpu.memory_space<vmem>>
        %dma_wait3A_120 = arith.constant 0 : i32
        %dma_wait3A_121 = arith.constant 0 : i32
        %dma_wait3A_122 = tpu.memref_slice %arg17[%dma_wait3A_120, %dma_wait3A_121] : memref<10240x128xf32, #tpu.memory_space<vmem_shared>> -> memref<10240x128xf32, #tpu.memory_space<vmem_shared>>
        tpu.wait_indirect_dma semaphore(%arg21 : memref<!tpu.dma_semaphore, #tpu.memory_space<semaphore_mem>>) src(%arg15 : memref<64x128xf32, #tpu.memory_space<vmem>>) dst(%dma_wait3A_122 : memref<10240x128xf32, #tpu.memory_space<vmem_shared>>)
        %get3A = arith.constant 0 : i32
        %get3A_123 = arith.constant 0 : i32
        %get3A_124 = arith.index_cast %get3A : i32 to index
        %get3A_125 = arith.index_cast %get3A_123 : i32 to index
        %get3A_126 = arith.constant 0 : index
        %get3A_127 = tpu.vector_load %arg12[%get3A_124, %get3A_125, %get3A_126] {strides = array<i32>} : memref<2x1x64xi32, #tpu.memory_space<vmem>>, vector<16xi32>,
        %swap3A = arith.constant 0 : i32
        %swap3A_128 = arith.constant 0 : i32
        %swap3A_129 = arith.index_cast %swap3A : i32 to index
        %swap3A_130 = arith.index_cast %swap3A_128 : i32 to index
        %swap3A_131 = arith.constant 0 : index
        %swap3A_132 = tpu.vector_load %arg11[%swap3A_129, %swap3A_130, %swap3A_131] {strides = array<i32>} : memref<2x1x64xi32, #tpu.memory_space<vmem>>, vector<16xi32>,
        tpu.vector_store %arg11[%swap3A_129, %swap3A_130, %swap3A_131], %get3A_127 {strides = array<i32>} : memref<2x1x64xi32, #tpu.memory_space<vmem>>, vector<16xi32>,
        %get3A_133 = arith.constant 0 : i32
        %get3A_134 = arith.constant 0 : i32
        %get3A_135 = arith.index_cast %get3A_133 : i32 to index
        %get3A_136 = arith.index_cast %get3A_134 : i32 to index
        %get3A_137 = arith.constant 16 : index
        %get3A_138 = tpu.vector_load %arg12[%get3A_135, %get3A_136, %get3A_137] {strides = array<i32>} : memref<2x1x64xi32, #tpu.memory_space<vmem>>, vector<16xi32>,
        %swap3A_139 = arith.constant 0 : i32
        %swap3A_140 = arith.constant 0 : i32
        %swap3A_141 = arith.index_cast %swap3A_139 : i32 to index
        %swap3A_142 = arith.index_cast %swap3A_140 : i32 to index
        %swap3A_143 = arith.constant 16 : index
        %swap3A_144 = tpu.vector_load %arg11[%swap3A_141, %swap3A_142, %swap3A_143] {strides = array<i32>} : memref<2x1x64xi32, #tpu.memory_space<vmem>>, vector<16xi32>,
        tpu.vector_store %arg11[%swap3A_141, %swap3A_142, %swap3A_143], %get3A_138 {strides = array<i32>} : memref<2x1x64xi32, #tpu.memory_space<vmem>>, vector<16xi32>,
        %get3A_145 = arith.constant 0 : i32
        %get3A_146 = arith.constant 0 : i32
        %get3A_147 = arith.index_cast %get3A_145 : i32 to index
        %get3A_148 = arith.index_cast %get3A_146 : i32 to index
        %get3A_149 = arith.constant 32 : index
        %get3A_150 = tpu.vector_load %arg12[%get3A_147, %get3A_148, %get3A_149] {strides = array<i32>} : memref<2x1x64xi32, #tpu.memory_space<vmem>>, vector<16xi32>,
        %swap3A_151 = arith.constant 0 : i32
        %swap3A_152 = arith.constant 0 : i32
        %swap3A_153 = arith.index_cast %swap3A_151 : i32 to index
        %swap3A_154 = arith.index_cast %swap3A_152 : i32 to index
        %swap3A_155 = arith.constant 32 : index
        %swap3A_156 = tpu.vector_load %arg11[%swap3A_153, %swap3A_154, %swap3A_155] {strides = array<i32>} : memref<2x1x64xi32, #tpu.memory_space<vmem>>, vector<16xi32>,
        tpu.vector_store %arg11[%swap3A_153, %swap3A_154, %swap3A_155], %get3A_150 {strides = array<i32>} : memref<2x1x64xi32, #tpu.memory_space<vmem>>, vector<16xi32>,
        %get3A_157 = arith.constant 0 : i32
        %get3A_158 = arith.constant 0 : i32
        %get3A_159 = arith.index_cast %get3A_157 : i32 to index
        %get3A_160 = arith.index_cast %get3A_158 : i32 to index
        %get3A_161 = arith.constant 48 : index
        %get3A_162 = tpu.vector_load %arg12[%get3A_159, %get3A_160, %get3A_161] {strides = array<i32>} : memref<2x1x64xi32, #tpu.memory_space<vmem>>, vector<16xi32>,
        %swap3A_163 = arith.constant 0 : i32
        %swap3A_164 = arith.constant 0 : i32
        %swap3A_165 = arith.index_cast %swap3A_163 : i32 to index
        %swap3A_166 = arith.index_cast %swap3A_164 : i32 to index
        %swap3A_167 = arith.constant 48 : index
        %swap3A_168 = tpu.vector_load %arg11[%swap3A_165, %swap3A_166, %swap3A_167] {strides = array<i32>} : memref<2x1x64xi32, #tpu.memory_space<vmem>>, vector<16xi32>,
        tpu.vector_store %arg11[%swap3A_165, %swap3A_166, %swap3A_167], %get3A_162 {strides = array<i32>} : memref<2x1x64xi32, #tpu.memory_space<vmem>>, vector<16xi32>,
        %get3A_169 = arith.constant 1 : i32
        %get3A_170 = arith.constant 0 : i32
        %get3A_171 = arith.index_cast %get3A_169 : i32 to index
        %get3A_172 = arith.index_cast %get3A_170 : i32 to index
        %get3A_173 = arith.constant 0 : index
        %get3A_174 = tpu.vector_load %arg12[%get3A_171, %get3A_172, %get3A_173] {strides = array<i32>} : memref<2x1x64xi32, #tpu.memory_space<vmem>>, vector<16xi32>,
        %swap3A_175 = arith.constant 1 : i32
        %swap3A_176 = arith.constant 0 : i32
        %swap3A_177 = arith.index_cast %swap3A_175 : i32 to index
        %swap3A_178 = arith.index_cast %swap3A_176 : i32 to index
        %swap3A_179 = arith.constant 0 : index
        %swap3A_180 = tpu.vector_load %arg11[%swap3A_177, %swap3A_178, %swap3A_179] {strides = array<i32>} : memref<2x1x64xi32, #tpu.memory_space<vmem>>, vector<16xi32>,
        tpu.vector_store %arg11[%swap3A_177, %swap3A_178, %swap3A_179], %get3A_174 {strides = array<i32>} : memref<2x1x64xi32, #tpu.memory_space<vmem>>, vector<16xi32>,
        %get3A_181 = arith.constant 1 : i32
        %get3A_182 = arith.constant 0 : i32
        %get3A_183 = arith.index_cast %get3A_181 : i32 to index
        %get3A_184 = arith.index_cast %get3A_182 : i32 to index
        %get3A_185 = arith.constant 16 : index
        %get3A_186 = tpu.vector_load %arg12[%get3A_183, %get3A_184, %get3A_185] {strides = array<i32>} : memref<2x1x64xi32, #tpu.memory_space<vmem>>, vector<16xi32>,
        %swap3A_187 = arith.constant 1 : i32
        %swap3A_188 = arith.constant 0 : i32
        %swap3A_189 = arith.index_cast %swap3A_187 : i32 to index
        %swap3A_190 = arith.index_cast %swap3A_188 : i32 to index
        %swap3A_191 = arith.constant 16 : index
        %swap3A_192 = tpu.vector_load %arg11[%swap3A_189, %swap3A_190, %swap3A_191] {strides = array<i32>} : memref<2x1x64xi32, #tpu.memory_space<vmem>>, vector<16xi32>,
        tpu.vector_store %arg11[%swap3A_189, %swap3A_190, %swap3A_191], %get3A_186 {strides = array<i32>} : memref<2x1x64xi32, #tpu.memory_space<vmem>>, vector<16xi32>,
        %get3A_193 = arith.constant 1 : i32
        %get3A_194 = arith.constant 0 : i32
        %get3A_195 = arith.index_cast %get3A_193 : i32 to index
        %get3A_196 = arith.index_cast %get3A_194 : i32 to index
        %get3A_197 = arith.constant 32 : index
        %get3A_198 = tpu.vector_load %arg12[%get3A_195, %get3A_196, %get3A_197] {strides = array<i32>} : memref<2x1x64xi32, #tpu.memory_space<vmem>>, vector<16xi32>,
        %swap3A_199 = arith.constant 1 : i32
        %swap3A_200 = arith.constant 0 : i32
        %swap3A_201 = arith.index_cast %swap3A_199 : i32 to index
        %swap3A_202 = arith.index_cast %swap3A_200 : i32 to index
        %swap3A_203 = arith.constant 32 : index
        %swap3A_204 = tpu.vector_load %arg11[%swap3A_201, %swap3A_202, %swap3A_203] {strides = array<i32>} : memref<2x1x64xi32, #tpu.memory_space<vmem>>, vector<16xi32>,
        tpu.vector_store %arg11[%swap3A_201, %swap3A_202, %swap3A_203], %get3A_198 {strides = array<i32>} : memref<2x1x64xi32, #tpu.memory_space<vmem>>, vector<16xi32>,
        %get3A_205 = arith.constant 1 : i32
        %get3A_206 = arith.constant 0 : i32
        %get3A_207 = arith.index_cast %get3A_205 : i32 to index
        %get3A_208 = arith.index_cast %get3A_206 : i32 to index
        %get3A_209 = arith.constant 48 : index
        %get3A_210 = tpu.vector_load %arg12[%get3A_207, %get3A_208, %get3A_209] {strides = array<i32>} : memref<2x1x64xi32, #tpu.memory_space<vmem>>, vector<16xi32>,
        %swap3A_211 = arith.constant 1 : i32
        %swap3A_212 = arith.constant 0 : i32
        %swap3A_213 = arith.index_cast %swap3A_211 : i32 to index
        %swap3A_214 = arith.index_cast %swap3A_212 : i32 to index
        %swap3A_215 = arith.constant 48 : index
        %swap3A_216 = tpu.vector_load %arg11[%swap3A_213, %swap3A_214, %swap3A_215] {strides = array<i32>} : memref<2x1x64xi32, #tpu.memory_space<vmem>>, vector<16xi32>,
        tpu.vector_store %arg11[%swap3A_213, %swap3A_214, %swap3A_215], %get3A_210 {strides = array<i32>} : memref<2x1x64xi32, #tpu.memory_space<vmem>>, vector<16xi32>,
        %dma_start3A_217 = arith.constant 1 : i32
        %dma_start3A_218 = arith.constant 0 : i32
        %dma_start3A_219 = arith.constant 0 : i32
        %dma_start3A_220 = tpu.memref_slice %arg11[%dma_start3A_217, %dma_start3A_218, %dma_start3A_219] : memref<2x1x64xi32, #tpu.memory_space<vmem>> -> memref<1x1x64xi32, #tpu.memory_space<vmem>>
        %dma_start3A_221 = tpu.memref_squeeze %dma_start3A_220 : memref<1x1x64xi32, #tpu.memory_space<vmem>> -> memref<64xi32, #tpu.memory_space<vmem>>
        %dma_start3A_222 = arith.constant 0 : i32
        %dma_start3A_223 = arith.constant 0 : i32
        %dma_start3A_224 = tpu.memref_slice %arg2[%dma_start3A_222, %dma_start3A_223] : memref<10240x128xf32, #tpu.memory_space<hbm>> -> memref<10240x128xf32, #tpu.memory_space<hbm>>
        tpu.enqueue_indirect_dma source(%dma_start3A_224 : memref<10240x128xf32, #tpu.memory_space<hbm>>) target(%arg15 : memref<64x128xf32, #tpu.memory_space<vmem>>) offsets(%dma_start3A_221 : memref<64xi32, #tpu.memory_space<vmem>>) semaphore(%arg19 : memref<!tpu.dma_semaphore, #tpu.memory_space<semaphore_mem>>)
      } else {
      }
      %add3A_104 = arith.constant 2 : i32
      %add3A_105 = arith.addi %add3A_42, %add3A_104 : i32
      %ge3A = arith.constant 162 : i32
      %ge3A_106 = arith.cmpi sge, %add3A_105, %ge3A : i32
      %convert_element_type3A_107 = arith.extui %ge3A_106 : i1 to i32
      %cond3A_108 = arith.constant 0 : i32
      %cond3A_109 = arith.cmpi ne, %convert_element_type3A_107, %cond3A_108 : i32
      scf.if %cond3A_109 {
        %dma_wait3A_110 = arith.constant 0 : i32
        %dma_wait3A_111 = arith.constant 0 : i32
        %dma_wait3A_112 = arith.constant 0 : i32
        %dma_wait3A_113 = tpu.memref_slice %arg10[%dma_wait3A_110, %dma_wait3A_111, %dma_wait3A_112] : memref<2x1x64xi32, #tpu.memory_space<vmem>> -> memref<1x1x64xi32, #tpu.memory_space<vmem>>
        %dma_wait3A_114 = tpu.memref_squeeze %dma_wait3A_113 : memref<1x1x64xi32, #tpu.memory_space<vmem>> -> memref<64xi32, #tpu.memory_space<vmem>>
        %dma_wait3A_115 = arith.constant 0 : i32
        %dma_wait3A_116 = arith.constant 0 : i32
        %dma_wait3A_117 = tpu.memref_slice %arg17[%dma_wait3A_115, %dma_wait3A_116] : memref<10240x128xf32, #tpu.memory_space<vmem_shared>> -> memref<10240x128xf32, #tpu.memory_space<vmem_shared>>
        tpu.wait_indirect_dma semaphore(%arg20 : memref<!tpu.dma_semaphore, #tpu.memory_space<semaphore_mem>>) src(%arg14 : memref<64x128xf32, #tpu.memory_space<vmem>>) dst(%dma_wait3A_117 : memref<10240x128xf32, #tpu.memory_space<vmem_shared>>)
        %dma_wait3A_118 = arith.constant 0 : i32
        %dma_wait3A_119 = arith.constant 0 : i32
        %dma_wait3A_120 = arith.constant 0 : i32
        %dma_wait3A_121 = tpu.memref_slice %arg11[%dma_wait3A_118, %dma_wait3A_119, %dma_wait3A_120] : memref<2x1x64xi32, #tpu.memory_space<vmem>> -> memref<1x1x64xi32, #tpu.memory_space<vmem>>
        %dma_wait3A_122 = tpu.memref_squeeze %dma_wait3A_121 : memref<1x1x64xi32, #tpu.memory_space<vmem>> -> memref<64xi32, #tpu.memory_space<vmem>>
        %dma_wait3A_123 = arith.constant 0 : i32
        %dma_wait3A_124 = arith.constant 0 : i32
        %dma_wait3A_125 = tpu.memref_slice %arg17[%dma_wait3A_123, %dma_wait3A_124] : memref<10240x128xf32, #tpu.memory_space<vmem_shared>> -> memref<10240x128xf32, #tpu.memory_space<vmem_shared>>
        tpu.wait_indirect_dma semaphore(%arg21 : memref<!tpu.dma_semaphore, #tpu.memory_space<semaphore_mem>>) src(%arg15 : memref<64x128xf32, #tpu.memory_space<vmem>>) dst(%dma_wait3A_125 : memref<10240x128xf32, #tpu.memory_space<vmem_shared>>)
      } else {
      }
    }
    %scan3A_32 = arith.constant 81 : i32
    %barrier3A_33 = arith.constant 0 : index
    tpu.barrier barrier_id(%barrier3A_33)
    %mul3A_34 = arith.constant 640 : i32
    %mul3A_35 = arith.muli %arg1, %mul3A_34 : i32
    %mul3A_36 = arith.constant 640 : i32
    %mul3A_37 = arith.muli %arg1, %mul3A_36 : i32
    "tpu.region"() ({
      %run_scoped3A_38 = tpu.sem_alloc : memref<!tpu.dma_semaphore, #tpu.memory_space<semaphore_mem>>
      %dma_start3A_39 = arith.constant 0 : i32
      %dma_start3A_40 = tpu.memref_slice %arg6[%arg0, %mul3A_37, %dma_start3A_39] : memref<2x10240x128xf32, #tpu.memory_space<hbm>> -> memref<1x640x128xf32, #tpu.memory_space<hbm>>
      %dma_start3A_41 = tpu.memref_squeeze %dma_start3A_40 : memref<1x640x128xf32, #tpu.memory_space<hbm>> -> memref<640x128xf32, #tpu.memory_space<hbm>>
      %dma_start3A_42 = arith.constant 0 : i32
      %dma_start3A_43 = tpu.memref_slice %arg17[%mul3A_35, %dma_start3A_42] : memref<10240x128xf32, #tpu.memory_space<vmem_shared>> -> memref<640x128xf32, #tpu.memory_space<vmem_shared>>
      tpu.enqueue_dma source(%dma_start3A_43 : memref<640x128xf32, #tpu.memory_space<vmem_shared>>) target(%dma_start3A_41 : memref<640x128xf32, #tpu.memory_space<hbm>>) target_semaphore(%run_scoped3A_38 : memref<!tpu.dma_semaphore, #tpu.memory_space<semaphore_mem>>)
      %dma_wait3A = arith.constant 0 : i32
      %dma_wait3A_44 = tpu.memref_slice %arg6[%arg0, %mul3A_37, %dma_wait3A] : memref<2x10240x128xf32, #tpu.memory_space<hbm>> -> memref<1x640x128xf32, #tpu.memory_space<hbm>>
      %dma_wait3A_45 = tpu.memref_squeeze %dma_wait3A_44 : memref<1x640x128xf32, #tpu.memory_space<hbm>> -> memref<640x128xf32, #tpu.memory_space<hbm>>
      %dma_wait3A_46 = arith.constant 0 : i32
      %dma_wait3A_47 = tpu.memref_slice %arg17[%mul3A_35, %dma_wait3A_46] : memref<10240x128xf32, #tpu.memory_space<vmem_shared>> -> memref<640x128xf32, #tpu.memory_space<vmem_shared>>
      tpu.wait_dma2 semaphore(%run_scoped3A_38 : memref<!tpu.dma_semaphore, #tpu.memory_space<semaphore_mem>>) src(%dma_wait3A_47 : memref<640x128xf32, #tpu.memory_space<vmem_shared>>) dst(%dma_wait3A_45 : memref<640x128xf32, #tpu.memory_space<hbm>>)
      tpu.yield
    }) : () -> ()
    "tpu.region"() ({
      %run_scoped3A_38 = tpu.sem_alloc : memref<!tpu.dma_semaphore, #tpu.memory_space<semaphore_mem>>
      %dma_start3A_39 = arith.constant 0 : i32
      %dma_start3A_40 = tpu.memref_slice %arg7[%arg0, %arg1, %dma_start3A_39] : memref<2x16x10240xf32, #tpu.memory_space<hbm>> -> memref<1x1x10240xf32, #tpu.memory_space<hbm>>
      %dma_start3A_41 = tpu.memref_squeeze %dma_start3A_40 : memref<1x1x10240xf32, #tpu.memory_space<hbm>> -> memref<10240xf32, #tpu.memory_space<hbm>>
      %dma_start3A_42 = arith.constant 0 : i32
      %dma_start3A_43 = tpu.memref_slice %arg7[%arg0, %arg1, %dma_start3A_42] : memref<2x16x10240xf32, #tpu.memory_space<hbm>> -> memref<1x1x10240xf32, #tpu.memory_space<hbm>>
      %dma_start3A_44 = tpu.memref_squeeze %dma_start3A_43 : memref<1x1x10240xf32, #tpu.memory_space<hbm>> -> memref<10240xf32, #tpu.memory_space<hbm>>
      tpu.enqueue_dma source(%arg16 : memref<10240xf32, #tpu.memory_space<vmem>>) target(%dma_start3A_44 : memref<10240xf32, #tpu.memory_space<hbm>>) target_semaphore(%run_scoped3A_38 : memref<!tpu.dma_semaphore, #tpu.memory_space<semaphore_mem>>)
      %dma_wait3A = arith.constant 0 : i32
      %dma_wait3A_45 = tpu.memref_slice %arg7[%arg0, %arg1, %dma_wait3A] : memref<2x16x10240xf32, #tpu.memory_space<hbm>> -> memref<1x1x10240xf32, #tpu.memory_space<hbm>>
      %dma_wait3A_46 = tpu.memref_squeeze %dma_wait3A_45 : memref<1x1x10240xf32, #tpu.memory_space<hbm>> -> memref<10240xf32, #tpu.memory_space<hbm>>
      %dma_wait3A_47 = arith.constant 0 : i32
      %dma_wait3A_48 = tpu.memref_slice %arg7[%arg0, %arg1, %dma_wait3A_47] : memref<2x16x10240xf32, #tpu.memory_space<hbm>> -> memref<1x1x10240xf32, #tpu.memory_space<hbm>>
      %dma_wait3A_49 = tpu.memref_squeeze %dma_wait3A_48 : memref<1x1x10240xf32, #tpu.memory_space<hbm>> -> memref<10240xf32, #tpu.memory_space<hbm>>
      tpu.wait_dma2 semaphore(%run_scoped3A_38 : memref<!tpu.dma_semaphore, #tpu.memory_space<semaphore_mem>>) src(%arg16 : memref<10240xf32, #tpu.memory_space<vmem>>) dst(%dma_wait3A_49 : memref<10240xf32, #tpu.memory_space<hbm>>)
      tpu.yield
    }) : () -> ()
    return
  }
}

module attributes {stable_mosaic.version = 14 : i64} {
  func.func @_proj_body(%arg0: i32, %arg1: memref<1024x128xf32, #tpu.memory_space<vmem>>, %arg2: memref<128x128xf32, #tpu.memory_space<vmem>>, %arg3: memref<1x128xf32, #tpu.memory_space<vmem>>, %arg4: memref<1x128xf32, #tpu.memory_space<vmem>>, %arg5: memref<1x128xf32, #tpu.memory_space<vmem>>, %arg6: memref<1x1xf32, #tpu.memory_space<vmem>>, %arg7: memref<1024x128xf32, #tpu.memory_space<vmem>>, %arg8: memref<16x1024xf32, #tpu.memory_space<vmem>>) attributes {dimension_semantics = [#tpu.dimension_semantics<arbitrary>], iteration_bounds = array<i64: 10>, scalar_prefetch = 0 : i64, scratch_operands = 0 : i64, tpu.core_type = #tpu.core_type<tc>, window_params = [{transform_indices = @transform_0, window_bounds = array<i64: 1024, 128>}, {pipeline_mode = #tpu.pipeline_mode<synchronous>, transform_indices = @transform_1, window_bounds = array<i64: 128, 128>}, {pipeline_mode = #tpu.pipeline_mode<synchronous>, transform_indices = @transform_2, window_bounds = array<i64: 1, 128>}, {pipeline_mode = #tpu.pipeline_mode<synchronous>, transform_indices = @transform_3, window_bounds = array<i64: 1, 128>}, {pipeline_mode = #tpu.pipeline_mode<synchronous>, transform_indices = @transform_4, window_bounds = array<i64: 1, 128>}, {pipeline_mode = #tpu.pipeline_mode<synchronous>, transform_indices = @transform_5, window_bounds = array<i64: 1, 1>}, {transform_indices = @transform_6, window_bounds = array<i64: 1024, 128>}, {transform_indices = @transform_7, window_bounds = array<i64: 16, 1024>}]} {
    %get3A = arith.constant 0 : index
    %get3A_0 = arith.constant 0 : index
    %get3A_1 = vector.load %arg1[%get3A, %get3A_0] : memref<1024x128xf32, #tpu.memory_space<vmem>>, vector<1024x128xf32>
    %get3A_2 = arith.constant 0 : index
    %get3A_3 = arith.constant 0 : index
    %get3A_4 = vector.load %arg2[%get3A_2, %get3A_3] : memref<128x128xf32, #tpu.memory_space<vmem>>, vector<128x128xf32>
    %dot_general3A = arith.constant dense<0.000000e+00> : vector<1024x128xf32>
    %dot_general3A_5 = tpu.matmul %get3A_1, %get3A_4, %dot_general3A {dimension_numbers = #tpu.dot_dimension_numbers<[1], [0], [0], [1], [0, 0, 1, 1], [], []>, transpose_lhs_hint = false} : vector<1024x128xf32>, vector<128x128xf32>, vector<1024x128xf32> -> vector<1024x128xf32>
    %get3A_6 = arith.constant 0 : index
    %get3A_7 = arith.constant 0 : index
    %get3A_8 = vector.load %arg3[%get3A_6, %get3A_7] : memref<1x128xf32, #tpu.memory_space<vmem>>, vector<1x128xf32>
    %add3A = vector.broadcast %get3A_8 : vector<1x128xf32> to vector<1024x128xf32>
    %add3A_9 = arith.addf %dot_general3A_5, %add3A : vector<1024x128xf32>
    %swap3A = arith.constant 0 : index
    %swap3A_10 = arith.constant 0 : index
    %swap3A_11 = vector.load %arg7[%swap3A, %swap3A_10] : memref<1024x128xf32, #tpu.memory_space<vmem>>, vector<1024x128xf32>
    tpu.vector_store %arg7[%swap3A, %swap3A_10], %add3A_9 {strides = array<i32>} : memref<1024x128xf32, #tpu.memory_space<vmem>>, vector<1024x128xf32>,
    %get3A_12 = arith.constant 0 : index
    %get3A_13 = arith.constant 0 : index
    %get3A_14 = vector.load %arg4[%get3A_12, %get3A_13] : memref<1x128xf32, #tpu.memory_space<vmem>>, vector<1x128xf32>
    %dot_general3A_15 = arith.constant dense<0.000000e+00> : vector<1x1024xf32>
    %dot_general3A_16 = tpu.matmul %get3A_14, %add3A_9, %dot_general3A_15 {dimension_numbers = #tpu.dot_dimension_numbers<[1], [1], [0], [0], [0, 0, 1, 0], [], []>, transpose_lhs_hint = false} : vector<1x128xf32>, vector<1024x128xf32>, vector<1x1024xf32> -> vector<1x1024xf32>
    %get3A_17 = arith.constant 0 : index
    %get3A_18 = arith.constant 0 : index
    %get3A_19 = vector.load %arg6[%get3A_17, %get3A_18] : memref<1x1xf32, #tpu.memory_space<vmem>>, vector<1x1xf32>
    %add3A_20 = vector.broadcast %get3A_19 : vector<1x1xf32> to vector<1x1024xf32>
    %add3A_21 = arith.addf %dot_general3A_16, %add3A_20 : vector<1x1024xf32>
    %get3A_22 = arith.constant 0 : index
    %get3A_23 = arith.constant 0 : index
    %get3A_24 = vector.load %arg5[%get3A_22, %get3A_23] : memref<1x128xf32, #tpu.memory_space<vmem>>, vector<1x128xf32>
    %dot_general3A_25 = arith.constant dense<0.000000e+00> : vector<1x1024xf32>
    %dot_general3A_26 = tpu.matmul %get3A_24, %add3A_9, %dot_general3A_25 {dimension_numbers = #tpu.dot_dimension_numbers<[1], [1], [0], [0], [0, 0, 1, 0], [], []>, transpose_lhs_hint = false} : vector<1x128xf32>, vector<1024x128xf32>, vector<1x1024xf32> -> vector<1x1024xf32>
    %broadcast_in_dim3A = arith.constant 0.000000e+00 : f32
    %broadcast_in_dim3A_27 = vector.broadcast %broadcast_in_dim3A : f32 to vector<14x1024xf32>
    %concatenate3A = tpu.concatenate %add3A_21, %dot_general3A_26, %broadcast_in_dim3A_27 in 0 : vector<1x1024xf32>, vector<1x1024xf32>, vector<14x1024xf32> -> vector<16x1024xf32>
    %swap3A_28 = arith.constant 0 : index
    %swap3A_29 = arith.constant 0 : index
    %swap3A_30 = vector.load %arg8[%swap3A_28, %swap3A_29] : memref<16x1024xf32, #tpu.memory_space<vmem>>, vector<16x1024xf32>
    tpu.vector_store %arg8[%swap3A_28, %swap3A_29], %concatenate3A {strides = array<i32>} : memref<16x1024xf32, #tpu.memory_space<vmem>>, vector<16x1024xf32>,
    return
  }
  func.func @transform_0(%arg0: i32) -> (i32, i32) {
    %c0_i32 = arith.constant 0 : i32
    %c0_i32_0 = arith.constant 0 : i32
    return %arg0, %c0_i32 : i32, i32
  }
  func.func @transform_1(%arg0: i32) -> (i32, i32) {
    %c0_i32 = arith.constant 0 : i32
    %c0_i32_0 = arith.constant 0 : i32
    %c0_i32_1 = arith.constant 0 : i32
    return %c0_i32, %c0_i32_0 : i32, i32
  }
  func.func @transform_2(%arg0: i32) -> (i32, i32) {
    %c0_i32 = arith.constant 0 : i32
    %c0_i32_0 = arith.constant 0 : i32
    %c0_i32_1 = arith.constant 0 : i32
    return %c0_i32, %c0_i32_0 : i32, i32
  }
  func.func @transform_3(%arg0: i32) -> (i32, i32) {
    %c0_i32 = arith.constant 0 : i32
    %c0_i32_0 = arith.constant 0 : i32
    %c0_i32_1 = arith.constant 0 : i32
    return %c0_i32, %c0_i32_0 : i32, i32
  }
  func.func @transform_4(%arg0: i32) -> (i32, i32) {
    %c0_i32 = arith.constant 0 : i32
    %c0_i32_0 = arith.constant 0 : i32
    %c0_i32_1 = arith.constant 0 : i32
    return %c0_i32, %c0_i32_0 : i32, i32
  }
  func.func @transform_5(%arg0: i32) -> (i32, i32) {
    %c0_i32 = arith.constant 0 : i32
    %c0_i32_0 = arith.constant 0 : i32
    %c0_i32_1 = arith.constant 0 : i32
    return %c0_i32, %c0_i32_0 : i32, i32
  }
  func.func @transform_6(%arg0: i32) -> (i32, i32) {
    %c0_i32 = arith.constant 0 : i32
    %c0_i32_0 = arith.constant 0 : i32
    return %arg0, %c0_i32 : i32, i32
  }
  func.func @transform_7(%arg0: i32) -> (i32, i32) {
    %c0_i32 = arith.constant 0 : i32
    %c0_i32_0 = arith.constant 0 : i32
    return %c0_i32, %arg0 : i32, i32
  }
}

module attributes {stable_mosaic.version = 14 : i64} {
  func.func @_finish_body(%arg0: i32, %arg1: memref<2x1024x128xf32, #tpu.memory_space<vmem>>, %arg2: memref<2x16x1024xf32, #tpu.memory_space<vmem>>, %arg3: memref<1024x128xf32, #tpu.memory_space<vmem>>) attributes {dimension_semantics = [#tpu.dimension_semantics<arbitrary>], iteration_bounds = array<i64: 10>, scalar_prefetch = 0 : i64, scratch_operands = 0 : i64, tpu.core_type = #tpu.core_type<tc>, window_params = [{transform_indices = @transform_0, window_bounds = array<i64: 2, 1024, 128>}, {transform_indices = @transform_1, window_bounds = array<i64: 2, 16, 1024>}, {transform_indices = @transform_2, window_bounds = array<i64: 1024, 128>}]} {
    %get3A = arith.constant 0 : index
    %get3A_0 = arith.constant 0 : index
    %get3A_1 = arith.constant 0 : index
    %get3A_2 = vector.load %arg1[%get3A, %get3A_0, %get3A_1] : memref<2x1024x128xf32, #tpu.memory_space<vmem>>, vector<1x1024x128xf32>
    %get3A_3 = vector.shape_cast %get3A_2 : vector<1x1024x128xf32> to vector<1024x128xf32>
    %get3A_4 = arith.constant 1 : index
    %get3A_5 = arith.constant 0 : index
    %get3A_6 = arith.constant 0 : index
    %get3A_7 = vector.load %arg1[%get3A_4, %get3A_5, %get3A_6] : memref<2x1024x128xf32, #tpu.memory_space<vmem>>, vector<1x1024x128xf32>
    %get3A_8 = vector.shape_cast %get3A_7 : vector<1x1024x128xf32> to vector<1024x128xf32>
    %add3A = arith.addf %get3A_3, %get3A_8 : vector<1024x128xf32>
    %get3A_9 = arith.constant 0 : index
    %get3A_10 = arith.constant 0 : index
    %get3A_11 = arith.constant 0 : index
    %get3A_12 = vector.load %arg2[%get3A_9, %get3A_10, %get3A_11] : memref<2x16x1024xf32, #tpu.memory_space<vmem>>, vector<2x16x1024xf32>
    %reduce_sum3A = arith.constant dense<0.000000e+00> : vector<1024xf32>
    %reduce_sum3A_13 = vector.multi_reduction <add>, %get3A_12, %reduce_sum3A [0, 1] : vector<2x16x1024xf32> to vector<1024xf32>
    %broadcast_in_dim3A = vector.shape_cast %reduce_sum3A_13 : vector<1024xf32> to vector<1024x1xf32>
    %div3A = vector.broadcast %broadcast_in_dim3A : vector<1024x1xf32> to vector<1024x128xf32>
    %div3A_14 = arith.divf %add3A, %div3A : vector<1024x128xf32>
    %gt3A = arith.constant 0.000000e+00 : f32
    %gt3A_15 = vector.broadcast %gt3A : f32 to vector<1024x128xf32>
    %gt3A_16 = arith.cmpf ogt, %div3A_14, %gt3A_15 : vector<1024x128xf32>
    %min3A = arith.constant 0.000000e+00 : f32
    %min3A_17 = vector.broadcast %min3A : f32 to vector<1024x128xf32>
    %min3A_18 = arith.minimumf %div3A_14, %min3A_17 : vector<1024x128xf32>
    %exp3A = math.exp %min3A_18 : vector<1024x128xf32>
    %sub3A = arith.constant 1.000000e+00 : f32
    %sub3A_19 = vector.broadcast %sub3A : f32 to vector<1024x128xf32>
    %sub3A_20 = arith.subf %exp3A, %sub3A_19 : vector<1024x128xf32>
    %select_n3A = arith.select %gt3A_16, %div3A_14, %sub3A_20 : vector<1024x128xi1>, vector<1024x128xf32>
    %swap3A = arith.constant 0 : index
    %swap3A_21 = arith.constant 0 : index
    %swap3A_22 = vector.load %arg3[%swap3A, %swap3A_21] : memref<1024x128xf32, #tpu.memory_space<vmem>>, vector<1024x128xf32>
    tpu.vector_store %arg3[%swap3A, %swap3A_21], %select_n3A {strides = array<i32>} : memref<1024x128xf32, #tpu.memory_space<vmem>>, vector<1024x128xf32>,
    return
  }
  func.func @transform_0(%arg0: i32) -> (i32, i32, i32) {
    %c0_i32 = arith.constant 0 : i32
    %c0_i32_0 = arith.constant 0 : i32
    %c0_i32_1 = arith.constant 0 : i32
    return %c0_i32, %arg0, %c0_i32_0 : i32, i32, i32
  }
  func.func @transform_1(%arg0: i32) -> (i32, i32, i32) {
    %c0_i32 = arith.constant 0 : i32
    %c0_i32_0 = arith.constant 0 : i32
    %c0_i32_1 = arith.constant 0 : i32
    return %c0_i32, %c0_i32_0, %arg0 : i32, i32, i32
  }
  func.func @transform_2(%arg0: i32) -> (i32, i32) {
    %c0_i32 = arith.constant 0 : i32
    %c0_i32_0 = arith.constant 0 : i32
    return %arg0, %c0_i32 : i32, i32
  }
}

</mosaic_0001>

<sc_bundles>
// kernel: kernel.5.cloned.1.call-start
scs
__scs_entry_jumppad:
0x0: {  	(pc) =	sbr.rel $0x88, $3  }
0x1: {  	(tag) =	ssettag $0x0;
	lr =	simm.s32 $0x1  }
0x2: {  	[smem:$0x3F9B] =	sst lr;
	_ =	strace $0xD0000000  }
0x3: {  	_ = 	snop  }
0x4: {  	_ = 	snop  }
0x5: {  	_ = 	snop  }
0x6: {  	_ = 	snop  }
0x7: {  	_ = 	snop  }
__scs_overlays_trampoline_lowered:
0x8: {  	[smem:$0x3FAA] =	sst s0  }
0x9: {  	[smem:$0x3FAB] =	sst s1  }
0xa: {  	[smem:$0x3FAC] =	sst s2  }
0xb: {  	[smem:$0x3FAD] =	sst s3  }
0xc: {  	[smem:$0x3FAE] =	sst s4  }
0xd: {  	[smem:$0x3FAF] =	sst s5  }
0xe: {  	[smem:$0x3FB0] =	sst s6  }
0xf: {  	[smem:$0x3FB1] =	sst s7  }
0x10: {  	[smem:$0x3FB2] =	sst s8  }
0x11: {  	[smem:$0x3FB3] =	sst s9;
	s0 =	simm.s32 @!p0 $0x0  }
0x12: {  	s1 =	sld [smem:$0x3F99];
	s0 =	simm.s32 @p0 $0x1  }
0x13: {  	[smem:$0x3FB4] =	sst s0;
	s0 =	simm.s32 @!p1 $0x0  }
0x14: {  	s2 =	sld [smem:$0x3F98];
	s0 =	simm.s32 @p1 $0x1  }
0x15: {  	[smem:$0x3FB5] =	sst s0;
	s0 =	simm.s32 @!p2 $0x0  }
0x16: {  	s3 =	sld [smem:$0x3FDB];
	s0 =	simm.s32 @p2 $0x1  }
0x17: {  	s4 =	simm.s32 $0x1BF5;
	[smem:$0x3FB7] =	sst s0  }
0x18: {  	s0 =	sld [smem:$0x3F9A];
	_ =	swait.ge [sflag:s4], $0x0  }
0x19: {  	s7 =	sld [smem:$0x3F9B]  }
0x1a: {  	s8 =	sadd.s32 $0xFFFFE003, lr  }
0x1b: {  	s9 =	sadd.s32 $0xFFFFFEF7, lr;
	s5 =	simm.s32 $0xFFFFFFFF;
	p2 =	slt.u32 s8, $0xFFFFF086  }
0x1c: {  	p1 =	slt.u32 s9, $0xF7A;
	s5 =	simm.s32 @!p2 $0x0  }
0x1d: {  	s5 =	simm.s32 @p1 $0x1;
	p0 =	seq.s32 s7, s2  }
0x1e: {  	s7 =	smul.u32 @!p0 $0xF7A, s2;
	p2 =	seq.s32 @!p0 s5, $0x0  }
0x1f: {  	s9 =	smul.u32 $0xF7A, s1;
	s8 =	simm.s32 @!p0 $0x1BF5;
	p2 =	por !p2, p0  }
0x20: {  	[sflag:s8] =	ssyncset.s32 @!p0 $0xFFFFF086;
	s6 =	sadd.s32 @!p0 s3, s7;
	s7 =	simm.s32 @!p0 $0x108  }
0x21: {  	s3 =	sadd.s32 s3, s9;
	s6 =	sadd.s32 @!p0 $0x88, s6;
	s7 =	simm.s32 @p2 $0x1082  }
0x22: {  	[simem:s7], [sflag:s8] =	dma.local @!p0 [hbm:s6], $0xF7A  }
0x23: {  	s9 =	sor.u32 $0xD0000000, s2;
	s6 =	simm.s32 $0x108;
	_ =	swait.ge @!p0 [sflag:s8], $0x0  }
0x24: {  	s3 =	sadd.s32 $0x88, s3;
	s6 =	simm.s32 @!p1 $0x1082;
	[sflag:s4] =	ssyncset.s32 $0xFFFFF086  }
0x25: {  	[simem:s6], [sflag:s4] =	dma.local [hbm:s3], $0xF7A  }
0x26: {  	[smem:$0x3F9B] =	sst s1;
	(tag) =	ssettag s2;
	_ =	strace s9  }
0x27: {  	s1 =	sld [smem:$0x3FAB]  }
0x28: {  	s2 =	sld [smem:$0x3FAC]  }
0x29: {  	s4 =	sld [smem:$0x3FAE]  }
0x2a: {  	p0 =	seq.s32 s5, $0x0;
	s5 =	sld [smem:$0x3FAF]  }
0x2b: {  	s6 =	sld [smem:$0x3FB0]  }
0x2c: {  	s7 =	sld [smem:$0x3FB1]  }
0x2d: {  	s3 =	simm.s32 $0x108;
	s8 =	sld [smem:$0x3FB2]  }
0x2e: {  	s3 =	simm.s32 @!p0 $0x1082;
	s9 =	sld [smem:$0x3FB3]  }
0x2f: {  	lr =	sadd.s32 s0, s3;
	s0 =	sld [smem:$0x3FAA]  }
0x30: {  	s3 =	sld [smem:$0x3FAD]  }
0x31: {  	[smem:$0x3FB6] =	sst s10  }
0x32: {  	s10 =	sld [smem:$0x3FB4];
	_ =	sdelay $0x3  }
0x33: {  	p0 =	seq.s32 s10, $0x1;
	s10 =	sld [smem:$0x3FB6];
	_ =	sdelay $0x3  }
0x34: {  	[smem:$0x3FB6] =	sst s10  }
0x35: {  	s10 =	sld [smem:$0x3FB5];
	_ =	sdelay $0x3  }
0x36: {  	p1 =	seq.s32 s10, $0x1;
	s10 =	sld [smem:$0x3FB6];
	_ =	sdelay $0x3  }
0x37: {  	[smem:$0x3FB6] =	sst s10  }
0x38: {  	s10 =	sld [smem:$0x3FB7]  }
0x39: {  	_ = 	snop;
	(pc) =	sbr.ind lr, $3  }
0x3a: {  	_ = 	snop  }
0x3b: {  	_ = 	snop  }
0x3c: {  	p2 =	seq.s32 s10, $0x1;
	s10 =	sld [smem:$0x3FB6]  }
0x3d: {  	_ =	shalt  }
0x3e: {  	_ =	shalt  }
0x3f: {  	_ =	shalt  }
0x40: {  	_ =	shalt  }
0x41: {  	_ =	shalt  }
0x42: {  	_ =	shalt  }
0x43: {  	_ =	shalt  }
0x44: {  	_ =	shalt  }
0x45: {  	_ =	shalt  }
0x46: {  	_ =	shalt  }
0x47: {  	_ =	shalt  }
0x48: {  	_ =	shalt  }
0x49: {  	_ =	shalt  }
0x4a: {  	_ =	shalt  }
0x4b: {  	_ =	shalt  }
0x4c: {  	_ =	shalt  }
0x4d: {  	_ =	shalt  }
0x4e: {  	_ =	shalt  }
0x4f: {  	_ =	shalt  }
0x50: {  	_ =	shalt  }
0x51: {  	_ =	shalt  }
0x52: {  	_ =	shalt  }
0x53: {  	_ =	shalt  }
0x54: {  	_ =	shalt  }
0x55: {  	_ =	shalt  }
0x56: {  	_ =	shalt  }
0x57: {  	_ =	shalt  }
0x58: {  	_ =	shalt  }
0x59: {  	_ =	shalt  }
0x5a: {  	_ =	shalt  }
0x5b: {  	_ =	shalt  }
0x5c: {  	_ =	shalt  }
0x5d: {  	_ =	shalt  }
0x5e: {  	_ =	shalt  }
0x5f: {  	_ =	shalt  }
0x60: {  	_ =	shalt  }
0x61: {  	_ =	shalt  }
0x62: {  	_ =	shalt  }
0x63: {  	_ =	shalt  }
0x64: {  	_ =	shalt  }
0x65: {  	_ =	shalt  }
0x66: {  	_ =	shalt  }
0x67: {  	_ =	shalt  }
0x68: {  	_ =	shalt  }
0x69: {  	_ =	shalt  }
0x6a: {  	_ =	shalt  }
0x6b: {  	_ =	shalt  }
0x6c: {  	_ =	shalt  }
0x6d: {  	_ =	shalt  }
0x6e: {  	_ =	shalt  }
0x6f: {  	_ =	shalt  }
0x70: {  	_ =	shalt  }
0x71: {  	_ =	shalt  }
0x72: {  	_ =	shalt  }
0x73: {  	_ =	shalt  }
0x74: {  	_ =	shalt  }
0x75: {  	_ =	shalt  }
0x76: {  	_ =	shalt  }
0x77: {  	_ =	shalt  }
0x78: {  	_ =	shalt  }
0x79: {  	_ =	shalt  }
0x7a: {  	_ =	shalt  }
0x7b: {  	_ =	shalt  }
0x7c: {  	_ =	shalt  }
0x7d: {  	_ =	shalt  }
0x7e: {  	_ =	shalt  }
0x7f: {  	_ =	shalt  }
0x80: {  	_ =	shalt  }
0x81: {  	_ =	shalt  }
0x82: {  	_ =	shalt  }
0x83: {  	_ =	shalt  }
0x84: {  	_ =	shalt  }
0x85: {  	_ =	shalt  }
0x86: {  	_ =	shalt  }
0x87: {  	_ =	shalt  }
.Lfunc_end0:
.L_simem_size_0:
called_computation_lowered:
.L_overlay_start_0:
0x88: {  	s2 =	sld [smem:$0x3FD9]  }
0x89: {  	s3 =	sld [smem:$0x3FFE];
	_ =	sdelay $0x1  }
0x8a: {  	s1 =	srdreg.scid  }
0x8b: {  	s0 =	sand.u32 $0x1, s1  }
0x8c: {  	s17 =	sshll.u32 s0, $0xA;
	s2 =	sadd.s32 s3, s2  }
0x8d: {  	s2 =	sadd.s32 s2, s17  }
0x8e: {  	[smem:$0x3FC2] =	sst s2  }
0x8f: {  	_ = 	snop  }
0x90: {  	s2 =	sld [smem:$0x3FD0];
	(tm) =	ssettm $0x1  }
0x91: {  	s18 =	sld [smem:$0x3FFB];
	_ =	sdelay $0x3  }
0x92: {  	_ =	strace s18  }
0x93: {  	s3 =	sld [smem:$0x3FFC];
	_ =	sdelay $0x3  }
0x94: {  	_ =	strace s3  }
0x95: {  	s3 =	sld [smem:$0x3FFD];
	_ =	sdelay $0x3  }
0x96: {  	_ =	strace s3  }
0x97: {  	_ =	strace $0x8FFFFFFF  }
0x98: {  	s19 =	sld [smem:$0x3FDB];
	_ =	sdelay $0x1  }
0x99: {  	s4 =	simm.s32 $_scs_section_size  }
0x9a: {  	s5 =	simm.s32 $_size__tile_overlayer_lowered;
	s6 =	simm.s32 $_tile_overlayer_lowered  }
0x9b: {  	s22 =	simm.s32 $0x1BFF;
	s21 =	sshll.u32 s6, $0x1;
	s3 =	sadd.s32 s4, s19  }
0x9c: {  	s7 =	simm.s32 $0x0;
	s20 =	sshll.u32 s5, $0x1;
	s5 =	sadd.s32 s21, s3  }
0x9d: {  	[timem:s7], [sflag:s22] =	dma.local [hbm:s5], s20  }
0x9e: {  	_ =	swait.ge [sflag:s22], s20  }
0x9f: {  	s4 =	ssub.s32 $0x0, s20;
	[sflag:s22] =	ssyncset.done $0x0  }
0xa0: {  	[sflag:s22] =	ssyncadd.s32 s4;
	_ =	sdelay $0x1  }
0xa1: {  	s23 =	simm.s32 $0x1B8B  }
0xa2: {  	_ =	swait.ge [sflag:s23], $0x1  }
0xa3: {  	[sflag:s23] =	ssyncset.done $0x0  }
0xa4: {  	s25 =	simm.s32 $0x1B8E;
	s24 =	sld [smem:$0x3FFE];
	[sflag:s23] =	ssyncadd.s32 $0xFFFFFFFF  }
0xa5: {  	s26 =	simm.s32 $execute0_lowered;
	[smem:$0x3FD2] =	sst s25  }
0xa6: {  	s5 =	sshll.u32 s26, $0x1;
	_ =	strace $0x80000046;
	[dreg:$0x1] =	wrdreg $0xFFFFFFFF  }
0xa7: {  	s28 =	simm.s32 $_size_execute0_lowered;
	s3 =	sadd.s32 s3, s5;
	[dreg:$0x0] =	wrdreg $0x0  }
0xa8: {  	s5 =	sshll.u32 s28, $0x1;
	[dreg:$0x2] =	wrdreg s3  }
0xa9: {  	[dreg:$0x3] =	wrdreg s5  }
0xaa: {  	[dreg:$0x4] =	wrdreg $0xC0  }
0xab: {  	_ =	task [dreg:s7], $0x5FFFF  }
0xac: {  	[dreg:$0x1] =	wrdreg $0xFFFFFFFF  }
0xad: {  	[dreg:$0x0] =	wrdreg $0x60  }
0xae: {  	[dreg:$0x2] =	wrdreg s24  }
0xaf: {  	[dreg:$0x3] =	wrdreg s2  }
0xb0: {  	[dreg:$0x4] =	wrdreg $0xBB800  }
0xb1: {  	[dreg:$0x5] =	wrdreg $0x9  }
0xb2: {  	_ =	task.clear_ibuf [dreg:s7], $0x6FFFF;
	_ =	strace $0x90000046  }
0xb3: {  	s29 =	simm.s32 $0x9;
	_ =	strace $0x80000048  }
0xb4: {  	_ =	swait.ge [sflag:s29], $0x1  }
0xb5: {  	[sflag:s29] =	ssyncadd.s32 $0xFFFFFFFF  }
0xb6: {  	_ =	strace $0x90000048  }
0xb7: {  	_ =	sfence  }
0xb8: {  	s30 =	sld [smem:$0x0];
	_ =	sdelay $0x2  }
0xb9: {  	s31 =	sshll.u32 s1, $0xD;
	s1 =	sshrl.u32 s1, $0x2  }
0xba: {  	s3 =	sand.u32 $0x4000, s31;
	s1 =	sadd.s32 s1, s30  }
0xbb: {  	s0 =	sor.u32 s3, s0;
	s1 =	sshll.u32 s1, $0x11  }
0xbc: {  	s0 =	sor.u32 s1, s0  }
0xbd: {  	s0 =	sadd.s32 $0x8F2B, s0  }
0xbe: {  	[sflag:s0] =	ssyncadd.remote.s32 $0x1  }
0xbf: {  	_ =	sfence.sel $0xFFFF  }
0xc0: {  	[dreg:$0x0] =	wrdreg $0xFFFFFFFF;
	(pc) =	sbr.abs _section_cstart, $3  }
0xc1: {  	[dreg:$0x1] =	wrdreg $0xFFFFFFFF  }
0xc2: {  	_ =	task.clear_ibuf [dreg:s7], $0x2FFFF;
	_ =	strace $0x9FFFFFFF  }
0xc3: {  	(tm) =	ssettm $0x7FFFFFFF  }
tec
execute0_lowered:
.L_overlay_start_1:
0x0: {  	(tag) =	ssettag $0x1  }
0x1: {  	s0 =	rddreg [dreg:$0x0]  }
0x2: {  	s3 =	rddreg [dreg:$0x1]  }
0x3: {  	s1 =	rddreg [dreg:$0x2];
	s2 =	simm.s32 $0x0  }
0x4: {  	s4 =	srdreg.scid;
	s12 =	stileid.u32;
	s15 =	simm.s32 $0x80  }
0x5: {  	s16 =	simm.s32 $0x400;
	s28 =	simm.s32 $0x7380;
	s29 =	simm.s32 $0x1  }
0x6: {  	s30 =	simm.s32 $0x9380;
	s31 =	simm.s32 $0x2;
	[smem:$0x7FF] =	sst s2  }
0x7: {  	s5 =	sand.u32 $0x1, s4;
	s8 =	sshll.u32 s12, $0x5;
	s9 =	smul.u32 $0x14000, s12  }
0x8: {  	s4 =	sadd.s32 $0x29E00, s0;
	s10 =	sadd.s32 $0x51E00, s0;
	s17 =	sadd.s32 $0x56E00, s0  }
0x9: {  	s19 =	smul.u32 $0x50000, s12;
	s11 =	sshrl.u32 s12, $0x3;
	s23 =	sshll.u32 s12, $0x7  }
0xa: {  	_ =	strace $0x80000047;
	s6 =	smul.u32 $0x140000, s5;
	s7 =	sshll.u32 s5, $0x9  }
0xb: {  	[dreg:$0x4] =	wrdreg s10;
	s18 =	ssub.s32 $0x2, s5;
	s5 =	smul.u32 $0x28000, s5  }
0xc: {  	s26 =	sshll.u32 s12, $0x6;
	[dreg:$0x5] =	wrdreg s17;
	s21 =	smul.u32 $0x14000, s11  }
0xd: {  	s17 =	simm.s32 $0x5;
	s7 =	sor.u32 s8, s7;
	s20 =	sshrl.u32 s18, $0x1  }
0xe: {  	s22 =	sshrl.u32 s19, $0x2;
	s19 =	sor.u32 $0x1C05, s26;
	s26 =	simm.s32 $0x5180  }
0xf: {  	v0 =	vimm.f32 $0.0e+00;
	vm0 =	vcmask $0x704;
	s7 =	sadd.s32 s7, s0;
	s6 =	sadd.s32 s9, s6;
	s8 =	ssub.s32 s18, s20  }
0x10: {  	vm1 =	vcmask $0xB08;
	vm2 =	vcmask $0xF0C;
	vm3 =	vcmask $0x1310;
	s5 =	sadd.s32 s5, s21;
	s9 =	sand.u32 $0x380, s23;
	s18 =	simm.s32 $0x2800  }
0x11: {  	vm4 =	vcmask $0x1714;
	vm5 =	vcmask $0x1B18;
	vm6 =	vcmask $0x1F1C;
	s21 =	simm.s32 $0x5000;
	s23 =	simm.s32 $0x5200;
	s6 =	sshrl.u32 s6, $0x3  }
0x12: {  	vm7 =	vcmask $0x2320;
	vm8 =	vcmask $0x2724;
	vm9 =	vcmask $0x2B28;
	s24 =	sadd.s32 $0x1600, s7;
	s25 =	sadd.s32 $0x1A00, s7;
	s5 =	sor.u32 s9, s5  }
0x13: {  	vm10 =	vcmask $0x2F2C;
	vm11 =	vcmask $0x3330;
	vm12 =	vcmask $0x3734;
	s10 =	sadd.s32 $0x1E00, s7;
	s11 =	sadd.s32 $0x2200, s7;
	s14 =	smax.u32 s8, $0x1  }
0x14: {  	vm13 =	vcmask $0x3B38;
	vm14 =	vcmask $0x3F3C;
	v1 =	vimm.s32 $0x0;
	s6 =	sadd.s32 s6, s0;
	s0 =	sadd.s32 $0x51E10, s0;
	[dreg:$0x7] =	wrdreg s24  }
.Ltmp0:
0x15: {  	v2 =	vimm.s32 $0x1;
	v3 =	vimm.s32 $0x2;
	v4 =	vimm.s32 $0x3;
	[dreg:$0x8] =	wrdreg s25;
	s5 =	sshrl.u32 s5, $0x3;
	(pc) =	sbr.rel .LBB2_1-.Ltmp0, $4  }
0x16: {  	v5 =	vimm.s32 $0x4;
	v6 =	vimm.s32 $0x5;
	v7 =	vimm.s32 $0x6;
	s24 =	simm.s32 $0x5380;
	s25 =	simm.s32 $0x5100;
	[dreg:$0x6] =	wrdreg s0  }
0x17: {  	v8 =	vimm.s32 $0x7;
	v9 =	vimm.s32 $0x8;
	v10 =	vimm.s32 $0x9;
	s0 =	sadd.s32 s22, s1;
	s6 =	sadd.s32 $0x59600, s6;
	s13 =	sadd.s32 s3, s5  }
0x18: {  	v11 =	vimm.s32 $0xA;
	v12 =	vimm.s32 $0xB;
	v13 =	vimm.s32 $0xC;
	s22 =	simm.s32 $0x40;
	s3 =	simm.s32 $0x4;
	s5 =	simm.s32 $0x0  }
0x19: {  	v14 =	vimm.s32 $0xD;
	v15 =	vimm.s32 $0xE;
	v16 =	vimm.s32 $0xF;
	[dreg:$0x9] =	wrdreg s6;
	s20 =	sshrl.u32 s0, $0x3;
	s0 =	simm.s32 $0x3  }
.LBB2_10:
0x1a: {  	_ =	swait.ge [sflag:s0], $0x2000  }
0x1b: {  	[sflag:s0] =	ssyncset.done $0x0  }
0x1c: {  	[sflag:s0] =	ssyncadd.s32 $0xFFFFE000  }
0x1d: {  	_ =	swait.ge [sflag:s3], $0x2000  }
0x1e: {  	[sflag:s3] =	ssyncset.done $0x0  }
0x1f: {  	[sflag:s3] =	ssyncadd.s32 $0xFFFFE000  }
0x20: {  	[bflag:$0x0] =	sbarrier.arrive $0xFFFF  }
0x21: {  	s6 =	rddreg [dreg:$0x9]  }
0x22: {  	[hbm:s6], [sflag:s19] =	dma.local [spmem:s20], $0x2800  }
0x23: {  	s5 =	sadd.s32 $0x1, s5;
	_ =	swait.ge [sflag:s17], $0x2800  }
0x24: {  	p0 =	sne.s32 s5, s14;
	[sflag:s17] =	ssyncset.done $0x0  }
.Ltmp1:
0x25: {  	[sflag:s17] =	ssyncadd.s32 $0xFFFFD800;
	(pc) =	sbr.rel @!p0 .LBB2_11-.Ltmp1, $4  }
0x26: {  	[hbm4b:s13+s15] =	stream.strided.scatter [tilespmem:s30], [sflag:$0x5], $0x2800, s16, s15, $0x38;
	[tilespmem:$0x1FB80] =	vst v63  }
0x27: {  	_ =	swait.ge [sflag:s17], $0x2800  }
0x28: {  	[sflag:s17] =	ssyncset.done $0x0  }
0x29: {  	[sflag:s17] =	ssyncadd.s32 $0xFFFFD800  }
.LBB2_1:
0x2a: {  	s6 =	rddreg [dreg:$0x4]  }
0x2b: {  	[tilespmem:s2], [sflag:$0x5] =	stream.strided.gather [hbm4b:s6+s15], $0x2800, s16, s15, $0x38;
	[tilespmem:$0x1FB80] =	vst v63  }
0x2c: {  	_ =	swait.ge [sflag:s17], $0x2800  }
0x2d: {  	[sflag:s17] =	ssyncset.done $0x0  }
0x2e: {  	s12 =	rddreg [dreg:$0x6];
	[sflag:s17] =	ssyncadd.s32 $0xFFFFD800  }
0x2f: {  	[tilespmem:s18], [sflag:$0x5] =	stream.strided.gather [hbm4b:s12+s15], $0x2800, s16, s15, $0x38;
	[tilespmem:$0x1FB80] =	vst v63  }
0x30: {  	_ =	swait.ge [sflag:s17], $0x2800  }
0x31: {  	[sflag:s17] =	ssyncset.done $0x0  }
0x32: {  	s7 =	simm.s32 $0x0;
	s6 =	simm.s32 $0x40;
	[sflag:s17] =	ssyncadd.s32 $0xFFFFD800  }
.LBB2_2:
0x33: {  	p0 =	sne.s32 s6, $0x9FC0;
	[tilespmem:s7+$0x9380] =	vst v0;
	s7 =	smov.u32 s6;
	s6 =	sadd.s32 $0x40, s6  }
.Ltmp2:
0x34: {  	(pc) =	sbr.rel @p0 .LBB2_2-.Ltmp2, $2  }
0x35: {  	_ =	sdelay $0x2  }
0x36: {  	s7 =	sshra.s32 s7, $0x2  }
0x37: {  	[tilespmem:s7+$0x9380] =	vst v0;
	s6 =	rddreg [dreg:$0x5]  }
0x38: {  	[spmem:s20], [sflag:s19] =	dma.local [hbm:s6], $0x2800  }
0x39: {  	_ =	swait.ge [sflag:s17], $0x2800  }
0x3a: {  	[sflag:s17] =	ssyncset.done $0x0  }
0x3b: {  	[sflag:s17] =	ssyncadd.s32 $0xFFFFD800  }
0x3c: {  	[bflag:$0x0] =	sbarrier.arrive $0xFFFF  }
0x3d: {  	s6 =	simm.s32 $0x0;
	s8 =	rddreg [dreg:$0x7]  }
0x3e: {  	[tilespmem:s21], [sflag:$0x5] =	stream.linear.gather [hbm4b:s8+s6], $0x100, $0x38;
	[tilespmem:$0x1FB80] =	vst v63  }
0x3f: {  	_ =	swait.ge [sflag:s17], $0x100  }
0x40: {  	[sflag:s17] =	ssyncset.done $0x0  }
0x41: {  	s9 =	simm.s32 $0x5080;
	[sflag:s17] =	ssyncadd.s32 $0xFFFFFF00  }
0x42: {  	[tilespmem:s24], [sflag:$0x1] =	stream.indirect.gather [hbm4b:s4+s22], $0x80, s9, s22, $0xb8;
	[tilespmem:$0x1FB80] =	vst v63  }
0x43: {  	s12 =	rddreg [dreg:$0x8]  }
0x44: {  	[tilespmem:s25], [sflag:$0x5] =	stream.linear.gather [hbm4b:s12+s6], $0x100, $0x38;
	[tilespmem:$0x1FB80] =	vst v63  }
0x45: {  	_ =	swait.ge [sflag:s17], $0x100  }
0x46: {  	[sflag:s17] =	ssyncset.done $0x0  }
0x47: {  	s7 =	simm.s32 $0x0;
	[sflag:s17] =	ssyncadd.s32 $0xFFFFFF00  }
0x48: {  	[tilespmem:s28], [sflag:$0x2] =	stream.indirect.gather [hbm4b:s4+s22], $0x80, s26, s22, $0xb8;
	[tilespmem:$0x1FB80] =	vst v63  }
.LBB2_4:
0x49: {  	_ =	swait.ge [sflag:s29], $0x2000  }
0x4a: {  	[sflag:s29] =	ssyncset.done $0x0  }
0x4b: {  	[sflag:s29] =	ssyncadd.s32 $0xFFFFE000  }
0x4c: {  	v17 =	vld [tilespmem:$0x5000]  }
0x4d: {  	v18 =	vld [tilespmem:$0x5080];
	_ =	sdelay $0x6  }
0x4e: {  	v19 =	vld.idx.msk [tilespmem:v17+s6+$0x0], $0xffff  }
0x4f: {  	v18 =	vld.idx.msk [tilespmem:v18+s18+$0x0], $0xffff;
	_ =	sdelay $0x4  }
0x50: {  	v18 =	vadd.f32 v18, v19;
	_ =	sdelay $0x1  }
0x51: {  	v19 =	vmul.f32 $9.999999770e-03, v18;
	_ =	sdelay $0x1  }
0x52: {  	v18 =	vmax.f32 v18, v19  }
0x53: {  	v18 =	vmul.f32 $1.442695020e+00, v18;
	_ =	sdelay $0x1  }
0x54: {  	(erf) = vpow2.f32 v18;
	_ =	sdelay $0x8  }
0x55: {  	v18 =	vpop (erf)  }
0x56: {  	[tilespmem:$0x5300] =	vst v18  }
0x57: {  	[tilespmem:v17+s30+$0x0] =	vst.idx.add.f32.msk $0x1, v18  }
0x58: {  	[tilespmem:v17+s30+$0x0] =	vst.idx.add.f32.msk vm0, v18  }
0x59: {  	[tilespmem:v17+s30+$0x0] =	vst.idx.add.f32.msk vm1, v18  }
0x5a: {  	[tilespmem:v17+s30+$0x0] =	vst.idx.add.f32.msk vm2, v18  }
0x5b: {  	[tilespmem:v17+s30+$0x0] =	vst.idx.add.f32.msk vm3, v18  }
0x5c: {  	[tilespmem:v17+s30+$0x0] =	vst.idx.add.f32.msk vm4, v18  }
0x5d: {  	[tilespmem:v17+s30+$0x0] =	vst.idx.add.f32.msk vm5, v18  }
0x5e: {  	[tilespmem:v17+s30+$0x0] =	vst.idx.add.f32.msk vm6, v18  }
0x5f: {  	[tilespmem:v17+s30+$0x0] =	vst.idx.add.f32.msk vm7, v18  }
0x60: {  	[tilespmem:v17+s30+$0x0] =	vst.idx.add.f32.msk vm8, v18  }
0x61: {  	[tilespmem:v17+s30+$0x0] =	vst.idx.add.f32.msk vm9, v18  }
0x62: {  	[tilespmem:v17+s30+$0x0] =	vst.idx.add.f32.msk vm10, v18  }
0x63: {  	[tilespmem:v17+s30+$0x0] =	vst.idx.add.f32.msk vm11, v18  }
0x64: {  	[tilespmem:v17+s30+$0x0] =	vst.idx.add.f32.msk vm12, v18  }
0x65: {  	[tilespmem:v17+s30+$0x0] =	vst.idx.add.f32.msk vm13, v18  }
0x66: {  	[tilespmem:v17+s30+$0x0] =	vst.idx.add.f32.msk vm14, v18  }
0x67: {  	v17 =	vld [tilespmem:$0x5010]  }
0x68: {  	v18 =	vld [tilespmem:$0x5090];
	_ =	sdelay $0x6  }
0x69: {  	v19 =	vld.idx.msk [tilespmem:v17+s6+$0x0], $0xffff  }
0x6a: {  	v18 =	vld.idx.msk [tilespmem:v18+s18+$0x0], $0xffff;
	_ =	sdelay $0x4  }
0x6b: {  	v18 =	vadd.f32 v18, v19;
	_ =	sdelay $0x1  }
0x6c: {  	v19 =	vmul.f32 $9.999999770e-03, v18;
	_ =	sdelay $0x1  }
0x6d: {  	v18 =	vmax.f32 v18, v19  }
0x6e: {  	v18 =	vmul.f32 $1.442695020e+00, v18;
	_ =	sdelay $0x1  }
0x6f: {  	(erf) = vpow2.f32 v18;
	_ =	sdelay $0x8  }
0x70: {  	v18 =	vpop (erf)  }
0x71: {  	[tilespmem:$0x5310] =	vst v18  }
0x72: {  	[tilespmem:v17+s30+$0x0] =	vst.idx.add.f32.msk $0x1, v18  }
0x73: {  	[tilespmem:v17+s30+$0x0] =	vst.idx.add.f32.msk vm0, v18  }
0x74: {  	[tilespmem:v17+s30+$0x0] =	vst.idx.add.f32.msk vm1, v18  }
0x75: {  	[tilespmem:v17+s30+$0x0] =	vst.idx.add.f32.msk vm2, v18  }
0x76: {  	[tilespmem:v17+s30+$0x0] =	vst.idx.add.f32.msk vm3, v18  }
0x77: {  	[tilespmem:v17+s30+$0x0] =	vst.idx.add.f32.msk vm4, v18  }
0x78: {  	[tilespmem:v17+s30+$0x0] =	vst.idx.add.f32.msk vm5, v18  }
0x79: {  	[tilespmem:v17+s30+$0x0] =	vst.idx.add.f32.msk vm6, v18  }
0x7a: {  	[tilespmem:v17+s30+$0x0] =	vst.idx.add.f32.msk vm7, v18  }
0x7b: {  	[tilespmem:v17+s30+$0x0] =	vst.idx.add.f32.msk vm8, v18  }
0x7c: {  	[tilespmem:v17+s30+$0x0] =	vst.idx.add.f32.msk vm9, v18  }
0x7d: {  	[tilespmem:v17+s30+$0x0] =	vst.idx.add.f32.msk vm10, v18  }
0x7e: {  	[tilespmem:v17+s30+$0x0] =	vst.idx.add.f32.msk vm11, v18  }
0x7f: {  	[tilespmem:v17+s30+$0x0] =	vst.idx.add.f32.msk vm12, v18  }
0x80: {  	[tilespmem:v17+s30+$0x0] =	vst.idx.add.f32.msk vm13, v18  }
0x81: {  	[tilespmem:v17+s30+$0x0] =	vst.idx.add.f32.msk vm14, v18  }
0x82: {  	v17 =	vld [tilespmem:$0x5020]  }
0x83: {  	v18 =	vld [tilespmem:$0x50A0];
	_ =	sdelay $0x6  }
0x84: {  	v19 =	vld.idx.msk [tilespmem:v17+s6+$0x0], $0xffff  }
0x85: {  	v18 =	vld.idx.msk [tilespmem:v18+s18+$0x0], $0xffff;
	_ =	sdelay $0x4  }
0x86: {  	v18 =	vadd.f32 v18, v19;
	_ =	sdelay $0x1  }
0x87: {  	v19 =	vmul.f32 $9.999999770e-03, v18;
	_ =	sdelay $0x1  }
0x88: {  	v18 =	vmax.f32 v18, v19  }
0x89: {  	v18 =	vmul.f32 $1.442695020e+00, v18;
	_ =	sdelay $0x1  }
0x8a: {  	(erf) = vpow2.f32 v18;
	_ =	sdelay $0x8  }
0x8b: {  	v18 =	vpop (erf)  }
0x8c: {  	[tilespmem:$0x5320] =	vst v18  }
0x8d: {  	[tilespmem:v17+s30+$0x0] =	vst.idx.add.f32.msk $0x1, v18  }
0x8e: {  	[tilespmem:v17+s30+$0x0] =	vst.idx.add.f32.msk vm0, v18  }
0x8f: {  	[tilespmem:v17+s30+$0x0] =	vst.idx.add.f32.msk vm1, v18  }
0x90: {  	[tilespmem:v17+s30+$0x0] =	vst.idx.add.f32.msk vm2, v18  }
0x91: {  	[tilespmem:v17+s30+$0x0] =	vst.idx.add.f32.msk vm3, v18  }
0x92: {  	[tilespmem:v17+s30+$0x0] =	vst.idx.add.f32.msk vm4, v18  }
0x93: {  	[tilespmem:v17+s30+$0x0] =	vst.idx.add.f32.msk vm5, v18  }
0x94: {  	[tilespmem:v17+s30+$0x0] =	vst.idx.add.f32.msk vm6, v18  }
0x95: {  	[tilespmem:v17+s30+$0x0] =	vst.idx.add.f32.msk vm7, v18  }
0x96: {  	[tilespmem:v17+s30+$0x0] =	vst.idx.add.f32.msk vm8, v18  }
0x97: {  	[tilespmem:v17+s30+$0x0] =	vst.idx.add.f32.msk vm9, v18  }
0x98: {  	[tilespmem:v17+s30+$0x0] =	vst.idx.add.f32.msk vm10, v18  }
0x99: {  	[tilespmem:v17+s30+$0x0] =	vst.idx.add.f32.msk vm11, v18  }
0x9a: {  	[tilespmem:v17+s30+$0x0] =	vst.idx.add.f32.msk vm12, v18  }
0x9b: {  	[tilespmem:v17+s30+$0x0] =	vst.idx.add.f32.msk vm13, v18  }
0x9c: {  	[tilespmem:v17+s30+$0x0] =	vst.idx.add.f32.msk vm14, v18  }
0x9d: {  	v17 =	vld [tilespmem:$0x5030]  }
0x9e: {  	v18 =	vld [tilespmem:$0x50B0];
	_ =	sdelay $0x6  }
0x9f: {  	v19 =	vld.idx.msk [tilespmem:v17+s6+$0x0], $0xffff  }
0xa0: {  	v18 =	vld.idx.msk [tilespmem:v18+s18+$0x0], $0xffff;
	_ =	sdelay $0x4  }
0xa1: {  	v18 =	vadd.f32 v18, v19;
	_ =	sdelay $0x1  }
0xa2: {  	v19 =	vmul.f32 $9.999999770e-03, v18;
	_ =	sdelay $0x1  }
0xa3: {  	v18 =	vmax.f32 v18, v19  }
0xa4: {  	v18 =	vmul.f32 $1.442695020e+00, v18;
	_ =	sdelay $0x1  }
0xa5: {  	(erf) = vpow2.f32 v18;
	_ =	sdelay $0x8  }
0xa6: {  	v18 =	vpop (erf)  }
0xa7: {  	[tilespmem:$0x5330] =	vst v18  }
0xa8: {  	[tilespmem:v17+s30+$0x0] =	vst.idx.add.f32.msk $0x1, v18  }
0xa9: {  	[tilespmem:v17+s30+$0x0] =	vst.idx.add.f32.msk vm0, v18  }
0xaa: {  	[tilespmem:v17+s30+$0x0] =	vst.idx.add.f32.msk vm1, v18  }
0xab: {  	[tilespmem:v17+s30+$0x0] =	vst.idx.add.f32.msk vm2, v18  }
0xac: {  	[tilespmem:v17+s30+$0x0] =	vst.idx.add.f32.msk vm3, v18  }
0xad: {  	[tilespmem:v17+s30+$0x0] =	vst.idx.add.f32.msk vm4, v18  }
0xae: {  	[tilespmem:v17+s30+$0x0] =	vst.idx.add.f32.msk vm5, v18  }
0xaf: {  	[tilespmem:v17+s30+$0x0] =	vst.idx.add.f32.msk vm6, v18  }
0xb0: {  	[tilespmem:v17+s30+$0x0] =	vst.idx.add.f32.msk vm7, v18  }
0xb1: {  	[tilespmem:v17+s30+$0x0] =	vst.idx.add.f32.msk vm8, v18  }
0xb2: {  	[tilespmem:v17+s30+$0x0] =	vst.idx.add.f32.msk vm9, v18  }
0xb3: {  	[tilespmem:v17+s30+$0x0] =	vst.idx.add.f32.msk vm10, v18  }
0xb4: {  	[tilespmem:v17+s30+$0x0] =	vst.idx.add.f32.msk vm11, v18  }
0xb5: {  	[tilespmem:v17+s30+$0x0] =	vst.idx.add.f32.msk vm12, v18  }
0xb6: {  	[tilespmem:v17+s30+$0x0] =	vst.idx.add.f32.msk vm13, v18  }
0xb7: {  	p0 =	por $0x1, $0x1;
	s9 =	simm.s32 $0x0;
	[tilespmem:v17+s30+$0x0] =	vst.idx.add.f32.msk vm14, v18  }
.LBB2_5:
0xb8: {  	v18 =	vld [tilespmem:s9+$0x5300];
	s12 =	sshll.u32 s9, $0x7  }
0xb9: {  	s8 =	sand.u32 $0x3FFFFF80, s12  }
0xba: {  	v17 =	vld [tilespmem:s8+$0x5380]  }
0xbb: {  	v19 =	vld [tilespmem:s8+$0x5390]  }
0xbc: {  	v20 =	vld [tilespmem:s8+$0x53A0]  }
0xbd: {  	v22 =	vld [tilespmem:s8+$0x53B0];
	v21 =	vperm.xlane v18, v1  }
0xbe: {  	v23 =	vld [tilespmem:s8+$0x53C0]  }
0xbf: {  	v24 =	vld [tilespmem:s8+$0x53D0];
	v17 =	vmul.f32 v17, v21  }
0xc0: {  	v25 =	vld [tilespmem:s8+$0x53E0];
	v19 =	vmul.f32 v19, v21  }
0xc1: {  	[tilespmem:s8+$0x5380] =	vst v17;
	v17 =	vmul.f32 v20, v21  }
0xc2: {  	[tilespmem:s8+$0x5390] =	vst v19;
	v19 =	vmul.f32 v22, v21  }
0xc3: {  	[tilespmem:s8+$0x53A0] =	vst v17;
	v17 =	vmul.f32 v23, v21  }
0xc4: {  	[tilespmem:s8+$0x53B0] =	vst v19;
	v19 =	vmul.f32 v24, v21  }
0xc5: {  	[tilespmem:s8+$0x53C0] =	vst v17;
	v17 =	vmul.f32 v25, v21  }
0xc6: {  	[tilespmem:s8+$0x53D0] =	vst v19  }
0xc7: {  	[tilespmem:s8+$0x53E0] =	vst v17  }
0xc8: {  	v17 =	vld [tilespmem:s8+$0x53F0]  }
0xc9: {  	v19 =	vld [tilespmem:s8+$0x5400]  }
0xca: {  	v34 =	vld [tilespmem:s8+$0x5410]  }
0xcb: {  	v35 =	vld [tilespmem:s8+$0x5420]  }
0xcc: {  	v36 =	vld [tilespmem:s8+$0x5430]  }
0xcd: {  	v37 =	vperm.xlane v18, v2;
	v38 =	vld [tilespmem:s8+$0x5440]  }
0xce: {  	v39 =	vld [tilespmem:s8+$0x5450];
	v17 =	vmul.f32 v17, v21  }
0xcf: {  	v26 =	vld [tilespmem:s8+$0x5460];
	v19 =	vmul.f32 v19, v37  }
0xd0: {  	v40 =	vld [tilespmem:s8+$0x5470];
	[tilespmem:s8+$0x53F0] =	vst v17;
	v17 =	vmul.f32 v34, v37  }
0xd1: {  	v41 =	vld [tilespmem:s8+$0x5480];
	[tilespmem:s8+$0x5400] =	vst v19;
	v19 =	vmul.f32 v35, v37  }
0xd2: {  	v42 =	vld [tilespmem:s8+$0x5490];
	[tilespmem:s8+$0x5410] =	vst v17;
	v17 =	vmul.f32 v36, v37  }
0xd3: {  	v43 =	vld [tilespmem:s8+$0x54A0];
	[tilespmem:s8+$0x5420] =	vst v19;
	v19 =	vmul.f32 v38, v37  }
0xd4: {  	v44 =	vld [tilespmem:s8+$0x54B0];
	[tilespmem:s8+$0x5430] =	vst v17;
	v17 =	vmul.f32 v39, v37  }
0xd5: {  	v45 =	vperm.xlane v18, v3;
	v27 =	vld [tilespmem:s8+$0x54C0];
	[tilespmem:s8+$0x5440] =	vst v19;
	v19 =	vmul.f32 v26, v37  }
0xd6: {  	v46 =	vld [tilespmem:s8+$0x54D0];
	[tilespmem:s8+$0x5450] =	vst v17;
	v17 =	vmul.f32 v40, v37  }
0xd7: {  	v47 =	vld [tilespmem:s8+$0x54E0];
	[tilespmem:s8+$0x5460] =	vst v19;
	v19 =	vmul.f32 v41, v45  }
0xd8: {  	v48 =	vld [tilespmem:s8+$0x54F0];
	[tilespmem:s8+$0x5470] =	vst v17;
	v17 =	vmul.f32 v42, v45  }
0xd9: {  	v49 =	vld [tilespmem:s8+$0x5500];
	[tilespmem:s8+$0x5480] =	vst v19;
	v19 =	vmul.f32 v43, v45  }
0xda: {  	v50 =	vld [tilespmem:s8+$0x5510];
	[tilespmem:s8+$0x5490] =	vst v17;
	v17 =	vmul.f32 v44, v45  }
0xdb: {  	v51 =	vld [tilespmem:s8+$0x5520];
	[tilespmem:s8+$0x54A0] =	vst v19;
	v19 =	vmul.f32 v27, v45  }
0xdc: {  	v52 =	vld [tilespmem:s8+$0x5530];
	[tilespmem:s8+$0x54B0] =	vst v17;
	v17 =	vmul.f32 v46, v45  }
0xdd: {  	v53 =	vperm.xlane v18, v4;
	v54 =	vld [tilespmem:s8+$0x5540];
	[tilespmem:s8+$0x54C0] =	vst v19;
	v19 =	vmul.f32 v47, v45  }
0xde: {  	v55 =	vld [tilespmem:s8+$0x5550];
	[tilespmem:s8+$0x54D0] =	vst v17;
	v17 =	vmul.f32 v48, v45  }
0xdf: {  	v56 =	vld [tilespmem:s8+$0x5560];
	[tilespmem:s8+$0x54E0] =	vst v19;
	v19 =	vmul.f32 v49, v53  }
0xe0: {  	v57 =	vld [tilespmem:s8+$0x5570];
	[tilespmem:s8+$0x54F0] =	vst v17;
	v17 =	vmul.f32 v50, v53  }
0xe1: {  	v58 =	vld [tilespmem:s8+$0x5580];
	[tilespmem:s8+$0x5500] =	vst v19;
	v19 =	vmul.f32 v51, v53  }
0xe2: {  	v59 =	vld [tilespmem:s8+$0x5590];
	[tilespmem:s8+$0x5510] =	vst v17;
	v17 =	vmul.f32 v52, v53  }
0xe3: {  	v60 =	vld [tilespmem:s8+$0x55A0];
	[tilespmem:s8+$0x5520] =	vst v19;
	v19 =	vmul.f32 v54, v53  }
0xe4: {  	v61 =	vld [tilespmem:s8+$0x55B0];
	[tilespmem:s8+$0x5530] =	vst v17;
	v17 =	vmul.f32 v55, v53  }
0xe5: {  	v62 =	vperm.xlane v18, v5;
	v63 =	vld [tilespmem:s8+$0x55C0];
	[tilespmem:s8+$0x5540] =	vst v19;
	v19 =	vmul.f32 v56, v53  }
0xe6: {  	v28 =	vld [tilespmem:s8+$0x55D0];
	[tilespmem:s8+$0x5550] =	vst v17;
	v17 =	vmul.f32 v57, v53  }
0xe7: {  	v29 =	vld [tilespmem:s8+$0x55E0];
	[tilespmem:s8+$0x5560] =	vst v19;
	v19 =	vmul.f32 v58, v62  }
0xe8: {  	v30 =	vld [tilespmem:s8+$0x55F0];
	[tilespmem:s8+$0x5570] =	vst v17;
	v17 =	vmul.f32 v59, v62  }
0xe9: {  	v31 =	vld [tilespmem:s8+$0x5600];
	[tilespmem:s8+$0x5580] =	vst v19;
	v19 =	vmul.f32 v60, v62  }
0xea: {  	v32 =	vld [tilespmem:s8+$0x5610];
	[tilespmem:s8+$0x5590] =	vst v17;
	v17 =	vmul.f32 v61, v62  }
0xeb: {  	v33 =	vld [tilespmem:s8+$0x5620];
	[tilespmem:s8+$0x55A0] =	vst v19;
	v19 =	vmul.f32 v63, v62  }
0xec: {  	v34 =	vld [tilespmem:s8+$0x5630];
	[tilespmem:s8+$0x55B0] =	vst v17;
	v17 =	vmul.f32 v28, v62  }
0xed: {  	v35 =	vperm.xlane v18, v6;
	v36 =	vld [tilespmem:s8+$0x5640];
	[tilespmem:s8+$0x55C0] =	vst v19;
	v19 =	vmul.f32 v29, v62  }
0xee: {  	v38 =	vld [tilespmem:s8+$0x5660];
	[tilespmem:s8+$0x55D0] =	vst v17;
	v17 =	vmul.f32 v30, v62  }
0xef: {  	v37 =	vld [tilespmem:s8+$0x5650];
	[tilespmem:s8+$0x55E0] =	vst v19;
	v19 =	vmul.f32 v31, v35  }
0xf0: {  	v39 =	vld [tilespmem:s8+$0x5670];
	[tilespmem:s8+$0x55F0] =	vst v17;
	v17 =	vmul.f32 v32, v35  }
0xf1: {  	v40 =	vld [tilespmem:s8+$0x5680];
	[tilespmem:s8+$0x5600] =	vst v19;
	v19 =	vmul.f32 v33, v35  }
0xf2: {  	v41 =	vld [tilespmem:s8+$0x5690];
	[tilespmem:s8+$0x5610] =	vst v17;
	v17 =	vmul.f32 v34, v35  }
0xf3: {  	v42 =	vld [tilespmem:s8+$0x56A0];
	[tilespmem:s8+$0x5620] =	vst v19;
	v19 =	vmul.f32 v36, v35  }
0xf4: {  	v43 =	vld [tilespmem:s8+$0x56B0];
	[tilespmem:s8+$0x5630] =	vst v17;
	v17 =	vmul.f32 v37, v35  }
0xf5: {  	v44 =	vperm.xlane v18, v7;
	v46 =	vld [tilespmem:s8+$0x56D0];
	[tilespmem:s8+$0x5640] =	vst v19;
	v19 =	vmul.f32 v38, v35  }
0xf6: {  	v45 =	vld [tilespmem:s8+$0x56C0];
	[tilespmem:s8+$0x5650] =	vst v17;
	v17 =	vmul.f32 v39, v35  }
0xf7: {  	v47 =	vld [tilespmem:s8+$0x56E0];
	[tilespmem:s8+$0x5660] =	vst v19;
	v19 =	vmul.f32 v40, v44  }
0xf8: {  	v48 =	vld [tilespmem:s8+$0x56F0];
	[tilespmem:s8+$0x5670] =	vst v17;
	v17 =	vmul.f32 v41, v44  }
0xf9: {  	v49 =	vld [tilespmem:s8+$0x5700];
	[tilespmem:s8+$0x5680] =	vst v19;
	v19 =	vmul.f32 v42, v44  }
0xfa: {  	v50 =	vld [tilespmem:s8+$0x5710];
	[tilespmem:s8+$0x5690] =	vst v17;
	v17 =	vmul.f32 v43, v44  }
0xfb: {  	v51 =	vld [tilespmem:s8+$0x5720];
	[tilespmem:s8+$0x56A0] =	vst v19;
	v19 =	vmul.f32 v45, v44  }
0xfc: {  	v52 =	vld [tilespmem:s8+$0x5730];
	[tilespmem:s8+$0x56B0] =	vst v17;
	v17 =	vmul.f32 v46, v44  }
0xfd: {  	v54 =	vld [tilespmem:s8+$0x5740];
	v53 =	vperm.xlane v18, v8;
	[tilespmem:s8+$0x56C0] =	vst v19;
	v19 =	vmul.f32 v47, v44  }
0xfe: {  	v55 =	vld [tilespmem:s8+$0x5750];
	[tilespmem:s8+$0x56D0] =	vst v17;
	v17 =	vmul.f32 v48, v44  }
0xff: {  	v56 =	vld [tilespmem:s8+$0x5760];
	[tilespmem:s8+$0x56E0] =	vst v19;
	v19 =	vmul.f32 v49, v53  }
0x100: {  	v57 =	vld [tilespmem:s8+$0x5770];
	[tilespmem:s8+$0x56F0] =	vst v17;
	v17 =	vmul.f32 v50, v53  }
0x101: {  	v58 =	vld [tilespmem:s8+$0x5780];
	[tilespmem:s8+$0x5700] =	vst v19;
	v19 =	vmul.f32 v51, v53  }
0x102: {  	v59 =	vld [tilespmem:s8+$0x5790];
	[tilespmem:s8+$0x5710] =	vst v17;
	v17 =	vmul.f32 v52, v53  }
0x103: {  	v60 =	vld [tilespmem:s8+$0x57A0];
	[tilespmem:s8+$0x5720] =	vst v19;
	v19 =	vmul.f32 v54, v53  }
0x104: {  	v61 =	vld [tilespmem:s8+$0x57B0];
	[tilespmem:s8+$0x5730] =	vst v17;
	v17 =	vmul.f32 v55, v53  }
0x105: {  	v63 =	vld [tilespmem:s8+$0x57C0];
	v62 =	vperm.xlane v18, v9;
	[tilespmem:s8+$0x5740] =	vst v19;
	v19 =	vmul.f32 v56, v53  }
0x106: {  	v30 =	vld [tilespmem:s8+$0x57D0];
	[tilespmem:s8+$0x5750] =	vst v17;
	v17 =	vmul.f32 v57, v53  }
0x107: {  	v31 =	vld [tilespmem:s8+$0x57E0];
	[tilespmem:s8+$0x5760] =	vst v19;
	v19 =	vmul.f32 v58, v62  }
0x108: {  	v32 =	vld [tilespmem:s8+$0x57F0];
	[tilespmem:s8+$0x5770] =	vst v17;
	v17 =	vmul.f32 v59, v62  }
0x109: {  	v33 =	vld [tilespmem:s8+$0x5800];
	[tilespmem:s8+$0x5780] =	vst v19;
	v19 =	vmul.f32 v60, v62  }
0x10a: {  	v34 =	vld [tilespmem:s8+$0x5810];
	[tilespmem:s8+$0x5790] =	vst v17;
	v17 =	vmul.f32 v61, v62  }
0x10b: {  	v36 =	vld [tilespmem:s8+$0x5830];
	[tilespmem:s8+$0x57A0] =	vst v19;
	v19 =	vmul.f32 v63, v62  }
0x10c: {  	v35 =	vld [tilespmem:s8+$0x5820];
	[tilespmem:s8+$0x57B0] =	vst v17;
	v17 =	vmul.f32 v30, v62  }
0x10d: {  	v37 =	vperm.xlane v18, v10;
	v38 =	vld [tilespmem:s8+$0x5840];
	[tilespmem:s8+$0x57C0] =	vst v19;
	v19 =	vmul.f32 v31, v62  }
0x10e: {  	v39 =	vld [tilespmem:s8+$0x5850];
	[tilespmem:s8+$0x57D0] =	vst v17;
	v17 =	vmul.f32 v32, v62  }
0x10f: {  	v40 =	vld [tilespmem:s8+$0x5860];
	[tilespmem:s8+$0x57E0] =	vst v19;
	v19 =	vmul.f32 v33, v37  }
0x110: {  	v41 =	vld [tilespmem:s8+$0x5870];
	[tilespmem:s8+$0x57F0] =	vst v17;
	v17 =	vmul.f32 v34, v37  }
0x111: {  	v42 =	vld [tilespmem:s8+$0x5880];
	[tilespmem:s8+$0x5800] =	vst v19;
	v19 =	vmul.f32 v35, v37  }
0x112: {  	v43 =	vld [tilespmem:s8+$0x5890];
	[tilespmem:s8+$0x5810] =	vst v17;
	v17 =	vmul.f32 v36, v37  }
0x113: {  	v45 =	vld [tilespmem:s8+$0x58B0];
	[tilespmem:s8+$0x5820] =	vst v19;
	v19 =	vmul.f32 v38, v37  }
0x114: {  	v44 =	vld [tilespmem:s8+$0x58A0];
	[tilespmem:s8+$0x5830] =	vst v17;
	v17 =	vmul.f32 v39, v37  }
0x115: {  	v46 =	vperm.xlane v18, v11;
	v47 =	vld [tilespmem:s8+$0x58C0];
	[tilespmem:s8+$0x5840] =	vst v19;
	v19 =	vmul.f32 v40, v37  }
0x116: {  	v48 =	vld [tilespmem:s8+$0x58D0];
	[tilespmem:s8+$0x5850] =	vst v17;
	v17 =	vmul.f32 v41, v37  }
0x117: {  	v49 =	vld [tilespmem:s8+$0x58E0];
	[tilespmem:s8+$0x5860] =	vst v19;
	v19 =	vmul.f32 v42, v46  }
0x118: {  	v50 =	vld [tilespmem:s8+$0x58F0];
	[tilespmem:s8+$0x5870] =	vst v17;
	v17 =	vmul.f32 v43, v46  }
0x119: {  	v51 =	vld [tilespmem:s8+$0x5900];
	[tilespmem:s8+$0x5880] =	vst v19;
	v19 =	vmul.f32 v44, v46  }
0x11a: {  	v52 =	vld [tilespmem:s8+$0x5910];
	[tilespmem:s8+$0x5890] =	vst v17;
	v17 =	vmul.f32 v45, v46  }
0x11b: {  	v54 =	vld [tilespmem:s8+$0x5930];
	[tilespmem:s8+$0x58A0] =	vst v19;
	v19 =	vmul.f32 v47, v46  }
0x11c: {  	v53 =	vld [tilespmem:s8+$0x5920];
	[tilespmem:s8+$0x58B0] =	vst v17;
	v17 =	vmul.f32 v48, v46  }
0x11d: {  	v55 =	vperm.xlane v18, v12;
	v56 =	vld [tilespmem:s8+$0x5940];
	[tilespmem:s8+$0x58C0] =	vst v19;
	v19 =	vmul.f32 v49, v46  }
0x11e: {  	v57 =	vld [tilespmem:s8+$0x5950];
	[tilespmem:s8+$0x58D0] =	vst v17;
	v17 =	vmul.f32 v50, v46  }
0x11f: {  	v58 =	vld [tilespmem:s8+$0x5960];
	[tilespmem:s8+$0x58E0] =	vst v19;
	v19 =	vmul.f32 v51, v55  }
0x120: {  	v59 =	vld [tilespmem:s8+$0x5970];
	[tilespmem:s8+$0x58F0] =	vst v17;
	v17 =	vmul.f32 v52, v55  }
0x121: {  	v60 =	vld [tilespmem:s8+$0x5980];
	[tilespmem:s8+$0x5900] =	vst v19;
	v19 =	vmul.f32 v53, v55  }
0x122: {  	v61 =	vld [tilespmem:s8+$0x5990];
	[tilespmem:s8+$0x5910] =	vst v17;
	v17 =	vmul.f32 v54, v55  }
0x123: {  	v63 =	vld [tilespmem:s8+$0x59B0];
	[tilespmem:s8+$0x5920] =	vst v19;
	v19 =	vmul.f32 v56, v55  }
0x124: {  	v62 =	vld [tilespmem:s8+$0x59A0];
	[tilespmem:s8+$0x5930] =	vst v17;
	v17 =	vmul.f32 v57, v55  }
0x125: {  	v30 =	vperm.xlane v18, v13;
	v31 =	vld [tilespmem:s8+$0x59C0];
	[tilespmem:s8+$0x5940] =	vst v19;
	v19 =	vmul.f32 v58, v55  }
0x126: {  	v32 =	vld [tilespmem:s8+$0x59D0];
	[tilespmem:s8+$0x5950] =	vst v17;
	v17 =	vmul.f32 v59, v55  }
0x127: {  	v33 =	vld [tilespmem:s8+$0x59E0];
	[tilespmem:s8+$0x5960] =	vst v19;
	v19 =	vmul.f32 v60, v30  }
0x128: {  	v34 =	vld [tilespmem:s8+$0x59F0];
	[tilespmem:s8+$0x5970] =	vst v17;
	v17 =	vmul.f32 v61, v30  }
0x129: {  	v35 =	vld [tilespmem:s8+$0x5A00];
	[tilespmem:s8+$0x5980] =	vst v19;
	v19 =	vmul.f32 v62, v30  }
0x12a: {  	v36 =	vld [tilespmem:s8+$0x5A10];
	[tilespmem:s8+$0x5990] =	vst v17;
	v17 =	vmul.f32 v63, v30  }
0x12b: {  	v38 =	vld [tilespmem:s8+$0x5A30];
	[tilespmem:s8+$0x59A0] =	vst v19;
	v19 =	vmul.f32 v31, v30  }
0x12c: {  	v37 =	vld [tilespmem:s8+$0x5A20];
	[tilespmem:s8+$0x59B0] =	vst v17;
	v17 =	vmul.f32 v32, v30  }
0x12d: {  	v39 =	vperm.xlane v18, v14;
	v40 =	vld [tilespmem:s8+$0x5A40];
	[tilespmem:s8+$0x59C0] =	vst v19;
	v19 =	vmul.f32 v33, v30  }
0x12e: {  	v41 =	vld [tilespmem:s8+$0x5A50];
	[tilespmem:s8+$0x59D0] =	vst v17;
	v17 =	vmul.f32 v34, v30  }
0x12f: {  	v42 =	vld [tilespmem:s8+$0x5A60];
	[tilespmem:s8+$0x59E0] =	vst v19;
	v19 =	vmul.f32 v35, v39  }
0x130: {  	v43 =	vld [tilespmem:s8+$0x5A70];
	[tilespmem:s8+$0x59F0] =	vst v17;
	v17 =	vmul.f32 v36, v39  }
0x131: {  	v44 =	vld [tilespmem:s8+$0x5A80];
	[tilespmem:s8+$0x5A00] =	vst v19;
	v19 =	vmul.f32 v37, v39  }
0x132: {  	v45 =	vld [tilespmem:s8+$0x5A90];
	[tilespmem:s8+$0x5A10] =	vst v17;
	v17 =	vmul.f32 v38, v39  }
0x133: {  	v47 =	vld [tilespmem:s8+$0x5AB0];
	[tilespmem:s8+$0x5A20] =	vst v19;
	v19 =	vmul.f32 v40, v39  }
0x134: {  	v46 =	vld [tilespmem:s8+$0x5AA0];
	[tilespmem:s8+$0x5A30] =	vst v17;
	v17 =	vmul.f32 v41, v39  }
0x135: {  	v48 =	vperm.xlane v18, v15;
	v49 =	vld [tilespmem:s8+$0x5AC0];
	[tilespmem:s8+$0x5A40] =	vst v19;
	v19 =	vmul.f32 v42, v39  }
0x136: {  	v50 =	vld [tilespmem:s8+$0x5AD0];
	[tilespmem:s8+$0x5A50] =	vst v17;
	v17 =	vmul.f32 v43, v39  }
0x137: {  	v51 =	vld [tilespmem:s8+$0x5AE0];
	[tilespmem:s8+$0x5A60] =	vst v19;
	v19 =	vmul.f32 v44, v48  }
0x138: {  	v22 =	vmul.f32 v45, v48;
	v52 =	vld [tilespmem:s8+$0x5AF0];
	[tilespmem:s8+$0x5A70] =	vst v17  }
0x139: {  	s12 =	sor.u32 $0x800, s12;
	[tilespmem:s8+$0x5A80] =	vst v19;
	v19 =	vmul.f32 v46, v48;
	v17 =	vld [tilespmem:s9+$0x5310]  }
0x13a: {  	v21 =	vmul.f32 v47, v48;
	v53 =	vld [tilespmem:s8+$0x5B00];
	[tilespmem:s8+$0x5A90] =	vst v22;
	s9 =	sand.u32 $0x3FFFFF80, s12  }
0x13b: {  	v54 =	vld [tilespmem:s9+$0x5380];
	[tilespmem:s8+$0x5AA0] =	vst v19;
	v19 =	vmul.f32 v49, v48  }
0x13c: {  	[tilespmem:s8+$0x5AB0] =	vst v21;
	v20 =	vmul.f32 v50, v48;
	v55 =	vld [tilespmem:s9+$0x5390]  }
0x13d: {  	v18 =	vperm.xlane v18, v16;
	v56 =	vld [tilespmem:s9+$0x53A0];
	[tilespmem:s8+$0x5AC0] =	vst v19;
	v19 =	vmul.f32 v51, v48  }
0x13e: {  	[tilespmem:s8+$0x5AD0] =	vst v20;
	v57 =	vmul.f32 v52, v48;
	v59 =	vld [tilespmem:s9+$0x53B0];
	v58 =	vperm.xlane v17, v1  }
0x13f: {  	v60 =	vld [tilespmem:s9+$0x53C0];
	[tilespmem:s8+$0x5AE0] =	vst v19;
	v19 =	vmul.f32 v53, v18  }
0x140: {  	[tilespmem:s8+$0x5AF0] =	vst v57;
	v62 =	vld [tilespmem:s9+$0x53D0];
	v61 =	vmul.f32 v54, v58  }
0x141: {  	v63 =	vld [tilespmem:s9+$0x53E0];
	[tilespmem:s8+$0x5B00] =	vst v19;
	v19 =	vmul.f32 v55, v58  }
0x142: {  	v29 =	vld [tilespmem:s9+$0x53F0];
	v28 =	vmul.f32 v56, v58;
	[tilespmem:s9+$0x5380] =	vst v61  }
0x143: {  	v25 =	vmul.f32 v59, v58;
	[tilespmem:s9+$0x5390] =	vst v19;
	v19 =	vld [tilespmem:s8+$0x5B10]  }
0x144: {  	v32 =	vld [tilespmem:s8+$0x5B40];
	v22 =	vmul.f32 v60, v58;
	[tilespmem:s9+$0x53A0] =	vst v28  }
0x145: {  	v31 =	vld [tilespmem:s8+$0x5B30];
	v26 =	vmul.f32 v62, v58;
	[tilespmem:s9+$0x53B0] =	vst v25  }
0x146: {  	v30 =	vld [tilespmem:s8+$0x5B20];
	v21 =	vmul.f32 v63, v58;
	[tilespmem:s9+$0x53C0] =	vst v22  }
0x147: {  	v33 =	vld [tilespmem:s8+$0x5B50];
	v23 =	vmul.f32 v29, v58;
	[tilespmem:s9+$0x53D0] =	vst v26  }
0x148: {  	v34 =	vld [tilespmem:s8+$0x5B60];
	[tilespmem:s9+$0x53E0] =	vst v21;
	v19 =	vmul.f32 v19, v18  }
0x149: {  	v35 =	vld [tilespmem:s8+$0x5B70];
	v36 =	vmul.f32 v32, v18;
	[tilespmem:s9+$0x53F0] =	vst v23  }
0x14a: {  	v23 =	vld [tilespmem:s8+$0x5C00];
	[tilespmem:s8+$0x5B10] =	vst v19;
	v19 =	vmul.f32 v31, v18  }
0x14b: {  	v20 =	vmul.f32 v30, v18;
	[tilespmem:s8+$0x5B40] =	vst v36;
	v37 =	vld [tilespmem:s8+$0x5C10]  }
0x14c: {  	v38 =	vld [tilespmem:s8+$0x5C20];
	[tilespmem:s8+$0x5B30] =	vst v19;
	v19 =	vmul.f32 v33, v18  }
0x14d: {  	[tilespmem:s8+$0x5B20] =	vst v20;
	v39 =	vmul.f32 v34, v18;
	v40 =	vperm.xlane v17, v2;
	v41 =	vld [tilespmem:s8+$0x5C30]  }
0x14e: {  	v18 =	vmul.f32 v35, v18;
	[tilespmem:s8+$0x5B50] =	vst v19;
	v19 =	vld [tilespmem:s8+$0x5C40]  }
0x14f: {  	[tilespmem:s8+$0x5B60] =	vst v39;
	v43 =	vld [tilespmem:s8+$0x5C50];
	v42 =	vmul.f32 v23, v40  }
0x150: {  	v44 =	vld [tilespmem:s8+$0x5C60];
	[tilespmem:s8+$0x5B70] =	vst v18;
	v18 =	vmul.f32 v37, v40  }
0x151: {  	v46 =	vld [tilespmem:s8+$0x5C70];
	v45 =	vmul.f32 v38, v40;
	[tilespmem:s8+$0x5C00] =	vst v42  }
0x152: {  	v47 =	vld [tilespmem:s8+$0x5C80];
	[tilespmem:s8+$0x5C10] =	vst v18;
	v18 =	vmul.f32 v41, v40  }
0x153: {  	v48 =	vld [tilespmem:s8+$0x5C90];
	[tilespmem:s8+$0x5C20] =	vst v45;
	v19 =	vmul.f32 v19, v40  }
0x154: {  	v49 =	vld [tilespmem:s8+$0x5CA0];
	[tilespmem:s8+$0x5C30] =	vst v18;
	v18 =	vmul.f32 v43, v40  }
0x155: {  	v50 =	vperm.xlane v17, v3;
	v51 =	vld [tilespmem:s8+$0x5CB0];
	[tilespmem:s8+$0x5C40] =	vst v19;
	v19 =	vmul.f32 v44, v40  }
0x156: {  	v52 =	vld [tilespmem:s8+$0x5CC0];
	[tilespmem:s8+$0x5C50] =	vst v18;
	v18 =	vmul.f32 v46, v40  }
0x157: {  	v53 =	vld [tilespmem:s8+$0x5CD0];
	[tilespmem:s8+$0x5C60] =	vst v19;
	v19 =	vmul.f32 v47, v50  }
0x158: {  	v54 =	vld [tilespmem:s8+$0x5CE0];
	[tilespmem:s8+$0x5C70] =	vst v18;
	v18 =	vmul.f32 v48, v50  }
0x159: {  	v55 =	vld [tilespmem:s8+$0x5CF0];
	[tilespmem:s8+$0x5C80] =	vst v19;
	v19 =	vmul.f32 v49, v50  }
0x15a: {  	v56 =	vld [tilespmem:s8+$0x5D00];
	[tilespmem:s8+$0x5C90] =	vst v18;
	v18 =	vmul.f32 v51, v50  }
0x15b: {  	v57 =	vld [tilespmem:s8+$0x5D10];
	[tilespmem:s8+$0x5CA0] =	vst v19;
	v19 =	vmul.f32 v52, v50  }
0x15c: {  	v58 =	vld [tilespmem:s8+$0x5D20];
	[tilespmem:s8+$0x5CB0] =	vst v18;
	v18 =	vmul.f32 v53, v50  }
0x15d: {  	v59 =	vperm.xlane v17, v4;
	v60 =	vld [tilespmem:s8+$0x5D30];
	[tilespmem:s8+$0x5CC0] =	vst v19;
	v19 =	vmul.f32 v54, v50  }
0x15e: {  	v61 =	vld [tilespmem:s8+$0x5D40];
	[tilespmem:s8+$0x5CD0] =	vst v18;
	v18 =	vmul.f32 v55, v50  }
0x15f: {  	v62 =	vld [tilespmem:s8+$0x5D50];
	[tilespmem:s8+$0x5CE0] =	vst v19;
	v19 =	vmul.f32 v56, v59  }
0x160: {  	v63 =	vld [tilespmem:s8+$0x5D60];
	[tilespmem:s8+$0x5CF0] =	vst v18;
	v18 =	vmul.f32 v57, v59  }
0x161: {  	v28 =	vld [tilespmem:s8+$0x5D70];
	[tilespmem:s8+$0x5D00] =	vst v19;
	v19 =	vmul.f32 v58, v59  }
0x162: {  	v29 =	vld [tilespmem:s8+$0x5D80];
	[tilespmem:s8+$0x5D10] =	vst v18;
	v18 =	vmul.f32 v60, v59  }
0x163: {  	v30 =	vld [tilespmem:s8+$0x5D90];
	[tilespmem:s8+$0x5D20] =	vst v19;
	v19 =	vmul.f32 v61, v59  }
0x164: {  	v31 =	vld [tilespmem:s8+$0x5DA0];
	[tilespmem:s8+$0x5D30] =	vst v18;
	v18 =	vmul.f32 v62, v59  }
0x165: {  	v32 =	vperm.xlane v17, v5;
	v33 =	vld [tilespmem:s8+$0x5DB0];
	[tilespmem:s8+$0x5D40] =	vst v19;
	v19 =	vmul.f32 v63, v59  }
0x166: {  	v34 =	vld [tilespmem:s8+$0x5DC0];
	[tilespmem:s8+$0x5D50] =	vst v18;
	v18 =	vmul.f32 v28, v59  }
0x167: {  	v35 =	vld [tilespmem:s8+$0x5DD0];
	[tilespmem:s8+$0x5D60] =	vst v19;
	v19 =	vmul.f32 v29, v32  }
0x168: {  	v36 =	vld [tilespmem:s8+$0x5DE0];
	[tilespmem:s8+$0x5D70] =	vst v18;
	v18 =	vmul.f32 v30, v32  }
0x169: {  	v37 =	vld [tilespmem:s8+$0x5DF0];
	[tilespmem:s8+$0x5D80] =	vst v19;
	v19 =	vmul.f32 v31, v32  }
0x16a: {  	v38 =	vld [tilespmem:s8+$0x5E00];
	[tilespmem:s8+$0x5D90] =	vst v18;
	v18 =	vmul.f32 v33, v32  }
0x16b: {  	v39 =	vld [tilespmem:s8+$0x5E10];
	[tilespmem:s8+$0x5DA0] =	vst v19;
	v19 =	vmul.f32 v34, v32  }
0x16c: {  	v40 =	vld [tilespmem:s8+$0x5E20];
	[tilespmem:s8+$0x5DB0] =	vst v18;
	v18 =	vmul.f32 v35, v32  }
0x16d: {  	v42 =	vld [tilespmem:s8+$0x5E30];
	v41 =	vperm.xlane v17, v6;
	[tilespmem:s8+$0x5DC0] =	vst v19;
	v19 =	vmul.f32 v36, v32  }
0x16e: {  	v43 =	vld [tilespmem:s8+$0x5E40];
	[tilespmem:s8+$0x5DD0] =	vst v18;
	v18 =	vmul.f32 v37, v32  }
0x16f: {  	v44 =	vld [tilespmem:s8+$0x5E50];
	[tilespmem:s8+$0x5DE0] =	vst v19;
	v19 =	vmul.f32 v38, v41  }
0x170: {  	v45 =	vld [tilespmem:s8+$0x5E60];
	[tilespmem:s8+$0x5DF0] =	vst v18;
	v18 =	vmul.f32 v39, v41  }
0x171: {  	v46 =	vld [tilespmem:s8+$0x5E70];
	[tilespmem:s8+$0x5E00] =	vst v19;
	v19 =	vmul.f32 v40, v41  }
0x172: {  	v47 =	vld [tilespmem:s8+$0x5E80];
	[tilespmem:s8+$0x5E10] =	vst v18;
	v18 =	vmul.f32 v42, v41  }
0x173: {  	v48 =	vld [tilespmem:s8+$0x5E90];
	[tilespmem:s8+$0x5E20] =	vst v19;
	v19 =	vmul.f32 v43, v41  }
0x174: {  	v49 =	vld [tilespmem:s8+$0x5EA0];
	[tilespmem:s8+$0x5E30] =	vst v18;
	v18 =	vmul.f32 v44, v41  }
0x175: {  	v51 =	vld [tilespmem:s8+$0x5EB0];
	v50 =	vperm.xlane v17, v7;
	[tilespmem:s8+$0x5E40] =	vst v19;
	v19 =	vmul.f32 v45, v41  }
0x176: {  	v52 =	vld [tilespmem:s8+$0x5EC0];
	[tilespmem:s8+$0x5E50] =	vst v18;
	v18 =	vmul.f32 v46, v41  }
0x177: {  	v53 =	vld [tilespmem:s8+$0x5ED0];
	[tilespmem:s8+$0x5E60] =	vst v19;
	v19 =	vmul.f32 v47, v50  }
0x178: {  	v54 =	vld [tilespmem:s8+$0x5EE0];
	[tilespmem:s8+$0x5E70] =	vst v18;
	v18 =	vmul.f32 v48, v50  }
0x179: {  	v55 =	vld [tilespmem:s8+$0x5EF0];
	[tilespmem:s8+$0x5E80] =	vst v19;
	v19 =	vmul.f32 v49, v50  }
0x17a: {  	v56 =	vld [tilespmem:s8+$0x5F00];
	[tilespmem:s8+$0x5E90] =	vst v18;
	v18 =	vmul.f32 v51, v50  }
0x17b: {  	v57 =	vld [tilespmem:s8+$0x5F10];
	[tilespmem:s8+$0x5EA0] =	vst v19;
	v19 =	vmul.f32 v52, v50  }
0x17c: {  	v58 =	vld [tilespmem:s8+$0x5F20];
	[tilespmem:s8+$0x5EB0] =	vst v18;
	v18 =	vmul.f32 v53, v50  }
0x17d: {  	v60 =	vld [tilespmem:s8+$0x5F30];
	v59 =	vperm.xlane v17, v8;
	[tilespmem:s8+$0x5EC0] =	vst v19;
	v19 =	vmul.f32 v54, v50  }
0x17e: {  	v61 =	vld [tilespmem:s8+$0x5F40];
	[tilespmem:s8+$0x5ED0] =	vst v18;
	v18 =	vmul.f32 v55, v50  }
0x17f: {  	v62 =	vld [tilespmem:s8+$0x5F50];
	[tilespmem:s8+$0x5EE0] =	vst v19;
	v19 =	vmul.f32 v56, v59  }
0x180: {  	v63 =	vld [tilespmem:s8+$0x5F60];
	[tilespmem:s8+$0x5EF0] =	vst v18;
	v18 =	vmul.f32 v57, v59  }
0x181: {  	v28 =	vld [tilespmem:s8+$0x5F70];
	[tilespmem:s8+$0x5F00] =	vst v19;
	v19 =	vmul.f32 v58, v59  }
0x182: {  	v29 =	vld [tilespmem:s8+$0x5F80];
	[tilespmem:s8+$0x5F10] =	vst v18;
	v18 =	vmul.f32 v60, v59  }
0x183: {  	v30 =	vld [tilespmem:s8+$0x5F90];
	[tilespmem:s8+$0x5F20] =	vst v19;
	v19 =	vmul.f32 v61, v59  }
0x184: {  	v31 =	vld [tilespmem:s8+$0x5FA0];
	[tilespmem:s8+$0x5F30] =	vst v18;
	v18 =	vmul.f32 v62, v59  }
0x185: {  	v33 =	vld [tilespmem:s8+$0x5FB0];
	v32 =	vperm.xlane v17, v9;
	[tilespmem:s8+$0x5F40] =	vst v19;
	v19 =	vmul.f32 v63, v59  }
0x186: {  	v34 =	vld [tilespmem:s8+$0x5FC0];
	[tilespmem:s8+$0x5F50] =	vst v18;
	v18 =	vmul.f32 v28, v59  }
0x187: {  	v35 =	vld [tilespmem:s8+$0x5FD0];
	[tilespmem:s8+$0x5F60] =	vst v19;
	v19 =	vmul.f32 v29, v32  }
0x188: {  	v36 =	vld [tilespmem:s8+$0x5FE0];
	[tilespmem:s8+$0x5F70] =	vst v18;
	v18 =	vmul.f32 v30, v32  }
0x189: {  	v37 =	vld [tilespmem:s8+$0x5FF0];
	[tilespmem:s8+$0x5F80] =	vst v19;
	v19 =	vmul.f32 v31, v32  }
0x18a: {  	v38 =	vld [tilespmem:s8+$0x6000];
	[tilespmem:s8+$0x5F90] =	vst v18;
	v18 =	vmul.f32 v33, v32  }
0x18b: {  	v39 =	vld [tilespmem:s8+$0x6010];
	[tilespmem:s8+$0x5FA0] =	vst v19;
	v19 =	vmul.f32 v34, v32  }
0x18c: {  	v40 =	vld [tilespmem:s8+$0x6020];
	[tilespmem:s8+$0x5FB0] =	vst v18;
	v18 =	vmul.f32 v35, v32  }
0x18d: {  	v42 =	vld [tilespmem:s8+$0x6030];
	v41 =	vperm.xlane v17, v10;
	[tilespmem:s8+$0x5FC0] =	vst v19;
	v19 =	vmul.f32 v36, v32  }
0x18e: {  	v43 =	vld [tilespmem:s8+$0x6040];
	[tilespmem:s8+$0x5FD0] =	vst v18;
	v18 =	vmul.f32 v37, v32  }
0x18f: {  	v44 =	vld [tilespmem:s8+$0x6050];
	[tilespmem:s8+$0x5FE0] =	vst v19;
	v19 =	vmul.f32 v38, v41  }
0x190: {  	v45 =	vld [tilespmem:s8+$0x6060];
	[tilespmem:s8+$0x5FF0] =	vst v18;
	v18 =	vmul.f32 v39, v41  }
0x191: {  	v46 =	vld [tilespmem:s8+$0x6070];
	[tilespmem:s8+$0x6000] =	vst v19;
	v19 =	vmul.f32 v40, v41  }
0x192: {  	v47 =	vld [tilespmem:s8+$0x6080];
	[tilespmem:s8+$0x6010] =	vst v18;
	v18 =	vmul.f32 v42, v41  }
0x193: {  	v48 =	vld [tilespmem:s8+$0x6090];
	[tilespmem:s8+$0x6020] =	vst v19;
	v19 =	vmul.f32 v43, v41  }
0x194: {  	v49 =	vld [tilespmem:s8+$0x60A0];
	[tilespmem:s8+$0x6030] =	vst v18;
	v18 =	vmul.f32 v44, v41  }
0x195: {  	v51 =	vld [tilespmem:s8+$0x60B0];
	v50 =	vperm.xlane v17, v11;
	[tilespmem:s8+$0x6040] =	vst v19;
	v19 =	vmul.f32 v45, v41  }
0x196: {  	v52 =	vld [tilespmem:s8+$0x60C0];
	[tilespmem:s8+$0x6050] =	vst v18;
	v18 =	vmul.f32 v46, v41  }
0x197: {  	v53 =	vld [tilespmem:s8+$0x60D0];
	[tilespmem:s8+$0x6060] =	vst v19;
	v19 =	vmul.f32 v47, v50  }
0x198: {  	v54 =	vld [tilespmem:s8+$0x60E0];
	[tilespmem:s8+$0x6070] =	vst v18;
	v18 =	vmul.f32 v48, v50  }
0x199: {  	v55 =	vld [tilespmem:s8+$0x60F0];
	[tilespmem:s8+$0x6080] =	vst v19;
	v19 =	vmul.f32 v49, v50  }
0x19a: {  	v56 =	vld [tilespmem:s8+$0x6100];
	[tilespmem:s8+$0x6090] =	vst v18;
	v18 =	vmul.f32 v51, v50  }
0x19b: {  	v57 =	vld [tilespmem:s8+$0x6110];
	[tilespmem:s8+$0x60A0] =	vst v19;
	v19 =	vmul.f32 v52, v50  }
0x19c: {  	v58 =	vld [tilespmem:s8+$0x6120];
	[tilespmem:s8+$0x60B0] =	vst v18;
	v18 =	vmul.f32 v53, v50  }
0x19d: {  	v60 =	vld [tilespmem:s8+$0x6130];
	v59 =	vperm.xlane v17, v12;
	[tilespmem:s8+$0x60C0] =	vst v19;
	v19 =	vmul.f32 v54, v50  }
0x19e: {  	v61 =	vld [tilespmem:s8+$0x6140];
	[tilespmem:s8+$0x60D0] =	vst v18;
	v18 =	vmul.f32 v55, v50  }
0x19f: {  	v62 =	vld [tilespmem:s8+$0x6150];
	[tilespmem:s8+$0x60E0] =	vst v19;
	v19 =	vmul.f32 v56, v59  }
0x1a0: {  	v63 =	vld [tilespmem:s8+$0x6160];
	[tilespmem:s8+$0x60F0] =	vst v18;
	v18 =	vmul.f32 v57, v59  }
0x1a1: {  	v28 =	vld [tilespmem:s8+$0x6170];
	[tilespmem:s8+$0x6100] =	vst v19;
	v19 =	vmul.f32 v58, v59  }
0x1a2: {  	v29 =	vld [tilespmem:s8+$0x6180];
	[tilespmem:s8+$0x6110] =	vst v18;
	v18 =	vmul.f32 v60, v59  }
0x1a3: {  	v30 =	vld [tilespmem:s8+$0x6190];
	[tilespmem:s8+$0x6120] =	vst v19;
	v19 =	vmul.f32 v61, v59  }
0x1a4: {  	v31 =	vld [tilespmem:s8+$0x61A0];
	[tilespmem:s8+$0x6130] =	vst v18;
	v18 =	vmul.f32 v62, v59  }
0x1a5: {  	v33 =	vld [tilespmem:s8+$0x61B0];
	v32 =	vperm.xlane v17, v13;
	[tilespmem:s8+$0x6140] =	vst v19;
	v19 =	vmul.f32 v63, v59  }
0x1a6: {  	v34 =	vld [tilespmem:s8+$0x61C0];
	[tilespmem:s8+$0x6150] =	vst v18;
	v18 =	vmul.f32 v28, v59  }
0x1a7: {  	v35 =	vld [tilespmem:s8+$0x61D0];
	[tilespmem:s8+$0x6160] =	vst v19;
	v19 =	vmul.f32 v29, v32  }
0x1a8: {  	v36 =	vld [tilespmem:s8+$0x61E0];
	[tilespmem:s8+$0x6170] =	vst v18;
	v18 =	vmul.f32 v30, v32  }
0x1a9: {  	v37 =	vld [tilespmem:s8+$0x61F0];
	[tilespmem:s8+$0x6180] =	vst v19;
	v19 =	vmul.f32 v31, v32  }
0x1aa: {  	v38 =	vld [tilespmem:s8+$0x6200];
	[tilespmem:s8+$0x6190] =	vst v18;
	v18 =	vmul.f32 v33, v32  }
0x1ab: {  	v39 =	vld [tilespmem:s8+$0x6210];
	[tilespmem:s8+$0x61A0] =	vst v19;
	v19 =	vmul.f32 v34, v32  }
0x1ac: {  	v40 =	vld [tilespmem:s8+$0x6220];
	[tilespmem:s8+$0x61B0] =	vst v18;
	v18 =	vmul.f32 v35, v32  }
0x1ad: {  	v42 =	vld [tilespmem:s8+$0x6230];
	v41 =	vperm.xlane v17, v14;
	[tilespmem:s8+$0x61C0] =	vst v19;
	v19 =	vmul.f32 v36, v32  }
0x1ae: {  	v43 =	vld [tilespmem:s8+$0x6240];
	[tilespmem:s8+$0x61D0] =	vst v18;
	v18 =	vmul.f32 v37, v32  }
0x1af: {  	v44 =	vld [tilespmem:s8+$0x6250];
	[tilespmem:s8+$0x61E0] =	vst v19;
	v19 =	vmul.f32 v38, v41  }
0x1b0: {  	v45 =	vld [tilespmem:s8+$0x6260];
	[tilespmem:s8+$0x61F0] =	vst v18;
	v18 =	vmul.f32 v39, v41  }
0x1b1: {  	v46 =	vld [tilespmem:s8+$0x6270];
	[tilespmem:s8+$0x6200] =	vst v19;
	v19 =	vmul.f32 v40, v41  }
0x1b2: {  	v47 =	vld [tilespmem:s8+$0x6280];
	[tilespmem:s8+$0x6210] =	vst v18;
	v18 =	vmul.f32 v42, v41  }
0x1b3: {  	v48 =	vld [tilespmem:s8+$0x6290];
	[tilespmem:s8+$0x6220] =	vst v19;
	v19 =	vmul.f32 v43, v41  }
0x1b4: {  	v49 =	vld [tilespmem:s8+$0x62A0];
	[tilespmem:s8+$0x6230] =	vst v18;
	v18 =	vmul.f32 v44, v41  }
0x1b5: {  	v51 =	vld [tilespmem:s8+$0x62B0];
	v50 =	vperm.xlane v17, v15;
	[tilespmem:s8+$0x6240] =	vst v19;
	v19 =	vmul.f32 v45, v41  }
0x1b6: {  	v52 =	vld [tilespmem:s8+$0x62C0];
	[tilespmem:s8+$0x6250] =	vst v18;
	v18 =	vmul.f32 v46, v41  }
0x1b7: {  	v53 =	vld [tilespmem:s8+$0x62D0];
	[tilespmem:s8+$0x6260] =	vst v19;
	v19 =	vmul.f32 v47, v50  }
0x1b8: {  	v54 =	vld [tilespmem:s8+$0x62E0];
	[tilespmem:s8+$0x6270] =	vst v18;
	v18 =	vmul.f32 v48, v50  }
0x1b9: {  	v55 =	vld [tilespmem:s8+$0x62F0];
	[tilespmem:s8+$0x6280] =	vst v19;
	v19 =	vmul.f32 v49, v50  }
0x1ba: {  	v56 =	vld [tilespmem:s8+$0x6300];
	[tilespmem:s8+$0x6290] =	vst v18;
	v18 =	vmul.f32 v51, v50  }
0x1bb: {  	v57 =	vld [tilespmem:s8+$0x6310];
	[tilespmem:s8+$0x62A0] =	vst v19;
	v19 =	vmul.f32 v52, v50  }
0x1bc: {  	v58 =	vld [tilespmem:s8+$0x6320];
	[tilespmem:s8+$0x62B0] =	vst v18;
	v18 =	vmul.f32 v53, v50  }
0x1bd: {  	v17 =	vperm.xlane v17, v16;
	v59 =	vld [tilespmem:s8+$0x6330];
	[tilespmem:s8+$0x62C0] =	vst v19;
	v19 =	vmul.f32 v54, v50  }
0x1be: {  	v60 =	vld [tilespmem:s8+$0x6340];
	[tilespmem:s8+$0x62D0] =	vst v18;
	v18 =	vmul.f32 v55, v50  }
0x1bf: {  	v61 =	vld [tilespmem:s8+$0x6350];
	[tilespmem:s8+$0x62E0] =	vst v19;
	v19 =	vmul.f32 v56, v17  }
0x1c0: {  	v62 =	vld [tilespmem:s8+$0x6360];
	[tilespmem:s8+$0x62F0] =	vst v18;
	v18 =	vmul.f32 v57, v17  }
0x1c1: {  	v63 =	vld [tilespmem:s8+$0x6370];
	[tilespmem:s8+$0x6300] =	vst v19;
	v19 =	vmul.f32 v58, v17  }
0x1c2: {  	[tilespmem:s8+$0x6310] =	vst v18;
	v18 =	vmul.f32 v59, v17  }
0x1c3: {  	p1 =	por p0, p0;
	[tilespmem:s8+$0x6320] =	vst v19;
	v19 =	vmul.f32 v60, v17  }
.Ltmp3:
0x1c4: {  	[tilespmem:s8+$0x6330] =	vst v18;
	v18 =	vmul.f32 v61, v17;
	(pc) =	sbr.rel @p1 .LBB2_5-.Ltmp3, $4  }
0x1c5: {  	[tilespmem:s8+$0x6340] =	vst v19;
	v19 =	vmul.f32 v62, v17  }
0x1c6: {  	[tilespmem:s8+$0x6350] =	vst v18;
	v17 =	vmul.f32 v63, v17  }
0x1c7: {  	[tilespmem:s8+$0x6360] =	vst v19  }
0x1c8: {  	p0 =	por $0x0, $0x0;
	s9 =	simm.s32 $0x20;
	[tilespmem:s8+$0x6370] =	vst v17  }
0x1c9: {  	[spmem:s1] =	stream.indirect.scatter.add.f32 [tilespmem:s24], [sflag:$0x3], $0x80, s21, s22, $0xb8;
	[tilespmem:$0x1FB80] =	vst v63  }
0x1ca: {  	p0 =	seq.s32 s7, $0x50  }
0x1cb: {  	s8 =	sshll.u32 @!p0 s7, $0xB  }
0x1cc: {  	s9 =	simm.s32 @!p0 $0x0;
	s12 =	simm.s32 @!p0 $0x5200;
	s8 =	sadd.s32 @!p0 s8, s10  }
0x1cd: {  	[tilespmem:s12], [sflag:$0x5] =	stream.linear.gather @!p0 [hbm4b:s8+s9], $0x100, $0x38;
	[tilespmem:$0x1FB80] =	vst v63  }
0x1ce: {  	s8 =	simm.s32 @!p0 $0x5  }
0x1cf: {  	_ =	swait.ge @!p0 [sflag:s8], $0x100  }
0x1d0: {  	[sflag:s8] =	ssyncset.done @!p0 $0x0  }
0x1d1: {  	[sflag:s8] =	ssyncadd.s32 @!p0 $0xFFFFFF00;
	s8 =	simm.s32 @!p0 $0x3  }
0x1d2: {  	_ =	swait.ge @!p0 [sflag:s8], $0x2000  }
0x1d3: {  	[sflag:s8] =	ssyncset.done @!p0 $0x0  }
0x1d4: {  	[sflag:s8] =	ssyncadd.s32 @!p0 $0xFFFFE000  }
0x1d5: {  	v17 =	vld @!p0 [tilespmem:$0x5200]  }
0x1d6: {  	v18 =	vld @!p0 [tilespmem:$0x5210]  }
0x1d7: {  	v19 =	vld @!p0 [tilespmem:$0x5220]  }
0x1d8: {  	v20 =	vld @!p0 [tilespmem:$0x5230]  }
0x1d9: {  	v21 =	vld @!p0 [tilespmem:$0x5280]  }
0x1da: {  	[tilespmem:$0x5000] =	vst @!p0 v17;
	v17 =	vld @!p0 [tilespmem:$0x5290]  }
0x1db: {  	[tilespmem:$0x5010] =	vst @!p0 v18;
	v18 =	vld @!p0 [tilespmem:$0x52A0]  }
0x1dc: {  	[tilespmem:$0x5020] =	vst @!p0 v19;
	v19 =	vld @!p0 [tilespmem:$0x52B0]  }
0x1dd: {  	[tilespmem:$0x5030] =	vst @!p0 v20  }
0x1de: {  	[tilespmem:$0x5080] =	vst @!p0 v21  }
0x1df: {  	[tilespmem:$0x5090] =	vst @!p0 v17  }
0x1e0: {  	[tilespmem:$0x50A0] =	vst @!p0 v18  }
0x1e1: {  	s9 =	simm.s32 @!p0 $0x5080;
	s12 =	simm.s32 @!p0 $0x5380;
	s8 =	simm.s32 @!p0 $0x40;
	[tilespmem:$0x50B0] =	vst @!p0 v19  }
0x1e2: {  	[tilespmem:s12], [sflag:$0x1] =	stream.indirect.gather @!p0 [hbm4b:s4+s8], $0x80, s9, s8, $0xb8;
	[tilespmem:$0x1FB80] =	vst v63  }
0x1e3: {  	_ =	swait.ge [sflag:s31], $0x2000  }
0x1e4: {  	[sflag:s31] =	ssyncset.done $0x0  }
0x1e5: {  	[sflag:s31] =	ssyncadd.s32 $0xFFFFE000  }
0x1e6: {  	v17 =	vld [tilespmem:$0x5100]  }
0x1e7: {  	v18 =	vld [tilespmem:$0x5180];
	_ =	sdelay $0x5  }
0x1e8: {  	s9 =	simm.s32 $0x0  }
0x1e9: {  	v19 =	vld.idx.msk [tilespmem:v17+s9+$0x0], $0xffff  }
0x1ea: {  	v18 =	vld.idx.msk [tilespmem:v18+s18+$0x0], $0xffff;
	_ =	sdelay $0x4  }
0x1eb: {  	v18 =	vadd.f32 v18, v19;
	_ =	sdelay $0x1  }
0x1ec: {  	v19 =	vmul.f32 $9.999999770e-03, v18;
	_ =	sdelay $0x1  }
0x1ed: {  	v18 =	vmax.f32 v18, v19  }
0x1ee: {  	v18 =	vmul.f32 $1.442695020e+00, v18;
	_ =	sdelay $0x1  }
0x1ef: {  	(erf) = vpow2.f32 v18;
	_ =	sdelay $0x8  }
0x1f0: {  	v18 =	vpop (erf)  }
0x1f1: {  	[tilespmem:$0x5300] =	vst v18  }
0x1f2: {  	[tilespmem:v17+s30+$0x0] =	vst.idx.add.f32.msk $0x1, v18  }
0x1f3: {  	[tilespmem:v17+s30+$0x0] =	vst.idx.add.f32.msk vm0, v18  }
0x1f4: {  	[tilespmem:v17+s30+$0x0] =	vst.idx.add.f32.msk vm1, v18  }
0x1f5: {  	[tilespmem:v17+s30+$0x0] =	vst.idx.add.f32.msk vm2, v18  }
0x1f6: {  	[tilespmem:v17+s30+$0x0] =	vst.idx.add.f32.msk vm3, v18  }
0x1f7: {  	[tilespmem:v17+s30+$0x0] =	vst.idx.add.f32.msk vm4, v18  }
0x1f8: {  	[tilespmem:v17+s30+$0x0] =	vst.idx.add.f32.msk vm5, v18  }
0x1f9: {  	[tilespmem:v17+s30+$0x0] =	vst.idx.add.f32.msk vm6, v18  }
0x1fa: {  	[tilespmem:v17+s30+$0x0] =	vst.idx.add.f32.msk vm7, v18  }
0x1fb: {  	[tilespmem:v17+s30+$0x0] =	vst.idx.add.f32.msk vm8, v18  }
0x1fc: {  	[tilespmem:v17+s30+$0x0] =	vst.idx.add.f32.msk vm9, v18  }
0x1fd: {  	[tilespmem:v17+s30+$0x0] =	vst.idx.add.f32.msk vm10, v18  }
0x1fe: {  	[tilespmem:v17+s30+$0x0] =	vst.idx.add.f32.msk vm11, v18  }
0x1ff: {  	[tilespmem:v17+s30+$0x0] =	vst.idx.add.f32.msk vm12, v18  }
0x200: {  	[tilespmem:v17+s30+$0x0] =	vst.idx.add.f32.msk vm13, v18  }
0x201: {  	[tilespmem:v17+s30+$0x0] =	vst.idx.add.f32.msk vm14, v18  }
0x202: {  	v17 =	vld [tilespmem:$0x5110]  }
0x203: {  	v18 =	vld [tilespmem:$0x5190];
	_ =	sdelay $0x6  }
0x204: {  	v19 =	vld.idx.msk [tilespmem:v17+s9+$0x0], $0xffff  }
0x205: {  	v18 =	vld.idx.msk [tilespmem:v18+s18+$0x0], $0xffff;
	_ =	sdelay $0x4  }
0x206: {  	v18 =	vadd.f32 v18, v19;
	_ =	sdelay $0x1  }
0x207: {  	v19 =	vmul.f32 $9.999999770e-03, v18;
	_ =	sdelay $0x1  }
0x208: {  	v18 =	vmax.f32 v18, v19  }
0x209: {  	v18 =	vmul.f32 $1.442695020e+00, v18;
	_ =	sdelay $0x1  }
0x20a: {  	(erf) = vpow2.f32 v18;
	_ =	sdelay $0x8  }
0x20b: {  	v18 =	vpop (erf)  }
0x20c: {  	[tilespmem:$0x5310] =	vst v18  }
0x20d: {  	[tilespmem:v17+s30+$0x0] =	vst.idx.add.f32.msk $0x1, v18  }
0x20e: {  	[tilespmem:v17+s30+$0x0] =	vst.idx.add.f32.msk vm0, v18  }
0x20f: {  	[tilespmem:v17+s30+$0x0] =	vst.idx.add.f32.msk vm1, v18  }
0x210: {  	[tilespmem:v17+s30+$0x0] =	vst.idx.add.f32.msk vm2, v18  }
0x211: {  	[tilespmem:v17+s30+$0x0] =	vst.idx.add.f32.msk vm3, v18  }
0x212: {  	[tilespmem:v17+s30+$0x0] =	vst.idx.add.f32.msk vm4, v18  }
0x213: {  	[tilespmem:v17+s30+$0x0] =	vst.idx.add.f32.msk vm5, v18  }
0x214: {  	[tilespmem:v17+s30+$0x0] =	vst.idx.add.f32.msk vm6, v18  }
0x215: {  	[tilespmem:v17+s30+$0x0] =	vst.idx.add.f32.msk vm7, v18  }
0x216: {  	[tilespmem:v17+s30+$0x0] =	vst.idx.add.f32.msk vm8, v18  }
0x217: {  	[tilespmem:v17+s30+$0x0] =	vst.idx.add.f32.msk vm9, v18  }
0x218: {  	[tilespmem:v17+s30+$0x0] =	vst.idx.add.f32.msk vm10, v18  }
0x219: {  	[tilespmem:v17+s30+$0x0] =	vst.idx.add.f32.msk vm11, v18  }
0x21a: {  	[tilespmem:v17+s30+$0x0] =	vst.idx.add.f32.msk vm12, v18  }
0x21b: {  	[tilespmem:v17+s30+$0x0] =	vst.idx.add.f32.msk vm13, v18  }
0x21c: {  	[tilespmem:v17+s30+$0x0] =	vst.idx.add.f32.msk vm14, v18  }
0x21d: {  	v17 =	vld [tilespmem:$0x5120]  }
0x21e: {  	v18 =	vld [tilespmem:$0x51A0];
	_ =	sdelay $0x6  }
0x21f: {  	v19 =	vld.idx.msk [tilespmem:v17+s9+$0x0], $0xffff  }
0x220: {  	v18 =	vld.idx.msk [tilespmem:v18+s18+$0x0], $0xffff;
	_ =	sdelay $0x4  }
0x221: {  	v18 =	vadd.f32 v18, v19;
	_ =	sdelay $0x1  }
0x222: {  	v19 =	vmul.f32 $9.999999770e-03, v18;
	_ =	sdelay $0x1  }
0x223: {  	v18 =	vmax.f32 v18, v19  }
0x224: {  	v18 =	vmul.f32 $1.442695020e+00, v18;
	_ =	sdelay $0x1  }
0x225: {  	(erf) = vpow2.f32 v18;
	_ =	sdelay $0x8  }
0x226: {  	v18 =	vpop (erf)  }
0x227: {  	[tilespmem:$0x5320] =	vst v18  }
0x228: {  	[tilespmem:v17+s30+$0x0] =	vst.idx.add.f32.msk $0x1, v18  }
0x229: {  	[tilespmem:v17+s30+$0x0] =	vst.idx.add.f32.msk vm0, v18  }
0x22a: {  	[tilespmem:v17+s30+$0x0] =	vst.idx.add.f32.msk vm1, v18  }
0x22b: {  	[tilespmem:v17+s30+$0x0] =	vst.idx.add.f32.msk vm2, v18  }
0x22c: {  	[tilespmem:v17+s30+$0x0] =	vst.idx.add.f32.msk vm3, v18  }
0x22d: {  	[tilespmem:v17+s30+$0x0] =	vst.idx.add.f32.msk vm4, v18  }
0x22e: {  	[tilespmem:v17+s30+$0x0] =	vst.idx.add.f32.msk vm5, v18  }
0x22f: {  	[tilespmem:v17+s30+$0x0] =	vst.idx.add.f32.msk vm6, v18  }
0x230: {  	[tilespmem:v17+s30+$0x0] =	vst.idx.add.f32.msk vm7, v18  }
0x231: {  	[tilespmem:v17+s30+$0x0] =	vst.idx.add.f32.msk vm8, v18  }
0x232: {  	[tilespmem:v17+s30+$0x0] =	vst.idx.add.f32.msk vm9, v18  }
0x233: {  	[tilespmem:v17+s30+$0x0] =	vst.idx.add.f32.msk vm10, v18  }
0x234: {  	[tilespmem:v17+s30+$0x0] =	vst.idx.add.f32.msk vm11, v18  }
0x235: {  	[tilespmem:v17+s30+$0x0] =	vst.idx.add.f32.msk vm12, v18  }
0x236: {  	[tilespmem:v17+s30+$0x0] =	vst.idx.add.f32.msk vm13, v18  }
0x237: {  	[tilespmem:v17+s30+$0x0] =	vst.idx.add.f32.msk vm14, v18  }
0x238: {  	v17 =	vld [tilespmem:$0x5130]  }
0x239: {  	v18 =	vld [tilespmem:$0x51B0];
	_ =	sdelay $0x6  }
0x23a: {  	v19 =	vld.idx.msk [tilespmem:v17+s9+$0x0], $0xffff  }
0x23b: {  	v18 =	vld.idx.msk [tilespmem:v18+s18+$0x0], $0xffff;
	_ =	sdelay $0x4  }
0x23c: {  	v18 =	vadd.f32 v18, v19;
	_ =	sdelay $0x1  }
0x23d: {  	v19 =	vmul.f32 $9.999999770e-03, v18;
	_ =	sdelay $0x1  }
0x23e: {  	v18 =	vmax.f32 v18, v19  }
0x23f: {  	v18 =	vmul.f32 $1.442695020e+00, v18;
	_ =	sdelay $0x1  }
0x240: {  	(erf) = vpow2.f32 v18;
	_ =	sdelay $0x8  }
0x241: {  	v18 =	vpop (erf)  }
0x242: {  	[tilespmem:$0x5330] =	vst v18  }
0x243: {  	[tilespmem:v17+s30+$0x0] =	vst.idx.add.f32.msk $0x1, v18  }
0x244: {  	[tilespmem:v17+s30+$0x0] =	vst.idx.add.f32.msk vm0, v18  }
0x245: {  	[tilespmem:v17+s30+$0x0] =	vst.idx.add.f32.msk vm1, v18  }
0x246: {  	[tilespmem:v17+s30+$0x0] =	vst.idx.add.f32.msk vm2, v18  }
0x247: {  	[tilespmem:v17+s30+$0x0] =	vst.idx.add.f32.msk vm3, v18  }
0x248: {  	[tilespmem:v17+s30+$0x0] =	vst.idx.add.f32.msk vm4, v18  }
0x249: {  	[tilespmem:v17+s30+$0x0] =	vst.idx.add.f32.msk vm5, v18  }
0x24a: {  	[tilespmem:v17+s30+$0x0] =	vst.idx.add.f32.msk vm6, v18  }
0x24b: {  	[tilespmem:v17+s30+$0x0] =	vst.idx.add.f32.msk vm7, v18  }
0x24c: {  	[tilespmem:v17+s30+$0x0] =	vst.idx.add.f32.msk vm8, v18  }
0x24d: {  	[tilespmem:v17+s30+$0x0] =	vst.idx.add.f32.msk vm9, v18  }
0x24e: {  	[tilespmem:v17+s30+$0x0] =	vst.idx.add.f32.msk vm10, v18  }
0x24f: {  	[tilespmem:v17+s30+$0x0] =	vst.idx.add.f32.msk vm11, v18  }
0x250: {  	[tilespmem:v17+s30+$0x0] =	vst.idx.add.f32.msk vm12, v18  }
0x251: {  	[tilespmem:v17+s30+$0x0] =	vst.idx.add.f32.msk vm13, v18  }
0x252: {  	p1 =	por $0x1, $0x1;
	[tilespmem:v17+s30+$0x0] =	vst.idx.add.f32.msk vm14, v18  }
.LBB2_7:
0x253: {  	v18 =	vld [tilespmem:s9+$0x5300];
	s12 =	sshll.u32 s9, $0x7  }
0x254: {  	s8 =	sand.u32 $0x3FFFFF80, s12  }
0x255: {  	v17 =	vld [tilespmem:s8+$0x7380]  }
0x256: {  	v19 =	vld [tilespmem:s8+$0x7390]  }
0x257: {  	v20 =	vld [tilespmem:s8+$0x73A0]  }
0x258: {  	v22 =	vld [tilespmem:s8+$0x73B0];
	v21 =	vperm.xlane v18, v1  }
0x259: {  	v23 =	vld [tilespmem:s8+$0x73C0]  }
0x25a: {  	v24 =	vld [tilespmem:s8+$0x73D0];
	v17 =	vmul.f32 v17, v21  }
0x25b: {  	v25 =	vld [tilespmem:s8+$0x73E0];
	v19 =	vmul.f32 v19, v21  }
0x25c: {  	[tilespmem:s8+$0x7380] =	vst v17;
	v17 =	vmul.f32 v20, v21  }
0x25d: {  	[tilespmem:s8+$0x7390] =	vst v19;
	v19 =	vmul.f32 v22, v21  }
0x25e: {  	[tilespmem:s8+$0x73A0] =	vst v17;
	v17 =	vmul.f32 v23, v21  }
0x25f: {  	[tilespmem:s8+$0x73B0] =	vst v19;
	v19 =	vmul.f32 v24, v21  }
0x260: {  	[tilespmem:s8+$0x73C0] =	vst v17;
	v17 =	vmul.f32 v25, v21  }
0x261: {  	[tilespmem:s8+$0x73D0] =	vst v19  }
0x262: {  	[tilespmem:s8+$0x73E0] =	vst v17  }
0x263: {  	v17 =	vld [tilespmem:s8+$0x73F0]  }
0x264: {  	v19 =	vld [tilespmem:s8+$0x7400]  }
0x265: {  	v34 =	vld [tilespmem:s8+$0x7410]  }
0x266: {  	v35 =	vld [tilespmem:s8+$0x7420]  }
0x267: {  	v36 =	vld [tilespmem:s8+$0x7430]  }
0x268: {  	v37 =	vperm.xlane v18, v2;
	v38 =	vld [tilespmem:s8+$0x7440]  }
0x269: {  	v39 =	vld [tilespmem:s8+$0x7450];
	v17 =	vmul.f32 v17, v21  }
0x26a: {  	v26 =	vld [tilespmem:s8+$0x7460];
	v19 =	vmul.f32 v19, v37  }
0x26b: {  	v40 =	vld [tilespmem:s8+$0x7470];
	[tilespmem:s8+$0x73F0] =	vst v17;
	v17 =	vmul.f32 v34, v37  }
0x26c: {  	v41 =	vld [tilespmem:s8+$0x7480];
	[tilespmem:s8+$0x7400] =	vst v19;
	v19 =	vmul.f32 v35, v37  }
0x26d: {  	v42 =	vld [tilespmem:s8+$0x7490];
	[tilespmem:s8+$0x7410] =	vst v17;
	v17 =	vmul.f32 v36, v37  }
0x26e: {  	v43 =	vld [tilespmem:s8+$0x74A0];
	[tilespmem:s8+$0x7420] =	vst v19;
	v19 =	vmul.f32 v38, v37  }
0x26f: {  	v44 =	vld [tilespmem:s8+$0x74B0];
	[tilespmem:s8+$0x7430] =	vst v17;
	v17 =	vmul.f32 v39, v37  }
0x270: {  	v45 =	vperm.xlane v18, v3;
	v27 =	vld [tilespmem:s8+$0x74C0];
	[tilespmem:s8+$0x7440] =	vst v19;
	v19 =	vmul.f32 v26, v37  }
0x271: {  	v46 =	vld [tilespmem:s8+$0x74D0];
	[tilespmem:s8+$0x7450] =	vst v17;
	v17 =	vmul.f32 v40, v37  }
0x272: {  	v47 =	vld [tilespmem:s8+$0x74E0];
	[tilespmem:s8+$0x7460] =	vst v19;
	v19 =	vmul.f32 v41, v45  }
0x273: {  	v48 =	vld [tilespmem:s8+$0x74F0];
	[tilespmem:s8+$0x7470] =	vst v17;
	v17 =	vmul.f32 v42, v45  }
0x274: {  	v49 =	vld [tilespmem:s8+$0x7500];
	[tilespmem:s8+$0x7480] =	vst v19;
	v19 =	vmul.f32 v43, v45  }
0x275: {  	v50 =	vld [tilespmem:s8+$0x7510];
	[tilespmem:s8+$0x7490] =	vst v17;
	v17 =	vmul.f32 v44, v45  }
0x276: {  	v51 =	vld [tilespmem:s8+$0x7520];
	[tilespmem:s8+$0x74A0] =	vst v19;
	v19 =	vmul.f32 v27, v45  }
0x277: {  	v52 =	vld [tilespmem:s8+$0x7530];
	[tilespmem:s8+$0x74B0] =	vst v17;
	v17 =	vmul.f32 v46, v45  }
0x278: {  	v53 =	vperm.xlane v18, v4;
	v54 =	vld [tilespmem:s8+$0x7540];
	[tilespmem:s8+$0x74C0] =	vst v19;
	v19 =	vmul.f32 v47, v45  }
0x279: {  	v55 =	vld [tilespmem:s8+$0x7550];
	[tilespmem:s8+$0x74D0] =	vst v17;
	v17 =	vmul.f32 v48, v45  }
0x27a: {  	v56 =	vld [tilespmem:s8+$0x7560];
	[tilespmem:s8+$0x74E0] =	vst v19;
	v19 =	vmul.f32 v49, v53  }
0x27b: {  	v57 =	vld [tilespmem:s8+$0x7570];
	[tilespmem:s8+$0x74F0] =	vst v17;
	v17 =	vmul.f32 v50, v53  }
0x27c: {  	v58 =	vld [tilespmem:s8+$0x7580];
	[tilespmem:s8+$0x7500] =	vst v19;
	v19 =	vmul.f32 v51, v53  }
0x27d: {  	v59 =	vld [tilespmem:s8+$0x7590];
	[tilespmem:s8+$0x7510] =	vst v17;
	v17 =	vmul.f32 v52, v53  }
0x27e: {  	v60 =	vld [tilespmem:s8+$0x75A0];
	[tilespmem:s8+$0x7520] =	vst v19;
	v19 =	vmul.f32 v54, v53  }
0x27f: {  	v61 =	vld [tilespmem:s8+$0x75B0];
	[tilespmem:s8+$0x7530] =	vst v17;
	v17 =	vmul.f32 v55, v53  }
0x280: {  	v62 =	vperm.xlane v18, v5;
	v63 =	vld [tilespmem:s8+$0x75C0];
	[tilespmem:s8+$0x7540] =	vst v19;
	v19 =	vmul.f32 v56, v53  }
0x281: {  	v28 =	vld [tilespmem:s8+$0x75D0];
	[tilespmem:s8+$0x7550] =	vst v17;
	v17 =	vmul.f32 v57, v53  }
0x282: {  	v29 =	vld [tilespmem:s8+$0x75E0];
	[tilespmem:s8+$0x7560] =	vst v19;
	v19 =	vmul.f32 v58, v62  }
0x283: {  	v30 =	vld [tilespmem:s8+$0x75F0];
	[tilespmem:s8+$0x7570] =	vst v17;
	v17 =	vmul.f32 v59, v62  }
0x284: {  	v31 =	vld [tilespmem:s8+$0x7600];
	[tilespmem:s8+$0x7580] =	vst v19;
	v19 =	vmul.f32 v60, v62  }
0x285: {  	v32 =	vld [tilespmem:s8+$0x7610];
	[tilespmem:s8+$0x7590] =	vst v17;
	v17 =	vmul.f32 v61, v62  }
0x286: {  	v33 =	vld [tilespmem:s8+$0x7620];
	[tilespmem:s8+$0x75A0] =	vst v19;
	v19 =	vmul.f32 v63, v62  }
0x287: {  	v34 =	vld [tilespmem:s8+$0x7630];
	[tilespmem:s8+$0x75B0] =	vst v17;
	v17 =	vmul.f32 v28, v62  }
0x288: {  	v35 =	vperm.xlane v18, v6;
	v36 =	vld [tilespmem:s8+$0x7640];
	[tilespmem:s8+$0x75C0] =	vst v19;
	v19 =	vmul.f32 v29, v62  }
0x289: {  	v38 =	vld [tilespmem:s8+$0x7660];
	[tilespmem:s8+$0x75D0] =	vst v17;
	v17 =	vmul.f32 v30, v62  }
0x28a: {  	v37 =	vld [tilespmem:s8+$0x7650];
	[tilespmem:s8+$0x75E0] =	vst v19;
	v19 =	vmul.f32 v31, v35  }
0x28b: {  	v39 =	vld [tilespmem:s8+$0x7670];
	[tilespmem:s8+$0x75F0] =	vst v17;
	v17 =	vmul.f32 v32, v35  }
0x28c: {  	v40 =	vld [tilespmem:s8+$0x7680];
	[tilespmem:s8+$0x7600] =	vst v19;
	v19 =	vmul.f32 v33, v35  }
0x28d: {  	v41 =	vld [tilespmem:s8+$0x7690];
	[tilespmem:s8+$0x7610] =	vst v17;
	v17 =	vmul.f32 v34, v35  }
0x28e: {  	v42 =	vld [tilespmem:s8+$0x76A0];
	[tilespmem:s8+$0x7620] =	vst v19;
	v19 =	vmul.f32 v36, v35  }
0x28f: {  	v43 =	vld [tilespmem:s8+$0x76B0];
	[tilespmem:s8+$0x7630] =	vst v17;
	v17 =	vmul.f32 v37, v35  }
0x290: {  	v44 =	vperm.xlane v18, v7;
	v46 =	vld [tilespmem:s8+$0x76D0];
	[tilespmem:s8+$0x7640] =	vst v19;
	v19 =	vmul.f32 v38, v35  }
0x291: {  	v45 =	vld [tilespmem:s8+$0x76C0];
	[tilespmem:s8+$0x7650] =	vst v17;
	v17 =	vmul.f32 v39, v35  }
0x292: {  	v47 =	vld [tilespmem:s8+$0x76E0];
	[tilespmem:s8+$0x7660] =	vst v19;
	v19 =	vmul.f32 v40, v44  }
0x293: {  	v48 =	vld [tilespmem:s8+$0x76F0];
	[tilespmem:s8+$0x7670] =	vst v17;
	v17 =	vmul.f32 v41, v44  }
0x294: {  	v49 =	vld [tilespmem:s8+$0x7700];
	[tilespmem:s8+$0x7680] =	vst v19;
	v19 =	vmul.f32 v42, v44  }
0x295: {  	v50 =	vld [tilespmem:s8+$0x7710];
	[tilespmem:s8+$0x7690] =	vst v17;
	v17 =	vmul.f32 v43, v44  }
0x296: {  	v51 =	vld [tilespmem:s8+$0x7720];
	[tilespmem:s8+$0x76A0] =	vst v19;
	v19 =	vmul.f32 v45, v44  }
0x297: {  	v52 =	vld [tilespmem:s8+$0x7730];
	[tilespmem:s8+$0x76B0] =	vst v17;
	v17 =	vmul.f32 v46, v44  }
0x298: {  	v54 =	vld [tilespmem:s8+$0x7740];
	v53 =	vperm.xlane v18, v8;
	[tilespmem:s8+$0x76C0] =	vst v19;
	v19 =	vmul.f32 v47, v44  }
0x299: {  	v55 =	vld [tilespmem:s8+$0x7750];
	[tilespmem:s8+$0x76D0] =	vst v17;
	v17 =	vmul.f32 v48, v44  }
0x29a: {  	v56 =	vld [tilespmem:s8+$0x7760];
	[tilespmem:s8+$0x76E0] =	vst v19;
	v19 =	vmul.f32 v49, v53  }
0x29b: {  	v57 =	vld [tilespmem:s8+$0x7770];
	[tilespmem:s8+$0x76F0] =	vst v17;
	v17 =	vmul.f32 v50, v53  }
0x29c: {  	v58 =	vld [tilespmem:s8+$0x7780];
	[tilespmem:s8+$0x7700] =	vst v19;
	v19 =	vmul.f32 v51, v53  }
0x29d: {  	v59 =	vld [tilespmem:s8+$0x7790];
	[tilespmem:s8+$0x7710] =	vst v17;
	v17 =	vmul.f32 v52, v53  }
0x29e: {  	v60 =	vld [tilespmem:s8+$0x77A0];
	[tilespmem:s8+$0x7720] =	vst v19;
	v19 =	vmul.f32 v54, v53  }
0x29f: {  	v61 =	vld [tilespmem:s8+$0x77B0];
	[tilespmem:s8+$0x7730] =	vst v17;
	v17 =	vmul.f32 v55, v53  }
0x2a0: {  	v63 =	vld [tilespmem:s8+$0x77C0];
	v62 =	vperm.xlane v18, v9;
	[tilespmem:s8+$0x7740] =	vst v19;
	v19 =	vmul.f32 v56, v53  }
0x2a1: {  	v30 =	vld [tilespmem:s8+$0x77D0];
	[tilespmem:s8+$0x7750] =	vst v17;
	v17 =	vmul.f32 v57, v53  }
0x2a2: {  	v31 =	vld [tilespmem:s8+$0x77E0];
	[tilespmem:s8+$0x7760] =	vst v19;
	v19 =	vmul.f32 v58, v62  }
0x2a3: {  	v32 =	vld [tilespmem:s8+$0x77F0];
	[tilespmem:s8+$0x7770] =	vst v17;
	v17 =	vmul.f32 v59, v62  }
0x2a4: {  	v33 =	vld [tilespmem:s8+$0x7800];
	[tilespmem:s8+$0x7780] =	vst v19;
	v19 =	vmul.f32 v60, v62  }
0x2a5: {  	v34 =	vld [tilespmem:s8+$0x7810];
	[tilespmem:s8+$0x7790] =	vst v17;
	v17 =	vmul.f32 v61, v62  }
0x2a6: {  	v36 =	vld [tilespmem:s8+$0x7830];
	[tilespmem:s8+$0x77A0] =	vst v19;
	v19 =	vmul.f32 v63, v62  }
0x2a7: {  	v35 =	vld [tilespmem:s8+$0x7820];
	[tilespmem:s8+$0x77B0] =	vst v17;
	v17 =	vmul.f32 v30, v62  }
0x2a8: {  	v37 =	vperm.xlane v18, v10;
	v38 =	vld [tilespmem:s8+$0x7840];
	[tilespmem:s8+$0x77C0] =	vst v19;
	v19 =	vmul.f32 v31, v62  }
0x2a9: {  	v39 =	vld [tilespmem:s8+$0x7850];
	[tilespmem:s8+$0x77D0] =	vst v17;
	v17 =	vmul.f32 v32, v62  }
0x2aa: {  	v40 =	vld [tilespmem:s8+$0x7860];
	[tilespmem:s8+$0x77E0] =	vst v19;
	v19 =	vmul.f32 v33, v37  }
0x2ab: {  	v41 =	vld [tilespmem:s8+$0x7870];
	[tilespmem:s8+$0x77F0] =	vst v17;
	v17 =	vmul.f32 v34, v37  }
0x2ac: {  	v42 =	vld [tilespmem:s8+$0x7880];
	[tilespmem:s8+$0x7800] =	vst v19;
	v19 =	vmul.f32 v35, v37  }
0x2ad: {  	v43 =	vld [tilespmem:s8+$0x7890];
	[tilespmem:s8+$0x7810] =	vst v17;
	v17 =	vmul.f32 v36, v37  }
0x2ae: {  	v45 =	vld [tilespmem:s8+$0x78B0];
	[tilespmem:s8+$0x7820] =	vst v19;
	v19 =	vmul.f32 v38, v37  }
0x2af: {  	v44 =	vld [tilespmem:s8+$0x78A0];
	[tilespmem:s8+$0x7830] =	vst v17;
	v17 =	vmul.f32 v39, v37  }
0x2b0: {  	v46 =	vperm.xlane v18, v11;
	v47 =	vld [tilespmem:s8+$0x78C0];
	[tilespmem:s8+$0x7840] =	vst v19;
	v19 =	vmul.f32 v40, v37  }
0x2b1: {  	v48 =	vld [tilespmem:s8+$0x78D0];
	[tilespmem:s8+$0x7850] =	vst v17;
	v17 =	vmul.f32 v41, v37  }
0x2b2: {  	v49 =	vld [tilespmem:s8+$0x78E0];
	[tilespmem:s8+$0x7860] =	vst v19;
	v19 =	vmul.f32 v42, v46  }
0x2b3: {  	v50 =	vld [tilespmem:s8+$0x78F0];
	[tilespmem:s8+$0x7870] =	vst v17;
	v17 =	vmul.f32 v43, v46  }
0x2b4: {  	v51 =	vld [tilespmem:s8+$0x7900];
	[tilespmem:s8+$0x7880] =	vst v19;
	v19 =	vmul.f32 v44, v46  }
0x2b5: {  	v52 =	vld [tilespmem:s8+$0x7910];
	[tilespmem:s8+$0x7890] =	vst v17;
	v17 =	vmul.f32 v45, v46  }
0x2b6: {  	v54 =	vld [tilespmem:s8+$0x7930];
	[tilespmem:s8+$0x78A0] =	vst v19;
	v19 =	vmul.f32 v47, v46  }
0x2b7: {  	v53 =	vld [tilespmem:s8+$0x7920];
	[tilespmem:s8+$0x78B0] =	vst v17;
	v17 =	vmul.f32 v48, v46  }
0x2b8: {  	v55 =	vperm.xlane v18, v12;
	v56 =	vld [tilespmem:s8+$0x7940];
	[tilespmem:s8+$0x78C0] =	vst v19;
	v19 =	vmul.f32 v49, v46  }
0x2b9: {  	v57 =	vld [tilespmem:s8+$0x7950];
	[tilespmem:s8+$0x78D0] =	vst v17;
	v17 =	vmul.f32 v50, v46  }
0x2ba: {  	v58 =	vld [tilespmem:s8+$0x7960];
	[tilespmem:s8+$0x78E0] =	vst v19;
	v19 =	vmul.f32 v51, v55  }
0x2bb: {  	v59 =	vld [tilespmem:s8+$0x7970];
	[tilespmem:s8+$0x78F0] =	vst v17;
	v17 =	vmul.f32 v52, v55  }
0x2bc: {  	v60 =	vld [tilespmem:s8+$0x7980];
	[tilespmem:s8+$0x7900] =	vst v19;
	v19 =	vmul.f32 v53, v55  }
0x2bd: {  	v61 =	vld [tilespmem:s8+$0x7990];
	[tilespmem:s8+$0x7910] =	vst v17;
	v17 =	vmul.f32 v54, v55  }
0x2be: {  	v63 =	vld [tilespmem:s8+$0x79B0];
	[tilespmem:s8+$0x7920] =	vst v19;
	v19 =	vmul.f32 v56, v55  }
0x2bf: {  	v62 =	vld [tilespmem:s8+$0x79A0];
	[tilespmem:s8+$0x7930] =	vst v17;
	v17 =	vmul.f32 v57, v55  }
0x2c0: {  	v30 =	vperm.xlane v18, v13;
	v31 =	vld [tilespmem:s8+$0x79C0];
	[tilespmem:s8+$0x7940] =	vst v19;
	v19 =	vmul.f32 v58, v55  }
0x2c1: {  	v32 =	vld [tilespmem:s8+$0x79D0];
	[tilespmem:s8+$0x7950] =	vst v17;
	v17 =	vmul.f32 v59, v55  }
0x2c2: {  	v33 =	vld [tilespmem:s8+$0x79E0];
	[tilespmem:s8+$0x7960] =	vst v19;
	v19 =	vmul.f32 v60, v30  }
0x2c3: {  	v34 =	vld [tilespmem:s8+$0x79F0];
	[tilespmem:s8+$0x7970] =	vst v17;
	v17 =	vmul.f32 v61, v30  }
0x2c4: {  	v35 =	vld [tilespmem:s8+$0x7A00];
	[tilespmem:s8+$0x7980] =	vst v19;
	v19 =	vmul.f32 v62, v30  }
0x2c5: {  	v36 =	vld [tilespmem:s8+$0x7A10];
	[tilespmem:s8+$0x7990] =	vst v17;
	v17 =	vmul.f32 v63, v30  }
0x2c6: {  	v38 =	vld [tilespmem:s8+$0x7A30];
	[tilespmem:s8+$0x79A0] =	vst v19;
	v19 =	vmul.f32 v31, v30  }
0x2c7: {  	v37 =	vld [tilespmem:s8+$0x7A20];
	[tilespmem:s8+$0x79B0] =	vst v17;
	v17 =	vmul.f32 v32, v30  }
0x2c8: {  	v39 =	vperm.xlane v18, v14;
	v40 =	vld [tilespmem:s8+$0x7A40];
	[tilespmem:s8+$0x79C0] =	vst v19;
	v19 =	vmul.f32 v33, v30  }
0x2c9: {  	v41 =	vld [tilespmem:s8+$0x7A50];
	[tilespmem:s8+$0x79D0] =	vst v17;
	v17 =	vmul.f32 v34, v30  }
0x2ca: {  	v42 =	vld [tilespmem:s8+$0x7A60];
	[tilespmem:s8+$0x79E0] =	vst v19;
	v19 =	vmul.f32 v35, v39  }
0x2cb: {  	v43 =	vld [tilespmem:s8+$0x7A70];
	[tilespmem:s8+$0x79F0] =	vst v17;
	v17 =	vmul.f32 v36, v39  }
0x2cc: {  	v44 =	vld [tilespmem:s8+$0x7A80];
	[tilespmem:s8+$0x7A00] =	vst v19;
	v19 =	vmul.f32 v37, v39  }
0x2cd: {  	v45 =	vld [tilespmem:s8+$0x7A90];
	[tilespmem:s8+$0x7A10] =	vst v17;
	v17 =	vmul.f32 v38, v39  }
0x2ce: {  	v47 =	vld [tilespmem:s8+$0x7AB0];
	[tilespmem:s8+$0x7A20] =	vst v19;
	v19 =	vmul.f32 v40, v39  }
0x2cf: {  	v46 =	vld [tilespmem:s8+$0x7AA0];
	[tilespmem:s8+$0x7A30] =	vst v17;
	v17 =	vmul.f32 v41, v39  }
0x2d0: {  	v48 =	vperm.xlane v18, v15;
	v49 =	vld [tilespmem:s8+$0x7AC0];
	[tilespmem:s8+$0x7A40] =	vst v19;
	v19 =	vmul.f32 v42, v39  }
0x2d1: {  	v50 =	vld [tilespmem:s8+$0x7AD0];
	[tilespmem:s8+$0x7A50] =	vst v17;
	v17 =	vmul.f32 v43, v39  }
0x2d2: {  	v51 =	vld [tilespmem:s8+$0x7AE0];
	[tilespmem:s8+$0x7A60] =	vst v19;
	v19 =	vmul.f32 v44, v48  }
0x2d3: {  	v22 =	vmul.f32 v45, v48;
	v52 =	vld [tilespmem:s8+$0x7AF0];
	[tilespmem:s8+$0x7A70] =	vst v17  }
0x2d4: {  	s12 =	sor.u32 $0x800, s12;
	[tilespmem:s8+$0x7A80] =	vst v19;
	v19 =	vmul.f32 v46, v48;
	v17 =	vld [tilespmem:s9+$0x5310]  }
0x2d5: {  	v21 =	vmul.f32 v47, v48;
	v53 =	vld [tilespmem:s8+$0x7B00];
	[tilespmem:s8+$0x7A90] =	vst v22;
	s9 =	sand.u32 $0x3FFFFF80, s12  }
0x2d6: {  	v54 =	vld [tilespmem:s9+$0x7380];
	[tilespmem:s8+$0x7AA0] =	vst v19;
	v19 =	vmul.f32 v49, v48  }
0x2d7: {  	[tilespmem:s8+$0x7AB0] =	vst v21;
	v20 =	vmul.f32 v50, v48;
	v55 =	vld [tilespmem:s9+$0x7390]  }
0x2d8: {  	v18 =	vperm.xlane v18, v16;
	v56 =	vld [tilespmem:s9+$0x73A0];
	[tilespmem:s8+$0x7AC0] =	vst v19;
	v19 =	vmul.f32 v51, v48  }
0x2d9: {  	[tilespmem:s8+$0x7AD0] =	vst v20;
	v57 =	vmul.f32 v52, v48;
	v59 =	vld [tilespmem:s9+$0x73B0];
	v58 =	vperm.xlane v17, v1  }
0x2da: {  	v60 =	vld [tilespmem:s9+$0x73C0];
	[tilespmem:s8+$0x7AE0] =	vst v19;
	v19 =	vmul.f32 v53, v18  }
0x2db: {  	[tilespmem:s8+$0x7AF0] =	vst v57;
	v62 =	vld [tilespmem:s9+$0x73D0];
	v61 =	vmul.f32 v54, v58  }
0x2dc: {  	v63 =	vld [tilespmem:s9+$0x73E0];
	[tilespmem:s8+$0x7B00] =	vst v19;
	v19 =	vmul.f32 v55, v58  }
0x2dd: {  	v29 =	vld [tilespmem:s9+$0x73F0];
	v28 =	vmul.f32 v56, v58;
	[tilespmem:s9+$0x7380] =	vst v61  }
0x2de: {  	v25 =	vmul.f32 v59, v58;
	[tilespmem:s9+$0x7390] =	vst v19;
	v19 =	vld [tilespmem:s8+$0x7B10]  }
0x2df: {  	v32 =	vld [tilespmem:s8+$0x7B40];
	v22 =	vmul.f32 v60, v58;
	[tilespmem:s9+$0x73A0] =	vst v28  }
0x2e0: {  	v31 =	vld [tilespmem:s8+$0x7B30];
	v26 =	vmul.f32 v62, v58;
	[tilespmem:s9+$0x73B0] =	vst v25  }
0x2e1: {  	v30 =	vld [tilespmem:s8+$0x7B20];
	v21 =	vmul.f32 v63, v58;
	[tilespmem:s9+$0x73C0] =	vst v22  }
0x2e2: {  	v33 =	vld [tilespmem:s8+$0x7B50];
	v23 =	vmul.f32 v29, v58;
	[tilespmem:s9+$0x73D0] =	vst v26  }
0x2e3: {  	v34 =	vld [tilespmem:s8+$0x7B60];
	[tilespmem:s9+$0x73E0] =	vst v21;
	v19 =	vmul.f32 v19, v18  }
0x2e4: {  	v35 =	vld [tilespmem:s8+$0x7B70];
	v36 =	vmul.f32 v32, v18;
	[tilespmem:s9+$0x73F0] =	vst v23  }
0x2e5: {  	v23 =	vld [tilespmem:s8+$0x7C00];
	[tilespmem:s8+$0x7B10] =	vst v19;
	v19 =	vmul.f32 v31, v18  }
0x2e6: {  	v20 =	vmul.f32 v30, v18;
	[tilespmem:s8+$0x7B40] =	vst v36;
	v37 =	vld [tilespmem:s8+$0x7C10]  }
0x2e7: {  	v38 =	vld [tilespmem:s8+$0x7C20];
	[tilespmem:s8+$0x7B30] =	vst v19;
	v19 =	vmul.f32 v33, v18  }
0x2e8: {  	[tilespmem:s8+$0x7B20] =	vst v20;
	v39 =	vmul.f32 v34, v18;
	v40 =	vperm.xlane v17, v2;
	v41 =	vld [tilespmem:s8+$0x7C30]  }
0x2e9: {  	v18 =	vmul.f32 v35, v18;
	[tilespmem:s8+$0x7B50] =	vst v19;
	v19 =	vld [tilespmem:s8+$0x7C40]  }
0x2ea: {  	[tilespmem:s8+$0x7B60] =	vst v39;
	v43 =	vld [tilespmem:s8+$0x7C50];
	v42 =	vmul.f32 v23, v40  }
0x2eb: {  	v44 =	vld [tilespmem:s8+$0x7C60];
	[tilespmem:s8+$0x7B70] =	vst v18;
	v18 =	vmul.f32 v37, v40  }
0x2ec: {  	v46 =	vld [tilespmem:s8+$0x7C70];
	v45 =	vmul.f32 v38, v40;
	[tilespmem:s8+$0x7C00] =	vst v42  }
0x2ed: {  	v47 =	vld [tilespmem:s8+$0x7C80];
	[tilespmem:s8+$0x7C10] =	vst v18;
	v18 =	vmul.f32 v41, v40  }
0x2ee: {  	v48 =	vld [tilespmem:s8+$0x7C90];
	[tilespmem:s8+$0x7C20] =	vst v45;
	v19 =	vmul.f32 v19, v40  }
0x2ef: {  	v49 =	vld [tilespmem:s8+$0x7CA0];
	[tilespmem:s8+$0x7C30] =	vst v18;
	v18 =	vmul.f32 v43, v40  }
0x2f0: {  	v50 =	vperm.xlane v17, v3;
	v51 =	vld [tilespmem:s8+$0x7CB0];
	[tilespmem:s8+$0x7C40] =	vst v19;
	v19 =	vmul.f32 v44, v40  }
0x2f1: {  	v52 =	vld [tilespmem:s8+$0x7CC0];
	[tilespmem:s8+$0x7C50] =	vst v18;
	v18 =	vmul.f32 v46, v40  }
0x2f2: {  	v53 =	vld [tilespmem:s8+$0x7CD0];
	[tilespmem:s8+$0x7C60] =	vst v19;
	v19 =	vmul.f32 v47, v50  }
0x2f3: {  	v54 =	vld [tilespmem:s8+$0x7CE0];
	[tilespmem:s8+$0x7C70] =	vst v18;
	v18 =	vmul.f32 v48, v50  }
0x2f4: {  	v55 =	vld [tilespmem:s8+$0x7CF0];
	[tilespmem:s8+$0x7C80] =	vst v19;
	v19 =	vmul.f32 v49, v50  }
0x2f5: {  	v56 =	vld [tilespmem:s8+$0x7D00];
	[tilespmem:s8+$0x7C90] =	vst v18;
	v18 =	vmul.f32 v51, v50  }
0x2f6: {  	v57 =	vld [tilespmem:s8+$0x7D10];
	[tilespmem:s8+$0x7CA0] =	vst v19;
	v19 =	vmul.f32 v52, v50  }
0x2f7: {  	v58 =	vld [tilespmem:s8+$0x7D20];
	[tilespmem:s8+$0x7CB0] =	vst v18;
	v18 =	vmul.f32 v53, v50  }
0x2f8: {  	v59 =	vperm.xlane v17, v4;
	v60 =	vld [tilespmem:s8+$0x7D30];
	[tilespmem:s8+$0x7CC0] =	vst v19;
	v19 =	vmul.f32 v54, v50  }
0x2f9: {  	v61 =	vld [tilespmem:s8+$0x7D40];
	[tilespmem:s8+$0x7CD0] =	vst v18;
	v18 =	vmul.f32 v55, v50  }
0x2fa: {  	v62 =	vld [tilespmem:s8+$0x7D50];
	[tilespmem:s8+$0x7CE0] =	vst v19;
	v19 =	vmul.f32 v56, v59  }
0x2fb: {  	v63 =	vld [tilespmem:s8+$0x7D60];
	[tilespmem:s8+$0x7CF0] =	vst v18;
	v18 =	vmul.f32 v57, v59  }
0x2fc: {  	v28 =	vld [tilespmem:s8+$0x7D70];
	[tilespmem:s8+$0x7D00] =	vst v19;
	v19 =	vmul.f32 v58, v59  }
0x2fd: {  	v29 =	vld [tilespmem:s8+$0x7D80];
	[tilespmem:s8+$0x7D10] =	vst v18;
	v18 =	vmul.f32 v60, v59  }
0x2fe: {  	v30 =	vld [tilespmem:s8+$0x7D90];
	[tilespmem:s8+$0x7D20] =	vst v19;
	v19 =	vmul.f32 v61, v59  }
0x2ff: {  	v31 =	vld [tilespmem:s8+$0x7DA0];
	[tilespmem:s8+$0x7D30] =	vst v18;
	v18 =	vmul.f32 v62, v59  }
0x300: {  	v32 =	vperm.xlane v17, v5;
	v33 =	vld [tilespmem:s8+$0x7DB0];
	[tilespmem:s8+$0x7D40] =	vst v19;
	v19 =	vmul.f32 v63, v59  }
0x301: {  	v34 =	vld [tilespmem:s8+$0x7DC0];
	[tilespmem:s8+$0x7D50] =	vst v18;
	v18 =	vmul.f32 v28, v59  }
0x302: {  	v35 =	vld [tilespmem:s8+$0x7DD0];
	[tilespmem:s8+$0x7D60] =	vst v19;
	v19 =	vmul.f32 v29, v32  }
0x303: {  	v36 =	vld [tilespmem:s8+$0x7DE0];
	[tilespmem:s8+$0x7D70] =	vst v18;
	v18 =	vmul.f32 v30, v32  }
0x304: {  	v37 =	vld [tilespmem:s8+$0x7DF0];
	[tilespmem:s8+$0x7D80] =	vst v19;
	v19 =	vmul.f32 v31, v32  }
0x305: {  	v38 =	vld [tilespmem:s8+$0x7E00];
	[tilespmem:s8+$0x7D90] =	vst v18;
	v18 =	vmul.f32 v33, v32  }
0x306: {  	v39 =	vld [tilespmem:s8+$0x7E10];
	[tilespmem:s8+$0x7DA0] =	vst v19;
	v19 =	vmul.f32 v34, v32  }
0x307: {  	v40 =	vld [tilespmem:s8+$0x7E20];
	[tilespmem:s8+$0x7DB0] =	vst v18;
	v18 =	vmul.f32 v35, v32  }
0x308: {  	v42 =	vld [tilespmem:s8+$0x7E30];
	v41 =	vperm.xlane v17, v6;
	[tilespmem:s8+$0x7DC0] =	vst v19;
	v19 =	vmul.f32 v36, v32  }
0x309: {  	v43 =	vld [tilespmem:s8+$0x7E40];
	[tilespmem:s8+$0x7DD0] =	vst v18;
	v18 =	vmul.f32 v37, v32  }
0x30a: {  	v44 =	vld [tilespmem:s8+$0x7E50];
	[tilespmem:s8+$0x7DE0] =	vst v19;
	v19 =	vmul.f32 v38, v41  }
0x30b: {  	v45 =	vld [tilespmem:s8+$0x7E60];
	[tilespmem:s8+$0x7DF0] =	vst v18;
	v18 =	vmul.f32 v39, v41  }
0x30c: {  	v46 =	vld [tilespmem:s8+$0x7E70];
	[tilespmem:s8+$0x7E00] =	vst v19;
	v19 =	vmul.f32 v40, v41  }
0x30d: {  	v47 =	vld [tilespmem:s8+$0x7E80];
	[tilespmem:s8+$0x7E10] =	vst v18;
	v18 =	vmul.f32 v42, v41  }
0x30e: {  	v48 =	vld [tilespmem:s8+$0x7E90];
	[tilespmem:s8+$0x7E20] =	vst v19;
	v19 =	vmul.f32 v43, v41  }
0x30f: {  	v49 =	vld [tilespmem:s8+$0x7EA0];
	[tilespmem:s8+$0x7E30] =	vst v18;
	v18 =	vmul.f32 v44, v41  }
0x310: {  	v51 =	vld [tilespmem:s8+$0x7EB0];
	v50 =	vperm.xlane v17, v7;
	[tilespmem:s8+$0x7E40] =	vst v19;
	v19 =	vmul.f32 v45, v41  }
0x311: {  	v52 =	vld [tilespmem:s8+$0x7EC0];
	[tilespmem:s8+$0x7E50] =	vst v18;
	v18 =	vmul.f32 v46, v41  }
0x312: {  	v53 =	vld [tilespmem:s8+$0x7ED0];
	[tilespmem:s8+$0x7E60] =	vst v19;
	v19 =	vmul.f32 v47, v50  }
0x313: {  	v54 =	vld [tilespmem:s8+$0x7EE0];
	[tilespmem:s8+$0x7E70] =	vst v18;
	v18 =	vmul.f32 v48, v50  }
0x314: {  	v55 =	vld [tilespmem:s8+$0x7EF0];
	[tilespmem:s8+$0x7E80] =	vst v19;
	v19 =	vmul.f32 v49, v50  }
0x315: {  	v56 =	vld [tilespmem:s8+$0x7F00];
	[tilespmem:s8+$0x7E90] =	vst v18;
	v18 =	vmul.f32 v51, v50  }
0x316: {  	v57 =	vld [tilespmem:s8+$0x7F10];
	[tilespmem:s8+$0x7EA0] =	vst v19;
	v19 =	vmul.f32 v52, v50  }
0x317: {  	v58 =	vld [tilespmem:s8+$0x7F20];
	[tilespmem:s8+$0x7EB0] =	vst v18;
	v18 =	vmul.f32 v53, v50  }
0x318: {  	v60 =	vld [tilespmem:s8+$0x7F30];
	v59 =	vperm.xlane v17, v8;
	[tilespmem:s8+$0x7EC0] =	vst v19;
	v19 =	vmul.f32 v54, v50  }
0x319: {  	v61 =	vld [tilespmem:s8+$0x7F40];
	[tilespmem:s8+$0x7ED0] =	vst v18;
	v18 =	vmul.f32 v55, v50  }
0x31a: {  	v62 =	vld [tilespmem:s8+$0x7F50];
	[tilespmem:s8+$0x7EE0] =	vst v19;
	v19 =	vmul.f32 v56, v59  }
0x31b: {  	v63 =	vld [tilespmem:s8+$0x7F60];
	[tilespmem:s8+$0x7EF0] =	vst v18;
	v18 =	vmul.f32 v57, v59  }
0x31c: {  	v28 =	vld [tilespmem:s8+$0x7F70];
	[tilespmem:s8+$0x7F00] =	vst v19;
	v19 =	vmul.f32 v58, v59  }
0x31d: {  	v29 =	vld [tilespmem:s8+$0x7F80];
	[tilespmem:s8+$0x7F10] =	vst v18;
	v18 =	vmul.f32 v60, v59  }
0x31e: {  	v30 =	vld [tilespmem:s8+$0x7F90];
	[tilespmem:s8+$0x7F20] =	vst v19;
	v19 =	vmul.f32 v61, v59  }
0x31f: {  	v31 =	vld [tilespmem:s8+$0x7FA0];
	[tilespmem:s8+$0x7F30] =	vst v18;
	v18 =	vmul.f32 v62, v59  }
0x320: {  	v33 =	vld [tilespmem:s8+$0x7FB0];
	v32 =	vperm.xlane v17, v9;
	[tilespmem:s8+$0x7F40] =	vst v19;
	v19 =	vmul.f32 v63, v59  }
0x321: {  	v34 =	vld [tilespmem:s8+$0x7FC0];
	[tilespmem:s8+$0x7F50] =	vst v18;
	v18 =	vmul.f32 v28, v59  }
0x322: {  	v35 =	vld [tilespmem:s8+$0x7FD0];
	[tilespmem:s8+$0x7F60] =	vst v19;
	v19 =	vmul.f32 v29, v32  }
0x323: {  	v36 =	vld [tilespmem:s8+$0x7FE0];
	[tilespmem:s8+$0x7F70] =	vst v18;
	v18 =	vmul.f32 v30, v32  }
0x324: {  	v37 =	vld [tilespmem:s8+$0x7FF0];
	[tilespmem:s8+$0x7F80] =	vst v19;
	v19 =	vmul.f32 v31, v32  }
0x325: {  	v38 =	vld [tilespmem:s8+$0x8000];
	[tilespmem:s8+$0x7F90] =	vst v18;
	v18 =	vmul.f32 v33, v32  }
0x326: {  	v39 =	vld [tilespmem:s8+$0x8010];
	[tilespmem:s8+$0x7FA0] =	vst v19;
	v19 =	vmul.f32 v34, v32  }
0x327: {  	v40 =	vld [tilespmem:s8+$0x8020];
	[tilespmem:s8+$0x7FB0] =	vst v18;
	v18 =	vmul.f32 v35, v32  }
0x328: {  	v42 =	vld [tilespmem:s8+$0x8030];
	v41 =	vperm.xlane v17, v10;
	[tilespmem:s8+$0x7FC0] =	vst v19;
	v19 =	vmul.f32 v36, v32  }
0x329: {  	v43 =	vld [tilespmem:s8+$0x8040];
	[tilespmem:s8+$0x7FD0] =	vst v18;
	v18 =	vmul.f32 v37, v32  }
0x32a: {  	v44 =	vld [tilespmem:s8+$0x8050];
	[tilespmem:s8+$0x7FE0] =	vst v19;
	v19 =	vmul.f32 v38, v41  }
0x32b: {  	v45 =	vld [tilespmem:s8+$0x8060];
	[tilespmem:s8+$0x7FF0] =	vst v18;
	v18 =	vmul.f32 v39, v41  }
0x32c: {  	v46 =	vld [tilespmem:s8+$0x8070];
	[tilespmem:s8+$0x8000] =	vst v19;
	v19 =	vmul.f32 v40, v41  }
0x32d: {  	v47 =	vld [tilespmem:s8+$0x8080];
	[tilespmem:s8+$0x8010] =	vst v18;
	v18 =	vmul.f32 v42, v41  }
0x32e: {  	v48 =	vld [tilespmem:s8+$0x8090];
	[tilespmem:s8+$0x8020] =	vst v19;
	v19 =	vmul.f32 v43, v41  }
0x32f: {  	v49 =	vld [tilespmem:s8+$0x80A0];
	[tilespmem:s8+$0x8030] =	vst v18;
	v18 =	vmul.f32 v44, v41  }
0x330: {  	v51 =	vld [tilespmem:s8+$0x80B0];
	v50 =	vperm.xlane v17, v11;
	[tilespmem:s8+$0x8040] =	vst v19;
	v19 =	vmul.f32 v45, v41  }
0x331: {  	v52 =	vld [tilespmem:s8+$0x80C0];
	[tilespmem:s8+$0x8050] =	vst v18;
	v18 =	vmul.f32 v46, v41  }
0x332: {  	v53 =	vld [tilespmem:s8+$0x80D0];
	[tilespmem:s8+$0x8060] =	vst v19;
	v19 =	vmul.f32 v47, v50  }
0x333: {  	v54 =	vld [tilespmem:s8+$0x80E0];
	[tilespmem:s8+$0x8070] =	vst v18;
	v18 =	vmul.f32 v48, v50  }
0x334: {  	v55 =	vld [tilespmem:s8+$0x80F0];
	[tilespmem:s8+$0x8080] =	vst v19;
	v19 =	vmul.f32 v49, v50  }
0x335: {  	v56 =	vld [tilespmem:s8+$0x8100];
	[tilespmem:s8+$0x8090] =	vst v18;
	v18 =	vmul.f32 v51, v50  }
0x336: {  	v57 =	vld [tilespmem:s8+$0x8110];
	[tilespmem:s8+$0x80A0] =	vst v19;
	v19 =	vmul.f32 v52, v50  }
0x337: {  	v58 =	vld [tilespmem:s8+$0x8120];
	[tilespmem:s8+$0x80B0] =	vst v18;
	v18 =	vmul.f32 v53, v50  }
0x338: {  	v60 =	vld [tilespmem:s8+$0x8130];
	v59 =	vperm.xlane v17, v12;
	[tilespmem:s8+$0x80C0] =	vst v19;
	v19 =	vmul.f32 v54, v50  }
0x339: {  	v61 =	vld [tilespmem:s8+$0x8140];
	[tilespmem:s8+$0x80D0] =	vst v18;
	v18 =	vmul.f32 v55, v50  }
0x33a: {  	v62 =	vld [tilespmem:s8+$0x8150];
	[tilespmem:s8+$0x80E0] =	vst v19;
	v19 =	vmul.f32 v56, v59  }
0x33b: {  	v63 =	vld [tilespmem:s8+$0x8160];
	[tilespmem:s8+$0x80F0] =	vst v18;
	v18 =	vmul.f32 v57, v59  }
0x33c: {  	v28 =	vld [tilespmem:s8+$0x8170];
	[tilespmem:s8+$0x8100] =	vst v19;
	v19 =	vmul.f32 v58, v59  }
0x33d: {  	v29 =	vld [tilespmem:s8+$0x8180];
	[tilespmem:s8+$0x8110] =	vst v18;
	v18 =	vmul.f32 v60, v59  }
0x33e: {  	v30 =	vld [tilespmem:s8+$0x8190];
	[tilespmem:s8+$0x8120] =	vst v19;
	v19 =	vmul.f32 v61, v59  }
0x33f: {  	v31 =	vld [tilespmem:s8+$0x81A0];
	[tilespmem:s8+$0x8130] =	vst v18;
	v18 =	vmul.f32 v62, v59  }
0x340: {  	v33 =	vld [tilespmem:s8+$0x81B0];
	v32 =	vperm.xlane v17, v13;
	[tilespmem:s8+$0x8140] =	vst v19;
	v19 =	vmul.f32 v63, v59  }
0x341: {  	v34 =	vld [tilespmem:s8+$0x81C0];
	[tilespmem:s8+$0x8150] =	vst v18;
	v18 =	vmul.f32 v28, v59  }
0x342: {  	v35 =	vld [tilespmem:s8+$0x81D0];
	[tilespmem:s8+$0x8160] =	vst v19;
	v19 =	vmul.f32 v29, v32  }
0x343: {  	v36 =	vld [tilespmem:s8+$0x81E0];
	[tilespmem:s8+$0x8170] =	vst v18;
	v18 =	vmul.f32 v30, v32  }
0x344: {  	v37 =	vld [tilespmem:s8+$0x81F0];
	[tilespmem:s8+$0x8180] =	vst v19;
	v19 =	vmul.f32 v31, v32  }
0x345: {  	v38 =	vld [tilespmem:s8+$0x8200];
	[tilespmem:s8+$0x8190] =	vst v18;
	v18 =	vmul.f32 v33, v32  }
0x346: {  	v39 =	vld [tilespmem:s8+$0x8210];
	[tilespmem:s8+$0x81A0] =	vst v19;
	v19 =	vmul.f32 v34, v32  }
0x347: {  	v40 =	vld [tilespmem:s8+$0x8220];
	[tilespmem:s8+$0x81B0] =	vst v18;
	v18 =	vmul.f32 v35, v32  }
0x348: {  	v42 =	vld [tilespmem:s8+$0x8230];
	v41 =	vperm.xlane v17, v14;
	[tilespmem:s8+$0x81C0] =	vst v19;
	v19 =	vmul.f32 v36, v32  }
0x349: {  	v43 =	vld [tilespmem:s8+$0x8240];
	[tilespmem:s8+$0x81D0] =	vst v18;
	v18 =	vmul.f32 v37, v32  }
0x34a: {  	v44 =	vld [tilespmem:s8+$0x8250];
	[tilespmem:s8+$0x81E0] =	vst v19;
	v19 =	vmul.f32 v38, v41  }
0x34b: {  	v45 =	vld [tilespmem:s8+$0x8260];
	[tilespmem:s8+$0x81F0] =	vst v18;
	v18 =	vmul.f32 v39, v41  }
0x34c: {  	v46 =	vld [tilespmem:s8+$0x8270];
	[tilespmem:s8+$0x8200] =	vst v19;
	v19 =	vmul.f32 v40, v41  }
0x34d: {  	v47 =	vld [tilespmem:s8+$0x8280];
	[tilespmem:s8+$0x8210] =	vst v18;
	v18 =	vmul.f32 v42, v41  }
0x34e: {  	v48 =	vld [tilespmem:s8+$0x8290];
	[tilespmem:s8+$0x8220] =	vst v19;
	v19 =	vmul.f32 v43, v41  }
0x34f: {  	v49 =	vld [tilespmem:s8+$0x82A0];
	[tilespmem:s8+$0x8230] =	vst v18;
	v18 =	vmul.f32 v44, v41  }
0x350: {  	v51 =	vld [tilespmem:s8+$0x82B0];
	v50 =	vperm.xlane v17, v15;
	[tilespmem:s8+$0x8240] =	vst v19;
	v19 =	vmul.f32 v45, v41  }
0x351: {  	v52 =	vld [tilespmem:s8+$0x82C0];
	[tilespmem:s8+$0x8250] =	vst v18;
	v18 =	vmul.f32 v46, v41  }
0x352: {  	v53 =	vld [tilespmem:s8+$0x82D0];
	[tilespmem:s8+$0x8260] =	vst v19;
	v19 =	vmul.f32 v47, v50  }
0x353: {  	v54 =	vld [tilespmem:s8+$0x82E0];
	[tilespmem:s8+$0x8270] =	vst v18;
	v18 =	vmul.f32 v48, v50  }
0x354: {  	v55 =	vld [tilespmem:s8+$0x82F0];
	[tilespmem:s8+$0x8280] =	vst v19;
	v19 =	vmul.f32 v49, v50  }
0x355: {  	v56 =	vld [tilespmem:s8+$0x8300];
	[tilespmem:s8+$0x8290] =	vst v18;
	v18 =	vmul.f32 v51, v50  }
0x356: {  	v57 =	vld [tilespmem:s8+$0x8310];
	[tilespmem:s8+$0x82A0] =	vst v19;
	v19 =	vmul.f32 v52, v50  }
0x357: {  	v58 =	vld [tilespmem:s8+$0x8320];
	[tilespmem:s8+$0x82B0] =	vst v18;
	v18 =	vmul.f32 v53, v50  }
0x358: {  	v17 =	vperm.xlane v17, v16;
	v59 =	vld [tilespmem:s8+$0x8330];
	[tilespmem:s8+$0x82C0] =	vst v19;
	v19 =	vmul.f32 v54, v50  }
0x359: {  	v60 =	vld [tilespmem:s8+$0x8340];
	[tilespmem:s8+$0x82D0] =	vst v18;
	v18 =	vmul.f32 v55, v50  }
0x35a: {  	v61 =	vld [tilespmem:s8+$0x8350];
	[tilespmem:s8+$0x82E0] =	vst v19;
	v19 =	vmul.f32 v56, v17  }
0x35b: {  	v62 =	vld [tilespmem:s8+$0x8360];
	[tilespmem:s8+$0x82F0] =	vst v18;
	v18 =	vmul.f32 v57, v17  }
0x35c: {  	v63 =	vld [tilespmem:s8+$0x8370];
	[tilespmem:s8+$0x8300] =	vst v19;
	v19 =	vmul.f32 v58, v17  }
0x35d: {  	[tilespmem:s8+$0x8310] =	vst v18;
	v18 =	vmul.f32 v59, v17  }
0x35e: {  	p2 =	por p1, p1;
	[tilespmem:s8+$0x8320] =	vst v19;
	v19 =	vmul.f32 v60, v17  }
.Ltmp4:
0x35f: {  	[tilespmem:s8+$0x8330] =	vst v18;
	v18 =	vmul.f32 v61, v17;
	(pc) =	sbr.rel @p2 .LBB2_7-.Ltmp4, $4  }
0x360: {  	[tilespmem:s8+$0x8340] =	vst v19;
	v19 =	vmul.f32 v62, v17  }
0x361: {  	[tilespmem:s8+$0x8350] =	vst v18;
	v17 =	vmul.f32 v63, v17  }
0x362: {  	[tilespmem:s8+$0x8360] =	vst v19  }
0x363: {  	p1 =	por $0x0, $0x0;
	s9 =	simm.s32 $0x20;
	[tilespmem:s8+$0x8370] =	vst v17  }
.Ltmp5:
0x364: {  	(pc) =	sbr.rel @p0 .LBB2_10-.Ltmp5, $2  }
0x365: {  	_ =	sdelay $0x2  }
0x366: {  	[spmem:s1] =	stream.indirect.scatter.add.f32 [tilespmem:s28], [sflag:$0x4], $0x80, s25, s22, $0xb8;
	[tilespmem:$0x1FB80] =	vst v63  }
0x367: {  	s8 =	sshll.u32 s7, $0xB  }
0x368: {  	s8 =	sadd.s32 s8, s11  }
0x369: {  	[tilespmem:s23], [sflag:$0x5] =	stream.linear.gather [hbm4b:s8+s2], $0x100, $0x38;
	[tilespmem:$0x1FB80] =	vst v63  }
0x36a: {  	_ =	swait.ge [sflag:s17], $0x100  }
0x36b: {  	[sflag:s17] =	ssyncset.done $0x0  }
0x36c: {  	[sflag:s17] =	ssyncadd.s32 $0xFFFFFF00  }
0x36d: {  	_ =	swait.ge [sflag:s3], $0x2000  }
0x36e: {  	[sflag:s3] =	ssyncset.done $0x0  }
0x36f: {  	[sflag:s3] =	ssyncadd.s32 $0xFFFFE000  }
0x370: {  	v17 =	vld [tilespmem:$0x5200]  }
0x371: {  	v18 =	vld [tilespmem:$0x5210]  }
0x372: {  	v19 =	vld [tilespmem:$0x5220]  }
0x373: {  	v20 =	vld [tilespmem:$0x5230]  }
0x374: {  	v21 =	vld [tilespmem:$0x5280]  }
0x375: {  	[tilespmem:$0x5100] =	vst v17;
	v17 =	vld [tilespmem:$0x5290]  }
0x376: {  	[tilespmem:$0x5110] =	vst v18;
	v18 =	vld [tilespmem:$0x52A0]  }
0x377: {  	[tilespmem:$0x5120] =	vst v19;
	v19 =	vld [tilespmem:$0x52B0]  }
0x378: {  	[tilespmem:$0x5130] =	vst v20  }
.Ltmp6:
0x379: {  	[tilespmem:$0x5180] =	vst v21;
	(pc) =	sbr.rel .LBB2_4-.Ltmp6, $4  }
0x37a: {  	[tilespmem:$0x5190] =	vst v17  }
0x37b: {  	[tilespmem:$0x51A0] =	vst v18  }
0x37c: {  	s7 =	sadd.s32 $0x1, s7;
	[tilespmem:$0x51B0] =	vst v19  }
0x37d: {  	[tilespmem:s28], [sflag:$0x2] =	stream.indirect.gather [hbm4b:s4+s22], $0x80, s26, s22, $0xb8;
	[tilespmem:$0x1FB80] =	vst v63  }
.LBB2_11:
0x37e: {  	_ =	sfence.sel $0x180000  }
0x37f: {  	[bflag:$0x0] =	sbarrier.arrive $0xFFFF  }
0x380: {  	_ =	strace $0x90000047  }
0x381: {  	s0 =	stileid.u32;
	[bflag:$0x2] =	sbarrier.arrive $0xFFFF  }
0x382: {  	p0 =	sne.s32 s0, $0x0;
	s0 =	rddreg [dreg:$0x3]  }
0x383: {  	s0 =	sadd.s32 @!p0 $0x100000, s0  }
0x384: {  	[sflag:s0] =	ssyncadd.tile.s32 @!p0 $0x1;
	_ =	shalt  }
.Lfunc_end2:
_tile_overlayer_lowered:
.L_overlay_start_2:
0x385: {  	(tag) =	ssettag $0x2  }
0x386: {  	s0 =	rddreg [dreg:$0x0];
	s2 =	stileid.u32  }
0x387: {  	s1 =	rddreg [dreg:$0x1];
	p0 =	sne.s32 s2, $0x0  }
0x388: {  	s3 =	rddreg [dreg:$0x2];
	[bflag:$0x3] =	sbarrier.arrive $0xFFFF;
	s2 =	simm.s32 @!p0 $0x1C05  }
0x389: {  	[timem:s3], [sflag:s2] =	dma.local @!p0 [hbm:s0], s1  }
0x38a: {  	s0 =	simm.s32 @!p0 $0x5  }
0x38b: {  	_ =	swait.ge @!p0 [sflag:s0], s1  }
0x38c: {  	s1 =	ssub.s32 @!p0 $0x0, s1;
	[sflag:s0] =	ssyncset.done @!p0 $0x0  }
0x38d: {  	[sflag:s0] =	ssyncadd.s32 @!p0 s1  }
0x38e: {  	[bflag:$0x3] =	sbarrier.arrive $0xFFFF  }
0x38f: {  	_ =	shalt  }

</sc_bundles>
